<compile_context>
chip_gen: v7x
topology: tpu7x:2x2x1
jax: 0.10.2.dev20260603
libtpu: 0.0.44.dev20260713+nightly
codegen_flags: <defaults>
</compile_context>

<pallas_src>
import functools

import jax
import jax.numpy as jnp
from jax import lax
from jax.experimental import pallas as pl
from jax.experimental.pallas import tpu as pltpu
from jax.experimental.pallas import tpu_sc as plsc

N = 4096
K = 16
NB = 8
NC = 2
NS = 16
NW = NC * NS
QPW = N // NW
CHUNKS = N // 16


def _rsqrt16(x):
    i = plsc.bitcast(x, jnp.int32)
    i = jnp.int32(0x5F3759DF) - lax.shift_right_logical(i, 1)
    y = plsc.bitcast(i, jnp.float32)
    for _ in range(3):
        y = y * (jnp.float32(1.5) - jnp.float32(0.5) * x * y * y)
    return y


def _round_bf16(x):
    u = plsc.bitcast(x, jnp.int32)
    lsb = lax.shift_right_logical(u, 16) & jnp.int32(1)
    u = (u + jnp.int32(0x7FFF) + lsb) & jnp.int32(-65536)
    return plsc.bitcast(u, jnp.float32)


def _sc_body(cf_h, b_h, s_h, lin_h, dens_h,
             cfv, cxv, cyv, czv, bxv, byv, bzv, sqv, bv, sv,
             ab, bb, cb, db, eb, fb, mdb, linb, densb):
    wid = lax.axis_index("s") * NC + lax.axis_index("c")
    q0 = wid * QPW

    pltpu.sync_copy(cf_h, cfv)
    pltpu.sync_copy(b_h, bv.at[pl.ds(0, N)])
    pltpu.sync_copy(s_h, sv)

    lane0 = lax.iota(jnp.int32, 16) == 0
    iota3 = lax.iota(jnp.int32, 16) * 3
    lane15 = jnp.full((16,), 15, jnp.int32)

    def _splat(ref, i):
        return plsc.load_gather(ref, [jnp.full((16,), i, jnp.int32)])

    def _ssum(x):
        return jnp.take_along_axis(jnp.cumsum(x), lane15, axis=0,
                                   mode="promise_in_bounds")

    def _sput(ref, i, val):
        plsc.store_scatter(ref, [jnp.full((16,), i, jnp.int32)],
                           val, mask=lane0)

    def sq_body(ci, _):
        base = ci * 16
        i3 = base * 3 + iota3
        x = plsc.load_gather(cfv, [i3])
        y = plsc.load_gather(cfv, [i3 + 1])
        z = plsc.load_gather(cfv, [i3 + 2])
        cxv[pl.ds(base, 16)] = x
        cyv[pl.ds(base, 16)] = y
        czv[pl.ds(base, 16)] = z
        sqv[pl.ds(base, 16)] = x * x + y * y + z * z
        bxv[pl.ds(base, 16)] = _round_bf16(x)
        byv[pl.ds(base, 16)] = _round_bf16(y)
        bzv[pl.ds(base, 16)] = _round_bf16(z)
        return 0

    lax.fori_loop(0, CHUNKS, sq_body, 0)

    inv15 = jnp.float32(1.0 / (K - 1))
    inv16 = jnp.float32(1.0 / K)

    QG = 4

    def q_body(g, _):
        j0 = g * QG
        qi0 = q0 + j0
        qx = [_splat(bxv, qi0 + i) for i in range(QG)]
        qy = [_splat(byv, qi0 + i) for i in range(QG)]
        qz = [_splat(bzv, qi0 + i) for i in range(QG)]
        qsq = [_splat(sqv, qi0 + i) for i in range(QG)]
        qbv = [_splat(bv, qi0 + i) for i in range(QG)]
        qiv = [jnp.full((16,), qi0 + i, jnp.int32) for i in range(QG)]
        seg_s = plsc.load_gather(sv, [qbv[0]])[0]
        seg_e = plsc.load_gather(sv, [qbv[QG - 1] + 1])[0]
        c_lo = seg_s // 16
        c_hi = (seg_e + 15) // 16

        def c_body(ci, carry):
            base = ci * 16
            sqc = sqv[pl.ds(base, 16)]
            xc = bxv[pl.ds(base, 16)]
            yc = byv[pl.ds(base, 16)]
            zc = bzv[pl.ds(base, 16)]
            bc = bv[pl.ds(base, 16)]
            idxv = base + lax.iota(jnp.int32, 16)
            out = []
            for i in range(QG):
                rk, rv = carry[2 * i], carry[2 * i + 1]
                d2 = ((qsq[i] + sqc)
                      - jnp.float32(2.0) * (qx[i] * xc + qy[i] * yc
                                            + qz[i] * zc))
                valid = (bc == qbv[i]) & (idxv != qiv[i])
                dm = jnp.where(valid, d2, jnp.float32(jnp.inf))
                sk, svv = plsc.sort_key_val(dm, idxv, descending=True)
                take = rk <= sk
                mk = jnp.where(take, rk, sk)
                mv = jnp.where(take, rv, svv)
                nk, nv = plsc.sort_key_val(mk, mv)
                out += [nk, nv]
            return tuple(out)

        init = ()
        for _i in range(QG):
            init += (jnp.full((16,), jnp.inf, jnp.float32),
                     jnp.zeros((16,), jnp.int32))
        res = lax.fori_loop(c_lo, c_hi, c_body, init)

        for i in range(QG):
            j = j0 + i
            rk, rv = res[2 * i], res[2 * i + 1]
            d2c = jnp.maximum(rk, jnp.float32(1e-12))
            dist = d2c * _rsqrt16(d2c)
            _sput(mdb, j, _ssum(dist) * inv16)

            nx = plsc.load_gather(cxv, [rv])
            ny = plsc.load_gather(cyv, [rv])
            nz = plsc.load_gather(czv, [rv])
            mx = _ssum(nx) * inv16
            my = _ssum(ny) * inv16
            mz = _ssum(nz) * inv16
            dx = nx - mx
            dy = ny - my
            dz = nz - mz
            _sput(ab, j, _ssum(dx * dx) * inv15)
            _sput(bb, j, _ssum(dy * dy) * inv15)
            _sput(cb, j, _ssum(dz * dz) * inv15)
            _sput(db, j, _ssum(dx * dy) * inv15)
            _sput(eb, j, _ssum(dx * dz) * inv15)
            _sput(fb, j, _ssum(dy * dz) * inv15)
        return 0

    lax.fori_loop(0, QPW // QG, q_body, 0)

    def p_body(t, _):
        base = t * 16
        a = ab[pl.ds(base, 16)]
        b = bb[pl.ds(base, 16)]
        c = cb[pl.ds(base, 16)]
        d = db[pl.ds(base, 16)]
        e = eb[pl.ds(base, 16)]
        f = fb[pl.ds(base, 16)]
        md = mdb[pl.ds(base, 16)]
        c2 = a + b + c
        c1 = a * b + b * c + c * a - d * d - e * e - f * f
        c0 = a * (b * c - f * f) - d * (d * c - f * e) + e * (d * f - b * e)
        lam = c2
        lo = c2 * jnp.float32(1.0 / 3.0)
        for _ in range(40):
            p = ((lam - c2) * lam + c1) * lam - c0
            pp = (jnp.float32(3.0) * lam - jnp.float32(2.0) * c2) * lam + c1
            bad = pp == jnp.float32(0.0)
            pp_safe = jnp.where(bad, jnp.float32(1.0), pp)
            lam_new = jnp.where(bad, lam, lam - p / pp_safe)
            lam = jnp.minimum(lam, jnp.maximum(lam_new, lo))
        linb[pl.ds(base, 16)] = ((jnp.float32(2.0) * lam - c2)
                                 / (c2 + jnp.float32(1e-6)))
        densb[pl.ds(base, 16)] = jnp.float32(1.0) / (md + jnp.float32(1e-6))
        return 0

    lax.fori_loop(0, QPW // 16, p_body, 0)

    pltpu.sync_copy(linb, lin_h.at[pl.ds(q0, QPW)])
    pltpu.sync_copy(densb, dens_h.at[pl.ds(q0, QPW)])


def _sc_geometry(coordf, batch, starts):
    mesh = plsc.VectorSubcoreMesh(core_axis_name="c", subcore_axis_name="s",
                                  num_cores=NC, num_subcores=NS)
    f32 = jnp.float32
    return pl.kernel(
        _sc_body,
        out_type=(jax.ShapeDtypeStruct((N,), f32),
                  jax.ShapeDtypeStruct((N,), f32)),
        mesh=mesh,
        scratch_types=[
            pltpu.VMEM((3 * N,), f32),
            pltpu.VMEM((N + 16,), f32),
            pltpu.VMEM((N + 16,), f32),
            pltpu.VMEM((N + 16,), f32),
            pltpu.VMEM((N + 16,), f32),
            pltpu.VMEM((N + 16,), f32),
            pltpu.VMEM((N + 16,), f32),
            pltpu.VMEM((N + 16,), f32),
            pltpu.VMEM((N + 16,), jnp.int32),
            pltpu.VMEM((32,), jnp.int32),
            pltpu.VMEM((QPW,), f32),
            pltpu.VMEM((QPW,), f32),
            pltpu.VMEM((QPW,), f32),
            pltpu.VMEM((QPW,), f32),
            pltpu.VMEM((QPW,), f32),
            pltpu.VMEM((QPW,), f32),
            pltpu.VMEM((QPW,), f32),
            pltpu.VMEM((QPW,), f32),
            pltpu.VMEM((QPW,), f32),
        ],
        compiler_params=pltpu.CompilerParams(needs_layout_passes=False),
        cost_estimate=pl.CostEstimate(flops=400_000_000, transcendentals=0,
                                      bytes_accessed=2_000_000),
    )(coordf, batch, starts)


def _mlp_body(feat_ref, w1_ref, b1_ref, g_ref, be_ref, w2_ref, b2_ref,
              p0_ref, p1_ref, p2_ref):
    h = jax.lax.dot_general(feat_ref[...], w1_ref[...],
                            (((1,), (1,)), ((), ())),
                            preferred_element_type=jnp.float32)
    h = h + b1_ref[...]
    mu = jnp.mean(h, axis=0, keepdims=True)
    var = jnp.mean((h - mu) ** 2, axis=0, keepdims=True)
    h = (h - mu) / jnp.sqrt(var + jnp.float32(1e-5)) * g_ref[...] + be_ref[...]
    h = jnp.maximum(h, jnp.float32(0.0))
    l0 = jnp.sum(h * w2_ref[0:1, :], axis=1) + b2_ref[0:1]
    l1 = jnp.sum(h * w2_ref[1:2, :], axis=1) + b2_ref[1:2]
    l2 = jnp.sum(h * w2_ref[2:3, :], axis=1) + b2_ref[2:3]
    m = jnp.maximum(jnp.maximum(l0, l1), l2)
    e0 = jnp.exp(l0 - m)
    e1 = jnp.exp(l1 - m)
    e2 = jnp.exp(l2 - m)
    es = e0 + e1 + e2
    p0_ref[...] = e0 / es
    p1_ref[...] = e1 / es
    p2_ref[...] = e2 / es


def _tc_mlp(feat, w1, b1p, gp, bep, w2, b2p):
    f32 = jnp.float32
    return pl.pallas_call(
        _mlp_body,
        out_shape=(jax.ShapeDtypeStruct((N,), f32),
                   jax.ShapeDtypeStruct((N,), f32),
                   jax.ShapeDtypeStruct((N,), f32)),
    )(feat, w1, b1p, gp, bep, w2, b2p)


def _combine_body(lin_ref, dens_ref, p0_ref, p1_ref, p2_ref, o01_ref, o2_ref):
    lin = lin_ref[...]
    dens = dens_ref[...]
    third = jnp.float32(1.0 / 3.0)
    tower = (dens * jnp.float32(2.0) + p0_ref[...]) * third
    backg = (jnp.maximum(jnp.float32(1.0) - lin, jnp.float32(1.0) - dens)
             + p1_ref[...]) * third
    line = (lin * jnp.float32(2.0) + p2_ref[...]) * third
    eps = jnp.float32(1e-6)
    o01_ref[...] = (tower * jnp.float32(0.1) + backg * jnp.float32(0.5)
                    + line * jnp.float32(0.2) + eps)
    o2_ref[...] = (tower * jnp.float32(0.1) + backg * jnp.float32(0.5)
                   + line * jnp.float32(5.0) + eps)


def _tc_combine(lin, dens, p0, p1, p2):
    return pl.pallas_call(
        _combine_body,
        out_shape=(jax.ShapeDtypeStruct((N,), jnp.float32),
                   jax.ShapeDtypeStruct((N,), jnp.float32)),
    )(lin, dens, p0, p1, p2)


def kernel(feat, coord, batch, W1, b1, gamma, beta, W2, b2):
    f32 = jnp.float32
    coord = coord.astype(f32)
    batch = batch.astype(jnp.int32)
    ar = jnp.arange(NB + 1, dtype=jnp.int32)
    starts = jnp.sum(batch[None, :] < ar[:, None], axis=1).astype(jnp.int32)
    starts = jnp.pad(starts, (0, 32 - NB - 1))

    lin, dens = _sc_geometry(coord.reshape(-1), batch, starts)

    p0, p1, p2 = _tc_mlp(feat.astype(f32), W1.astype(f32), b1.astype(f32),
                         gamma.astype(f32), beta.astype(f32), W2.astype(f32),
                         b2.astype(f32))
    o01, o2 = _tc_combine(lin, dens, p0, p1, p2)
    return jnp.stack([o01, o01, o2], axis=1)

# --- scband reference (transcript-rebuilt; emitter-appended) ---
"""Pipeline reference for scband-pfasmodule-53171695125034 (READ-ONLY COPY).

The authoritative reference and input builder live on the scoring server;
editing this copy changes nothing except your own understanding.
"""

import jax, jax.numpy as jnp
import numpy as np

K = 16
GRID = [[0.1, 0.1, 0.1], [0.5, 0.5, 0.5], [0.2, 0.2, 1.0]]
N = 4096
C = 256
NUM_BATCHES = 8


def setup_inputs(seed: int = 0) -> dict:
    key = jax.random.key(seed)
    ks = jax.random.split(key, 8)
    feat = jax.random.normal(ks[0], (N, C), dtype=jnp.float32)
    coord = jax.random.normal(ks[1], (N, 3), dtype=jnp.float32) * 10.0
    batch = jnp.sort(jax.random.randint(ks[2], (N,), 0, NUM_BATCHES)).astype(jnp.int32)
    W1 = jax.random.normal(ks[3], (64, C), dtype=jnp.float32) * 0.05
    b1 = jnp.zeros((64,), dtype=jnp.float32)
    gamma = jnp.ones((64,), dtype=jnp.float32)
    beta = jnp.zeros((64,), dtype=jnp.float32)
    W2 = jax.random.normal(ks[4], (3, 64), dtype=jnp.float32) * 0.1
    b2 = jnp.zeros((3,), dtype=jnp.float32)
    return {"feat": feat, "coord": coord, "batch": batch,
            "W1": W1, "b1": b1, "gamma": gamma, "beta": beta,
            "W2": W2, "b2": b2}


def reference(feat, coord, batch, W1, b1, gamma, beta, W2, b2):
    n = coord.shape[0]
    # same-batch mask
    mask = batch[None, :] == batch[:, None]
    # pairwise euclidean distances (torch.cdist p=2)
    sq = jnp.sum(coord * coord, axis=1)
    d2 = sq[:, None] + sq[None, :] - 2.0 * (coord @ coord.T)
    dist = jnp.sqrt(jnp.maximum(d2, 1e-12))
    eye = jnp.eye(n, dtype=bool)
    valid = mask & (~eye)
    # cross-batch and self distances -> +inf (intended semantics of the torch code)
    dist_m = jnp.where(valid, dist, jnp.inf)
    # K nearest neighbors (smallest distances)
    neg_top, idx = jax.lax.top_k(-dist_m, K)
    neighbor_coords = coord[idx]  # [N, K, 3]
    centered = neighbor_coords - neighbor_coords.mean(axis=1, keepdims=True)
    cov = jnp.einsum('nkd,nke->nde', centered, centered) / (K - 1)
    S = jnp.linalg.svd(cov, compute_uv=False)  # descending singular values [N,3]
    S_norm = S / (S.sum(axis=1, keepdims=True) + 1e-06)
    linearity = (S_norm[:, 0] - (S_norm[:, 1] + S_norm[:, 2]))[:, None]
    neighbor_dists = jnp.take_along_axis(dist_m, idx, axis=1)
    mean_dist = neighbor_dists.mean(axis=1, keepdims=True)
    density = 1.0 / (mean_dist + 1e-06)
    # feature_judge: Linear -> BatchNorm1d (training-mode batch stats) -> ReLU -> Linear
    h = feat @ W1.T + b1
    mu = h.mean(axis=0)
    var = h.var(axis=0)
    h = (h - mu) / jnp.sqrt(var + 1e-05) * gamma + beta
    h = jax.nn.relu(h)
    feat_logits = h @ W2.T + b2
    feat_probs = jax.nn.softmax(feat_logits, axis=1)
    tower_prob = (density * 2.0 + feat_probs[:, 0:1]) / 3.0
    background_prob = (jnp.maximum(1.0 - linearity, 1.0 - density) + feat_probs[:, 1:2]) / 3.0
    line_prob = (linearity * 2.0 + feat_probs[:, 2:3]) / 3.0
    cols = []
    for i in range(3):
        tower_grid = GRID[0][i]
        background_grid = GRID[1][i]
        line_grid = GRID[2][i] if i < 2 else GRID[2][i] * 5
        cols.append(tower_prob[:, 0] * tower_grid
                    + background_prob[:, 0] * background_grid
                    + line_prob[:, 0] * line_grid + 1e-06)
    grid_sizes = jnp.stack(cols, axis=1)
    return grid_sizes

if __name__ == "__main__":
    import jax
    _d = setup_inputs()
    print(jax.jit(kernel)(*tuple(_d.values())))

</pallas_src>

<mosaic_0001>
#map = affine_map<(d0, d1) -> (0)>
module attributes {stable_mosaic.version = 14 : i64} {
  func.func @_sc_body(%arg0: i32, %arg1: i32, %arg2: memref<12288xf32, #tpu.memory_space<hbm>>, %arg3: memref<4096xi32, #tpu.memory_space<hbm>>, %arg4: memref<32xi32, #tpu.memory_space<hbm>>, %arg5: memref<4096xf32, #tpu.memory_space<hbm>>, %arg6: memref<4096xf32, #tpu.memory_space<hbm>>, %arg7: memref<12288xf32, #tpu.memory_space<vmem>>, %arg8: memref<4112xf32, #tpu.memory_space<vmem>>, %arg9: memref<4112xf32, #tpu.memory_space<vmem>>, %arg10: memref<4112xf32, #tpu.memory_space<vmem>>, %arg11: memref<4112xf32, #tpu.memory_space<vmem>>, %arg12: memref<4112xf32, #tpu.memory_space<vmem>>, %arg13: memref<4112xf32, #tpu.memory_space<vmem>>, %arg14: memref<4112xf32, #tpu.memory_space<vmem>>, %arg15: memref<4112xi32, #tpu.memory_space<vmem>>, %arg16: memref<32xi32, #tpu.memory_space<vmem>>, %arg17: memref<128xf32, #tpu.memory_space<vmem>>, %arg18: memref<128xf32, #tpu.memory_space<vmem>>, %arg19: memref<128xf32, #tpu.memory_space<vmem>>, %arg20: memref<128xf32, #tpu.memory_space<vmem>>, %arg21: memref<128xf32, #tpu.memory_space<vmem>>, %arg22: memref<128xf32, #tpu.memory_space<vmem>>, %arg23: memref<128xf32, #tpu.memory_space<vmem>>, %arg24: memref<128xf32, #tpu.memory_space<vmem>>, %arg25: memref<128xf32, #tpu.memory_space<vmem>>) attributes {dimension_semantics = [#tpu.dimension_semantics<core_parallel>, #tpu.dimension_semantics<subcore_parallel>], iteration_bounds = array<i64: 2, 16>, scalar_prefetch = 0 : i64, scratch_operands = 19 : i64, tpu.core_type = #tpu.core_type<sc_vector_subcore>, window_params = [{transform_indices = #map}, {transform_indices = #map}, {transform_indices = #map}, {transform_indices = #map}, {transform_indices = #map}]} {
    %mul3A = arith.constant 2 : i32
    %mul3A_0 = arith.muli %arg1, %mul3A : i32
    %add3A = arith.addi %mul3A_0, %arg0 : i32
    %mul3A_1 = arith.constant 128 : i32
    %mul3A_2 = arith.muli %add3A, %mul3A_1 : i32
    "tpu.region"() ({
      %run_scoped3A = tpu.sem_alloc : memref<!tpu.dma_semaphore, #tpu.memory_space<semaphore_mem>>
      tpu.enqueue_dma source(%arg2 : memref<12288xf32, #tpu.memory_space<hbm>>) target(%arg7 : memref<12288xf32, #tpu.memory_space<vmem>>) target_semaphore(%run_scoped3A : memref<!tpu.dma_semaphore, #tpu.memory_space<semaphore_mem>>)
      tpu.wait_dma2 semaphore(%run_scoped3A : memref<!tpu.dma_semaphore, #tpu.memory_space<semaphore_mem>>) src(%arg2 : memref<12288xf32, #tpu.memory_space<hbm>>) dst(%arg7 : memref<12288xf32, #tpu.memory_space<vmem>>)
      tpu.yield
    }) : () -> ()
    "tpu.region"() ({
      %run_scoped3A = tpu.sem_alloc : memref<!tpu.dma_semaphore, #tpu.memory_space<semaphore_mem>>
      %dma_start3A = arith.constant 0 : i32
      %dma_start3A_32 = tpu.memref_slice %arg15[%dma_start3A] : memref<4112xi32, #tpu.memory_space<vmem>> -> memref<4096xi32, #tpu.memory_space<vmem>>
      %dma_start3A_33 = arith.constant 0 : i32
      %dma_start3A_34 = tpu.memref_slice %arg15[%dma_start3A_33] : memref<4112xi32, #tpu.memory_space<vmem>> -> memref<4096xi32, #tpu.memory_space<vmem>>
      tpu.enqueue_dma source(%arg3 : memref<4096xi32, #tpu.memory_space<hbm>>) target(%dma_start3A_34 : memref<4096xi32, #tpu.memory_space<vmem>>) target_semaphore(%run_scoped3A : memref<!tpu.dma_semaphore, #tpu.memory_space<semaphore_mem>>)
      %dma_wait3A = arith.constant 0 : i32
      %dma_wait3A_35 = tpu.memref_slice %arg15[%dma_wait3A] : memref<4112xi32, #tpu.memory_space<vmem>> -> memref<4096xi32, #tpu.memory_space<vmem>>
      %dma_wait3A_36 = arith.constant 0 : i32
      %dma_wait3A_37 = tpu.memref_slice %arg15[%dma_wait3A_36] : memref<4112xi32, #tpu.memory_space<vmem>> -> memref<4096xi32, #tpu.memory_space<vmem>>
      tpu.wait_dma2 semaphore(%run_scoped3A : memref<!tpu.dma_semaphore, #tpu.memory_space<semaphore_mem>>) src(%arg3 : memref<4096xi32, #tpu.memory_space<hbm>>) dst(%dma_wait3A_37 : memref<4096xi32, #tpu.memory_space<vmem>>)
      tpu.yield
    }) : () -> ()
    "tpu.region"() ({
      %run_scoped3A = tpu.sem_alloc : memref<!tpu.dma_semaphore, #tpu.memory_space<semaphore_mem>>
      tpu.enqueue_dma source(%arg4 : memref<32xi32, #tpu.memory_space<hbm>>) target(%arg16 : memref<32xi32, #tpu.memory_space<vmem>>) target_semaphore(%run_scoped3A : memref<!tpu.dma_semaphore, #tpu.memory_space<semaphore_mem>>)
      tpu.wait_dma2 semaphore(%run_scoped3A : memref<!tpu.dma_semaphore, #tpu.memory_space<semaphore_mem>>) src(%arg4 : memref<32xi32, #tpu.memory_space<hbm>>) dst(%arg16 : memref<32xi32, #tpu.memory_space<vmem>>)
      tpu.yield
    }) : () -> ()
    %iota3A = tpu.iota {dimensions = array<i32: 0>} : vector<16xi32>
    %eq3A = arith.constant 0 : i32
    %eq3A_3 = vector.broadcast %eq3A : i32 to vector<16xi32>
    %eq3A_4 = arith.cmpi eq, %iota3A, %eq3A_3 : vector<16xi32>
    %iota3A_5 = tpu.iota {dimensions = array<i32: 0>} : vector<16xi32>
    %mul3A_6 = arith.constant 3 : i32
    %mul3A_7 = vector.broadcast %mul3A_6 : i32 to vector<16xi32>
    %mul3A_8 = arith.muli %iota3A_5, %mul3A_7 : vector<16xi32>
    %broadcast_in_dim3A = arith.constant 15 : i32
    %broadcast_in_dim3A_9 = vector.broadcast %broadcast_in_dim3A : i32 to vector<16xi32>
    %scan3A = arith.constant 0 : i32
    %scan3A_10 = arith.constant 0 : i32
    %scan3A_11 = arith.constant 256 : i32
    %scan3A_12 = arith.addi %scan3A_10, %scan3A_11 : i32
    %scan3A_13 = arith.constant 1 : i32
    %scan3A_14 = scf.for %scan3A_32 = %scan3A_10 to %scan3A_12 step %scan3A_13 iter_args(%scan3A_33 = %scan3A) -> (i32)  : i32 {
      %mul3A_34 = arith.constant 16 : i32
      %mul3A_35 = arith.muli %scan3A_32, %mul3A_34 : i32
      %mul3A_36 = arith.constant 3 : i32
      %mul3A_37 = arith.muli %mul3A_35, %mul3A_36 : i32
      %add3A_38 = vector.broadcast %mul3A_37 : i32 to vector<16xi32>
      %add3A_39 = arith.addi %add3A_38, %mul3A_8 : vector<16xi32>
      %gather3A = tpu.vector_load_idx %arg7[%add3A_39] : memref<12288xf32, #tpu.memory_space<vmem>>[vector<16xi32>], vector<16xf32>,
      %add3A_40 = arith.constant 1 : i32
      %add3A_41 = vector.broadcast %add3A_40 : i32 to vector<16xi32>
      %add3A_42 = arith.addi %add3A_39, %add3A_41 : vector<16xi32>
      %gather3A_43 = tpu.vector_load_idx %arg7[%add3A_42] : memref<12288xf32, #tpu.memory_space<vmem>>[vector<16xi32>], vector<16xf32>,
      %add3A_44 = arith.constant 2 : i32
      %add3A_45 = vector.broadcast %add3A_44 : i32 to vector<16xi32>
      %add3A_46 = arith.addi %add3A_39, %add3A_45 : vector<16xi32>
      %gather3A_47 = tpu.vector_load_idx %arg7[%add3A_46] : memref<12288xf32, #tpu.memory_space<vmem>>[vector<16xi32>], vector<16xf32>,
      %swap3A = arith.index_cast %mul3A_35 : i32 to index
      %swap3A_48 = tpu.vector_load %arg8[%swap3A] {strides = array<i32>} : memref<4112xf32, #tpu.memory_space<vmem>>, vector<16xf32>,
      tpu.vector_store %arg8[%swap3A], %gather3A {strides = array<i32>} : memref<4112xf32, #tpu.memory_space<vmem>>, vector<16xf32>,
      %swap3A_49 = arith.index_cast %mul3A_35 : i32 to index
      %swap3A_50 = tpu.vector_load %arg9[%swap3A_49] {strides = array<i32>} : memref<4112xf32, #tpu.memory_space<vmem>>, vector<16xf32>,
      tpu.vector_store %arg9[%swap3A_49], %gather3A_43 {strides = array<i32>} : memref<4112xf32, #tpu.memory_space<vmem>>, vector<16xf32>,
      %swap3A_51 = arith.index_cast %mul3A_35 : i32 to index
      %swap3A_52 = tpu.vector_load %arg10[%swap3A_51] {strides = array<i32>} : memref<4112xf32, #tpu.memory_space<vmem>>, vector<16xf32>,
      tpu.vector_store %arg10[%swap3A_51], %gather3A_47 {strides = array<i32>} : memref<4112xf32, #tpu.memory_space<vmem>>, vector<16xf32>,
      %mul3A_53 = arith.mulf %gather3A, %gather3A : vector<16xf32>
      %mul3A_54 = arith.mulf %gather3A_43, %gather3A_43 : vector<16xf32>
      %add3A_55 = arith.addf %mul3A_53, %mul3A_54 : vector<16xf32>
      %mul3A_56 = arith.mulf %gather3A_47, %gather3A_47 : vector<16xf32>
      %add3A_57 = arith.addf %add3A_55, %mul3A_56 : vector<16xf32>
      %swap3A_58 = arith.index_cast %mul3A_35 : i32 to index
      %swap3A_59 = tpu.vector_load %arg14[%swap3A_58] {strides = array<i32>} : memref<4112xf32, #tpu.memory_space<vmem>>, vector<16xf32>,
      tpu.vector_store %arg14[%swap3A_58], %add3A_57 {strides = array<i32>} : memref<4112xf32, #tpu.memory_space<vmem>>, vector<16xf32>,
      %bitcast3A = vector.bitcast %gather3A : vector<16xf32> to vector<16xi32>
      %shift_right_logical3A = arith.constant 16 : i32
      %shift_right_logical3A_60 = vector.broadcast %shift_right_logical3A : i32 to vector<16xi32>
      %shift_right_logical3A_61 = arith.shrui %bitcast3A, %shift_right_logical3A_60 : vector<16xi32>
      %and3A = arith.constant 1 : i32
      %and3A_62 = vector.broadcast %and3A : i32 to vector<16xi32>
      %and3A_63 = arith.andi %shift_right_logical3A_61, %and3A_62 : vector<16xi32>
      %add3A_64 = arith.constant 32767 : i32
      %add3A_65 = vector.broadcast %add3A_64 : i32 to vector<16xi32>
      %add3A_66 = arith.addi %bitcast3A, %add3A_65 : vector<16xi32>
      %add3A_67 = arith.addi %add3A_66, %and3A_63 : vector<16xi32>
      %and3A_68 = arith.constant -65536 : i32
      %and3A_69 = vector.broadcast %and3A_68 : i32 to vector<16xi32>
      %and3A_70 = arith.andi %add3A_67, %and3A_69 : vector<16xi32>
      %bitcast3A_71 = vector.bitcast %and3A_70 : vector<16xi32> to vector<16xf32>
      %swap3A_72 = arith.index_cast %mul3A_35 : i32 to index
      %swap3A_73 = tpu.vector_load %arg11[%swap3A_72] {strides = array<i32>} : memref<4112xf32, #tpu.memory_space<vmem>>, vector<16xf32>,
      tpu.vector_store %arg11[%swap3A_72], %bitcast3A_71 {strides = array<i32>} : memref<4112xf32, #tpu.memory_space<vmem>>, vector<16xf32>,
      %bitcast3A_74 = vector.bitcast %gather3A_43 : vector<16xf32> to vector<16xi32>
      %shift_right_logical3A_75 = arith.constant 16 : i32
      %shift_right_logical3A_76 = vector.broadcast %shift_right_logical3A_75 : i32 to vector<16xi32>
      %shift_right_logical3A_77 = arith.shrui %bitcast3A_74, %shift_right_logical3A_76 : vector<16xi32>
      %and3A_78 = arith.constant 1 : i32
      %and3A_79 = vector.broadcast %and3A_78 : i32 to vector<16xi32>
      %and3A_80 = arith.andi %shift_right_logical3A_77, %and3A_79 : vector<16xi32>
      %add3A_81 = arith.constant 32767 : i32
      %add3A_82 = vector.broadcast %add3A_81 : i32 to vector<16xi32>
      %add3A_83 = arith.addi %bitcast3A_74, %add3A_82 : vector<16xi32>
      %add3A_84 = arith.addi %add3A_83, %and3A_80 : vector<16xi32>
      %and3A_85 = arith.constant -65536 : i32
      %and3A_86 = vector.broadcast %and3A_85 : i32 to vector<16xi32>
      %and3A_87 = arith.andi %add3A_84, %and3A_86 : vector<16xi32>
      %bitcast3A_88 = vector.bitcast %and3A_87 : vector<16xi32> to vector<16xf32>
      %swap3A_89 = arith.index_cast %mul3A_35 : i32 to index
      %swap3A_90 = tpu.vector_load %arg12[%swap3A_89] {strides = array<i32>} : memref<4112xf32, #tpu.memory_space<vmem>>, vector<16xf32>,
      tpu.vector_store %arg12[%swap3A_89], %bitcast3A_88 {strides = array<i32>} : memref<4112xf32, #tpu.memory_space<vmem>>, vector<16xf32>,
      %bitcast3A_91 = vector.bitcast %gather3A_47 : vector<16xf32> to vector<16xi32>
      %shift_right_logical3A_92 = arith.constant 16 : i32
      %shift_right_logical3A_93 = vector.broadcast %shift_right_logical3A_92 : i32 to vector<16xi32>
      %shift_right_logical3A_94 = arith.shrui %bitcast3A_91, %shift_right_logical3A_93 : vector<16xi32>
      %and3A_95 = arith.constant 1 : i32
      %and3A_96 = vector.broadcast %and3A_95 : i32 to vector<16xi32>
      %and3A_97 = arith.andi %shift_right_logical3A_94, %and3A_96 : vector<16xi32>
      %add3A_98 = arith.constant 32767 : i32
      %add3A_99 = vector.broadcast %add3A_98 : i32 to vector<16xi32>
      %add3A_100 = arith.addi %bitcast3A_91, %add3A_99 : vector<16xi32>
      %add3A_101 = arith.addi %add3A_100, %and3A_97 : vector<16xi32>
      %and3A_102 = arith.constant -65536 : i32
      %and3A_103 = vector.broadcast %and3A_102 : i32 to vector<16xi32>
      %and3A_104 = arith.andi %add3A_101, %and3A_103 : vector<16xi32>
      %bitcast3A_105 = vector.bitcast %and3A_104 : vector<16xi32> to vector<16xf32>
      %swap3A_106 = arith.index_cast %mul3A_35 : i32 to index
      %swap3A_107 = tpu.vector_load %arg13[%swap3A_106] {strides = array<i32>} : memref<4112xf32, #tpu.memory_space<vmem>>, vector<16xf32>,
      tpu.vector_store %arg13[%swap3A_106], %bitcast3A_105 {strides = array<i32>} : memref<4112xf32, #tpu.memory_space<vmem>>, vector<16xf32>,
      %scan3A_108 = arith.constant 0 : i32
      scf.yield %scan3A_108 : i32
    }
    %scan3A_15 = arith.constant 256 : i32
    %scan3A_16 = arith.constant 6.250000e-02 : f32
    %scan3A_17 = arith.constant 0.0666666701 : f32
    %scan3A_18 = arith.constant 0 : i32
    %scan3A_19 = arith.constant 0 : i32
    %scan3A_20 = arith.constant 32 : i32
    %scan3A_21 = arith.addi %scan3A_19, %scan3A_20 : i32
    %scan3A_22 = arith.constant 1 : i32
    %scan3A_23 = scf.for %scan3A_32 = %scan3A_19 to %scan3A_21 step %scan3A_22 iter_args(%scan3A_33 = %scan3A_18) -> (i32)  : i32 {
      %mul3A_34 = arith.constant 4 : i32
      %mul3A_35 = arith.muli %scan3A_32, %mul3A_34 : i32
      %add3A_36 = arith.addi %mul3A_2, %mul3A_35 : i32
      %add3A_37 = arith.constant 0 : i32
      %add3A_38 = arith.addi %add3A_36, %add3A_37 : i32
      %broadcast_in_dim3A_39 = vector.broadcast %add3A_38 : i32 to vector<16xi32>
      %gather3A = tpu.vector_load_idx %arg11[%broadcast_in_dim3A_39] : memref<4112xf32, #tpu.memory_space<vmem>>[vector<16xi32>], vector<16xf32>,
      %add3A_40 = arith.constant 1 : i32
      %add3A_41 = arith.addi %add3A_36, %add3A_40 : i32
      %broadcast_in_dim3A_42 = vector.broadcast %add3A_41 : i32 to vector<16xi32>
      %gather3A_43 = tpu.vector_load_idx %arg11[%broadcast_in_dim3A_42] : memref<4112xf32, #tpu.memory_space<vmem>>[vector<16xi32>], vector<16xf32>,
      %add3A_44 = arith.constant 2 : i32
      %add3A_45 = arith.addi %add3A_36, %add3A_44 : i32
      %broadcast_in_dim3A_46 = vector.broadcast %add3A_45 : i32 to vector<16xi32>
      %gather3A_47 = tpu.vector_load_idx %arg11[%broadcast_in_dim3A_46] : memref<4112xf32, #tpu.memory_space<vmem>>[vector<16xi32>], vector<16xf32>,
      %add3A_48 = arith.constant 3 : i32
      %add3A_49 = arith.addi %add3A_36, %add3A_48 : i32
      %broadcast_in_dim3A_50 = vector.broadcast %add3A_49 : i32 to vector<16xi32>
      %gather3A_51 = tpu.vector_load_idx %arg11[%broadcast_in_dim3A_50] : memref<4112xf32, #tpu.memory_space<vmem>>[vector<16xi32>], vector<16xf32>,
      %add3A_52 = arith.constant 0 : i32
      %add3A_53 = arith.addi %add3A_36, %add3A_52 : i32
      %broadcast_in_dim3A_54 = vector.broadcast %add3A_53 : i32 to vector<16xi32>
      %gather3A_55 = tpu.vector_load_idx %arg12[%broadcast_in_dim3A_54] : memref<4112xf32, #tpu.memory_space<vmem>>[vector<16xi32>], vector<16xf32>,
      %add3A_56 = arith.constant 1 : i32
      %add3A_57 = arith.addi %add3A_36, %add3A_56 : i32
      %broadcast_in_dim3A_58 = vector.broadcast %add3A_57 : i32 to vector<16xi32>
      %gather3A_59 = tpu.vector_load_idx %arg12[%broadcast_in_dim3A_58] : memref<4112xf32, #tpu.memory_space<vmem>>[vector<16xi32>], vector<16xf32>,
      %add3A_60 = arith.constant 2 : i32
      %add3A_61 = arith.addi %add3A_36, %add3A_60 : i32
      %broadcast_in_dim3A_62 = vector.broadcast %add3A_61 : i32 to vector<16xi32>
      %gather3A_63 = tpu.vector_load_idx %arg12[%broadcast_in_dim3A_62] : memref<4112xf32, #tpu.memory_space<vmem>>[vector<16xi32>], vector<16xf32>,
      %add3A_64 = arith.constant 3 : i32
      %add3A_65 = arith.addi %add3A_36, %add3A_64 : i32
      %broadcast_in_dim3A_66 = vector.broadcast %add3A_65 : i32 to vector<16xi32>
      %gather3A_67 = tpu.vector_load_idx %arg12[%broadcast_in_dim3A_66] : memref<4112xf32, #tpu.memory_space<vmem>>[vector<16xi32>], vector<16xf32>,
      %add3A_68 = arith.constant 0 : i32
      %add3A_69 = arith.addi %add3A_36, %add3A_68 : i32
      %broadcast_in_dim3A_70 = vector.broadcast %add3A_69 : i32 to vector<16xi32>
      %gather3A_71 = tpu.vector_load_idx %arg13[%broadcast_in_dim3A_70] : memref<4112xf32, #tpu.memory_space<vmem>>[vector<16xi32>], vector<16xf32>,
      %add3A_72 = arith.constant 1 : i32
      %add3A_73 = arith.addi %add3A_36, %add3A_72 : i32
      %broadcast_in_dim3A_74 = vector.broadcast %add3A_73 : i32 to vector<16xi32>
      %gather3A_75 = tpu.vector_load_idx %arg13[%broadcast_in_dim3A_74] : memref<4112xf32, #tpu.memory_space<vmem>>[vector<16xi32>], vector<16xf32>,
      %add3A_76 = arith.constant 2 : i32
      %add3A_77 = arith.addi %add3A_36, %add3A_76 : i32
      %broadcast_in_dim3A_78 = vector.broadcast %add3A_77 : i32 to vector<16xi32>
      %gather3A_79 = tpu.vector_load_idx %arg13[%broadcast_in_dim3A_78] : memref<4112xf32, #tpu.memory_space<vmem>>[vector<16xi32>], vector<16xf32>,
      %add3A_80 = arith.constant 3 : i32
      %add3A_81 = arith.addi %add3A_36, %add3A_80 : i32
      %broadcast_in_dim3A_82 = vector.broadcast %add3A_81 : i32 to vector<16xi32>
      %gather3A_83 = tpu.vector_load_idx %arg13[%broadcast_in_dim3A_82] : memref<4112xf32, #tpu.memory_space<vmem>>[vector<16xi32>], vector<16xf32>,
      %add3A_84 = arith.constant 0 : i32
      %add3A_85 = arith.addi %add3A_36, %add3A_84 : i32
      %broadcast_in_dim3A_86 = vector.broadcast %add3A_85 : i32 to vector<16xi32>
      %gather3A_87 = tpu.vector_load_idx %arg14[%broadcast_in_dim3A_86] : memref<4112xf32, #tpu.memory_space<vmem>>[vector<16xi32>], vector<16xf32>,
      %add3A_88 = arith.constant 1 : i32
      %add3A_89 = arith.addi %add3A_36, %add3A_88 : i32
      %broadcast_in_dim3A_90 = vector.broadcast %add3A_89 : i32 to vector<16xi32>
      %gather3A_91 = tpu.vector_load_idx %arg14[%broadcast_in_dim3A_90] : memref<4112xf32, #tpu.memory_space<vmem>>[vector<16xi32>], vector<16xf32>,
      %add3A_92 = arith.constant 2 : i32
      %add3A_93 = arith.addi %add3A_36, %add3A_92 : i32
      %broadcast_in_dim3A_94 = vector.broadcast %add3A_93 : i32 to vector<16xi32>
      %gather3A_95 = tpu.vector_load_idx %arg14[%broadcast_in_dim3A_94] : memref<4112xf32, #tpu.memory_space<vmem>>[vector<16xi32>], vector<16xf32>,
      %add3A_96 = arith.constant 3 : i32
      %add3A_97 = arith.addi %add3A_36, %add3A_96 : i32
      %broadcast_in_dim3A_98 = vector.broadcast %add3A_97 : i32 to vector<16xi32>
      %gather3A_99 = tpu.vector_load_idx %arg14[%broadcast_in_dim3A_98] : memref<4112xf32, #tpu.memory_space<vmem>>[vector<16xi32>], vector<16xf32>,
      %add3A_100 = arith.constant 0 : i32
      %add3A_101 = arith.addi %add3A_36, %add3A_100 : i32
      %broadcast_in_dim3A_102 = vector.broadcast %add3A_101 : i32 to vector<16xi32>
      %gather3A_103 = tpu.vector_load_idx %arg15[%broadcast_in_dim3A_102] : memref<4112xi32, #tpu.memory_space<vmem>>[vector<16xi32>], vector<16xi32>,
      %add3A_104 = arith.constant 1 : i32
      %add3A_105 = arith.addi %add3A_36, %add3A_104 : i32
      %broadcast_in_dim3A_106 = vector.broadcast %add3A_105 : i32 to vector<16xi32>
      %gather3A_107 = tpu.vector_load_idx %arg15[%broadcast_in_dim3A_106] : memref<4112xi32, #tpu.memory_space<vmem>>[vector<16xi32>], vector<16xi32>,
      %add3A_108 = arith.constant 2 : i32
      %add3A_109 = arith.addi %add3A_36, %add3A_108 : i32
      %broadcast_in_dim3A_110 = vector.broadcast %add3A_109 : i32 to vector<16xi32>
      %gather3A_111 = tpu.vector_load_idx %arg15[%broadcast_in_dim3A_110] : memref<4112xi32, #tpu.memory_space<vmem>>[vector<16xi32>], vector<16xi32>,
      %add3A_112 = arith.constant 3 : i32
      %add3A_113 = arith.addi %add3A_36, %add3A_112 : i32
      %broadcast_in_dim3A_114 = vector.broadcast %add3A_113 : i32 to vector<16xi32>
      %gather3A_115 = tpu.vector_load_idx %arg15[%broadcast_in_dim3A_114] : memref<4112xi32, #tpu.memory_space<vmem>>[vector<16xi32>], vector<16xi32>,
      %add3A_116 = arith.constant 0 : i32
      %add3A_117 = arith.addi %add3A_36, %add3A_116 : i32
      %broadcast_in_dim3A_118 = vector.broadcast %add3A_117 : i32 to vector<16xi32>
      %add3A_119 = arith.constant 1 : i32
      %add3A_120 = arith.addi %add3A_36, %add3A_119 : i32
      %broadcast_in_dim3A_121 = vector.broadcast %add3A_120 : i32 to vector<16xi32>
      %add3A_122 = arith.constant 2 : i32
      %add3A_123 = arith.addi %add3A_36, %add3A_122 : i32
      %broadcast_in_dim3A_124 = vector.broadcast %add3A_123 : i32 to vector<16xi32>
      %add3A_125 = arith.constant 3 : i32
      %add3A_126 = arith.addi %add3A_36, %add3A_125 : i32
      %broadcast_in_dim3A_127 = vector.broadcast %add3A_126 : i32 to vector<16xi32>
      %gather3A_128 = tpu.vector_load_idx %arg16[%gather3A_103] : memref<32xi32, #tpu.memory_space<vmem>>[vector<16xi32>], vector<16xi32>,
      %slice3A = vector.extract_strided_slice %gather3A_128 {offsets = [0], sizes = [1], strides = [1]} : vector<16xi32> to vector<1xi32>
      %squeeze3A = vector.extract %slice3A[0] : i32 from vector<1xi32>
      %add3A_129 = arith.constant 1 : i32
      %add3A_130 = vector.broadcast %add3A_129 : i32 to vector<16xi32>
      %add3A_131 = arith.addi %gather3A_115, %add3A_130 : vector<16xi32>
      %gather3A_132 = tpu.vector_load_idx %arg16[%add3A_131] : memref<32xi32, #tpu.memory_space<vmem>>[vector<16xi32>], vector<16xi32>,
      %slice3A_133 = vector.extract_strided_slice %gather3A_132 {offsets = [0], sizes = [1], strides = [1]} : vector<16xi32> to vector<1xi32>
      %squeeze3A_134 = vector.extract %slice3A_133[0] : i32 from vector<1xi32>
      %jit3A = arith.constant 16 : i32
      %div3A = arith.divsi %squeeze3A, %jit3A : i32
      %sign3A = arith.constant 0 : i32
      %sign3A_135 = arith.cmpi sgt, %squeeze3A, %sign3A : i32
      %sign3A_136 = arith.extui %sign3A_135 : i1 to i32
      %sign3A_137 = arith.constant 0 : i32
      %sign3A_138 = arith.cmpi slt, %squeeze3A, %sign3A_137 : i32
      %sign3A_139 = arith.extui %sign3A_138 : i1 to i32
      %sign3A_140 = arith.subi %sign3A_136, %sign3A_139 : i32
      %sign3A_141 = arith.constant 0 : i32
      %sign3A_142 = arith.cmpi sgt, %jit3A, %sign3A_141 : i32
      %sign3A_143 = arith.extui %sign3A_142 : i1 to i32
      %sign3A_144 = arith.constant 0 : i32
      %sign3A_145 = arith.cmpi slt, %jit3A, %sign3A_144 : i32
      %sign3A_146 = arith.extui %sign3A_145 : i1 to i32
      %sign3A_147 = arith.subi %sign3A_143, %sign3A_146 : i32
      %ne3A = arith.cmpi ne, %sign3A_140, %sign3A_147 : i32
      %rem3A = arith.remsi %squeeze3A, %jit3A : i32
      %ne3A_148 = arith.constant 0 : i32
      %ne3A_149 = arith.cmpi ne, %rem3A, %ne3A_148 : i32
      %and3A = arith.andi %ne3A, %ne3A_149 : i1
      %sub3A = arith.constant 1 : i32
      %sub3A_150 = arith.subi %div3A, %sub3A : i32
      %select_n3A = arith.select %and3A, %sub3A_150, %div3A : i32
      %add3A_151 = arith.constant 15 : i32
      %add3A_152 = arith.addi %squeeze3A_134, %add3A_151 : i32
      %jit3A_153 = arith.constant 16 : i32
      %div3A_154 = arith.divsi %add3A_152, %jit3A_153 : i32
      %sign3A_155 = arith.constant 0 : i32
      %sign3A_156 = arith.cmpi sgt, %add3A_152, %sign3A_155 : i32
      %sign3A_157 = arith.extui %sign3A_156 : i1 to i32
      %sign3A_158 = arith.constant 0 : i32
      %sign3A_159 = arith.cmpi slt, %add3A_152, %sign3A_158 : i32
      %sign3A_160 = arith.extui %sign3A_159 : i1 to i32
      %sign3A_161 = arith.subi %sign3A_157, %sign3A_160 : i32
      %sign3A_162 = arith.constant 0 : i32
      %sign3A_163 = arith.cmpi sgt, %jit3A_153, %sign3A_162 : i32
      %sign3A_164 = arith.extui %sign3A_163 : i1 to i32
      %sign3A_165 = arith.constant 0 : i32
      %sign3A_166 = arith.cmpi slt, %jit3A_153, %sign3A_165 : i32
      %sign3A_167 = arith.extui %sign3A_166 : i1 to i32
      %sign3A_168 = arith.subi %sign3A_164, %sign3A_167 : i32
      %ne3A_169 = arith.cmpi ne, %sign3A_161, %sign3A_168 : i32
      %rem3A_170 = arith.remsi %add3A_152, %jit3A_153 : i32
      %ne3A_171 = arith.constant 0 : i32
      %ne3A_172 = arith.cmpi ne, %rem3A_170, %ne3A_171 : i32
      %and3A_173 = arith.andi %ne3A_169, %ne3A_172 : i1
      %sub3A_174 = arith.constant 1 : i32
      %sub3A_175 = arith.subi %div3A_154, %sub3A_174 : i32
      %select_n3A_176 = arith.select %and3A_173, %sub3A_175, %div3A_154 : i32
      %broadcast_in_dim3A_177 = arith.constant 0x7F800000 : f32
      %broadcast_in_dim3A_178 = vector.broadcast %broadcast_in_dim3A_177 : f32 to vector<16xf32>
      %broadcast_in_dim3A_179 = arith.constant 0 : i32
      %broadcast_in_dim3A_180 = vector.broadcast %broadcast_in_dim3A_179 : i32 to vector<16xi32>
      %broadcast_in_dim3A_181 = arith.constant 0x7F800000 : f32
      %broadcast_in_dim3A_182 = vector.broadcast %broadcast_in_dim3A_181 : f32 to vector<16xf32>
      %broadcast_in_dim3A_183 = arith.constant 0 : i32
      %broadcast_in_dim3A_184 = vector.broadcast %broadcast_in_dim3A_183 : i32 to vector<16xi32>
      %broadcast_in_dim3A_185 = arith.constant 0x7F800000 : f32
      %broadcast_in_dim3A_186 = vector.broadcast %broadcast_in_dim3A_185 : f32 to vector<16xf32>
      %broadcast_in_dim3A_187 = arith.constant 0 : i32
      %broadcast_in_dim3A_188 = vector.broadcast %broadcast_in_dim3A_187 : i32 to vector<16xi32>
      %broadcast_in_dim3A_189 = arith.constant 0x7F800000 : f32
      %broadcast_in_dim3A_190 = vector.broadcast %broadcast_in_dim3A_189 : f32 to vector<16xf32>
      %broadcast_in_dim3A_191 = arith.constant 0 : i32
      %broadcast_in_dim3A_192 = vector.broadcast %broadcast_in_dim3A_191 : i32 to vector<16xi32>
      %while3A = arith.subi %select_n3A_176, %select_n3A : i32
      %while3A_193 = arith.addi %select_n3A, %while3A : i32
      %while3A_194 = arith.constant 1 : i32
      %while3A_195 = arith.divsi %while3A, %while3A_194 : i32
      %while3A_196 = arith.muli %while3A_195, %while3A_194 : i32
      %while3A_197 = arith.addi %select_n3A, %while3A_196 : i32
      %while3A_198 = arith.constant 1 : i32
      %while3A_199:8 = scf.for %while3A_758 = %select_n3A to %while3A_197 step %while3A_198 iter_args(%while3A_759 = %broadcast_in_dim3A_178, %while3A_760 = %broadcast_in_dim3A_180, %while3A_761 = %broadcast_in_dim3A_182, %while3A_762 = %broadcast_in_dim3A_184, %while3A_763 = %broadcast_in_dim3A_186, %while3A_764 = %broadcast_in_dim3A_188, %while3A_765 = %broadcast_in_dim3A_190, %while3A_766 = %broadcast_in_dim3A_192) -> (vector<16xf32>, vector<16xi32>, vector<16xf32>, vector<16xi32>, vector<16xf32>, vector<16xi32>, vector<16xf32>, vector<16xi32>)  : i32 {
        %mul3A_767 = arith.constant 16 : i32
        %mul3A_768 = arith.muli %while3A_758, %mul3A_767 : i32
        %get3A = arith.index_cast %mul3A_768 : i32 to index
        %get3A_769 = tpu.vector_load %arg14[%get3A] {strides = array<i32>} : memref<4112xf32, #tpu.memory_space<vmem>>, vector<16xf32>,
        %get3A_770 = arith.index_cast %mul3A_768 : i32 to index
        %get3A_771 = tpu.vector_load %arg11[%get3A_770] {strides = array<i32>} : memref<4112xf32, #tpu.memory_space<vmem>>, vector<16xf32>,
        %get3A_772 = arith.index_cast %mul3A_768 : i32 to index
        %get3A_773 = tpu.vector_load %arg12[%get3A_772] {strides = array<i32>} : memref<4112xf32, #tpu.memory_space<vmem>>, vector<16xf32>,
        %get3A_774 = arith.index_cast %mul3A_768 : i32 to index
        %get3A_775 = tpu.vector_load %arg13[%get3A_774] {strides = array<i32>} : memref<4112xf32, #tpu.memory_space<vmem>>, vector<16xf32>,
        %get3A_776 = arith.index_cast %mul3A_768 : i32 to index
        %get3A_777 = tpu.vector_load %arg15[%get3A_776] {strides = array<i32>} : memref<4112xi32, #tpu.memory_space<vmem>>, vector<16xi32>,
        %iota3A_778 = tpu.iota {dimensions = array<i32: 0>} : vector<16xi32>
        %add3A_779 = vector.broadcast %mul3A_768 : i32 to vector<16xi32>
        %add3A_780 = arith.addi %add3A_779, %iota3A_778 : vector<16xi32>
        %add3A_781 = arith.addf %gather3A_87, %get3A_769 : vector<16xf32>
        %mul3A_782 = arith.mulf %gather3A, %get3A_771 : vector<16xf32>
        %mul3A_783 = arith.mulf %gather3A_55, %get3A_773 : vector<16xf32>
        %add3A_784 = arith.addf %mul3A_782, %mul3A_783 : vector<16xf32>
        %mul3A_785 = arith.mulf %gather3A_71, %get3A_775 : vector<16xf32>
        %add3A_786 = arith.addf %add3A_784, %mul3A_785 : vector<16xf32>
        %mul3A_787 = arith.constant 2.000000e+00 : f32
        %mul3A_788 = vector.broadcast %mul3A_787 : f32 to vector<16xf32>
        %mul3A_789 = arith.mulf %mul3A_788, %add3A_786 : vector<16xf32>
        %sub3A_790 = arith.subf %add3A_781, %mul3A_789 : vector<16xf32>
        %eq3A_791 = arith.cmpi eq, %get3A_777, %gather3A_103 : vector<16xi32>
        %ne3A_792 = arith.cmpi ne, %add3A_780, %broadcast_in_dim3A_118 : vector<16xi32>
        %and3A_793 = arith.andi %eq3A_791, %ne3A_792 : vector<16xi1>
        %jit3A_794 = arith.constant 0x7F800000 : f32
        %broadcast_in_dim3A_795 = vector.broadcast %jit3A_794 : f32 to vector<16xf32>
        %select_n3A_796 = arith.select %and3A_793, %sub3A_790, %broadcast_in_dim3A_795 : vector<16xi1>, vector<16xf32>
        %masked_sort3A = arith.constant dense<true> : vector<16xi1>
        %masked_sort3A_797, %masked_sort3A_798, %masked_sort3A_799 = tpu.sort %select_n3A_796, %add3A_780 masked %masked_sort3A {descending = true} : (vector<16xf32>, vector<16xi32>, vector<16xi1>) -> (vector<16xi1>, vector<16xf32>, vector<16xi32>)
        %le3A = arith.cmpf ole, %while3A_759, %masked_sort3A_798 : vector<16xf32>
        %select_n3A_800 = arith.select %le3A, %while3A_759, %masked_sort3A_798 : vector<16xi1>, vector<16xf32>
        %select_n3A_801 = arith.select %le3A, %while3A_760, %masked_sort3A_799 : vector<16xi1>, vector<16xi32>
        %masked_sort3A_802 = arith.constant dense<true> : vector<16xi1>
        %masked_sort3A_803, %masked_sort3A_804, %masked_sort3A_805 = tpu.sort %select_n3A_800, %select_n3A_801 masked %masked_sort3A_802 : (vector<16xf32>, vector<16xi32>, vector<16xi1>) -> (vector<16xi1>, vector<16xf32>, vector<16xi32>)
        %add3A_806 = arith.addf %gather3A_91, %get3A_769 : vector<16xf32>
        %mul3A_807 = arith.mulf %gather3A_43, %get3A_771 : vector<16xf32>
        %mul3A_808 = arith.mulf %gather3A_59, %get3A_773 : vector<16xf32>
        %add3A_809 = arith.addf %mul3A_807, %mul3A_808 : vector<16xf32>
        %mul3A_810 = arith.mulf %gather3A_75, %get3A_775 : vector<16xf32>
        %add3A_811 = arith.addf %add3A_809, %mul3A_810 : vector<16xf32>
        %mul3A_812 = arith.constant 2.000000e+00 : f32
        %mul3A_813 = vector.broadcast %mul3A_812 : f32 to vector<16xf32>
        %mul3A_814 = arith.mulf %mul3A_813, %add3A_811 : vector<16xf32>
        %sub3A_815 = arith.subf %add3A_806, %mul3A_814 : vector<16xf32>
        %eq3A_816 = arith.cmpi eq, %get3A_777, %gather3A_107 : vector<16xi32>
        %ne3A_817 = arith.cmpi ne, %add3A_780, %broadcast_in_dim3A_121 : vector<16xi32>
        %and3A_818 = arith.andi %eq3A_816, %ne3A_817 : vector<16xi1>
        %jit3A_819 = arith.constant 0x7F800000 : f32
        %broadcast_in_dim3A_820 = vector.broadcast %jit3A_819 : f32 to vector<16xf32>
        %select_n3A_821 = arith.select %and3A_818, %sub3A_815, %broadcast_in_dim3A_820 : vector<16xi1>, vector<16xf32>
        %masked_sort3A_822 = arith.constant dense<true> : vector<16xi1>
        %masked_sort3A_823, %masked_sort3A_824, %masked_sort3A_825 = tpu.sort %select_n3A_821, %add3A_780 masked %masked_sort3A_822 {descending = true} : (vector<16xf32>, vector<16xi32>, vector<16xi1>) -> (vector<16xi1>, vector<16xf32>, vector<16xi32>)
        %le3A_826 = arith.cmpf ole, %while3A_761, %masked_sort3A_824 : vector<16xf32>
        %select_n3A_827 = arith.select %le3A_826, %while3A_761, %masked_sort3A_824 : vector<16xi1>, vector<16xf32>
        %select_n3A_828 = arith.select %le3A_826, %while3A_762, %masked_sort3A_825 : vector<16xi1>, vector<16xi32>
        %masked_sort3A_829 = arith.constant dense<true> : vector<16xi1>
        %masked_sort3A_830, %masked_sort3A_831, %masked_sort3A_832 = tpu.sort %select_n3A_827, %select_n3A_828 masked %masked_sort3A_829 : (vector<16xf32>, vector<16xi32>, vector<16xi1>) -> (vector<16xi1>, vector<16xf32>, vector<16xi32>)
        %add3A_833 = arith.addf %gather3A_95, %get3A_769 : vector<16xf32>
        %mul3A_834 = arith.mulf %gather3A_47, %get3A_771 : vector<16xf32>
        %mul3A_835 = arith.mulf %gather3A_63, %get3A_773 : vector<16xf32>
        %add3A_836 = arith.addf %mul3A_834, %mul3A_835 : vector<16xf32>
        %mul3A_837 = arith.mulf %gather3A_79, %get3A_775 : vector<16xf32>
        %add3A_838 = arith.addf %add3A_836, %mul3A_837 : vector<16xf32>
        %mul3A_839 = arith.constant 2.000000e+00 : f32
        %mul3A_840 = vector.broadcast %mul3A_839 : f32 to vector<16xf32>
        %mul3A_841 = arith.mulf %mul3A_840, %add3A_838 : vector<16xf32>
        %sub3A_842 = arith.subf %add3A_833, %mul3A_841 : vector<16xf32>
        %eq3A_843 = arith.cmpi eq, %get3A_777, %gather3A_111 : vector<16xi32>
        %ne3A_844 = arith.cmpi ne, %add3A_780, %broadcast_in_dim3A_124 : vector<16xi32>
        %and3A_845 = arith.andi %eq3A_843, %ne3A_844 : vector<16xi1>
        %jit3A_846 = arith.constant 0x7F800000 : f32
        %broadcast_in_dim3A_847 = vector.broadcast %jit3A_846 : f32 to vector<16xf32>
        %select_n3A_848 = arith.select %and3A_845, %sub3A_842, %broadcast_in_dim3A_847 : vector<16xi1>, vector<16xf32>
        %masked_sort3A_849 = arith.constant dense<true> : vector<16xi1>
        %masked_sort3A_850, %masked_sort3A_851, %masked_sort3A_852 = tpu.sort %select_n3A_848, %add3A_780 masked %masked_sort3A_849 {descending = true} : (vector<16xf32>, vector<16xi32>, vector<16xi1>) -> (vector<16xi1>, vector<16xf32>, vector<16xi32>)
        %le3A_853 = arith.cmpf ole, %while3A_763, %masked_sort3A_851 : vector<16xf32>
        %select_n3A_854 = arith.select %le3A_853, %while3A_763, %masked_sort3A_851 : vector<16xi1>, vector<16xf32>
        %select_n3A_855 = arith.select %le3A_853, %while3A_764, %masked_sort3A_852 : vector<16xi1>, vector<16xi32>
        %masked_sort3A_856 = arith.constant dense<true> : vector<16xi1>
        %masked_sort3A_857, %masked_sort3A_858, %masked_sort3A_859 = tpu.sort %select_n3A_854, %select_n3A_855 masked %masked_sort3A_856 : (vector<16xf32>, vector<16xi32>, vector<16xi1>) -> (vector<16xi1>, vector<16xf32>, vector<16xi32>)
        %add3A_860 = arith.addf %gather3A_99, %get3A_769 : vector<16xf32>
        %mul3A_861 = arith.mulf %gather3A_51, %get3A_771 : vector<16xf32>
        %mul3A_862 = arith.mulf %gather3A_67, %get3A_773 : vector<16xf32>
        %add3A_863 = arith.addf %mul3A_861, %mul3A_862 : vector<16xf32>
        %mul3A_864 = arith.mulf %gather3A_83, %get3A_775 : vector<16xf32>
        %add3A_865 = arith.addf %add3A_863, %mul3A_864 : vector<16xf32>
        %mul3A_866 = arith.constant 2.000000e+00 : f32
        %mul3A_867 = vector.broadcast %mul3A_866 : f32 to vector<16xf32>
        %mul3A_868 = arith.mulf %mul3A_867, %add3A_865 : vector<16xf32>
        %sub3A_869 = arith.subf %add3A_860, %mul3A_868 : vector<16xf32>
        %eq3A_870 = arith.cmpi eq, %get3A_777, %gather3A_115 : vector<16xi32>
        %ne3A_871 = arith.cmpi ne, %add3A_780, %broadcast_in_dim3A_127 : vector<16xi32>
        %and3A_872 = arith.andi %eq3A_870, %ne3A_871 : vector<16xi1>
        %jit3A_873 = arith.constant 0x7F800000 : f32
        %broadcast_in_dim3A_874 = vector.broadcast %jit3A_873 : f32 to vector<16xf32>
        %select_n3A_875 = arith.select %and3A_872, %sub3A_869, %broadcast_in_dim3A_874 : vector<16xi1>, vector<16xf32>
        %masked_sort3A_876 = arith.constant dense<true> : vector<16xi1>
        %masked_sort3A_877, %masked_sort3A_878, %masked_sort3A_879 = tpu.sort %select_n3A_875, %add3A_780 masked %masked_sort3A_876 {descending = true} : (vector<16xf32>, vector<16xi32>, vector<16xi1>) -> (vector<16xi1>, vector<16xf32>, vector<16xi32>)
        %le3A_880 = arith.cmpf ole, %while3A_765, %masked_sort3A_878 : vector<16xf32>
        %select_n3A_881 = arith.select %le3A_880, %while3A_765, %masked_sort3A_878 : vector<16xi1>, vector<16xf32>
        %select_n3A_882 = arith.select %le3A_880, %while3A_766, %masked_sort3A_879 : vector<16xi1>, vector<16xi32>
        %masked_sort3A_883 = arith.constant dense<true> : vector<16xi1>
        %masked_sort3A_884, %masked_sort3A_885, %masked_sort3A_886 = tpu.sort %select_n3A_881, %select_n3A_882 masked %masked_sort3A_883 : (vector<16xf32>, vector<16xi32>, vector<16xi1>) -> (vector<16xi1>, vector<16xf32>, vector<16xi32>)
        scf.yield %masked_sort3A_804, %masked_sort3A_805, %masked_sort3A_831, %masked_sort3A_832, %masked_sort3A_858, %masked_sort3A_859, %masked_sort3A_885, %masked_sort3A_886 : vector<16xf32>, vector<16xi32>, vector<16xf32>, vector<16xi32>, vector<16xf32>, vector<16xi32>, vector<16xf32>, vector<16xi32>
      }
      %while3A_200 = arith.constant 1 : i32
      %while3A_201:8 = scf.for %while3A_758 = %while3A_197 to %while3A_193 step %while3A_200 iter_args(%while3A_759 = %while3A_199#0, %while3A_760 = %while3A_199#1, %while3A_761 = %while3A_199#2, %while3A_762 = %while3A_199#3, %while3A_763 = %while3A_199#4, %while3A_764 = %while3A_199#5, %while3A_765 = %while3A_199#6, %while3A_766 = %while3A_199#7) -> (vector<16xf32>, vector<16xi32>, vector<16xf32>, vector<16xi32>, vector<16xf32>, vector<16xi32>, vector<16xf32>, vector<16xi32>)  : i32 {
        %mul3A_767 = arith.constant 16 : i32
        %mul3A_768 = arith.muli %while3A_758, %mul3A_767 : i32
        %get3A = arith.index_cast %mul3A_768 : i32 to index
        %get3A_769 = tpu.vector_load %arg14[%get3A] {strides = array<i32>} : memref<4112xf32, #tpu.memory_space<vmem>>, vector<16xf32>,
        %get3A_770 = arith.index_cast %mul3A_768 : i32 to index
        %get3A_771 = tpu.vector_load %arg11[%get3A_770] {strides = array<i32>} : memref<4112xf32, #tpu.memory_space<vmem>>, vector<16xf32>,
        %get3A_772 = arith.index_cast %mul3A_768 : i32 to index
        %get3A_773 = tpu.vector_load %arg12[%get3A_772] {strides = array<i32>} : memref<4112xf32, #tpu.memory_space<vmem>>, vector<16xf32>,
        %get3A_774 = arith.index_cast %mul3A_768 : i32 to index
        %get3A_775 = tpu.vector_load %arg13[%get3A_774] {strides = array<i32>} : memref<4112xf32, #tpu.memory_space<vmem>>, vector<16xf32>,
        %get3A_776 = arith.index_cast %mul3A_768 : i32 to index
        %get3A_777 = tpu.vector_load %arg15[%get3A_776] {strides = array<i32>} : memref<4112xi32, #tpu.memory_space<vmem>>, vector<16xi32>,
        %iota3A_778 = tpu.iota {dimensions = array<i32: 0>} : vector<16xi32>
        %add3A_779 = vector.broadcast %mul3A_768 : i32 to vector<16xi32>
        %add3A_780 = arith.addi %add3A_779, %iota3A_778 : vector<16xi32>
        %add3A_781 = arith.addf %gather3A_87, %get3A_769 : vector<16xf32>
        %mul3A_782 = arith.mulf %gather3A, %get3A_771 : vector<16xf32>
        %mul3A_783 = arith.mulf %gather3A_55, %get3A_773 : vector<16xf32>
        %add3A_784 = arith.addf %mul3A_782, %mul3A_783 : vector<16xf32>
        %mul3A_785 = arith.mulf %gather3A_71, %get3A_775 : vector<16xf32>
        %add3A_786 = arith.addf %add3A_784, %mul3A_785 : vector<16xf32>
        %mul3A_787 = arith.constant 2.000000e+00 : f32
        %mul3A_788 = vector.broadcast %mul3A_787 : f32 to vector<16xf32>
        %mul3A_789 = arith.mulf %mul3A_788, %add3A_786 : vector<16xf32>
        %sub3A_790 = arith.subf %add3A_781, %mul3A_789 : vector<16xf32>
        %eq3A_791 = arith.cmpi eq, %get3A_777, %gather3A_103 : vector<16xi32>
        %ne3A_792 = arith.cmpi ne, %add3A_780, %broadcast_in_dim3A_118 : vector<16xi32>
        %and3A_793 = arith.andi %eq3A_791, %ne3A_792 : vector<16xi1>
        %jit3A_794 = arith.constant 0x7F800000 : f32
        %broadcast_in_dim3A_795 = vector.broadcast %jit3A_794 : f32 to vector<16xf32>
        %select_n3A_796 = arith.select %and3A_793, %sub3A_790, %broadcast_in_dim3A_795 : vector<16xi1>, vector<16xf32>
        %masked_sort3A = arith.constant dense<true> : vector<16xi1>
        %masked_sort3A_797, %masked_sort3A_798, %masked_sort3A_799 = tpu.sort %select_n3A_796, %add3A_780 masked %masked_sort3A {descending = true} : (vector<16xf32>, vector<16xi32>, vector<16xi1>) -> (vector<16xi1>, vector<16xf32>, vector<16xi32>)
        %le3A = arith.cmpf ole, %while3A_759, %masked_sort3A_798 : vector<16xf32>
        %select_n3A_800 = arith.select %le3A, %while3A_759, %masked_sort3A_798 : vector<16xi1>, vector<16xf32>
        %select_n3A_801 = arith.select %le3A, %while3A_760, %masked_sort3A_799 : vector<16xi1>, vector<16xi32>
        %masked_sort3A_802 = arith.constant dense<true> : vector<16xi1>
        %masked_sort3A_803, %masked_sort3A_804, %masked_sort3A_805 = tpu.sort %select_n3A_800, %select_n3A_801 masked %masked_sort3A_802 : (vector<16xf32>, vector<16xi32>, vector<16xi1>) -> (vector<16xi1>, vector<16xf32>, vector<16xi32>)
        %add3A_806 = arith.addf %gather3A_91, %get3A_769 : vector<16xf32>
        %mul3A_807 = arith.mulf %gather3A_43, %get3A_771 : vector<16xf32>
        %mul3A_808 = arith.mulf %gather3A_59, %get3A_773 : vector<16xf32>
        %add3A_809 = arith.addf %mul3A_807, %mul3A_808 : vector<16xf32>
        %mul3A_810 = arith.mulf %gather3A_75, %get3A_775 : vector<16xf32>
        %add3A_811 = arith.addf %add3A_809, %mul3A_810 : vector<16xf32>
        %mul3A_812 = arith.constant 2.000000e+00 : f32
        %mul3A_813 = vector.broadcast %mul3A_812 : f32 to vector<16xf32>
        %mul3A_814 = arith.mulf %mul3A_813, %add3A_811 : vector<16xf32>
        %sub3A_815 = arith.subf %add3A_806, %mul3A_814 : vector<16xf32>
        %eq3A_816 = arith.cmpi eq, %get3A_777, %gather3A_107 : vector<16xi32>
        %ne3A_817 = arith.cmpi ne, %add3A_780, %broadcast_in_dim3A_121 : vector<16xi32>
        %and3A_818 = arith.andi %eq3A_816, %ne3A_817 : vector<16xi1>
        %jit3A_819 = arith.constant 0x7F800000 : f32
        %broadcast_in_dim3A_820 = vector.broadcast %jit3A_819 : f32 to vector<16xf32>
        %select_n3A_821 = arith.select %and3A_818, %sub3A_815, %broadcast_in_dim3A_820 : vector<16xi1>, vector<16xf32>
        %masked_sort3A_822 = arith.constant dense<true> : vector<16xi1>
        %masked_sort3A_823, %masked_sort3A_824, %masked_sort3A_825 = tpu.sort %select_n3A_821, %add3A_780 masked %masked_sort3A_822 {descending = true} : (vector<16xf32>, vector<16xi32>, vector<16xi1>) -> (vector<16xi1>, vector<16xf32>, vector<16xi32>)
        %le3A_826 = arith.cmpf ole, %while3A_761, %masked_sort3A_824 : vector<16xf32>
        %select_n3A_827 = arith.select %le3A_826, %while3A_761, %masked_sort3A_824 : vector<16xi1>, vector<16xf32>
        %select_n3A_828 = arith.select %le3A_826, %while3A_762, %masked_sort3A_825 : vector<16xi1>, vector<16xi32>
        %masked_sort3A_829 = arith.constant dense<true> : vector<16xi1>
        %masked_sort3A_830, %masked_sort3A_831, %masked_sort3A_832 = tpu.sort %select_n3A_827, %select_n3A_828 masked %masked_sort3A_829 : (vector<16xf32>, vector<16xi32>, vector<16xi1>) -> (vector<16xi1>, vector<16xf32>, vector<16xi32>)
        %add3A_833 = arith.addf %gather3A_95, %get3A_769 : vector<16xf32>
        %mul3A_834 = arith.mulf %gather3A_47, %get3A_771 : vector<16xf32>
        %mul3A_835 = arith.mulf %gather3A_63, %get3A_773 : vector<16xf32>
        %add3A_836 = arith.addf %mul3A_834, %mul3A_835 : vector<16xf32>
        %mul3A_837 = arith.mulf %gather3A_79, %get3A_775 : vector<16xf32>
        %add3A_838 = arith.addf %add3A_836, %mul3A_837 : vector<16xf32>
        %mul3A_839 = arith.constant 2.000000e+00 : f32
        %mul3A_840 = vector.broadcast %mul3A_839 : f32 to vector<16xf32>
        %mul3A_841 = arith.mulf %mul3A_840, %add3A_838 : vector<16xf32>
        %sub3A_842 = arith.subf %add3A_833, %mul3A_841 : vector<16xf32>
        %eq3A_843 = arith.cmpi eq, %get3A_777, %gather3A_111 : vector<16xi32>
        %ne3A_844 = arith.cmpi ne, %add3A_780, %broadcast_in_dim3A_124 : vector<16xi32>
        %and3A_845 = arith.andi %eq3A_843, %ne3A_844 : vector<16xi1>
        %jit3A_846 = arith.constant 0x7F800000 : f32
        %broadcast_in_dim3A_847 = vector.broadcast %jit3A_846 : f32 to vector<16xf32>
        %select_n3A_848 = arith.select %and3A_845, %sub3A_842, %broadcast_in_dim3A_847 : vector<16xi1>, vector<16xf32>
        %masked_sort3A_849 = arith.constant dense<true> : vector<16xi1>
        %masked_sort3A_850, %masked_sort3A_851, %masked_sort3A_852 = tpu.sort %select_n3A_848, %add3A_780 masked %masked_sort3A_849 {descending = true} : (vector<16xf32>, vector<16xi32>, vector<16xi1>) -> (vector<16xi1>, vector<16xf32>, vector<16xi32>)
        %le3A_853 = arith.cmpf ole, %while3A_763, %masked_sort3A_851 : vector<16xf32>
        %select_n3A_854 = arith.select %le3A_853, %while3A_763, %masked_sort3A_851 : vector<16xi1>, vector<16xf32>
        %select_n3A_855 = arith.select %le3A_853, %while3A_764, %masked_sort3A_852 : vector<16xi1>, vector<16xi32>
        %masked_sort3A_856 = arith.constant dense<true> : vector<16xi1>
        %masked_sort3A_857, %masked_sort3A_858, %masked_sort3A_859 = tpu.sort %select_n3A_854, %select_n3A_855 masked %masked_sort3A_856 : (vector<16xf32>, vector<16xi32>, vector<16xi1>) -> (vector<16xi1>, vector<16xf32>, vector<16xi32>)
        %add3A_860 = arith.addf %gather3A_99, %get3A_769 : vector<16xf32>
        %mul3A_861 = arith.mulf %gather3A_51, %get3A_771 : vector<16xf32>
        %mul3A_862 = arith.mulf %gather3A_67, %get3A_773 : vector<16xf32>
        %add3A_863 = arith.addf %mul3A_861, %mul3A_862 : vector<16xf32>
        %mul3A_864 = arith.mulf %gather3A_83, %get3A_775 : vector<16xf32>
        %add3A_865 = arith.addf %add3A_863, %mul3A_864 : vector<16xf32>
        %mul3A_866 = arith.constant 2.000000e+00 : f32
        %mul3A_867 = vector.broadcast %mul3A_866 : f32 to vector<16xf32>
        %mul3A_868 = arith.mulf %mul3A_867, %add3A_865 : vector<16xf32>
        %sub3A_869 = arith.subf %add3A_860, %mul3A_868 : vector<16xf32>
        %eq3A_870 = arith.cmpi eq, %get3A_777, %gather3A_115 : vector<16xi32>
        %ne3A_871 = arith.cmpi ne, %add3A_780, %broadcast_in_dim3A_127 : vector<16xi32>
        %and3A_872 = arith.andi %eq3A_870, %ne3A_871 : vector<16xi1>
        %jit3A_873 = arith.constant 0x7F800000 : f32
        %broadcast_in_dim3A_874 = vector.broadcast %jit3A_873 : f32 to vector<16xf32>
        %select_n3A_875 = arith.select %and3A_872, %sub3A_869, %broadcast_in_dim3A_874 : vector<16xi1>, vector<16xf32>
        %masked_sort3A_876 = arith.constant dense<true> : vector<16xi1>
        %masked_sort3A_877, %masked_sort3A_878, %masked_sort3A_879 = tpu.sort %select_n3A_875, %add3A_780 masked %masked_sort3A_876 {descending = true} : (vector<16xf32>, vector<16xi32>, vector<16xi1>) -> (vector<16xi1>, vector<16xf32>, vector<16xi32>)
        %le3A_880 = arith.cmpf ole, %while3A_765, %masked_sort3A_878 : vector<16xf32>
        %select_n3A_881 = arith.select %le3A_880, %while3A_765, %masked_sort3A_878 : vector<16xi1>, vector<16xf32>
        %select_n3A_882 = arith.select %le3A_880, %while3A_766, %masked_sort3A_879 : vector<16xi1>, vector<16xi32>
        %masked_sort3A_883 = arith.constant dense<true> : vector<16xi1>
        %masked_sort3A_884, %masked_sort3A_885, %masked_sort3A_886 = tpu.sort %select_n3A_881, %select_n3A_882 masked %masked_sort3A_883 : (vector<16xf32>, vector<16xi32>, vector<16xi1>) -> (vector<16xi1>, vector<16xf32>, vector<16xi32>)
        scf.yield %masked_sort3A_804, %masked_sort3A_805, %masked_sort3A_831, %masked_sort3A_832, %masked_sort3A_858, %masked_sort3A_859, %masked_sort3A_885, %masked_sort3A_886 : vector<16xf32>, vector<16xi32>, vector<16xf32>, vector<16xi32>, vector<16xf32>, vector<16xi32>, vector<16xf32>, vector<16xi32>
      }
      %add3A_202 = arith.constant 0 : i32
      %add3A_203 = arith.addi %mul3A_35, %add3A_202 : i32
      %max3A = arith.constant 9.99999996E-13 : f32
      %max3A_204 = vector.broadcast %max3A : f32 to vector<16xf32>
      %max3A_205 = arith.maximumf %while3A_201#0, %max3A_204 : vector<16xf32>
      %bitcast3A = vector.bitcast %max3A_205 : vector<16xf32> to vector<16xi32>
      %shift_right_logical3A = arith.constant 1 : i32
      %shift_right_logical3A_206 = vector.broadcast %shift_right_logical3A : i32 to vector<16xi32>
      %shift_right_logical3A_207 = arith.shrui %bitcast3A, %shift_right_logical3A_206 : vector<16xi32>
      %sub3A_208 = arith.constant 1597463007 : i32
      %sub3A_209 = vector.broadcast %sub3A_208 : i32 to vector<16xi32>
      %sub3A_210 = arith.subi %sub3A_209, %shift_right_logical3A_207 : vector<16xi32>
      %bitcast3A_211 = vector.bitcast %sub3A_210 : vector<16xi32> to vector<16xf32>
      %mul3A_212 = arith.constant 5.000000e-01 : f32
      %mul3A_213 = vector.broadcast %mul3A_212 : f32 to vector<16xf32>
      %mul3A_214 = arith.mulf %mul3A_213, %max3A_205 : vector<16xf32>
      %mul3A_215 = arith.mulf %mul3A_214, %bitcast3A_211 : vector<16xf32>
      %mul3A_216 = arith.mulf %mul3A_215, %bitcast3A_211 : vector<16xf32>
      %sub3A_217 = arith.constant 1.500000e+00 : f32
      %sub3A_218 = vector.broadcast %sub3A_217 : f32 to vector<16xf32>
      %sub3A_219 = arith.subf %sub3A_218, %mul3A_216 : vector<16xf32>
      %mul3A_220 = arith.mulf %bitcast3A_211, %sub3A_219 : vector<16xf32>
      %mul3A_221 = arith.constant 5.000000e-01 : f32
      %mul3A_222 = vector.broadcast %mul3A_221 : f32 to vector<16xf32>
      %mul3A_223 = arith.mulf %mul3A_222, %max3A_205 : vector<16xf32>
      %mul3A_224 = arith.mulf %mul3A_223, %mul3A_220 : vector<16xf32>
      %mul3A_225 = arith.mulf %mul3A_224, %mul3A_220 : vector<16xf32>
      %sub3A_226 = arith.constant 1.500000e+00 : f32
      %sub3A_227 = vector.broadcast %sub3A_226 : f32 to vector<16xf32>
      %sub3A_228 = arith.subf %sub3A_227, %mul3A_225 : vector<16xf32>
      %mul3A_229 = arith.mulf %mul3A_220, %sub3A_228 : vector<16xf32>
      %mul3A_230 = arith.constant 5.000000e-01 : f32
      %mul3A_231 = vector.broadcast %mul3A_230 : f32 to vector<16xf32>
      %mul3A_232 = arith.mulf %mul3A_231, %max3A_205 : vector<16xf32>
      %mul3A_233 = arith.mulf %mul3A_232, %mul3A_229 : vector<16xf32>
      %mul3A_234 = arith.mulf %mul3A_233, %mul3A_229 : vector<16xf32>
      %sub3A_235 = arith.constant 1.500000e+00 : f32
      %sub3A_236 = vector.broadcast %sub3A_235 : f32 to vector<16xf32>
      %sub3A_237 = arith.subf %sub3A_236, %mul3A_234 : vector<16xf32>
      %mul3A_238 = arith.mulf %mul3A_229, %sub3A_237 : vector<16xf32>
      %mul3A_239 = arith.mulf %max3A_205, %mul3A_238 : vector<16xf32>
      %cumsum3A = arith.constant true
      %cumsum3A_240 = vector.broadcast %cumsum3A : i1 to vector<16xi1>
      %cumsum3A_241 = tpu.scan <sum>, %mul3A_239 masked %cumsum3A_240 : vector<16xf32>, vector<16xi1> -> vector<16xf32>
      %reshape3A = vector.shape_cast %broadcast_in_dim3A_9 : vector<16xi32> to vector<16x1xi32>
      %gather3A_242 = vector.shape_cast %reshape3A : vector<16x1xi32> to vector<16xi32>
      %gather3A_243 = tpu.dynamic_gather %cumsum3A_241[%gather3A_242] in [0] : vector<16xf32>, vector<16xi32> -> vector<16xf32>
      %mul3A_244 = vector.broadcast %scan3A_16 : f32 to vector<16xf32>
      %mul3A_245 = arith.mulf %gather3A_243, %mul3A_244 : vector<16xf32>
      %broadcast_in_dim3A_246 = vector.broadcast %add3A_203 : i32 to vector<16xi32>
      tpu.vector_store_idx %arg23[%broadcast_in_dim3A_246], %mul3A_245 masked %eq3A_4 : memref<128xf32, #tpu.memory_space<vmem>>[vector<16xi32>], vector<16xf32>, vector<16xi1>
      %gather3A_247 = tpu.vector_load_idx %arg8[%while3A_201#1] : memref<4112xf32, #tpu.memory_space<vmem>>[vector<16xi32>], vector<16xf32>,
      %gather3A_248 = tpu.vector_load_idx %arg9[%while3A_201#1] : memref<4112xf32, #tpu.memory_space<vmem>>[vector<16xi32>], vector<16xf32>,
      %gather3A_249 = tpu.vector_load_idx %arg10[%while3A_201#1] : memref<4112xf32, #tpu.memory_space<vmem>>[vector<16xi32>], vector<16xf32>,
      %cumsum3A_250 = arith.constant true
      %cumsum3A_251 = vector.broadcast %cumsum3A_250 : i1 to vector<16xi1>
      %cumsum3A_252 = tpu.scan <sum>, %gather3A_247 masked %cumsum3A_251 : vector<16xf32>, vector<16xi1> -> vector<16xf32>
      %reshape3A_253 = vector.shape_cast %broadcast_in_dim3A_9 : vector<16xi32> to vector<16x1xi32>
      %gather3A_254 = vector.shape_cast %reshape3A_253 : vector<16x1xi32> to vector<16xi32>
      %gather3A_255 = tpu.dynamic_gather %cumsum3A_252[%gather3A_254] in [0] : vector<16xf32>, vector<16xi32> -> vector<16xf32>
      %mul3A_256 = vector.broadcast %scan3A_16 : f32 to vector<16xf32>
      %mul3A_257 = arith.mulf %gather3A_255, %mul3A_256 : vector<16xf32>
      %cumsum3A_258 = arith.constant true
      %cumsum3A_259 = vector.broadcast %cumsum3A_258 : i1 to vector<16xi1>
      %cumsum3A_260 = tpu.scan <sum>, %gather3A_248 masked %cumsum3A_259 : vector<16xf32>, vector<16xi1> -> vector<16xf32>
      %reshape3A_261 = vector.shape_cast %broadcast_in_dim3A_9 : vector<16xi32> to vector<16x1xi32>
      %gather3A_262 = vector.shape_cast %reshape3A_261 : vector<16x1xi32> to vector<16xi32>
      %gather3A_263 = tpu.dynamic_gather %cumsum3A_260[%gather3A_262] in [0] : vector<16xf32>, vector<16xi32> -> vector<16xf32>
      %mul3A_264 = vector.broadcast %scan3A_16 : f32 to vector<16xf32>
      %mul3A_265 = arith.mulf %gather3A_263, %mul3A_264 : vector<16xf32>
      %cumsum3A_266 = arith.constant true
      %cumsum3A_267 = vector.broadcast %cumsum3A_266 : i1 to vector<16xi1>
      %cumsum3A_268 = tpu.scan <sum>, %gather3A_249 masked %cumsum3A_267 : vector<16xf32>, vector<16xi1> -> vector<16xf32>
      %reshape3A_269 = vector.shape_cast %broadcast_in_dim3A_9 : vector<16xi32> to vector<16x1xi32>
      %gather3A_270 = vector.shape_cast %reshape3A_269 : vector<16x1xi32> to vector<16xi32>
      %gather3A_271 = tpu.dynamic_gather %cumsum3A_268[%gather3A_270] in [0] : vector<16xf32>, vector<16xi32> -> vector<16xf32>
      %mul3A_272 = vector.broadcast %scan3A_16 : f32 to vector<16xf32>
      %mul3A_273 = arith.mulf %gather3A_271, %mul3A_272 : vector<16xf32>
      %sub3A_274 = arith.subf %gather3A_247, %mul3A_257 : vector<16xf32>
      %sub3A_275 = arith.subf %gather3A_248, %mul3A_265 : vector<16xf32>
      %sub3A_276 = arith.subf %gather3A_249, %mul3A_273 : vector<16xf32>
      %mul3A_277 = arith.mulf %sub3A_274, %sub3A_274 : vector<16xf32>
      %cumsum3A_278 = arith.constant true
      %cumsum3A_279 = vector.broadcast %cumsum3A_278 : i1 to vector<16xi1>
      %cumsum3A_280 = tpu.scan <sum>, %mul3A_277 masked %cumsum3A_279 : vector<16xf32>, vector<16xi1> -> vector<16xf32>
      %reshape3A_281 = vector.shape_cast %broadcast_in_dim3A_9 : vector<16xi32> to vector<16x1xi32>
      %gather3A_282 = vector.shape_cast %reshape3A_281 : vector<16x1xi32> to vector<16xi32>
      %gather3A_283 = tpu.dynamic_gather %cumsum3A_280[%gather3A_282] in [0] : vector<16xf32>, vector<16xi32> -> vector<16xf32>
      %mul3A_284 = vector.broadcast %scan3A_17 : f32 to vector<16xf32>
      %mul3A_285 = arith.mulf %gather3A_283, %mul3A_284 : vector<16xf32>
      %broadcast_in_dim3A_286 = vector.broadcast %add3A_203 : i32 to vector<16xi32>
      tpu.vector_store_idx %arg17[%broadcast_in_dim3A_286], %mul3A_285 masked %eq3A_4 : memref<128xf32, #tpu.memory_space<vmem>>[vector<16xi32>], vector<16xf32>, vector<16xi1>
      %mul3A_287 = arith.mulf %sub3A_275, %sub3A_275 : vector<16xf32>
      %cumsum3A_288 = arith.constant true
      %cumsum3A_289 = vector.broadcast %cumsum3A_288 : i1 to vector<16xi1>
      %cumsum3A_290 = tpu.scan <sum>, %mul3A_287 masked %cumsum3A_289 : vector<16xf32>, vector<16xi1> -> vector<16xf32>
      %reshape3A_291 = vector.shape_cast %broadcast_in_dim3A_9 : vector<16xi32> to vector<16x1xi32>
      %gather3A_292 = vector.shape_cast %reshape3A_291 : vector<16x1xi32> to vector<16xi32>
      %gather3A_293 = tpu.dynamic_gather %cumsum3A_290[%gather3A_292] in [0] : vector<16xf32>, vector<16xi32> -> vector<16xf32>
      %mul3A_294 = vector.broadcast %scan3A_17 : f32 to vector<16xf32>
      %mul3A_295 = arith.mulf %gather3A_293, %mul3A_294 : vector<16xf32>
      %broadcast_in_dim3A_296 = vector.broadcast %add3A_203 : i32 to vector<16xi32>
      tpu.vector_store_idx %arg18[%broadcast_in_dim3A_296], %mul3A_295 masked %eq3A_4 : memref<128xf32, #tpu.memory_space<vmem>>[vector<16xi32>], vector<16xf32>, vector<16xi1>
      %mul3A_297 = arith.mulf %sub3A_276, %sub3A_276 : vector<16xf32>
      %cumsum3A_298 = arith.constant true
      %cumsum3A_299 = vector.broadcast %cumsum3A_298 : i1 to vector<16xi1>
      %cumsum3A_300 = tpu.scan <sum>, %mul3A_297 masked %cumsum3A_299 : vector<16xf32>, vector<16xi1> -> vector<16xf32>
      %reshape3A_301 = vector.shape_cast %broadcast_in_dim3A_9 : vector<16xi32> to vector<16x1xi32>
      %gather3A_302 = vector.shape_cast %reshape3A_301 : vector<16x1xi32> to vector<16xi32>
      %gather3A_303 = tpu.dynamic_gather %cumsum3A_300[%gather3A_302] in [0] : vector<16xf32>, vector<16xi32> -> vector<16xf32>
      %mul3A_304 = vector.broadcast %scan3A_17 : f32 to vector<16xf32>
      %mul3A_305 = arith.mulf %gather3A_303, %mul3A_304 : vector<16xf32>
      %broadcast_in_dim3A_306 = vector.broadcast %add3A_203 : i32 to vector<16xi32>
      tpu.vector_store_idx %arg19[%broadcast_in_dim3A_306], %mul3A_305 masked %eq3A_4 : memref<128xf32, #tpu.memory_space<vmem>>[vector<16xi32>], vector<16xf32>, vector<16xi1>
      %mul3A_307 = arith.mulf %sub3A_274, %sub3A_275 : vector<16xf32>
      %cumsum3A_308 = arith.constant true
      %cumsum3A_309 = vector.broadcast %cumsum3A_308 : i1 to vector<16xi1>
      %cumsum3A_310 = tpu.scan <sum>, %mul3A_307 masked %cumsum3A_309 : vector<16xf32>, vector<16xi1> -> vector<16xf32>
      %reshape3A_311 = vector.shape_cast %broadcast_in_dim3A_9 : vector<16xi32> to vector<16x1xi32>
      %gather3A_312 = vector.shape_cast %reshape3A_311 : vector<16x1xi32> to vector<16xi32>
      %gather3A_313 = tpu.dynamic_gather %cumsum3A_310[%gather3A_312] in [0] : vector<16xf32>, vector<16xi32> -> vector<16xf32>
      %mul3A_314 = vector.broadcast %scan3A_17 : f32 to vector<16xf32>
      %mul3A_315 = arith.mulf %gather3A_313, %mul3A_314 : vector<16xf32>
      %broadcast_in_dim3A_316 = vector.broadcast %add3A_203 : i32 to vector<16xi32>
      tpu.vector_store_idx %arg20[%broadcast_in_dim3A_316], %mul3A_315 masked %eq3A_4 : memref<128xf32, #tpu.memory_space<vmem>>[vector<16xi32>], vector<16xf32>, vector<16xi1>
      %mul3A_317 = arith.mulf %sub3A_274, %sub3A_276 : vector<16xf32>
      %cumsum3A_318 = arith.constant true
      %cumsum3A_319 = vector.broadcast %cumsum3A_318 : i1 to vector<16xi1>
      %cumsum3A_320 = tpu.scan <sum>, %mul3A_317 masked %cumsum3A_319 : vector<16xf32>, vector<16xi1> -> vector<16xf32>
      %reshape3A_321 = vector.shape_cast %broadcast_in_dim3A_9 : vector<16xi32> to vector<16x1xi32>
      %gather3A_322 = vector.shape_cast %reshape3A_321 : vector<16x1xi32> to vector<16xi32>
      %gather3A_323 = tpu.dynamic_gather %cumsum3A_320[%gather3A_322] in [0] : vector<16xf32>, vector<16xi32> -> vector<16xf32>
      %mul3A_324 = vector.broadcast %scan3A_17 : f32 to vector<16xf32>
      %mul3A_325 = arith.mulf %gather3A_323, %mul3A_324 : vector<16xf32>
      %broadcast_in_dim3A_326 = vector.broadcast %add3A_203 : i32 to vector<16xi32>
      tpu.vector_store_idx %arg21[%broadcast_in_dim3A_326], %mul3A_325 masked %eq3A_4 : memref<128xf32, #tpu.memory_space<vmem>>[vector<16xi32>], vector<16xf32>, vector<16xi1>
      %mul3A_327 = arith.mulf %sub3A_275, %sub3A_276 : vector<16xf32>
      %cumsum3A_328 = arith.constant true
      %cumsum3A_329 = vector.broadcast %cumsum3A_328 : i1 to vector<16xi1>
      %cumsum3A_330 = tpu.scan <sum>, %mul3A_327 masked %cumsum3A_329 : vector<16xf32>, vector<16xi1> -> vector<16xf32>
      %reshape3A_331 = vector.shape_cast %broadcast_in_dim3A_9 : vector<16xi32> to vector<16x1xi32>
      %gather3A_332 = vector.shape_cast %reshape3A_331 : vector<16x1xi32> to vector<16xi32>
      %gather3A_333 = tpu.dynamic_gather %cumsum3A_330[%gather3A_332] in [0] : vector<16xf32>, vector<16xi32> -> vector<16xf32>
      %mul3A_334 = vector.broadcast %scan3A_17 : f32 to vector<16xf32>
      %mul3A_335 = arith.mulf %gather3A_333, %mul3A_334 : vector<16xf32>
      %broadcast_in_dim3A_336 = vector.broadcast %add3A_203 : i32 to vector<16xi32>
      tpu.vector_store_idx %arg22[%broadcast_in_dim3A_336], %mul3A_335 masked %eq3A_4 : memref<128xf32, #tpu.memory_space<vmem>>[vector<16xi32>], vector<16xf32>, vector<16xi1>
      %add3A_337 = arith.constant 1 : i32
      %add3A_338 = arith.addi %mul3A_35, %add3A_337 : i32
      %max3A_339 = arith.constant 9.99999996E-13 : f32
      %max3A_340 = vector.broadcast %max3A_339 : f32 to vector<16xf32>
      %max3A_341 = arith.maximumf %while3A_201#2, %max3A_340 : vector<16xf32>
      %bitcast3A_342 = vector.bitcast %max3A_341 : vector<16xf32> to vector<16xi32>
      %shift_right_logical3A_343 = arith.constant 1 : i32
      %shift_right_logical3A_344 = vector.broadcast %shift_right_logical3A_343 : i32 to vector<16xi32>
      %shift_right_logical3A_345 = arith.shrui %bitcast3A_342, %shift_right_logical3A_344 : vector<16xi32>
      %sub3A_346 = arith.constant 1597463007 : i32
      %sub3A_347 = vector.broadcast %sub3A_346 : i32 to vector<16xi32>
      %sub3A_348 = arith.subi %sub3A_347, %shift_right_logical3A_345 : vector<16xi32>
      %bitcast3A_349 = vector.bitcast %sub3A_348 : vector<16xi32> to vector<16xf32>
      %mul3A_350 = arith.constant 5.000000e-01 : f32
      %mul3A_351 = vector.broadcast %mul3A_350 : f32 to vector<16xf32>
      %mul3A_352 = arith.mulf %mul3A_351, %max3A_341 : vector<16xf32>
      %mul3A_353 = arith.mulf %mul3A_352, %bitcast3A_349 : vector<16xf32>
      %mul3A_354 = arith.mulf %mul3A_353, %bitcast3A_349 : vector<16xf32>
      %sub3A_355 = arith.constant 1.500000e+00 : f32
      %sub3A_356 = vector.broadcast %sub3A_355 : f32 to vector<16xf32>
      %sub3A_357 = arith.subf %sub3A_356, %mul3A_354 : vector<16xf32>
      %mul3A_358 = arith.mulf %bitcast3A_349, %sub3A_357 : vector<16xf32>
      %mul3A_359 = arith.constant 5.000000e-01 : f32
      %mul3A_360 = vector.broadcast %mul3A_359 : f32 to vector<16xf32>
      %mul3A_361 = arith.mulf %mul3A_360, %max3A_341 : vector<16xf32>
      %mul3A_362 = arith.mulf %mul3A_361, %mul3A_358 : vector<16xf32>
      %mul3A_363 = arith.mulf %mul3A_362, %mul3A_358 : vector<16xf32>
      %sub3A_364 = arith.constant 1.500000e+00 : f32
      %sub3A_365 = vector.broadcast %sub3A_364 : f32 to vector<16xf32>
      %sub3A_366 = arith.subf %sub3A_365, %mul3A_363 : vector<16xf32>
      %mul3A_367 = arith.mulf %mul3A_358, %sub3A_366 : vector<16xf32>
      %mul3A_368 = arith.constant 5.000000e-01 : f32
      %mul3A_369 = vector.broadcast %mul3A_368 : f32 to vector<16xf32>
      %mul3A_370 = arith.mulf %mul3A_369, %max3A_341 : vector<16xf32>
      %mul3A_371 = arith.mulf %mul3A_370, %mul3A_367 : vector<16xf32>
      %mul3A_372 = arith.mulf %mul3A_371, %mul3A_367 : vector<16xf32>
      %sub3A_373 = arith.constant 1.500000e+00 : f32
      %sub3A_374 = vector.broadcast %sub3A_373 : f32 to vector<16xf32>
      %sub3A_375 = arith.subf %sub3A_374, %mul3A_372 : vector<16xf32>
      %mul3A_376 = arith.mulf %mul3A_367, %sub3A_375 : vector<16xf32>
      %mul3A_377 = arith.mulf %max3A_341, %mul3A_376 : vector<16xf32>
      %cumsum3A_378 = arith.constant true
      %cumsum3A_379 = vector.broadcast %cumsum3A_378 : i1 to vector<16xi1>
      %cumsum3A_380 = tpu.scan <sum>, %mul3A_377 masked %cumsum3A_379 : vector<16xf32>, vector<16xi1> -> vector<16xf32>
      %reshape3A_381 = vector.shape_cast %broadcast_in_dim3A_9 : vector<16xi32> to vector<16x1xi32>
      %gather3A_382 = vector.shape_cast %reshape3A_381 : vector<16x1xi32> to vector<16xi32>
      %gather3A_383 = tpu.dynamic_gather %cumsum3A_380[%gather3A_382] in [0] : vector<16xf32>, vector<16xi32> -> vector<16xf32>
      %mul3A_384 = vector.broadcast %scan3A_16 : f32 to vector<16xf32>
      %mul3A_385 = arith.mulf %gather3A_383, %mul3A_384 : vector<16xf32>
      %broadcast_in_dim3A_386 = vector.broadcast %add3A_338 : i32 to vector<16xi32>
      tpu.vector_store_idx %arg23[%broadcast_in_dim3A_386], %mul3A_385 masked %eq3A_4 : memref<128xf32, #tpu.memory_space<vmem>>[vector<16xi32>], vector<16xf32>, vector<16xi1>
      %gather3A_387 = tpu.vector_load_idx %arg8[%while3A_201#3] : memref<4112xf32, #tpu.memory_space<vmem>>[vector<16xi32>], vector<16xf32>,
      %gather3A_388 = tpu.vector_load_idx %arg9[%while3A_201#3] : memref<4112xf32, #tpu.memory_space<vmem>>[vector<16xi32>], vector<16xf32>,
      %gather3A_389 = tpu.vector_load_idx %arg10[%while3A_201#3] : memref<4112xf32, #tpu.memory_space<vmem>>[vector<16xi32>], vector<16xf32>,
      %cumsum3A_390 = arith.constant true
      %cumsum3A_391 = vector.broadcast %cumsum3A_390 : i1 to vector<16xi1>
      %cumsum3A_392 = tpu.scan <sum>, %gather3A_387 masked %cumsum3A_391 : vector<16xf32>, vector<16xi1> -> vector<16xf32>
      %reshape3A_393 = vector.shape_cast %broadcast_in_dim3A_9 : vector<16xi32> to vector<16x1xi32>
      %gather3A_394 = vector.shape_cast %reshape3A_393 : vector<16x1xi32> to vector<16xi32>
      %gather3A_395 = tpu.dynamic_gather %cumsum3A_392[%gather3A_394] in [0] : vector<16xf32>, vector<16xi32> -> vector<16xf32>
      %mul3A_396 = vector.broadcast %scan3A_16 : f32 to vector<16xf32>
      %mul3A_397 = arith.mulf %gather3A_395, %mul3A_396 : vector<16xf32>
      %cumsum3A_398 = arith.constant true
      %cumsum3A_399 = vector.broadcast %cumsum3A_398 : i1 to vector<16xi1>
      %cumsum3A_400 = tpu.scan <sum>, %gather3A_388 masked %cumsum3A_399 : vector<16xf32>, vector<16xi1> -> vector<16xf32>
      %reshape3A_401 = vector.shape_cast %broadcast_in_dim3A_9 : vector<16xi32> to vector<16x1xi32>
      %gather3A_402 = vector.shape_cast %reshape3A_401 : vector<16x1xi32> to vector<16xi32>
      %gather3A_403 = tpu.dynamic_gather %cumsum3A_400[%gather3A_402] in [0] : vector<16xf32>, vector<16xi32> -> vector<16xf32>
      %mul3A_404 = vector.broadcast %scan3A_16 : f32 to vector<16xf32>
      %mul3A_405 = arith.mulf %gather3A_403, %mul3A_404 : vector<16xf32>
      %cumsum3A_406 = arith.constant true
      %cumsum3A_407 = vector.broadcast %cumsum3A_406 : i1 to vector<16xi1>
      %cumsum3A_408 = tpu.scan <sum>, %gather3A_389 masked %cumsum3A_407 : vector<16xf32>, vector<16xi1> -> vector<16xf32>
      %reshape3A_409 = vector.shape_cast %broadcast_in_dim3A_9 : vector<16xi32> to vector<16x1xi32>
      %gather3A_410 = vector.shape_cast %reshape3A_409 : vector<16x1xi32> to vector<16xi32>
      %gather3A_411 = tpu.dynamic_gather %cumsum3A_408[%gather3A_410] in [0] : vector<16xf32>, vector<16xi32> -> vector<16xf32>
      %mul3A_412 = vector.broadcast %scan3A_16 : f32 to vector<16xf32>
      %mul3A_413 = arith.mulf %gather3A_411, %mul3A_412 : vector<16xf32>
      %sub3A_414 = arith.subf %gather3A_387, %mul3A_397 : vector<16xf32>
      %sub3A_415 = arith.subf %gather3A_388, %mul3A_405 : vector<16xf32>
      %sub3A_416 = arith.subf %gather3A_389, %mul3A_413 : vector<16xf32>
      %mul3A_417 = arith.mulf %sub3A_414, %sub3A_414 : vector<16xf32>
      %cumsum3A_418 = arith.constant true
      %cumsum3A_419 = vector.broadcast %cumsum3A_418 : i1 to vector<16xi1>
      %cumsum3A_420 = tpu.scan <sum>, %mul3A_417 masked %cumsum3A_419 : vector<16xf32>, vector<16xi1> -> vector<16xf32>
      %reshape3A_421 = vector.shape_cast %broadcast_in_dim3A_9 : vector<16xi32> to vector<16x1xi32>
      %gather3A_422 = vector.shape_cast %reshape3A_421 : vector<16x1xi32> to vector<16xi32>
      %gather3A_423 = tpu.dynamic_gather %cumsum3A_420[%gather3A_422] in [0] : vector<16xf32>, vector<16xi32> -> vector<16xf32>
      %mul3A_424 = vector.broadcast %scan3A_17 : f32 to vector<16xf32>
      %mul3A_425 = arith.mulf %gather3A_423, %mul3A_424 : vector<16xf32>
      %broadcast_in_dim3A_426 = vector.broadcast %add3A_338 : i32 to vector<16xi32>
      tpu.vector_store_idx %arg17[%broadcast_in_dim3A_426], %mul3A_425 masked %eq3A_4 : memref<128xf32, #tpu.memory_space<vmem>>[vector<16xi32>], vector<16xf32>, vector<16xi1>
      %mul3A_427 = arith.mulf %sub3A_415, %sub3A_415 : vector<16xf32>
      %cumsum3A_428 = arith.constant true
      %cumsum3A_429 = vector.broadcast %cumsum3A_428 : i1 to vector<16xi1>
      %cumsum3A_430 = tpu.scan <sum>, %mul3A_427 masked %cumsum3A_429 : vector<16xf32>, vector<16xi1> -> vector<16xf32>
      %reshape3A_431 = vector.shape_cast %broadcast_in_dim3A_9 : vector<16xi32> to vector<16x1xi32>
      %gather3A_432 = vector.shape_cast %reshape3A_431 : vector<16x1xi32> to vector<16xi32>
      %gather3A_433 = tpu.dynamic_gather %cumsum3A_430[%gather3A_432] in [0] : vector<16xf32>, vector<16xi32> -> vector<16xf32>
      %mul3A_434 = vector.broadcast %scan3A_17 : f32 to vector<16xf32>
      %mul3A_435 = arith.mulf %gather3A_433, %mul3A_434 : vector<16xf32>
      %broadcast_in_dim3A_436 = vector.broadcast %add3A_338 : i32 to vector<16xi32>
      tpu.vector_store_idx %arg18[%broadcast_in_dim3A_436], %mul3A_435 masked %eq3A_4 : memref<128xf32, #tpu.memory_space<vmem>>[vector<16xi32>], vector<16xf32>, vector<16xi1>
      %mul3A_437 = arith.mulf %sub3A_416, %sub3A_416 : vector<16xf32>
      %cumsum3A_438 = arith.constant true
      %cumsum3A_439 = vector.broadcast %cumsum3A_438 : i1 to vector<16xi1>
      %cumsum3A_440 = tpu.scan <sum>, %mul3A_437 masked %cumsum3A_439 : vector<16xf32>, vector<16xi1> -> vector<16xf32>
      %reshape3A_441 = vector.shape_cast %broadcast_in_dim3A_9 : vector<16xi32> to vector<16x1xi32>
      %gather3A_442 = vector.shape_cast %reshape3A_441 : vector<16x1xi32> to vector<16xi32>
      %gather3A_443 = tpu.dynamic_gather %cumsum3A_440[%gather3A_442] in [0] : vector<16xf32>, vector<16xi32> -> vector<16xf32>
      %mul3A_444 = vector.broadcast %scan3A_17 : f32 to vector<16xf32>
      %mul3A_445 = arith.mulf %gather3A_443, %mul3A_444 : vector<16xf32>
      %broadcast_in_dim3A_446 = vector.broadcast %add3A_338 : i32 to vector<16xi32>
      tpu.vector_store_idx %arg19[%broadcast_in_dim3A_446], %mul3A_445 masked %eq3A_4 : memref<128xf32, #tpu.memory_space<vmem>>[vector<16xi32>], vector<16xf32>, vector<16xi1>
      %mul3A_447 = arith.mulf %sub3A_414, %sub3A_415 : vector<16xf32>
      %cumsum3A_448 = arith.constant true
      %cumsum3A_449 = vector.broadcast %cumsum3A_448 : i1 to vector<16xi1>
      %cumsum3A_450 = tpu.scan <sum>, %mul3A_447 masked %cumsum3A_449 : vector<16xf32>, vector<16xi1> -> vector<16xf32>
      %reshape3A_451 = vector.shape_cast %broadcast_in_dim3A_9 : vector<16xi32> to vector<16x1xi32>
      %gather3A_452 = vector.shape_cast %reshape3A_451 : vector<16x1xi32> to vector<16xi32>
      %gather3A_453 = tpu.dynamic_gather %cumsum3A_450[%gather3A_452] in [0] : vector<16xf32>, vector<16xi32> -> vector<16xf32>
      %mul3A_454 = vector.broadcast %scan3A_17 : f32 to vector<16xf32>
      %mul3A_455 = arith.mulf %gather3A_453, %mul3A_454 : vector<16xf32>
      %broadcast_in_dim3A_456 = vector.broadcast %add3A_338 : i32 to vector<16xi32>
      tpu.vector_store_idx %arg20[%broadcast_in_dim3A_456], %mul3A_455 masked %eq3A_4 : memref<128xf32, #tpu.memory_space<vmem>>[vector<16xi32>], vector<16xf32>, vector<16xi1>
      %mul3A_457 = arith.mulf %sub3A_414, %sub3A_416 : vector<16xf32>
      %cumsum3A_458 = arith.constant true
      %cumsum3A_459 = vector.broadcast %cumsum3A_458 : i1 to vector<16xi1>
      %cumsum3A_460 = tpu.scan <sum>, %mul3A_457 masked %cumsum3A_459 : vector<16xf32>, vector<16xi1> -> vector<16xf32>
      %reshape3A_461 = vector.shape_cast %broadcast_in_dim3A_9 : vector<16xi32> to vector<16x1xi32>
      %gather3A_462 = vector.shape_cast %reshape3A_461 : vector<16x1xi32> to vector<16xi32>
      %gather3A_463 = tpu.dynamic_gather %cumsum3A_460[%gather3A_462] in [0] : vector<16xf32>, vector<16xi32> -> vector<16xf32>
      %mul3A_464 = vector.broadcast %scan3A_17 : f32 to vector<16xf32>
      %mul3A_465 = arith.mulf %gather3A_463, %mul3A_464 : vector<16xf32>
      %broadcast_in_dim3A_466 = vector.broadcast %add3A_338 : i32 to vector<16xi32>
      tpu.vector_store_idx %arg21[%broadcast_in_dim3A_466], %mul3A_465 masked %eq3A_4 : memref<128xf32, #tpu.memory_space<vmem>>[vector<16xi32>], vector<16xf32>, vector<16xi1>
      %mul3A_467 = arith.mulf %sub3A_415, %sub3A_416 : vector<16xf32>
      %cumsum3A_468 = arith.constant true
      %cumsum3A_469 = vector.broadcast %cumsum3A_468 : i1 to vector<16xi1>
      %cumsum3A_470 = tpu.scan <sum>, %mul3A_467 masked %cumsum3A_469 : vector<16xf32>, vector<16xi1> -> vector<16xf32>
      %reshape3A_471 = vector.shape_cast %broadcast_in_dim3A_9 : vector<16xi32> to vector<16x1xi32>
      %gather3A_472 = vector.shape_cast %reshape3A_471 : vector<16x1xi32> to vector<16xi32>
      %gather3A_473 = tpu.dynamic_gather %cumsum3A_470[%gather3A_472] in [0] : vector<16xf32>, vector<16xi32> -> vector<16xf32>
      %mul3A_474 = vector.broadcast %scan3A_17 : f32 to vector<16xf32>
      %mul3A_475 = arith.mulf %gather3A_473, %mul3A_474 : vector<16xf32>
      %broadcast_in_dim3A_476 = vector.broadcast %add3A_338 : i32 to vector<16xi32>
      tpu.vector_store_idx %arg22[%broadcast_in_dim3A_476], %mul3A_475 masked %eq3A_4 : memref<128xf32, #tpu.memory_space<vmem>>[vector<16xi32>], vector<16xf32>, vector<16xi1>
      %add3A_477 = arith.constant 2 : i32
      %add3A_478 = arith.addi %mul3A_35, %add3A_477 : i32
      %max3A_479 = arith.constant 9.99999996E-13 : f32
      %max3A_480 = vector.broadcast %max3A_479 : f32 to vector<16xf32>
      %max3A_481 = arith.maximumf %while3A_201#4, %max3A_480 : vector<16xf32>
      %bitcast3A_482 = vector.bitcast %max3A_481 : vector<16xf32> to vector<16xi32>
      %shift_right_logical3A_483 = arith.constant 1 : i32
      %shift_right_logical3A_484 = vector.broadcast %shift_right_logical3A_483 : i32 to vector<16xi32>
      %shift_right_logical3A_485 = arith.shrui %bitcast3A_482, %shift_right_logical3A_484 : vector<16xi32>
      %sub3A_486 = arith.constant 1597463007 : i32
      %sub3A_487 = vector.broadcast %sub3A_486 : i32 to vector<16xi32>
      %sub3A_488 = arith.subi %sub3A_487, %shift_right_logical3A_485 : vector<16xi32>
      %bitcast3A_489 = vector.bitcast %sub3A_488 : vector<16xi32> to vector<16xf32>
      %mul3A_490 = arith.constant 5.000000e-01 : f32
      %mul3A_491 = vector.broadcast %mul3A_490 : f32 to vector<16xf32>
      %mul3A_492 = arith.mulf %mul3A_491, %max3A_481 : vector<16xf32>
      %mul3A_493 = arith.mulf %mul3A_492, %bitcast3A_489 : vector<16xf32>
      %mul3A_494 = arith.mulf %mul3A_493, %bitcast3A_489 : vector<16xf32>
      %sub3A_495 = arith.constant 1.500000e+00 : f32
      %sub3A_496 = vector.broadcast %sub3A_495 : f32 to vector<16xf32>
      %sub3A_497 = arith.subf %sub3A_496, %mul3A_494 : vector<16xf32>
      %mul3A_498 = arith.mulf %bitcast3A_489, %sub3A_497 : vector<16xf32>
      %mul3A_499 = arith.constant 5.000000e-01 : f32
      %mul3A_500 = vector.broadcast %mul3A_499 : f32 to vector<16xf32>
      %mul3A_501 = arith.mulf %mul3A_500, %max3A_481 : vector<16xf32>
      %mul3A_502 = arith.mulf %mul3A_501, %mul3A_498 : vector<16xf32>
      %mul3A_503 = arith.mulf %mul3A_502, %mul3A_498 : vector<16xf32>
      %sub3A_504 = arith.constant 1.500000e+00 : f32
      %sub3A_505 = vector.broadcast %sub3A_504 : f32 to vector<16xf32>
      %sub3A_506 = arith.subf %sub3A_505, %mul3A_503 : vector<16xf32>
      %mul3A_507 = arith.mulf %mul3A_498, %sub3A_506 : vector<16xf32>
      %mul3A_508 = arith.constant 5.000000e-01 : f32
      %mul3A_509 = vector.broadcast %mul3A_508 : f32 to vector<16xf32>
      %mul3A_510 = arith.mulf %mul3A_509, %max3A_481 : vector<16xf32>
      %mul3A_511 = arith.mulf %mul3A_510, %mul3A_507 : vector<16xf32>
      %mul3A_512 = arith.mulf %mul3A_511, %mul3A_507 : vector<16xf32>
      %sub3A_513 = arith.constant 1.500000e+00 : f32
      %sub3A_514 = vector.broadcast %sub3A_513 : f32 to vector<16xf32>
      %sub3A_515 = arith.subf %sub3A_514, %mul3A_512 : vector<16xf32>
      %mul3A_516 = arith.mulf %mul3A_507, %sub3A_515 : vector<16xf32>
      %mul3A_517 = arith.mulf %max3A_481, %mul3A_516 : vector<16xf32>
      %cumsum3A_518 = arith.constant true
      %cumsum3A_519 = vector.broadcast %cumsum3A_518 : i1 to vector<16xi1>
      %cumsum3A_520 = tpu.scan <sum>, %mul3A_517 masked %cumsum3A_519 : vector<16xf32>, vector<16xi1> -> vector<16xf32>
      %reshape3A_521 = vector.shape_cast %broadcast_in_dim3A_9 : vector<16xi32> to vector<16x1xi32>
      %gather3A_522 = vector.shape_cast %reshape3A_521 : vector<16x1xi32> to vector<16xi32>
      %gather3A_523 = tpu.dynamic_gather %cumsum3A_520[%gather3A_522] in [0] : vector<16xf32>, vector<16xi32> -> vector<16xf32>
      %mul3A_524 = vector.broadcast %scan3A_16 : f32 to vector<16xf32>
      %mul3A_525 = arith.mulf %gather3A_523, %mul3A_524 : vector<16xf32>
      %broadcast_in_dim3A_526 = vector.broadcast %add3A_478 : i32 to vector<16xi32>
      tpu.vector_store_idx %arg23[%broadcast_in_dim3A_526], %mul3A_525 masked %eq3A_4 : memref<128xf32, #tpu.memory_space<vmem>>[vector<16xi32>], vector<16xf32>, vector<16xi1>
      %gather3A_527 = tpu.vector_load_idx %arg8[%while3A_201#5] : memref<4112xf32, #tpu.memory_space<vmem>>[vector<16xi32>], vector<16xf32>,
      %gather3A_528 = tpu.vector_load_idx %arg9[%while3A_201#5] : memref<4112xf32, #tpu.memory_space<vmem>>[vector<16xi32>], vector<16xf32>,
      %gather3A_529 = tpu.vector_load_idx %arg10[%while3A_201#5] : memref<4112xf32, #tpu.memory_space<vmem>>[vector<16xi32>], vector<16xf32>,
      %cumsum3A_530 = arith.constant true
      %cumsum3A_531 = vector.broadcast %cumsum3A_530 : i1 to vector<16xi1>
      %cumsum3A_532 = tpu.scan <sum>, %gather3A_527 masked %cumsum3A_531 : vector<16xf32>, vector<16xi1> -> vector<16xf32>
      %reshape3A_533 = vector.shape_cast %broadcast_in_dim3A_9 : vector<16xi32> to vector<16x1xi32>
      %gather3A_534 = vector.shape_cast %reshape3A_533 : vector<16x1xi32> to vector<16xi32>
      %gather3A_535 = tpu.dynamic_gather %cumsum3A_532[%gather3A_534] in [0] : vector<16xf32>, vector<16xi32> -> vector<16xf32>
      %mul3A_536 = vector.broadcast %scan3A_16 : f32 to vector<16xf32>
      %mul3A_537 = arith.mulf %gather3A_535, %mul3A_536 : vector<16xf32>
      %cumsum3A_538 = arith.constant true
      %cumsum3A_539 = vector.broadcast %cumsum3A_538 : i1 to vector<16xi1>
      %cumsum3A_540 = tpu.scan <sum>, %gather3A_528 masked %cumsum3A_539 : vector<16xf32>, vector<16xi1> -> vector<16xf32>
      %reshape3A_541 = vector.shape_cast %broadcast_in_dim3A_9 : vector<16xi32> to vector<16x1xi32>
      %gather3A_542 = vector.shape_cast %reshape3A_541 : vector<16x1xi32> to vector<16xi32>
      %gather3A_543 = tpu.dynamic_gather %cumsum3A_540[%gather3A_542] in [0] : vector<16xf32>, vector<16xi32> -> vector<16xf32>
      %mul3A_544 = vector.broadcast %scan3A_16 : f32 to vector<16xf32>
      %mul3A_545 = arith.mulf %gather3A_543, %mul3A_544 : vector<16xf32>
      %cumsum3A_546 = arith.constant true
      %cumsum3A_547 = vector.broadcast %cumsum3A_546 : i1 to vector<16xi1>
      %cumsum3A_548 = tpu.scan <sum>, %gather3A_529 masked %cumsum3A_547 : vector<16xf32>, vector<16xi1> -> vector<16xf32>
      %reshape3A_549 = vector.shape_cast %broadcast_in_dim3A_9 : vector<16xi32> to vector<16x1xi32>
      %gather3A_550 = vector.shape_cast %reshape3A_549 : vector<16x1xi32> to vector<16xi32>
      %gather3A_551 = tpu.dynamic_gather %cumsum3A_548[%gather3A_550] in [0] : vector<16xf32>, vector<16xi32> -> vector<16xf32>
      %mul3A_552 = vector.broadcast %scan3A_16 : f32 to vector<16xf32>
      %mul3A_553 = arith.mulf %gather3A_551, %mul3A_552 : vector<16xf32>
      %sub3A_554 = arith.subf %gather3A_527, %mul3A_537 : vector<16xf32>
      %sub3A_555 = arith.subf %gather3A_528, %mul3A_545 : vector<16xf32>
      %sub3A_556 = arith.subf %gather3A_529, %mul3A_553 : vector<16xf32>
      %mul3A_557 = arith.mulf %sub3A_554, %sub3A_554 : vector<16xf32>
      %cumsum3A_558 = arith.constant true
      %cumsum3A_559 = vector.broadcast %cumsum3A_558 : i1 to vector<16xi1>
      %cumsum3A_560 = tpu.scan <sum>, %mul3A_557 masked %cumsum3A_559 : vector<16xf32>, vector<16xi1> -> vector<16xf32>
      %reshape3A_561 = vector.shape_cast %broadcast_in_dim3A_9 : vector<16xi32> to vector<16x1xi32>
      %gather3A_562 = vector.shape_cast %reshape3A_561 : vector<16x1xi32> to vector<16xi32>
      %gather3A_563 = tpu.dynamic_gather %cumsum3A_560[%gather3A_562] in [0] : vector<16xf32>, vector<16xi32> -> vector<16xf32>
      %mul3A_564 = vector.broadcast %scan3A_17 : f32 to vector<16xf32>
      %mul3A_565 = arith.mulf %gather3A_563, %mul3A_564 : vector<16xf32>
      %broadcast_in_dim3A_566 = vector.broadcast %add3A_478 : i32 to vector<16xi32>
      tpu.vector_store_idx %arg17[%broadcast_in_dim3A_566], %mul3A_565 masked %eq3A_4 : memref<128xf32, #tpu.memory_space<vmem>>[vector<16xi32>], vector<16xf32>, vector<16xi1>
      %mul3A_567 = arith.mulf %sub3A_555, %sub3A_555 : vector<16xf32>
      %cumsum3A_568 = arith.constant true
      %cumsum3A_569 = vector.broadcast %cumsum3A_568 : i1 to vector<16xi1>
      %cumsum3A_570 = tpu.scan <sum>, %mul3A_567 masked %cumsum3A_569 : vector<16xf32>, vector<16xi1> -> vector<16xf32>
      %reshape3A_571 = vector.shape_cast %broadcast_in_dim3A_9 : vector<16xi32> to vector<16x1xi32>
      %gather3A_572 = vector.shape_cast %reshape3A_571 : vector<16x1xi32> to vector<16xi32>
      %gather3A_573 = tpu.dynamic_gather %cumsum3A_570[%gather3A_572] in [0] : vector<16xf32>, vector<16xi32> -> vector<16xf32>
      %mul3A_574 = vector.broadcast %scan3A_17 : f32 to vector<16xf32>
      %mul3A_575 = arith.mulf %gather3A_573, %mul3A_574 : vector<16xf32>
      %broadcast_in_dim3A_576 = vector.broadcast %add3A_478 : i32 to vector<16xi32>
      tpu.vector_store_idx %arg18[%broadcast_in_dim3A_576], %mul3A_575 masked %eq3A_4 : memref<128xf32, #tpu.memory_space<vmem>>[vector<16xi32>], vector<16xf32>, vector<16xi1>
      %mul3A_577 = arith.mulf %sub3A_556, %sub3A_556 : vector<16xf32>
      %cumsum3A_578 = arith.constant true
      %cumsum3A_579 = vector.broadcast %cumsum3A_578 : i1 to vector<16xi1>
      %cumsum3A_580 = tpu.scan <sum>, %mul3A_577 masked %cumsum3A_579 : vector<16xf32>, vector<16xi1> -> vector<16xf32>
      %reshape3A_581 = vector.shape_cast %broadcast_in_dim3A_9 : vector<16xi32> to vector<16x1xi32>
      %gather3A_582 = vector.shape_cast %reshape3A_581 : vector<16x1xi32> to vector<16xi32>
      %gather3A_583 = tpu.dynamic_gather %cumsum3A_580[%gather3A_582] in [0] : vector<16xf32>, vector<16xi32> -> vector<16xf32>
      %mul3A_584 = vector.broadcast %scan3A_17 : f32 to vector<16xf32>
      %mul3A_585 = arith.mulf %gather3A_583, %mul3A_584 : vector<16xf32>
      %broadcast_in_dim3A_586 = vector.broadcast %add3A_478 : i32 to vector<16xi32>
      tpu.vector_store_idx %arg19[%broadcast_in_dim3A_586], %mul3A_585 masked %eq3A_4 : memref<128xf32, #tpu.memory_space<vmem>>[vector<16xi32>], vector<16xf32>, vector<16xi1>
      %mul3A_587 = arith.mulf %sub3A_554, %sub3A_555 : vector<16xf32>
      %cumsum3A_588 = arith.constant true
      %cumsum3A_589 = vector.broadcast %cumsum3A_588 : i1 to vector<16xi1>
      %cumsum3A_590 = tpu.scan <sum>, %mul3A_587 masked %cumsum3A_589 : vector<16xf32>, vector<16xi1> -> vector<16xf32>
      %reshape3A_591 = vector.shape_cast %broadcast_in_dim3A_9 : vector<16xi32> to vector<16x1xi32>
      %gather3A_592 = vector.shape_cast %reshape3A_591 : vector<16x1xi32> to vector<16xi32>
      %gather3A_593 = tpu.dynamic_gather %cumsum3A_590[%gather3A_592] in [0] : vector<16xf32>, vector<16xi32> -> vector<16xf32>
      %mul3A_594 = vector.broadcast %scan3A_17 : f32 to vector<16xf32>
      %mul3A_595 = arith.mulf %gather3A_593, %mul3A_594 : vector<16xf32>
      %broadcast_in_dim3A_596 = vector.broadcast %add3A_478 : i32 to vector<16xi32>
      tpu.vector_store_idx %arg20[%broadcast_in_dim3A_596], %mul3A_595 masked %eq3A_4 : memref<128xf32, #tpu.memory_space<vmem>>[vector<16xi32>], vector<16xf32>, vector<16xi1>
      %mul3A_597 = arith.mulf %sub3A_554, %sub3A_556 : vector<16xf32>
      %cumsum3A_598 = arith.constant true
      %cumsum3A_599 = vector.broadcast %cumsum3A_598 : i1 to vector<16xi1>
      %cumsum3A_600 = tpu.scan <sum>, %mul3A_597 masked %cumsum3A_599 : vector<16xf32>, vector<16xi1> -> vector<16xf32>
      %reshape3A_601 = vector.shape_cast %broadcast_in_dim3A_9 : vector<16xi32> to vector<16x1xi32>
      %gather3A_602 = vector.shape_cast %reshape3A_601 : vector<16x1xi32> to vector<16xi32>
      %gather3A_603 = tpu.dynamic_gather %cumsum3A_600[%gather3A_602] in [0] : vector<16xf32>, vector<16xi32> -> vector<16xf32>
      %mul3A_604 = vector.broadcast %scan3A_17 : f32 to vector<16xf32>
      %mul3A_605 = arith.mulf %gather3A_603, %mul3A_604 : vector<16xf32>
      %broadcast_in_dim3A_606 = vector.broadcast %add3A_478 : i32 to vector<16xi32>
      tpu.vector_store_idx %arg21[%broadcast_in_dim3A_606], %mul3A_605 masked %eq3A_4 : memref<128xf32, #tpu.memory_space<vmem>>[vector<16xi32>], vector<16xf32>, vector<16xi1>
      %mul3A_607 = arith.mulf %sub3A_555, %sub3A_556 : vector<16xf32>
      %cumsum3A_608 = arith.constant true
      %cumsum3A_609 = vector.broadcast %cumsum3A_608 : i1 to vector<16xi1>
      %cumsum3A_610 = tpu.scan <sum>, %mul3A_607 masked %cumsum3A_609 : vector<16xf32>, vector<16xi1> -> vector<16xf32>
      %reshape3A_611 = vector.shape_cast %broadcast_in_dim3A_9 : vector<16xi32> to vector<16x1xi32>
      %gather3A_612 = vector.shape_cast %reshape3A_611 : vector<16x1xi32> to vector<16xi32>
      %gather3A_613 = tpu.dynamic_gather %cumsum3A_610[%gather3A_612] in [0] : vector<16xf32>, vector<16xi32> -> vector<16xf32>
      %mul3A_614 = vector.broadcast %scan3A_17 : f32 to vector<16xf32>
      %mul3A_615 = arith.mulf %gather3A_613, %mul3A_614 : vector<16xf32>
      %broadcast_in_dim3A_616 = vector.broadcast %add3A_478 : i32 to vector<16xi32>
      tpu.vector_store_idx %arg22[%broadcast_in_dim3A_616], %mul3A_615 masked %eq3A_4 : memref<128xf32, #tpu.memory_space<vmem>>[vector<16xi32>], vector<16xf32>, vector<16xi1>
      %add3A_617 = arith.constant 3 : i32
      %add3A_618 = arith.addi %mul3A_35, %add3A_617 : i32
      %max3A_619 = arith.constant 9.99999996E-13 : f32
      %max3A_620 = vector.broadcast %max3A_619 : f32 to vector<16xf32>
      %max3A_621 = arith.maximumf %while3A_201#6, %max3A_620 : vector<16xf32>
      %bitcast3A_622 = vector.bitcast %max3A_621 : vector<16xf32> to vector<16xi32>
      %shift_right_logical3A_623 = arith.constant 1 : i32
      %shift_right_logical3A_624 = vector.broadcast %shift_right_logical3A_623 : i32 to vector<16xi32>
      %shift_right_logical3A_625 = arith.shrui %bitcast3A_622, %shift_right_logical3A_624 : vector<16xi32>
      %sub3A_626 = arith.constant 1597463007 : i32
      %sub3A_627 = vector.broadcast %sub3A_626 : i32 to vector<16xi32>
      %sub3A_628 = arith.subi %sub3A_627, %shift_right_logical3A_625 : vector<16xi32>
      %bitcast3A_629 = vector.bitcast %sub3A_628 : vector<16xi32> to vector<16xf32>
      %mul3A_630 = arith.constant 5.000000e-01 : f32
      %mul3A_631 = vector.broadcast %mul3A_630 : f32 to vector<16xf32>
      %mul3A_632 = arith.mulf %mul3A_631, %max3A_621 : vector<16xf32>
      %mul3A_633 = arith.mulf %mul3A_632, %bitcast3A_629 : vector<16xf32>
      %mul3A_634 = arith.mulf %mul3A_633, %bitcast3A_629 : vector<16xf32>
      %sub3A_635 = arith.constant 1.500000e+00 : f32
      %sub3A_636 = vector.broadcast %sub3A_635 : f32 to vector<16xf32>
      %sub3A_637 = arith.subf %sub3A_636, %mul3A_634 : vector<16xf32>
      %mul3A_638 = arith.mulf %bitcast3A_629, %sub3A_637 : vector<16xf32>
      %mul3A_639 = arith.constant 5.000000e-01 : f32
      %mul3A_640 = vector.broadcast %mul3A_639 : f32 to vector<16xf32>
      %mul3A_641 = arith.mulf %mul3A_640, %max3A_621 : vector<16xf32>
      %mul3A_642 = arith.mulf %mul3A_641, %mul3A_638 : vector<16xf32>
      %mul3A_643 = arith.mulf %mul3A_642, %mul3A_638 : vector<16xf32>
      %sub3A_644 = arith.constant 1.500000e+00 : f32
      %sub3A_645 = vector.broadcast %sub3A_644 : f32 to vector<16xf32>
      %sub3A_646 = arith.subf %sub3A_645, %mul3A_643 : vector<16xf32>
      %mul3A_647 = arith.mulf %mul3A_638, %sub3A_646 : vector<16xf32>
      %mul3A_648 = arith.constant 5.000000e-01 : f32
      %mul3A_649 = vector.broadcast %mul3A_648 : f32 to vector<16xf32>
      %mul3A_650 = arith.mulf %mul3A_649, %max3A_621 : vector<16xf32>
      %mul3A_651 = arith.mulf %mul3A_650, %mul3A_647 : vector<16xf32>
      %mul3A_652 = arith.mulf %mul3A_651, %mul3A_647 : vector<16xf32>
      %sub3A_653 = arith.constant 1.500000e+00 : f32
      %sub3A_654 = vector.broadcast %sub3A_653 : f32 to vector<16xf32>
      %sub3A_655 = arith.subf %sub3A_654, %mul3A_652 : vector<16xf32>
      %mul3A_656 = arith.mulf %mul3A_647, %sub3A_655 : vector<16xf32>
      %mul3A_657 = arith.mulf %max3A_621, %mul3A_656 : vector<16xf32>
      %cumsum3A_658 = arith.constant true
      %cumsum3A_659 = vector.broadcast %cumsum3A_658 : i1 to vector<16xi1>
      %cumsum3A_660 = tpu.scan <sum>, %mul3A_657 masked %cumsum3A_659 : vector<16xf32>, vector<16xi1> -> vector<16xf32>
      %reshape3A_661 = vector.shape_cast %broadcast_in_dim3A_9 : vector<16xi32> to vector<16x1xi32>
      %gather3A_662 = vector.shape_cast %reshape3A_661 : vector<16x1xi32> to vector<16xi32>
      %gather3A_663 = tpu.dynamic_gather %cumsum3A_660[%gather3A_662] in [0] : vector<16xf32>, vector<16xi32> -> vector<16xf32>
      %mul3A_664 = vector.broadcast %scan3A_16 : f32 to vector<16xf32>
      %mul3A_665 = arith.mulf %gather3A_663, %mul3A_664 : vector<16xf32>
      %broadcast_in_dim3A_666 = vector.broadcast %add3A_618 : i32 to vector<16xi32>
      tpu.vector_store_idx %arg23[%broadcast_in_dim3A_666], %mul3A_665 masked %eq3A_4 : memref<128xf32, #tpu.memory_space<vmem>>[vector<16xi32>], vector<16xf32>, vector<16xi1>
      %gather3A_667 = tpu.vector_load_idx %arg8[%while3A_201#7] : memref<4112xf32, #tpu.memory_space<vmem>>[vector<16xi32>], vector<16xf32>,
      %gather3A_668 = tpu.vector_load_idx %arg9[%while3A_201#7] : memref<4112xf32, #tpu.memory_space<vmem>>[vector<16xi32>], vector<16xf32>,
      %gather3A_669 = tpu.vector_load_idx %arg10[%while3A_201#7] : memref<4112xf32, #tpu.memory_space<vmem>>[vector<16xi32>], vector<16xf32>,
      %cumsum3A_670 = arith.constant true
      %cumsum3A_671 = vector.broadcast %cumsum3A_670 : i1 to vector<16xi1>
      %cumsum3A_672 = tpu.scan <sum>, %gather3A_667 masked %cumsum3A_671 : vector<16xf32>, vector<16xi1> -> vector<16xf32>
      %reshape3A_673 = vector.shape_cast %broadcast_in_dim3A_9 : vector<16xi32> to vector<16x1xi32>
      %gather3A_674 = vector.shape_cast %reshape3A_673 : vector<16x1xi32> to vector<16xi32>
      %gather3A_675 = tpu.dynamic_gather %cumsum3A_672[%gather3A_674] in [0] : vector<16xf32>, vector<16xi32> -> vector<16xf32>
      %mul3A_676 = vector.broadcast %scan3A_16 : f32 to vector<16xf32>
      %mul3A_677 = arith.mulf %gather3A_675, %mul3A_676 : vector<16xf32>
      %cumsum3A_678 = arith.constant true
      %cumsum3A_679 = vector.broadcast %cumsum3A_678 : i1 to vector<16xi1>
      %cumsum3A_680 = tpu.scan <sum>, %gather3A_668 masked %cumsum3A_679 : vector<16xf32>, vector<16xi1> -> vector<16xf32>
      %reshape3A_681 = vector.shape_cast %broadcast_in_dim3A_9 : vector<16xi32> to vector<16x1xi32>
      %gather3A_682 = vector.shape_cast %reshape3A_681 : vector<16x1xi32> to vector<16xi32>
      %gather3A_683 = tpu.dynamic_gather %cumsum3A_680[%gather3A_682] in [0] : vector<16xf32>, vector<16xi32> -> vector<16xf32>
      %mul3A_684 = vector.broadcast %scan3A_16 : f32 to vector<16xf32>
      %mul3A_685 = arith.mulf %gather3A_683, %mul3A_684 : vector<16xf32>
      %cumsum3A_686 = arith.constant true
      %cumsum3A_687 = vector.broadcast %cumsum3A_686 : i1 to vector<16xi1>
      %cumsum3A_688 = tpu.scan <sum>, %gather3A_669 masked %cumsum3A_687 : vector<16xf32>, vector<16xi1> -> vector<16xf32>
      %reshape3A_689 = vector.shape_cast %broadcast_in_dim3A_9 : vector<16xi32> to vector<16x1xi32>
      %gather3A_690 = vector.shape_cast %reshape3A_689 : vector<16x1xi32> to vector<16xi32>
      %gather3A_691 = tpu.dynamic_gather %cumsum3A_688[%gather3A_690] in [0] : vector<16xf32>, vector<16xi32> -> vector<16xf32>
      %mul3A_692 = vector.broadcast %scan3A_16 : f32 to vector<16xf32>
      %mul3A_693 = arith.mulf %gather3A_691, %mul3A_692 : vector<16xf32>
      %sub3A_694 = arith.subf %gather3A_667, %mul3A_677 : vector<16xf32>
      %sub3A_695 = arith.subf %gather3A_668, %mul3A_685 : vector<16xf32>
      %sub3A_696 = arith.subf %gather3A_669, %mul3A_693 : vector<16xf32>
      %mul3A_697 = arith.mulf %sub3A_694, %sub3A_694 : vector<16xf32>
      %cumsum3A_698 = arith.constant true
      %cumsum3A_699 = vector.broadcast %cumsum3A_698 : i1 to vector<16xi1>
      %cumsum3A_700 = tpu.scan <sum>, %mul3A_697 masked %cumsum3A_699 : vector<16xf32>, vector<16xi1> -> vector<16xf32>
      %reshape3A_701 = vector.shape_cast %broadcast_in_dim3A_9 : vector<16xi32> to vector<16x1xi32>
      %gather3A_702 = vector.shape_cast %reshape3A_701 : vector<16x1xi32> to vector<16xi32>
      %gather3A_703 = tpu.dynamic_gather %cumsum3A_700[%gather3A_702] in [0] : vector<16xf32>, vector<16xi32> -> vector<16xf32>
      %mul3A_704 = vector.broadcast %scan3A_17 : f32 to vector<16xf32>
      %mul3A_705 = arith.mulf %gather3A_703, %mul3A_704 : vector<16xf32>
      %broadcast_in_dim3A_706 = vector.broadcast %add3A_618 : i32 to vector<16xi32>
      tpu.vector_store_idx %arg17[%broadcast_in_dim3A_706], %mul3A_705 masked %eq3A_4 : memref<128xf32, #tpu.memory_space<vmem>>[vector<16xi32>], vector<16xf32>, vector<16xi1>
      %mul3A_707 = arith.mulf %sub3A_695, %sub3A_695 : vector<16xf32>
      %cumsum3A_708 = arith.constant true
      %cumsum3A_709 = vector.broadcast %cumsum3A_708 : i1 to vector<16xi1>
      %cumsum3A_710 = tpu.scan <sum>, %mul3A_707 masked %cumsum3A_709 : vector<16xf32>, vector<16xi1> -> vector<16xf32>
      %reshape3A_711 = vector.shape_cast %broadcast_in_dim3A_9 : vector<16xi32> to vector<16x1xi32>
      %gather3A_712 = vector.shape_cast %reshape3A_711 : vector<16x1xi32> to vector<16xi32>
      %gather3A_713 = tpu.dynamic_gather %cumsum3A_710[%gather3A_712] in [0] : vector<16xf32>, vector<16xi32> -> vector<16xf32>
      %mul3A_714 = vector.broadcast %scan3A_17 : f32 to vector<16xf32>
      %mul3A_715 = arith.mulf %gather3A_713, %mul3A_714 : vector<16xf32>
      %broadcast_in_dim3A_716 = vector.broadcast %add3A_618 : i32 to vector<16xi32>
      tpu.vector_store_idx %arg18[%broadcast_in_dim3A_716], %mul3A_715 masked %eq3A_4 : memref<128xf32, #tpu.memory_space<vmem>>[vector<16xi32>], vector<16xf32>, vector<16xi1>
      %mul3A_717 = arith.mulf %sub3A_696, %sub3A_696 : vector<16xf32>
      %cumsum3A_718 = arith.constant true
      %cumsum3A_719 = vector.broadcast %cumsum3A_718 : i1 to vector<16xi1>
      %cumsum3A_720 = tpu.scan <sum>, %mul3A_717 masked %cumsum3A_719 : vector<16xf32>, vector<16xi1> -> vector<16xf32>
      %reshape3A_721 = vector.shape_cast %broadcast_in_dim3A_9 : vector<16xi32> to vector<16x1xi32>
      %gather3A_722 = vector.shape_cast %reshape3A_721 : vector<16x1xi32> to vector<16xi32>
      %gather3A_723 = tpu.dynamic_gather %cumsum3A_720[%gather3A_722] in [0] : vector<16xf32>, vector<16xi32> -> vector<16xf32>
      %mul3A_724 = vector.broadcast %scan3A_17 : f32 to vector<16xf32>
      %mul3A_725 = arith.mulf %gather3A_723, %mul3A_724 : vector<16xf32>
      %broadcast_in_dim3A_726 = vector.broadcast %add3A_618 : i32 to vector<16xi32>
      tpu.vector_store_idx %arg19[%broadcast_in_dim3A_726], %mul3A_725 masked %eq3A_4 : memref<128xf32, #tpu.memory_space<vmem>>[vector<16xi32>], vector<16xf32>, vector<16xi1>
      %mul3A_727 = arith.mulf %sub3A_694, %sub3A_695 : vector<16xf32>
      %cumsum3A_728 = arith.constant true
      %cumsum3A_729 = vector.broadcast %cumsum3A_728 : i1 to vector<16xi1>
      %cumsum3A_730 = tpu.scan <sum>, %mul3A_727 masked %cumsum3A_729 : vector<16xf32>, vector<16xi1> -> vector<16xf32>
      %reshape3A_731 = vector.shape_cast %broadcast_in_dim3A_9 : vector<16xi32> to vector<16x1xi32>
      %gather3A_732 = vector.shape_cast %reshape3A_731 : vector<16x1xi32> to vector<16xi32>
      %gather3A_733 = tpu.dynamic_gather %cumsum3A_730[%gather3A_732] in [0] : vector<16xf32>, vector<16xi32> -> vector<16xf32>
      %mul3A_734 = vector.broadcast %scan3A_17 : f32 to vector<16xf32>
      %mul3A_735 = arith.mulf %gather3A_733, %mul3A_734 : vector<16xf32>
      %broadcast_in_dim3A_736 = vector.broadcast %add3A_618 : i32 to vector<16xi32>
      tpu.vector_store_idx %arg20[%broadcast_in_dim3A_736], %mul3A_735 masked %eq3A_4 : memref<128xf32, #tpu.memory_space<vmem>>[vector<16xi32>], vector<16xf32>, vector<16xi1>
      %mul3A_737 = arith.mulf %sub3A_694, %sub3A_696 : vector<16xf32>
      %cumsum3A_738 = arith.constant true
      %cumsum3A_739 = vector.broadcast %cumsum3A_738 : i1 to vector<16xi1>
      %cumsum3A_740 = tpu.scan <sum>, %mul3A_737 masked %cumsum3A_739 : vector<16xf32>, vector<16xi1> -> vector<16xf32>
      %reshape3A_741 = vector.shape_cast %broadcast_in_dim3A_9 : vector<16xi32> to vector<16x1xi32>
      %gather3A_742 = vector.shape_cast %reshape3A_741 : vector<16x1xi32> to vector<16xi32>
      %gather3A_743 = tpu.dynamic_gather %cumsum3A_740[%gather3A_742] in [0] : vector<16xf32>, vector<16xi32> -> vector<16xf32>
      %mul3A_744 = vector.broadcast %scan3A_17 : f32 to vector<16xf32>
      %mul3A_745 = arith.mulf %gather3A_743, %mul3A_744 : vector<16xf32>
      %broadcast_in_dim3A_746 = vector.broadcast %add3A_618 : i32 to vector<16xi32>
      tpu.vector_store_idx %arg21[%broadcast_in_dim3A_746], %mul3A_745 masked %eq3A_4 : memref<128xf32, #tpu.memory_space<vmem>>[vector<16xi32>], vector<16xf32>, vector<16xi1>
      %mul3A_747 = arith.mulf %sub3A_695, %sub3A_696 : vector<16xf32>
      %cumsum3A_748 = arith.constant true
      %cumsum3A_749 = vector.broadcast %cumsum3A_748 : i1 to vector<16xi1>
      %cumsum3A_750 = tpu.scan <sum>, %mul3A_747 masked %cumsum3A_749 : vector<16xf32>, vector<16xi1> -> vector<16xf32>
      %reshape3A_751 = vector.shape_cast %broadcast_in_dim3A_9 : vector<16xi32> to vector<16x1xi32>
      %gather3A_752 = vector.shape_cast %reshape3A_751 : vector<16x1xi32> to vector<16xi32>
      %gather3A_753 = tpu.dynamic_gather %cumsum3A_750[%gather3A_752] in [0] : vector<16xf32>, vector<16xi32> -> vector<16xf32>
      %mul3A_754 = vector.broadcast %scan3A_17 : f32 to vector<16xf32>
      %mul3A_755 = arith.mulf %gather3A_753, %mul3A_754 : vector<16xf32>
      %broadcast_in_dim3A_756 = vector.broadcast %add3A_618 : i32 to vector<16xi32>
      tpu.vector_store_idx %arg22[%broadcast_in_dim3A_756], %mul3A_755 masked %eq3A_4 : memref<128xf32, #tpu.memory_space<vmem>>[vector<16xi32>], vector<16xf32>, vector<16xi1>
      %scan3A_757 = arith.constant 0 : i32
      scf.yield %scan3A_757 : i32
    }
    %scan3A_24 = arith.constant 32 : i32
    %scan3A_25 = arith.constant 0 : i32
    %scan3A_26 = arith.constant 0 : i32
    %scan3A_27 = arith.constant 8 : i32
    %scan3A_28 = arith.addi %scan3A_26, %scan3A_27 : i32
    %scan3A_29 = arith.constant 1 : i32
    %scan3A_30 = scf.for %scan3A_32 = %scan3A_26 to %scan3A_28 step %scan3A_29 iter_args(%scan3A_33 = %scan3A_25) -> (i32)  : i32 {
      %mul3A_34 = arith.constant 16 : i32
      %mul3A_35 = arith.muli %scan3A_32, %mul3A_34 : i32
      %get3A = arith.index_cast %mul3A_35 : i32 to index
      %get3A_36 = tpu.vector_load %arg17[%get3A] {strides = array<i32>} : memref<128xf32, #tpu.memory_space<vmem>>, vector<16xf32>,
      %get3A_37 = arith.index_cast %mul3A_35 : i32 to index
      %get3A_38 = tpu.vector_load %arg18[%get3A_37] {strides = array<i32>} : memref<128xf32, #tpu.memory_space<vmem>>, vector<16xf32>,
      %get3A_39 = arith.index_cast %mul3A_35 : i32 to index
      %get3A_40 = tpu.vector_load %arg19[%get3A_39] {strides = array<i32>} : memref<128xf32, #tpu.memory_space<vmem>>, vector<16xf32>,
      %get3A_41 = arith.index_cast %mul3A_35 : i32 to index
      %get3A_42 = tpu.vector_load %arg20[%get3A_41] {strides = array<i32>} : memref<128xf32, #tpu.memory_space<vmem>>, vector<16xf32>,
      %get3A_43 = arith.index_cast %mul3A_35 : i32 to index
      %get3A_44 = tpu.vector_load %arg21[%get3A_43] {strides = array<i32>} : memref<128xf32, #tpu.memory_space<vmem>>, vector<16xf32>,
      %get3A_45 = arith.index_cast %mul3A_35 : i32 to index
      %get3A_46 = tpu.vector_load %arg22[%get3A_45] {strides = array<i32>} : memref<128xf32, #tpu.memory_space<vmem>>, vector<16xf32>,
      %get3A_47 = arith.index_cast %mul3A_35 : i32 to index
      %get3A_48 = tpu.vector_load %arg23[%get3A_47] {strides = array<i32>} : memref<128xf32, #tpu.memory_space<vmem>>, vector<16xf32>,
      %add3A_49 = arith.addf %get3A_36, %get3A_38 : vector<16xf32>
      %add3A_50 = arith.addf %add3A_49, %get3A_40 : vector<16xf32>
      %mul3A_51 = arith.mulf %get3A_36, %get3A_38 : vector<16xf32>
      %mul3A_52 = arith.mulf %get3A_38, %get3A_40 : vector<16xf32>
      %add3A_53 = arith.addf %mul3A_51, %mul3A_52 : vector<16xf32>
      %mul3A_54 = arith.mulf %get3A_40, %get3A_36 : vector<16xf32>
      %add3A_55 = arith.addf %add3A_53, %mul3A_54 : vector<16xf32>
      %mul3A_56 = arith.mulf %get3A_42, %get3A_42 : vector<16xf32>
      %sub3A = arith.subf %add3A_55, %mul3A_56 : vector<16xf32>
      %mul3A_57 = arith.mulf %get3A_44, %get3A_44 : vector<16xf32>
      %sub3A_58 = arith.subf %sub3A, %mul3A_57 : vector<16xf32>
      %mul3A_59 = arith.mulf %get3A_46, %get3A_46 : vector<16xf32>
      %sub3A_60 = arith.subf %sub3A_58, %mul3A_59 : vector<16xf32>
      %mul3A_61 = arith.mulf %get3A_38, %get3A_40 : vector<16xf32>
      %mul3A_62 = arith.mulf %get3A_46, %get3A_46 : vector<16xf32>
      %sub3A_63 = arith.subf %mul3A_61, %mul3A_62 : vector<16xf32>
      %mul3A_64 = arith.mulf %get3A_36, %sub3A_63 : vector<16xf32>
      %mul3A_65 = arith.mulf %get3A_42, %get3A_40 : vector<16xf32>
      %mul3A_66 = arith.mulf %get3A_46, %get3A_44 : vector<16xf32>
      %sub3A_67 = arith.subf %mul3A_65, %mul3A_66 : vector<16xf32>
      %mul3A_68 = arith.mulf %get3A_42, %sub3A_67 : vector<16xf32>
      %sub3A_69 = arith.subf %mul3A_64, %mul3A_68 : vector<16xf32>
      %mul3A_70 = arith.mulf %get3A_42, %get3A_46 : vector<16xf32>
      %mul3A_71 = arith.mulf %get3A_38, %get3A_44 : vector<16xf32>
      %sub3A_72 = arith.subf %mul3A_70, %mul3A_71 : vector<16xf32>
      %mul3A_73 = arith.mulf %get3A_44, %sub3A_72 : vector<16xf32>
      %add3A_74 = arith.addf %sub3A_69, %mul3A_73 : vector<16xf32>
      %mul3A_75 = arith.constant 0.333333343 : f32
      %mul3A_76 = vector.broadcast %mul3A_75 : f32 to vector<16xf32>
      %mul3A_77 = arith.mulf %add3A_50, %mul3A_76 : vector<16xf32>
      %sub3A_78 = arith.subf %add3A_50, %add3A_50 : vector<16xf32>
      %mul3A_79 = arith.mulf %sub3A_78, %add3A_50 : vector<16xf32>
      %add3A_80 = arith.addf %mul3A_79, %sub3A_60 : vector<16xf32>
      %mul3A_81 = arith.mulf %add3A_80, %add3A_50 : vector<16xf32>
      %sub3A_82 = arith.subf %mul3A_81, %add3A_74 : vector<16xf32>
      %mul3A_83 = arith.constant 3.000000e+00 : f32
      %mul3A_84 = vector.broadcast %mul3A_83 : f32 to vector<16xf32>
      %mul3A_85 = arith.mulf %mul3A_84, %add3A_50 : vector<16xf32>
      %mul3A_86 = arith.constant 2.000000e+00 : f32
      %mul3A_87 = vector.broadcast %mul3A_86 : f32 to vector<16xf32>
      %mul3A_88 = arith.mulf %mul3A_87, %add3A_50 : vector<16xf32>
      %sub3A_89 = arith.subf %mul3A_85, %mul3A_88 : vector<16xf32>
      %mul3A_90 = arith.mulf %sub3A_89, %add3A_50 : vector<16xf32>
      %add3A_91 = arith.addf %mul3A_90, %sub3A_60 : vector<16xf32>
      %eq3A_92 = arith.constant 0.000000e+00 : f32
      %eq3A_93 = vector.broadcast %eq3A_92 : f32 to vector<16xf32>
      %eq3A_94 = arith.cmpf oeq, %add3A_91, %eq3A_93 : vector<16xf32>
      %jit3A = arith.constant 1.000000e+00 : f32
      %broadcast_in_dim3A_95 = vector.broadcast %jit3A : f32 to vector<16xf32>
      %select_n3A = arith.select %eq3A_94, %broadcast_in_dim3A_95, %add3A_91 : vector<16xi1>, vector<16xf32>
      %div3A = arith.divf %sub3A_82, %select_n3A : vector<16xf32>
      %sub3A_96 = arith.subf %add3A_50, %div3A : vector<16xf32>
      %select_n3A_97 = arith.select %eq3A_94, %add3A_50, %sub3A_96 : vector<16xi1>, vector<16xf32>
      %max3A = arith.maximumf %select_n3A_97, %mul3A_77 : vector<16xf32>
      %min3A = arith.minimumf %add3A_50, %max3A : vector<16xf32>
      %sub3A_98 = arith.subf %min3A, %add3A_50 : vector<16xf32>
      %mul3A_99 = arith.mulf %sub3A_98, %min3A : vector<16xf32>
      %add3A_100 = arith.addf %mul3A_99, %sub3A_60 : vector<16xf32>
      %mul3A_101 = arith.mulf %add3A_100, %min3A : vector<16xf32>
      %sub3A_102 = arith.subf %mul3A_101, %add3A_74 : vector<16xf32>
      %mul3A_103 = arith.constant 3.000000e+00 : f32
      %mul3A_104 = vector.broadcast %mul3A_103 : f32 to vector<16xf32>
      %mul3A_105 = arith.mulf %mul3A_104, %min3A : vector<16xf32>
      %mul3A_106 = arith.constant 2.000000e+00 : f32
      %mul3A_107 = vector.broadcast %mul3A_106 : f32 to vector<16xf32>
      %mul3A_108 = arith.mulf %mul3A_107, %add3A_50 : vector<16xf32>
      %sub3A_109 = arith.subf %mul3A_105, %mul3A_108 : vector<16xf32>
      %mul3A_110 = arith.mulf %sub3A_109, %min3A : vector<16xf32>
      %add3A_111 = arith.addf %mul3A_110, %sub3A_60 : vector<16xf32>
      %eq3A_112 = arith.constant 0.000000e+00 : f32
      %eq3A_113 = vector.broadcast %eq3A_112 : f32 to vector<16xf32>
      %eq3A_114 = arith.cmpf oeq, %add3A_111, %eq3A_113 : vector<16xf32>
      %jit3A_115 = arith.constant 1.000000e+00 : f32
      %broadcast_in_dim3A_116 = vector.broadcast %jit3A_115 : f32 to vector<16xf32>
      %select_n3A_117 = arith.select %eq3A_114, %broadcast_in_dim3A_116, %add3A_111 : vector<16xi1>, vector<16xf32>
      %div3A_118 = arith.divf %sub3A_102, %select_n3A_117 : vector<16xf32>
      %sub3A_119 = arith.subf %min3A, %div3A_118 : vector<16xf32>
      %select_n3A_120 = arith.select %eq3A_114, %min3A, %sub3A_119 : vector<16xi1>, vector<16xf32>
      %max3A_121 = arith.maximumf %select_n3A_120, %mul3A_77 : vector<16xf32>
      %min3A_122 = arith.minimumf %min3A, %max3A_121 : vector<16xf32>
      %sub3A_123 = arith.subf %min3A_122, %add3A_50 : vector<16xf32>
      %mul3A_124 = arith.mulf %sub3A_123, %min3A_122 : vector<16xf32>
      %add3A_125 = arith.addf %mul3A_124, %sub3A_60 : vector<16xf32>
      %mul3A_126 = arith.mulf %add3A_125, %min3A_122 : vector<16xf32>
      %sub3A_127 = arith.subf %mul3A_126, %add3A_74 : vector<16xf32>
      %mul3A_128 = arith.constant 3.000000e+00 : f32
      %mul3A_129 = vector.broadcast %mul3A_128 : f32 to vector<16xf32>
      %mul3A_130 = arith.mulf %mul3A_129, %min3A_122 : vector<16xf32>
      %mul3A_131 = arith.constant 2.000000e+00 : f32
      %mul3A_132 = vector.broadcast %mul3A_131 : f32 to vector<16xf32>
      %mul3A_133 = arith.mulf %mul3A_132, %add3A_50 : vector<16xf32>
      %sub3A_134 = arith.subf %mul3A_130, %mul3A_133 : vector<16xf32>
      %mul3A_135 = arith.mulf %sub3A_134, %min3A_122 : vector<16xf32>
      %add3A_136 = arith.addf %mul3A_135, %sub3A_60 : vector<16xf32>
      %eq3A_137 = arith.constant 0.000000e+00 : f32
      %eq3A_138 = vector.broadcast %eq3A_137 : f32 to vector<16xf32>
      %eq3A_139 = arith.cmpf oeq, %add3A_136, %eq3A_138 : vector<16xf32>
      %jit3A_140 = arith.constant 1.000000e+00 : f32
      %broadcast_in_dim3A_141 = vector.broadcast %jit3A_140 : f32 to vector<16xf32>
      %select_n3A_142 = arith.select %eq3A_139, %broadcast_in_dim3A_141, %add3A_136 : vector<16xi1>, vector<16xf32>
      %div3A_143 = arith.divf %sub3A_127, %select_n3A_142 : vector<16xf32>
      %sub3A_144 = arith.subf %min3A_122, %div3A_143 : vector<16xf32>
      %select_n3A_145 = arith.select %eq3A_139, %min3A_122, %sub3A_144 : vector<16xi1>, vector<16xf32>
      %max3A_146 = arith.maximumf %select_n3A_145, %mul3A_77 : vector<16xf32>
      %min3A_147 = arith.minimumf %min3A_122, %max3A_146 : vector<16xf32>
      %sub3A_148 = arith.subf %min3A_147, %add3A_50 : vector<16xf32>
      %mul3A_149 = arith.mulf %sub3A_148, %min3A_147 : vector<16xf32>
      %add3A_150 = arith.addf %mul3A_149, %sub3A_60 : vector<16xf32>
      %mul3A_151 = arith.mulf %add3A_150, %min3A_147 : vector<16xf32>
      %sub3A_152 = arith.subf %mul3A_151, %add3A_74 : vector<16xf32>
      %mul3A_153 = arith.constant 3.000000e+00 : f32
      %mul3A_154 = vector.broadcast %mul3A_153 : f32 to vector<16xf32>
      %mul3A_155 = arith.mulf %mul3A_154, %min3A_147 : vector<16xf32>
      %mul3A_156 = arith.constant 2.000000e+00 : f32
      %mul3A_157 = vector.broadcast %mul3A_156 : f32 to vector<16xf32>
      %mul3A_158 = arith.mulf %mul3A_157, %add3A_50 : vector<16xf32>
      %sub3A_159 = arith.subf %mul3A_155, %mul3A_158 : vector<16xf32>
      %mul3A_160 = arith.mulf %sub3A_159, %min3A_147 : vector<16xf32>
      %add3A_161 = arith.addf %mul3A_160, %sub3A_60 : vector<16xf32>
      %eq3A_162 = arith.constant 0.000000e+00 : f32
      %eq3A_163 = vector.broadcast %eq3A_162 : f32 to vector<16xf32>
      %eq3A_164 = arith.cmpf oeq, %add3A_161, %eq3A_163 : vector<16xf32>
      %jit3A_165 = arith.constant 1.000000e+00 : f32
      %broadcast_in_dim3A_166 = vector.broadcast %jit3A_165 : f32 to vector<16xf32>
      %select_n3A_167 = arith.select %eq3A_164, %broadcast_in_dim3A_166, %add3A_161 : vector<16xi1>, vector<16xf32>
      %div3A_168 = arith.divf %sub3A_152, %select_n3A_167 : vector<16xf32>
      %sub3A_169 = arith.subf %min3A_147, %div3A_168 : vector<16xf32>
      %select_n3A_170 = arith.select %eq3A_164, %min3A_147, %sub3A_169 : vector<16xi1>, vector<16xf32>
      %max3A_171 = arith.maximumf %select_n3A_170, %mul3A_77 : vector<16xf32>
      %min3A_172 = arith.minimumf %min3A_147, %max3A_171 : vector<16xf32>
      %sub3A_173 = arith.subf %min3A_172, %add3A_50 : vector<16xf32>
      %mul3A_174 = arith.mulf %sub3A_173, %min3A_172 : vector<16xf32>
      %add3A_175 = arith.addf %mul3A_174, %sub3A_60 : vector<16xf32>
      %mul3A_176 = arith.mulf %add3A_175, %min3A_172 : vector<16xf32>
      %sub3A_177 = arith.subf %mul3A_176, %add3A_74 : vector<16xf32>
      %mul3A_178 = arith.constant 3.000000e+00 : f32
      %mul3A_179 = vector.broadcast %mul3A_178 : f32 to vector<16xf32>
      %mul3A_180 = arith.mulf %mul3A_179, %min3A_172 : vector<16xf32>
      %mul3A_181 = arith.constant 2.000000e+00 : f32
      %mul3A_182 = vector.broadcast %mul3A_181 : f32 to vector<16xf32>
      %mul3A_183 = arith.mulf %mul3A_182, %add3A_50 : vector<16xf32>
      %sub3A_184 = arith.subf %mul3A_180, %mul3A_183 : vector<16xf32>
      %mul3A_185 = arith.mulf %sub3A_184, %min3A_172 : vector<16xf32>
      %add3A_186 = arith.addf %mul3A_185, %sub3A_60 : vector<16xf32>
      %eq3A_187 = arith.constant 0.000000e+00 : f32
      %eq3A_188 = vector.broadcast %eq3A_187 : f32 to vector<16xf32>
      %eq3A_189 = arith.cmpf oeq, %add3A_186, %eq3A_188 : vector<16xf32>
      %jit3A_190 = arith.constant 1.000000e+00 : f32
      %broadcast_in_dim3A_191 = vector.broadcast %jit3A_190 : f32 to vector<16xf32>
      %select_n3A_192 = arith.select %eq3A_189, %broadcast_in_dim3A_191, %add3A_186 : vector<16xi1>, vector<16xf32>
      %div3A_193 = arith.divf %sub3A_177, %select_n3A_192 : vector<16xf32>
      %sub3A_194 = arith.subf %min3A_172, %div3A_193 : vector<16xf32>
      %select_n3A_195 = arith.select %eq3A_189, %min3A_172, %sub3A_194 : vector<16xi1>, vector<16xf32>
      %max3A_196 = arith.maximumf %select_n3A_195, %mul3A_77 : vector<16xf32>
      %min3A_197 = arith.minimumf %min3A_172, %max3A_196 : vector<16xf32>
      %sub3A_198 = arith.subf %min3A_197, %add3A_50 : vector<16xf32>
      %mul3A_199 = arith.mulf %sub3A_198, %min3A_197 : vector<16xf32>
      %add3A_200 = arith.addf %mul3A_199, %sub3A_60 : vector<16xf32>
      %mul3A_201 = arith.mulf %add3A_200, %min3A_197 : vector<16xf32>
      %sub3A_202 = arith.subf %mul3A_201, %add3A_74 : vector<16xf32>
      %mul3A_203 = arith.constant 3.000000e+00 : f32
      %mul3A_204 = vector.broadcast %mul3A_203 : f32 to vector<16xf32>
      %mul3A_205 = arith.mulf %mul3A_204, %min3A_197 : vector<16xf32>
      %mul3A_206 = arith.constant 2.000000e+00 : f32
      %mul3A_207 = vector.broadcast %mul3A_206 : f32 to vector<16xf32>
      %mul3A_208 = arith.mulf %mul3A_207, %add3A_50 : vector<16xf32>
      %sub3A_209 = arith.subf %mul3A_205, %mul3A_208 : vector<16xf32>
      %mul3A_210 = arith.mulf %sub3A_209, %min3A_197 : vector<16xf32>
      %add3A_211 = arith.addf %mul3A_210, %sub3A_60 : vector<16xf32>
      %eq3A_212 = arith.constant 0.000000e+00 : f32
      %eq3A_213 = vector.broadcast %eq3A_212 : f32 to vector<16xf32>
      %eq3A_214 = arith.cmpf oeq, %add3A_211, %eq3A_213 : vector<16xf32>
      %jit3A_215 = arith.constant 1.000000e+00 : f32
      %broadcast_in_dim3A_216 = vector.broadcast %jit3A_215 : f32 to vector<16xf32>
      %select_n3A_217 = arith.select %eq3A_214, %broadcast_in_dim3A_216, %add3A_211 : vector<16xi1>, vector<16xf32>
      %div3A_218 = arith.divf %sub3A_202, %select_n3A_217 : vector<16xf32>
      %sub3A_219 = arith.subf %min3A_197, %div3A_218 : vector<16xf32>
      %select_n3A_220 = arith.select %eq3A_214, %min3A_197, %sub3A_219 : vector<16xi1>, vector<16xf32>
      %max3A_221 = arith.maximumf %select_n3A_220, %mul3A_77 : vector<16xf32>
      %min3A_222 = arith.minimumf %min3A_197, %max3A_221 : vector<16xf32>
      %sub3A_223 = arith.subf %min3A_222, %add3A_50 : vector<16xf32>
      %mul3A_224 = arith.mulf %sub3A_223, %min3A_222 : vector<16xf32>
      %add3A_225 = arith.addf %mul3A_224, %sub3A_60 : vector<16xf32>
      %mul3A_226 = arith.mulf %add3A_225, %min3A_222 : vector<16xf32>
      %sub3A_227 = arith.subf %mul3A_226, %add3A_74 : vector<16xf32>
      %mul3A_228 = arith.constant 3.000000e+00 : f32
      %mul3A_229 = vector.broadcast %mul3A_228 : f32 to vector<16xf32>
      %mul3A_230 = arith.mulf %mul3A_229, %min3A_222 : vector<16xf32>
      %mul3A_231 = arith.constant 2.000000e+00 : f32
      %mul3A_232 = vector.broadcast %mul3A_231 : f32 to vector<16xf32>
      %mul3A_233 = arith.mulf %mul3A_232, %add3A_50 : vector<16xf32>
      %sub3A_234 = arith.subf %mul3A_230, %mul3A_233 : vector<16xf32>
      %mul3A_235 = arith.mulf %sub3A_234, %min3A_222 : vector<16xf32>
      %add3A_236 = arith.addf %mul3A_235, %sub3A_60 : vector<16xf32>
      %eq3A_237 = arith.constant 0.000000e+00 : f32
      %eq3A_238 = vector.broadcast %eq3A_237 : f32 to vector<16xf32>
      %eq3A_239 = arith.cmpf oeq, %add3A_236, %eq3A_238 : vector<16xf32>
      %jit3A_240 = arith.constant 1.000000e+00 : f32
      %broadcast_in_dim3A_241 = vector.broadcast %jit3A_240 : f32 to vector<16xf32>
      %select_n3A_242 = arith.select %eq3A_239, %broadcast_in_dim3A_241, %add3A_236 : vector<16xi1>, vector<16xf32>
      %div3A_243 = arith.divf %sub3A_227, %select_n3A_242 : vector<16xf32>
      %sub3A_244 = arith.subf %min3A_222, %div3A_243 : vector<16xf32>
      %select_n3A_245 = arith.select %eq3A_239, %min3A_222, %sub3A_244 : vector<16xi1>, vector<16xf32>
      %max3A_246 = arith.maximumf %select_n3A_245, %mul3A_77 : vector<16xf32>
      %min3A_247 = arith.minimumf %min3A_222, %max3A_246 : vector<16xf32>
      %sub3A_248 = arith.subf %min3A_247, %add3A_50 : vector<16xf32>
      %mul3A_249 = arith.mulf %sub3A_248, %min3A_247 : vector<16xf32>
      %add3A_250 = arith.addf %mul3A_249, %sub3A_60 : vector<16xf32>
      %mul3A_251 = arith.mulf %add3A_250, %min3A_247 : vector<16xf32>
      %sub3A_252 = arith.subf %mul3A_251, %add3A_74 : vector<16xf32>
      %mul3A_253 = arith.constant 3.000000e+00 : f32
      %mul3A_254 = vector.broadcast %mul3A_253 : f32 to vector<16xf32>
      %mul3A_255 = arith.mulf %mul3A_254, %min3A_247 : vector<16xf32>
      %mul3A_256 = arith.constant 2.000000e+00 : f32
      %mul3A_257 = vector.broadcast %mul3A_256 : f32 to vector<16xf32>
      %mul3A_258 = arith.mulf %mul3A_257, %add3A_50 : vector<16xf32>
      %sub3A_259 = arith.subf %mul3A_255, %mul3A_258 : vector<16xf32>
      %mul3A_260 = arith.mulf %sub3A_259, %min3A_247 : vector<16xf32>
      %add3A_261 = arith.addf %mul3A_260, %sub3A_60 : vector<16xf32>
      %eq3A_262 = arith.constant 0.000000e+00 : f32
      %eq3A_263 = vector.broadcast %eq3A_262 : f32 to vector<16xf32>
      %eq3A_264 = arith.cmpf oeq, %add3A_261, %eq3A_263 : vector<16xf32>
      %jit3A_265 = arith.constant 1.000000e+00 : f32
      %broadcast_in_dim3A_266 = vector.broadcast %jit3A_265 : f32 to vector<16xf32>
      %select_n3A_267 = arith.select %eq3A_264, %broadcast_in_dim3A_266, %add3A_261 : vector<16xi1>, vector<16xf32>
      %div3A_268 = arith.divf %sub3A_252, %select_n3A_267 : vector<16xf32>
      %sub3A_269 = arith.subf %min3A_247, %div3A_268 : vector<16xf32>
      %select_n3A_270 = arith.select %eq3A_264, %min3A_247, %sub3A_269 : vector<16xi1>, vector<16xf32>
      %max3A_271 = arith.maximumf %select_n3A_270, %mul3A_77 : vector<16xf32>
      %min3A_272 = arith.minimumf %min3A_247, %max3A_271 : vector<16xf32>
      %sub3A_273 = arith.subf %min3A_272, %add3A_50 : vector<16xf32>
      %mul3A_274 = arith.mulf %sub3A_273, %min3A_272 : vector<16xf32>
      %add3A_275 = arith.addf %mul3A_274, %sub3A_60 : vector<16xf32>
      %mul3A_276 = arith.mulf %add3A_275, %min3A_272 : vector<16xf32>
      %sub3A_277 = arith.subf %mul3A_276, %add3A_74 : vector<16xf32>
      %mul3A_278 = arith.constant 3.000000e+00 : f32
      %mul3A_279 = vector.broadcast %mul3A_278 : f32 to vector<16xf32>
      %mul3A_280 = arith.mulf %mul3A_279, %min3A_272 : vector<16xf32>
      %mul3A_281 = arith.constant 2.000000e+00 : f32
      %mul3A_282 = vector.broadcast %mul3A_281 : f32 to vector<16xf32>
      %mul3A_283 = arith.mulf %mul3A_282, %add3A_50 : vector<16xf32>
      %sub3A_284 = arith.subf %mul3A_280, %mul3A_283 : vector<16xf32>
      %mul3A_285 = arith.mulf %sub3A_284, %min3A_272 : vector<16xf32>
      %add3A_286 = arith.addf %mul3A_285, %sub3A_60 : vector<16xf32>
      %eq3A_287 = arith.constant 0.000000e+00 : f32
      %eq3A_288 = vector.broadcast %eq3A_287 : f32 to vector<16xf32>
      %eq3A_289 = arith.cmpf oeq, %add3A_286, %eq3A_288 : vector<16xf32>
      %jit3A_290 = arith.constant 1.000000e+00 : f32
      %broadcast_in_dim3A_291 = vector.broadcast %jit3A_290 : f32 to vector<16xf32>
      %select_n3A_292 = arith.select %eq3A_289, %broadcast_in_dim3A_291, %add3A_286 : vector<16xi1>, vector<16xf32>
      %div3A_293 = arith.divf %sub3A_277, %select_n3A_292 : vector<16xf32>
      %sub3A_294 = arith.subf %min3A_272, %div3A_293 : vector<16xf32>
      %select_n3A_295 = arith.select %eq3A_289, %min3A_272, %sub3A_294 : vector<16xi1>, vector<16xf32>
      %max3A_296 = arith.maximumf %select_n3A_295, %mul3A_77 : vector<16xf32>
      %min3A_297 = arith.minimumf %min3A_272, %max3A_296 : vector<16xf32>
      %sub3A_298 = arith.subf %min3A_297, %add3A_50 : vector<16xf32>
      %mul3A_299 = arith.mulf %sub3A_298, %min3A_297 : vector<16xf32>
      %add3A_300 = arith.addf %mul3A_299, %sub3A_60 : vector<16xf32>
      %mul3A_301 = arith.mulf %add3A_300, %min3A_297 : vector<16xf32>
      %sub3A_302 = arith.subf %mul3A_301, %add3A_74 : vector<16xf32>
      %mul3A_303 = arith.constant 3.000000e+00 : f32
      %mul3A_304 = vector.broadcast %mul3A_303 : f32 to vector<16xf32>
      %mul3A_305 = arith.mulf %mul3A_304, %min3A_297 : vector<16xf32>
      %mul3A_306 = arith.constant 2.000000e+00 : f32
      %mul3A_307 = vector.broadcast %mul3A_306 : f32 to vector<16xf32>
      %mul3A_308 = arith.mulf %mul3A_307, %add3A_50 : vector<16xf32>
      %sub3A_309 = arith.subf %mul3A_305, %mul3A_308 : vector<16xf32>
      %mul3A_310 = arith.mulf %sub3A_309, %min3A_297 : vector<16xf32>
      %add3A_311 = arith.addf %mul3A_310, %sub3A_60 : vector<16xf32>
      %eq3A_312 = arith.constant 0.000000e+00 : f32
      %eq3A_313 = vector.broadcast %eq3A_312 : f32 to vector<16xf32>
      %eq3A_314 = arith.cmpf oeq, %add3A_311, %eq3A_313 : vector<16xf32>
      %jit3A_315 = arith.constant 1.000000e+00 : f32
      %broadcast_in_dim3A_316 = vector.broadcast %jit3A_315 : f32 to vector<16xf32>
      %select_n3A_317 = arith.select %eq3A_314, %broadcast_in_dim3A_316, %add3A_311 : vector<16xi1>, vector<16xf32>
      %div3A_318 = arith.divf %sub3A_302, %select_n3A_317 : vector<16xf32>
      %sub3A_319 = arith.subf %min3A_297, %div3A_318 : vector<16xf32>
      %select_n3A_320 = arith.select %eq3A_314, %min3A_297, %sub3A_319 : vector<16xi1>, vector<16xf32>
      %max3A_321 = arith.maximumf %select_n3A_320, %mul3A_77 : vector<16xf32>
      %min3A_322 = arith.minimumf %min3A_297, %max3A_321 : vector<16xf32>
      %sub3A_323 = arith.subf %min3A_322, %add3A_50 : vector<16xf32>
      %mul3A_324 = arith.mulf %sub3A_323, %min3A_322 : vector<16xf32>
      %add3A_325 = arith.addf %mul3A_324, %sub3A_60 : vector<16xf32>
      %mul3A_326 = arith.mulf %add3A_325, %min3A_322 : vector<16xf32>
      %sub3A_327 = arith.subf %mul3A_326, %add3A_74 : vector<16xf32>
      %mul3A_328 = arith.constant 3.000000e+00 : f32
      %mul3A_329 = vector.broadcast %mul3A_328 : f32 to vector<16xf32>
      %mul3A_330 = arith.mulf %mul3A_329, %min3A_322 : vector<16xf32>
      %mul3A_331 = arith.constant 2.000000e+00 : f32
      %mul3A_332 = vector.broadcast %mul3A_331 : f32 to vector<16xf32>
      %mul3A_333 = arith.mulf %mul3A_332, %add3A_50 : vector<16xf32>
      %sub3A_334 = arith.subf %mul3A_330, %mul3A_333 : vector<16xf32>
      %mul3A_335 = arith.mulf %sub3A_334, %min3A_322 : vector<16xf32>
      %add3A_336 = arith.addf %mul3A_335, %sub3A_60 : vector<16xf32>
      %eq3A_337 = arith.constant 0.000000e+00 : f32
      %eq3A_338 = vector.broadcast %eq3A_337 : f32 to vector<16xf32>
      %eq3A_339 = arith.cmpf oeq, %add3A_336, %eq3A_338 : vector<16xf32>
      %jit3A_340 = arith.constant 1.000000e+00 : f32
      %broadcast_in_dim3A_341 = vector.broadcast %jit3A_340 : f32 to vector<16xf32>
      %select_n3A_342 = arith.select %eq3A_339, %broadcast_in_dim3A_341, %add3A_336 : vector<16xi1>, vector<16xf32>
      %div3A_343 = arith.divf %sub3A_327, %select_n3A_342 : vector<16xf32>
      %sub3A_344 = arith.subf %min3A_322, %div3A_343 : vector<16xf32>
      %select_n3A_345 = arith.select %eq3A_339, %min3A_322, %sub3A_344 : vector<16xi1>, vector<16xf32>
      %max3A_346 = arith.maximumf %select_n3A_345, %mul3A_77 : vector<16xf32>
      %min3A_347 = arith.minimumf %min3A_322, %max3A_346 : vector<16xf32>
      %sub3A_348 = arith.subf %min3A_347, %add3A_50 : vector<16xf32>
      %mul3A_349 = arith.mulf %sub3A_348, %min3A_347 : vector<16xf32>
      %add3A_350 = arith.addf %mul3A_349, %sub3A_60 : vector<16xf32>
      %mul3A_351 = arith.mulf %add3A_350, %min3A_347 : vector<16xf32>
      %sub3A_352 = arith.subf %mul3A_351, %add3A_74 : vector<16xf32>
      %mul3A_353 = arith.constant 3.000000e+00 : f32
      %mul3A_354 = vector.broadcast %mul3A_353 : f32 to vector<16xf32>
      %mul3A_355 = arith.mulf %mul3A_354, %min3A_347 : vector<16xf32>
      %mul3A_356 = arith.constant 2.000000e+00 : f32
      %mul3A_357 = vector.broadcast %mul3A_356 : f32 to vector<16xf32>
      %mul3A_358 = arith.mulf %mul3A_357, %add3A_50 : vector<16xf32>
      %sub3A_359 = arith.subf %mul3A_355, %mul3A_358 : vector<16xf32>
      %mul3A_360 = arith.mulf %sub3A_359, %min3A_347 : vector<16xf32>
      %add3A_361 = arith.addf %mul3A_360, %sub3A_60 : vector<16xf32>
      %eq3A_362 = arith.constant 0.000000e+00 : f32
      %eq3A_363 = vector.broadcast %eq3A_362 : f32 to vector<16xf32>
      %eq3A_364 = arith.cmpf oeq, %add3A_361, %eq3A_363 : vector<16xf32>
      %jit3A_365 = arith.constant 1.000000e+00 : f32
      %broadcast_in_dim3A_366 = vector.broadcast %jit3A_365 : f32 to vector<16xf32>
      %select_n3A_367 = arith.select %eq3A_364, %broadcast_in_dim3A_366, %add3A_361 : vector<16xi1>, vector<16xf32>
      %div3A_368 = arith.divf %sub3A_352, %select_n3A_367 : vector<16xf32>
      %sub3A_369 = arith.subf %min3A_347, %div3A_368 : vector<16xf32>
      %select_n3A_370 = arith.select %eq3A_364, %min3A_347, %sub3A_369 : vector<16xi1>, vector<16xf32>
      %max3A_371 = arith.maximumf %select_n3A_370, %mul3A_77 : vector<16xf32>
      %min3A_372 = arith.minimumf %min3A_347, %max3A_371 : vector<16xf32>
      %sub3A_373 = arith.subf %min3A_372, %add3A_50 : vector<16xf32>
      %mul3A_374 = arith.mulf %sub3A_373, %min3A_372 : vector<16xf32>
      %add3A_375 = arith.addf %mul3A_374, %sub3A_60 : vector<16xf32>
      %mul3A_376 = arith.mulf %add3A_375, %min3A_372 : vector<16xf32>
      %sub3A_377 = arith.subf %mul3A_376, %add3A_74 : vector<16xf32>
      %mul3A_378 = arith.constant 3.000000e+00 : f32
      %mul3A_379 = vector.broadcast %mul3A_378 : f32 to vector<16xf32>
      %mul3A_380 = arith.mulf %mul3A_379, %min3A_372 : vector<16xf32>
      %mul3A_381 = arith.constant 2.000000e+00 : f32
      %mul3A_382 = vector.broadcast %mul3A_381 : f32 to vector<16xf32>
      %mul3A_383 = arith.mulf %mul3A_382, %add3A_50 : vector<16xf32>
      %sub3A_384 = arith.subf %mul3A_380, %mul3A_383 : vector<16xf32>
      %mul3A_385 = arith.mulf %sub3A_384, %min3A_372 : vector<16xf32>
      %add3A_386 = arith.addf %mul3A_385, %sub3A_60 : vector<16xf32>
      %eq3A_387 = arith.constant 0.000000e+00 : f32
      %eq3A_388 = vector.broadcast %eq3A_387 : f32 to vector<16xf32>
      %eq3A_389 = arith.cmpf oeq, %add3A_386, %eq3A_388 : vector<16xf32>
      %jit3A_390 = arith.constant 1.000000e+00 : f32
      %broadcast_in_dim3A_391 = vector.broadcast %jit3A_390 : f32 to vector<16xf32>
      %select_n3A_392 = arith.select %eq3A_389, %broadcast_in_dim3A_391, %add3A_386 : vector<16xi1>, vector<16xf32>
      %div3A_393 = arith.divf %sub3A_377, %select_n3A_392 : vector<16xf32>
      %sub3A_394 = arith.subf %min3A_372, %div3A_393 : vector<16xf32>
      %select_n3A_395 = arith.select %eq3A_389, %min3A_372, %sub3A_394 : vector<16xi1>, vector<16xf32>
      %max3A_396 = arith.maximumf %select_n3A_395, %mul3A_77 : vector<16xf32>
      %min3A_397 = arith.minimumf %min3A_372, %max3A_396 : vector<16xf32>
      %sub3A_398 = arith.subf %min3A_397, %add3A_50 : vector<16xf32>
      %mul3A_399 = arith.mulf %sub3A_398, %min3A_397 : vector<16xf32>
      %add3A_400 = arith.addf %mul3A_399, %sub3A_60 : vector<16xf32>
      %mul3A_401 = arith.mulf %add3A_400, %min3A_397 : vector<16xf32>
      %sub3A_402 = arith.subf %mul3A_401, %add3A_74 : vector<16xf32>
      %mul3A_403 = arith.constant 3.000000e+00 : f32
      %mul3A_404 = vector.broadcast %mul3A_403 : f32 to vector<16xf32>
      %mul3A_405 = arith.mulf %mul3A_404, %min3A_397 : vector<16xf32>
      %mul3A_406 = arith.constant 2.000000e+00 : f32
      %mul3A_407 = vector.broadcast %mul3A_406 : f32 to vector<16xf32>
      %mul3A_408 = arith.mulf %mul3A_407, %add3A_50 : vector<16xf32>
      %sub3A_409 = arith.subf %mul3A_405, %mul3A_408 : vector<16xf32>
      %mul3A_410 = arith.mulf %sub3A_409, %min3A_397 : vector<16xf32>
      %add3A_411 = arith.addf %mul3A_410, %sub3A_60 : vector<16xf32>
      %eq3A_412 = arith.constant 0.000000e+00 : f32
      %eq3A_413 = vector.broadcast %eq3A_412 : f32 to vector<16xf32>
      %eq3A_414 = arith.cmpf oeq, %add3A_411, %eq3A_413 : vector<16xf32>
      %jit3A_415 = arith.constant 1.000000e+00 : f32
      %broadcast_in_dim3A_416 = vector.broadcast %jit3A_415 : f32 to vector<16xf32>
      %select_n3A_417 = arith.select %eq3A_414, %broadcast_in_dim3A_416, %add3A_411 : vector<16xi1>, vector<16xf32>
      %div3A_418 = arith.divf %sub3A_402, %select_n3A_417 : vector<16xf32>
      %sub3A_419 = arith.subf %min3A_397, %div3A_418 : vector<16xf32>
      %select_n3A_420 = arith.select %eq3A_414, %min3A_397, %sub3A_419 : vector<16xi1>, vector<16xf32>
      %max3A_421 = arith.maximumf %select_n3A_420, %mul3A_77 : vector<16xf32>
      %min3A_422 = arith.minimumf %min3A_397, %max3A_421 : vector<16xf32>
      %sub3A_423 = arith.subf %min3A_422, %add3A_50 : vector<16xf32>
      %mul3A_424 = arith.mulf %sub3A_423, %min3A_422 : vector<16xf32>
      %add3A_425 = arith.addf %mul3A_424, %sub3A_60 : vector<16xf32>
      %mul3A_426 = arith.mulf %add3A_425, %min3A_422 : vector<16xf32>
      %sub3A_427 = arith.subf %mul3A_426, %add3A_74 : vector<16xf32>
      %mul3A_428 = arith.constant 3.000000e+00 : f32
      %mul3A_429 = vector.broadcast %mul3A_428 : f32 to vector<16xf32>
      %mul3A_430 = arith.mulf %mul3A_429, %min3A_422 : vector<16xf32>
      %mul3A_431 = arith.constant 2.000000e+00 : f32
      %mul3A_432 = vector.broadcast %mul3A_431 : f32 to vector<16xf32>
      %mul3A_433 = arith.mulf %mul3A_432, %add3A_50 : vector<16xf32>
      %sub3A_434 = arith.subf %mul3A_430, %mul3A_433 : vector<16xf32>
      %mul3A_435 = arith.mulf %sub3A_434, %min3A_422 : vector<16xf32>
      %add3A_436 = arith.addf %mul3A_435, %sub3A_60 : vector<16xf32>
      %eq3A_437 = arith.constant 0.000000e+00 : f32
      %eq3A_438 = vector.broadcast %eq3A_437 : f32 to vector<16xf32>
      %eq3A_439 = arith.cmpf oeq, %add3A_436, %eq3A_438 : vector<16xf32>
      %jit3A_440 = arith.constant 1.000000e+00 : f32
      %broadcast_in_dim3A_441 = vector.broadcast %jit3A_440 : f32 to vector<16xf32>
      %select_n3A_442 = arith.select %eq3A_439, %broadcast_in_dim3A_441, %add3A_436 : vector<16xi1>, vector<16xf32>
      %div3A_443 = arith.divf %sub3A_427, %select_n3A_442 : vector<16xf32>
      %sub3A_444 = arith.subf %min3A_422, %div3A_443 : vector<16xf32>
      %select_n3A_445 = arith.select %eq3A_439, %min3A_422, %sub3A_444 : vector<16xi1>, vector<16xf32>
      %max3A_446 = arith.maximumf %select_n3A_445, %mul3A_77 : vector<16xf32>
      %min3A_447 = arith.minimumf %min3A_422, %max3A_446 : vector<16xf32>
      %sub3A_448 = arith.subf %min3A_447, %add3A_50 : vector<16xf32>
      %mul3A_449 = arith.mulf %sub3A_448, %min3A_447 : vector<16xf32>
      %add3A_450 = arith.addf %mul3A_449, %sub3A_60 : vector<16xf32>
      %mul3A_451 = arith.mulf %add3A_450, %min3A_447 : vector<16xf32>
      %sub3A_452 = arith.subf %mul3A_451, %add3A_74 : vector<16xf32>
      %mul3A_453 = arith.constant 3.000000e+00 : f32
      %mul3A_454 = vector.broadcast %mul3A_453 : f32 to vector<16xf32>
      %mul3A_455 = arith.mulf %mul3A_454, %min3A_447 : vector<16xf32>
      %mul3A_456 = arith.constant 2.000000e+00 : f32
      %mul3A_457 = vector.broadcast %mul3A_456 : f32 to vector<16xf32>
      %mul3A_458 = arith.mulf %mul3A_457, %add3A_50 : vector<16xf32>
      %sub3A_459 = arith.subf %mul3A_455, %mul3A_458 : vector<16xf32>
      %mul3A_460 = arith.mulf %sub3A_459, %min3A_447 : vector<16xf32>
      %add3A_461 = arith.addf %mul3A_460, %sub3A_60 : vector<16xf32>
      %eq3A_462 = arith.constant 0.000000e+00 : f32
      %eq3A_463 = vector.broadcast %eq3A_462 : f32 to vector<16xf32>
      %eq3A_464 = arith.cmpf oeq, %add3A_461, %eq3A_463 : vector<16xf32>
      %jit3A_465 = arith.constant 1.000000e+00 : f32
      %broadcast_in_dim3A_466 = vector.broadcast %jit3A_465 : f32 to vector<16xf32>
      %select_n3A_467 = arith.select %eq3A_464, %broadcast_in_dim3A_466, %add3A_461 : vector<16xi1>, vector<16xf32>
      %div3A_468 = arith.divf %sub3A_452, %select_n3A_467 : vector<16xf32>
      %sub3A_469 = arith.subf %min3A_447, %div3A_468 : vector<16xf32>
      %select_n3A_470 = arith.select %eq3A_464, %min3A_447, %sub3A_469 : vector<16xi1>, vector<16xf32>
      %max3A_471 = arith.maximumf %select_n3A_470, %mul3A_77 : vector<16xf32>
      %min3A_472 = arith.minimumf %min3A_447, %max3A_471 : vector<16xf32>
      %sub3A_473 = arith.subf %min3A_472, %add3A_50 : vector<16xf32>
      %mul3A_474 = arith.mulf %sub3A_473, %min3A_472 : vector<16xf32>
      %add3A_475 = arith.addf %mul3A_474, %sub3A_60 : vector<16xf32>
      %mul3A_476 = arith.mulf %add3A_475, %min3A_472 : vector<16xf32>
      %sub3A_477 = arith.subf %mul3A_476, %add3A_74 : vector<16xf32>
      %mul3A_478 = arith.constant 3.000000e+00 : f32
      %mul3A_479 = vector.broadcast %mul3A_478 : f32 to vector<16xf32>
      %mul3A_480 = arith.mulf %mul3A_479, %min3A_472 : vector<16xf32>
      %mul3A_481 = arith.constant 2.000000e+00 : f32
      %mul3A_482 = vector.broadcast %mul3A_481 : f32 to vector<16xf32>
      %mul3A_483 = arith.mulf %mul3A_482, %add3A_50 : vector<16xf32>
      %sub3A_484 = arith.subf %mul3A_480, %mul3A_483 : vector<16xf32>
      %mul3A_485 = arith.mulf %sub3A_484, %min3A_472 : vector<16xf32>
      %add3A_486 = arith.addf %mul3A_485, %sub3A_60 : vector<16xf32>
      %eq3A_487 = arith.constant 0.000000e+00 : f32
      %eq3A_488 = vector.broadcast %eq3A_487 : f32 to vector<16xf32>
      %eq3A_489 = arith.cmpf oeq, %add3A_486, %eq3A_488 : vector<16xf32>
      %jit3A_490 = arith.constant 1.000000e+00 : f32
      %broadcast_in_dim3A_491 = vector.broadcast %jit3A_490 : f32 to vector<16xf32>
      %select_n3A_492 = arith.select %eq3A_489, %broadcast_in_dim3A_491, %add3A_486 : vector<16xi1>, vector<16xf32>
      %div3A_493 = arith.divf %sub3A_477, %select_n3A_492 : vector<16xf32>
      %sub3A_494 = arith.subf %min3A_472, %div3A_493 : vector<16xf32>
      %select_n3A_495 = arith.select %eq3A_489, %min3A_472, %sub3A_494 : vector<16xi1>, vector<16xf32>
      %max3A_496 = arith.maximumf %select_n3A_495, %mul3A_77 : vector<16xf32>
      %min3A_497 = arith.minimumf %min3A_472, %max3A_496 : vector<16xf32>
      %sub3A_498 = arith.subf %min3A_497, %add3A_50 : vector<16xf32>
      %mul3A_499 = arith.mulf %sub3A_498, %min3A_497 : vector<16xf32>
      %add3A_500 = arith.addf %mul3A_499, %sub3A_60 : vector<16xf32>
      %mul3A_501 = arith.mulf %add3A_500, %min3A_497 : vector<16xf32>
      %sub3A_502 = arith.subf %mul3A_501, %add3A_74 : vector<16xf32>
      %mul3A_503 = arith.constant 3.000000e+00 : f32
      %mul3A_504 = vector.broadcast %mul3A_503 : f32 to vector<16xf32>
      %mul3A_505 = arith.mulf %mul3A_504, %min3A_497 : vector<16xf32>
      %mul3A_506 = arith.constant 2.000000e+00 : f32
      %mul3A_507 = vector.broadcast %mul3A_506 : f32 to vector<16xf32>
      %mul3A_508 = arith.mulf %mul3A_507, %add3A_50 : vector<16xf32>
      %sub3A_509 = arith.subf %mul3A_505, %mul3A_508 : vector<16xf32>
      %mul3A_510 = arith.mulf %sub3A_509, %min3A_497 : vector<16xf32>
      %add3A_511 = arith.addf %mul3A_510, %sub3A_60 : vector<16xf32>
      %eq3A_512 = arith.constant 0.000000e+00 : f32
      %eq3A_513 = vector.broadcast %eq3A_512 : f32 to vector<16xf32>
      %eq3A_514 = arith.cmpf oeq, %add3A_511, %eq3A_513 : vector<16xf32>
      %jit3A_515 = arith.constant 1.000000e+00 : f32
      %broadcast_in_dim3A_516 = vector.broadcast %jit3A_515 : f32 to vector<16xf32>
      %select_n3A_517 = arith.select %eq3A_514, %broadcast_in_dim3A_516, %add3A_511 : vector<16xi1>, vector<16xf32>
      %div3A_518 = arith.divf %sub3A_502, %select_n3A_517 : vector<16xf32>
      %sub3A_519 = arith.subf %min3A_497, %div3A_518 : vector<16xf32>
      %select_n3A_520 = arith.select %eq3A_514, %min3A_497, %sub3A_519 : vector<16xi1>, vector<16xf32>
      %max3A_521 = arith.maximumf %select_n3A_520, %mul3A_77 : vector<16xf32>
      %min3A_522 = arith.minimumf %min3A_497, %max3A_521 : vector<16xf32>
      %sub3A_523 = arith.subf %min3A_522, %add3A_50 : vector<16xf32>
      %mul3A_524 = arith.mulf %sub3A_523, %min3A_522 : vector<16xf32>
      %add3A_525 = arith.addf %mul3A_524, %sub3A_60 : vector<16xf32>
      %mul3A_526 = arith.mulf %add3A_525, %min3A_522 : vector<16xf32>
      %sub3A_527 = arith.subf %mul3A_526, %add3A_74 : vector<16xf32>
      %mul3A_528 = arith.constant 3.000000e+00 : f32
      %mul3A_529 = vector.broadcast %mul3A_528 : f32 to vector<16xf32>
      %mul3A_530 = arith.mulf %mul3A_529, %min3A_522 : vector<16xf32>
      %mul3A_531 = arith.constant 2.000000e+00 : f32
      %mul3A_532 = vector.broadcast %mul3A_531 : f32 to vector<16xf32>
      %mul3A_533 = arith.mulf %mul3A_532, %add3A_50 : vector<16xf32>
      %sub3A_534 = arith.subf %mul3A_530, %mul3A_533 : vector<16xf32>
      %mul3A_535 = arith.mulf %sub3A_534, %min3A_522 : vector<16xf32>
      %add3A_536 = arith.addf %mul3A_535, %sub3A_60 : vector<16xf32>
      %eq3A_537 = arith.constant 0.000000e+00 : f32
      %eq3A_538 = vector.broadcast %eq3A_537 : f32 to vector<16xf32>
      %eq3A_539 = arith.cmpf oeq, %add3A_536, %eq3A_538 : vector<16xf32>
      %jit3A_540 = arith.constant 1.000000e+00 : f32
      %broadcast_in_dim3A_541 = vector.broadcast %jit3A_540 : f32 to vector<16xf32>
      %select_n3A_542 = arith.select %eq3A_539, %broadcast_in_dim3A_541, %add3A_536 : vector<16xi1>, vector<16xf32>
      %div3A_543 = arith.divf %sub3A_527, %select_n3A_542 : vector<16xf32>
      %sub3A_544 = arith.subf %min3A_522, %div3A_543 : vector<16xf32>
      %select_n3A_545 = arith.select %eq3A_539, %min3A_522, %sub3A_544 : vector<16xi1>, vector<16xf32>
      %max3A_546 = arith.maximumf %select_n3A_545, %mul3A_77 : vector<16xf32>
      %min3A_547 = arith.minimumf %min3A_522, %max3A_546 : vector<16xf32>
      %sub3A_548 = arith.subf %min3A_547, %add3A_50 : vector<16xf32>
      %mul3A_549 = arith.mulf %sub3A_548, %min3A_547 : vector<16xf32>
      %add3A_550 = arith.addf %mul3A_549, %sub3A_60 : vector<16xf32>
      %mul3A_551 = arith.mulf %add3A_550, %min3A_547 : vector<16xf32>
      %sub3A_552 = arith.subf %mul3A_551, %add3A_74 : vector<16xf32>
      %mul3A_553 = arith.constant 3.000000e+00 : f32
      %mul3A_554 = vector.broadcast %mul3A_553 : f32 to vector<16xf32>
      %mul3A_555 = arith.mulf %mul3A_554, %min3A_547 : vector<16xf32>
      %mul3A_556 = arith.constant 2.000000e+00 : f32
      %mul3A_557 = vector.broadcast %mul3A_556 : f32 to vector<16xf32>
      %mul3A_558 = arith.mulf %mul3A_557, %add3A_50 : vector<16xf32>
      %sub3A_559 = arith.subf %mul3A_555, %mul3A_558 : vector<16xf32>
      %mul3A_560 = arith.mulf %sub3A_559, %min3A_547 : vector<16xf32>
      %add3A_561 = arith.addf %mul3A_560, %sub3A_60 : vector<16xf32>
      %eq3A_562 = arith.constant 0.000000e+00 : f32
      %eq3A_563 = vector.broadcast %eq3A_562 : f32 to vector<16xf32>
      %eq3A_564 = arith.cmpf oeq, %add3A_561, %eq3A_563 : vector<16xf32>
      %jit3A_565 = arith.constant 1.000000e+00 : f32
      %broadcast_in_dim3A_566 = vector.broadcast %jit3A_565 : f32 to vector<16xf32>
      %select_n3A_567 = arith.select %eq3A_564, %broadcast_in_dim3A_566, %add3A_561 : vector<16xi1>, vector<16xf32>
      %div3A_568 = arith.divf %sub3A_552, %select_n3A_567 : vector<16xf32>
      %sub3A_569 = arith.subf %min3A_547, %div3A_568 : vector<16xf32>
      %select_n3A_570 = arith.select %eq3A_564, %min3A_547, %sub3A_569 : vector<16xi1>, vector<16xf32>
      %max3A_571 = arith.maximumf %select_n3A_570, %mul3A_77 : vector<16xf32>
      %min3A_572 = arith.minimumf %min3A_547, %max3A_571 : vector<16xf32>
      %sub3A_573 = arith.subf %min3A_572, %add3A_50 : vector<16xf32>
      %mul3A_574 = arith.mulf %sub3A_573, %min3A_572 : vector<16xf32>
      %add3A_575 = arith.addf %mul3A_574, %sub3A_60 : vector<16xf32>
      %mul3A_576 = arith.mulf %add3A_575, %min3A_572 : vector<16xf32>
      %sub3A_577 = arith.subf %mul3A_576, %add3A_74 : vector<16xf32>
      %mul3A_578 = arith.constant 3.000000e+00 : f32
      %mul3A_579 = vector.broadcast %mul3A_578 : f32 to vector<16xf32>
      %mul3A_580 = arith.mulf %mul3A_579, %min3A_572 : vector<16xf32>
      %mul3A_581 = arith.constant 2.000000e+00 : f32
      %mul3A_582 = vector.broadcast %mul3A_581 : f32 to vector<16xf32>
      %mul3A_583 = arith.mulf %mul3A_582, %add3A_50 : vector<16xf32>
      %sub3A_584 = arith.subf %mul3A_580, %mul3A_583 : vector<16xf32>
      %mul3A_585 = arith.mulf %sub3A_584, %min3A_572 : vector<16xf32>
      %add3A_586 = arith.addf %mul3A_585, %sub3A_60 : vector<16xf32>
      %eq3A_587 = arith.constant 0.000000e+00 : f32
      %eq3A_588 = vector.broadcast %eq3A_587 : f32 to vector<16xf32>
      %eq3A_589 = arith.cmpf oeq, %add3A_586, %eq3A_588 : vector<16xf32>
      %jit3A_590 = arith.constant 1.000000e+00 : f32
      %broadcast_in_dim3A_591 = vector.broadcast %jit3A_590 : f32 to vector<16xf32>
      %select_n3A_592 = arith.select %eq3A_589, %broadcast_in_dim3A_591, %add3A_586 : vector<16xi1>, vector<16xf32>
      %div3A_593 = arith.divf %sub3A_577, %select_n3A_592 : vector<16xf32>
      %sub3A_594 = arith.subf %min3A_572, %div3A_593 : vector<16xf32>
      %select_n3A_595 = arith.select %eq3A_589, %min3A_572, %sub3A_594 : vector<16xi1>, vector<16xf32>
      %max3A_596 = arith.maximumf %select_n3A_595, %mul3A_77 : vector<16xf32>
      %min3A_597 = arith.minimumf %min3A_572, %max3A_596 : vector<16xf32>
      %sub3A_598 = arith.subf %min3A_597, %add3A_50 : vector<16xf32>
      %mul3A_599 = arith.mulf %sub3A_598, %min3A_597 : vector<16xf32>
      %add3A_600 = arith.addf %mul3A_599, %sub3A_60 : vector<16xf32>
      %mul3A_601 = arith.mulf %add3A_600, %min3A_597 : vector<16xf32>
      %sub3A_602 = arith.subf %mul3A_601, %add3A_74 : vector<16xf32>
      %mul3A_603 = arith.constant 3.000000e+00 : f32
      %mul3A_604 = vector.broadcast %mul3A_603 : f32 to vector<16xf32>
      %mul3A_605 = arith.mulf %mul3A_604, %min3A_597 : vector<16xf32>
      %mul3A_606 = arith.constant 2.000000e+00 : f32
      %mul3A_607 = vector.broadcast %mul3A_606 : f32 to vector<16xf32>
      %mul3A_608 = arith.mulf %mul3A_607, %add3A_50 : vector<16xf32>
      %sub3A_609 = arith.subf %mul3A_605, %mul3A_608 : vector<16xf32>
      %mul3A_610 = arith.mulf %sub3A_609, %min3A_597 : vector<16xf32>
      %add3A_611 = arith.addf %mul3A_610, %sub3A_60 : vector<16xf32>
      %eq3A_612 = arith.constant 0.000000e+00 : f32
      %eq3A_613 = vector.broadcast %eq3A_612 : f32 to vector<16xf32>
      %eq3A_614 = arith.cmpf oeq, %add3A_611, %eq3A_613 : vector<16xf32>
      %jit3A_615 = arith.constant 1.000000e+00 : f32
      %broadcast_in_dim3A_616 = vector.broadcast %jit3A_615 : f32 to vector<16xf32>
      %select_n3A_617 = arith.select %eq3A_614, %broadcast_in_dim3A_616, %add3A_611 : vector<16xi1>, vector<16xf32>
      %div3A_618 = arith.divf %sub3A_602, %select_n3A_617 : vector<16xf32>
      %sub3A_619 = arith.subf %min3A_597, %div3A_618 : vector<16xf32>
      %select_n3A_620 = arith.select %eq3A_614, %min3A_597, %sub3A_619 : vector<16xi1>, vector<16xf32>
      %max3A_621 = arith.maximumf %select_n3A_620, %mul3A_77 : vector<16xf32>
      %min3A_622 = arith.minimumf %min3A_597, %max3A_621 : vector<16xf32>
      %sub3A_623 = arith.subf %min3A_622, %add3A_50 : vector<16xf32>
      %mul3A_624 = arith.mulf %sub3A_623, %min3A_622 : vector<16xf32>
      %add3A_625 = arith.addf %mul3A_624, %sub3A_60 : vector<16xf32>
      %mul3A_626 = arith.mulf %add3A_625, %min3A_622 : vector<16xf32>
      %sub3A_627 = arith.subf %mul3A_626, %add3A_74 : vector<16xf32>
      %mul3A_628 = arith.constant 3.000000e+00 : f32
      %mul3A_629 = vector.broadcast %mul3A_628 : f32 to vector<16xf32>
      %mul3A_630 = arith.mulf %mul3A_629, %min3A_622 : vector<16xf32>
      %mul3A_631 = arith.constant 2.000000e+00 : f32
      %mul3A_632 = vector.broadcast %mul3A_631 : f32 to vector<16xf32>
      %mul3A_633 = arith.mulf %mul3A_632, %add3A_50 : vector<16xf32>
      %sub3A_634 = arith.subf %mul3A_630, %mul3A_633 : vector<16xf32>
      %mul3A_635 = arith.mulf %sub3A_634, %min3A_622 : vector<16xf32>
      %add3A_636 = arith.addf %mul3A_635, %sub3A_60 : vector<16xf32>
      %eq3A_637 = arith.constant 0.000000e+00 : f32
      %eq3A_638 = vector.broadcast %eq3A_637 : f32 to vector<16xf32>
      %eq3A_639 = arith.cmpf oeq, %add3A_636, %eq3A_638 : vector<16xf32>
      %jit3A_640 = arith.constant 1.000000e+00 : f32
      %broadcast_in_dim3A_641 = vector.broadcast %jit3A_640 : f32 to vector<16xf32>
      %select_n3A_642 = arith.select %eq3A_639, %broadcast_in_dim3A_641, %add3A_636 : vector<16xi1>, vector<16xf32>
      %div3A_643 = arith.divf %sub3A_627, %select_n3A_642 : vector<16xf32>
      %sub3A_644 = arith.subf %min3A_622, %div3A_643 : vector<16xf32>
      %select_n3A_645 = arith.select %eq3A_639, %min3A_622, %sub3A_644 : vector<16xi1>, vector<16xf32>
      %max3A_646 = arith.maximumf %select_n3A_645, %mul3A_77 : vector<16xf32>
      %min3A_647 = arith.minimumf %min3A_622, %max3A_646 : vector<16xf32>
      %sub3A_648 = arith.subf %min3A_647, %add3A_50 : vector<16xf32>
      %mul3A_649 = arith.mulf %sub3A_648, %min3A_647 : vector<16xf32>
      %add3A_650 = arith.addf %mul3A_649, %sub3A_60 : vector<16xf32>
      %mul3A_651 = arith.mulf %add3A_650, %min3A_647 : vector<16xf32>
      %sub3A_652 = arith.subf %mul3A_651, %add3A_74 : vector<16xf32>
      %mul3A_653 = arith.constant 3.000000e+00 : f32
      %mul3A_654 = vector.broadcast %mul3A_653 : f32 to vector<16xf32>
      %mul3A_655 = arith.mulf %mul3A_654, %min3A_647 : vector<16xf32>
      %mul3A_656 = arith.constant 2.000000e+00 : f32
      %mul3A_657 = vector.broadcast %mul3A_656 : f32 to vector<16xf32>
      %mul3A_658 = arith.mulf %mul3A_657, %add3A_50 : vector<16xf32>
      %sub3A_659 = arith.subf %mul3A_655, %mul3A_658 : vector<16xf32>
      %mul3A_660 = arith.mulf %sub3A_659, %min3A_647 : vector<16xf32>
      %add3A_661 = arith.addf %mul3A_660, %sub3A_60 : vector<16xf32>
      %eq3A_662 = arith.constant 0.000000e+00 : f32
      %eq3A_663 = vector.broadcast %eq3A_662 : f32 to vector<16xf32>
      %eq3A_664 = arith.cmpf oeq, %add3A_661, %eq3A_663 : vector<16xf32>
      %jit3A_665 = arith.constant 1.000000e+00 : f32
      %broadcast_in_dim3A_666 = vector.broadcast %jit3A_665 : f32 to vector<16xf32>
      %select_n3A_667 = arith.select %eq3A_664, %broadcast_in_dim3A_666, %add3A_661 : vector<16xi1>, vector<16xf32>
      %div3A_668 = arith.divf %sub3A_652, %select_n3A_667 : vector<16xf32>
      %sub3A_669 = arith.subf %min3A_647, %div3A_668 : vector<16xf32>
      %select_n3A_670 = arith.select %eq3A_664, %min3A_647, %sub3A_669 : vector<16xi1>, vector<16xf32>
      %max3A_671 = arith.maximumf %select_n3A_670, %mul3A_77 : vector<16xf32>
      %min3A_672 = arith.minimumf %min3A_647, %max3A_671 : vector<16xf32>
      %sub3A_673 = arith.subf %min3A_672, %add3A_50 : vector<16xf32>
      %mul3A_674 = arith.mulf %sub3A_673, %min3A_672 : vector<16xf32>
      %add3A_675 = arith.addf %mul3A_674, %sub3A_60 : vector<16xf32>
      %mul3A_676 = arith.mulf %add3A_675, %min3A_672 : vector<16xf32>
      %sub3A_677 = arith.subf %mul3A_676, %add3A_74 : vector<16xf32>
      %mul3A_678 = arith.constant 3.000000e+00 : f32
      %mul3A_679 = vector.broadcast %mul3A_678 : f32 to vector<16xf32>
      %mul3A_680 = arith.mulf %mul3A_679, %min3A_672 : vector<16xf32>
      %mul3A_681 = arith.constant 2.000000e+00 : f32
      %mul3A_682 = vector.broadcast %mul3A_681 : f32 to vector<16xf32>
      %mul3A_683 = arith.mulf %mul3A_682, %add3A_50 : vector<16xf32>
      %sub3A_684 = arith.subf %mul3A_680, %mul3A_683 : vector<16xf32>
      %mul3A_685 = arith.mulf %sub3A_684, %min3A_672 : vector<16xf32>
      %add3A_686 = arith.addf %mul3A_685, %sub3A_60 : vector<16xf32>
      %eq3A_687 = arith.constant 0.000000e+00 : f32
      %eq3A_688 = vector.broadcast %eq3A_687 : f32 to vector<16xf32>
      %eq3A_689 = arith.cmpf oeq, %add3A_686, %eq3A_688 : vector<16xf32>
      %jit3A_690 = arith.constant 1.000000e+00 : f32
      %broadcast_in_dim3A_691 = vector.broadcast %jit3A_690 : f32 to vector<16xf32>
      %select_n3A_692 = arith.select %eq3A_689, %broadcast_in_dim3A_691, %add3A_686 : vector<16xi1>, vector<16xf32>
      %div3A_693 = arith.divf %sub3A_677, %select_n3A_692 : vector<16xf32>
      %sub3A_694 = arith.subf %min3A_672, %div3A_693 : vector<16xf32>
      %select_n3A_695 = arith.select %eq3A_689, %min3A_672, %sub3A_694 : vector<16xi1>, vector<16xf32>
      %max3A_696 = arith.maximumf %select_n3A_695, %mul3A_77 : vector<16xf32>
      %min3A_697 = arith.minimumf %min3A_672, %max3A_696 : vector<16xf32>
      %sub3A_698 = arith.subf %min3A_697, %add3A_50 : vector<16xf32>
      %mul3A_699 = arith.mulf %sub3A_698, %min3A_697 : vector<16xf32>
      %add3A_700 = arith.addf %mul3A_699, %sub3A_60 : vector<16xf32>
      %mul3A_701 = arith.mulf %add3A_700, %min3A_697 : vector<16xf32>
      %sub3A_702 = arith.subf %mul3A_701, %add3A_74 : vector<16xf32>
      %mul3A_703 = arith.constant 3.000000e+00 : f32
      %mul3A_704 = vector.broadcast %mul3A_703 : f32 to vector<16xf32>
      %mul3A_705 = arith.mulf %mul3A_704, %min3A_697 : vector<16xf32>
      %mul3A_706 = arith.constant 2.000000e+00 : f32
      %mul3A_707 = vector.broadcast %mul3A_706 : f32 to vector<16xf32>
      %mul3A_708 = arith.mulf %mul3A_707, %add3A_50 : vector<16xf32>
      %sub3A_709 = arith.subf %mul3A_705, %mul3A_708 : vector<16xf32>
      %mul3A_710 = arith.mulf %sub3A_709, %min3A_697 : vector<16xf32>
      %add3A_711 = arith.addf %mul3A_710, %sub3A_60 : vector<16xf32>
      %eq3A_712 = arith.constant 0.000000e+00 : f32
      %eq3A_713 = vector.broadcast %eq3A_712 : f32 to vector<16xf32>
      %eq3A_714 = arith.cmpf oeq, %add3A_711, %eq3A_713 : vector<16xf32>
      %jit3A_715 = arith.constant 1.000000e+00 : f32
      %broadcast_in_dim3A_716 = vector.broadcast %jit3A_715 : f32 to vector<16xf32>
      %select_n3A_717 = arith.select %eq3A_714, %broadcast_in_dim3A_716, %add3A_711 : vector<16xi1>, vector<16xf32>
      %div3A_718 = arith.divf %sub3A_702, %select_n3A_717 : vector<16xf32>
      %sub3A_719 = arith.subf %min3A_697, %div3A_718 : vector<16xf32>
      %select_n3A_720 = arith.select %eq3A_714, %min3A_697, %sub3A_719 : vector<16xi1>, vector<16xf32>
      %max3A_721 = arith.maximumf %select_n3A_720, %mul3A_77 : vector<16xf32>
      %min3A_722 = arith.minimumf %min3A_697, %max3A_721 : vector<16xf32>
      %sub3A_723 = arith.subf %min3A_722, %add3A_50 : vector<16xf32>
      %mul3A_724 = arith.mulf %sub3A_723, %min3A_722 : vector<16xf32>
      %add3A_725 = arith.addf %mul3A_724, %sub3A_60 : vector<16xf32>
      %mul3A_726 = arith.mulf %add3A_725, %min3A_722 : vector<16xf32>
      %sub3A_727 = arith.subf %mul3A_726, %add3A_74 : vector<16xf32>
      %mul3A_728 = arith.constant 3.000000e+00 : f32
      %mul3A_729 = vector.broadcast %mul3A_728 : f32 to vector<16xf32>
      %mul3A_730 = arith.mulf %mul3A_729, %min3A_722 : vector<16xf32>
      %mul3A_731 = arith.constant 2.000000e+00 : f32
      %mul3A_732 = vector.broadcast %mul3A_731 : f32 to vector<16xf32>
      %mul3A_733 = arith.mulf %mul3A_732, %add3A_50 : vector<16xf32>
      %sub3A_734 = arith.subf %mul3A_730, %mul3A_733 : vector<16xf32>
      %mul3A_735 = arith.mulf %sub3A_734, %min3A_722 : vector<16xf32>
      %add3A_736 = arith.addf %mul3A_735, %sub3A_60 : vector<16xf32>
      %eq3A_737 = arith.constant 0.000000e+00 : f32
      %eq3A_738 = vector.broadcast %eq3A_737 : f32 to vector<16xf32>
      %eq3A_739 = arith.cmpf oeq, %add3A_736, %eq3A_738 : vector<16xf32>
      %jit3A_740 = arith.constant 1.000000e+00 : f32
      %broadcast_in_dim3A_741 = vector.broadcast %jit3A_740 : f32 to vector<16xf32>
      %select_n3A_742 = arith.select %eq3A_739, %broadcast_in_dim3A_741, %add3A_736 : vector<16xi1>, vector<16xf32>
      %div3A_743 = arith.divf %sub3A_727, %select_n3A_742 : vector<16xf32>
      %sub3A_744 = arith.subf %min3A_722, %div3A_743 : vector<16xf32>
      %select_n3A_745 = arith.select %eq3A_739, %min3A_722, %sub3A_744 : vector<16xi1>, vector<16xf32>
      %max3A_746 = arith.maximumf %select_n3A_745, %mul3A_77 : vector<16xf32>
      %min3A_747 = arith.minimumf %min3A_722, %max3A_746 : vector<16xf32>
      %sub3A_748 = arith.subf %min3A_747, %add3A_50 : vector<16xf32>
      %mul3A_749 = arith.mulf %sub3A_748, %min3A_747 : vector<16xf32>
      %add3A_750 = arith.addf %mul3A_749, %sub3A_60 : vector<16xf32>
      %mul3A_751 = arith.mulf %add3A_750, %min3A_747 : vector<16xf32>
      %sub3A_752 = arith.subf %mul3A_751, %add3A_74 : vector<16xf32>
      %mul3A_753 = arith.constant 3.000000e+00 : f32
      %mul3A_754 = vector.broadcast %mul3A_753 : f32 to vector<16xf32>
      %mul3A_755 = arith.mulf %mul3A_754, %min3A_747 : vector<16xf32>
      %mul3A_756 = arith.constant 2.000000e+00 : f32
      %mul3A_757 = vector.broadcast %mul3A_756 : f32 to vector<16xf32>
      %mul3A_758 = arith.mulf %mul3A_757, %add3A_50 : vector<16xf32>
      %sub3A_759 = arith.subf %mul3A_755, %mul3A_758 : vector<16xf32>
      %mul3A_760 = arith.mulf %sub3A_759, %min3A_747 : vector<16xf32>
      %add3A_761 = arith.addf %mul3A_760, %sub3A_60 : vector<16xf32>
      %eq3A_762 = arith.constant 0.000000e+00 : f32
      %eq3A_763 = vector.broadcast %eq3A_762 : f32 to vector<16xf32>
      %eq3A_764 = arith.cmpf oeq, %add3A_761, %eq3A_763 : vector<16xf32>
      %jit3A_765 = arith.constant 1.000000e+00 : f32
      %broadcast_in_dim3A_766 = vector.broadcast %jit3A_765 : f32 to vector<16xf32>
      %select_n3A_767 = arith.select %eq3A_764, %broadcast_in_dim3A_766, %add3A_761 : vector<16xi1>, vector<16xf32>
      %div3A_768 = arith.divf %sub3A_752, %select_n3A_767 : vector<16xf32>
      %sub3A_769 = arith.subf %min3A_747, %div3A_768 : vector<16xf32>
      %select_n3A_770 = arith.select %eq3A_764, %min3A_747, %sub3A_769 : vector<16xi1>, vector<16xf32>
      %max3A_771 = arith.maximumf %select_n3A_770, %mul3A_77 : vector<16xf32>
      %min3A_772 = arith.minimumf %min3A_747, %max3A_771 : vector<16xf32>
      %sub3A_773 = arith.subf %min3A_772, %add3A_50 : vector<16xf32>
      %mul3A_774 = arith.mulf %sub3A_773, %min3A_772 : vector<16xf32>
      %add3A_775 = arith.addf %mul3A_774, %sub3A_60 : vector<16xf32>
      %mul3A_776 = arith.mulf %add3A_775, %min3A_772 : vector<16xf32>
      %sub3A_777 = arith.subf %mul3A_776, %add3A_74 : vector<16xf32>
      %mul3A_778 = arith.constant 3.000000e+00 : f32
      %mul3A_779 = vector.broadcast %mul3A_778 : f32 to vector<16xf32>
      %mul3A_780 = arith.mulf %mul3A_779, %min3A_772 : vector<16xf32>
      %mul3A_781 = arith.constant 2.000000e+00 : f32
      %mul3A_782 = vector.broadcast %mul3A_781 : f32 to vector<16xf32>
      %mul3A_783 = arith.mulf %mul3A_782, %add3A_50 : vector<16xf32>
      %sub3A_784 = arith.subf %mul3A_780, %mul3A_783 : vector<16xf32>
      %mul3A_785 = arith.mulf %sub3A_784, %min3A_772 : vector<16xf32>
      %add3A_786 = arith.addf %mul3A_785, %sub3A_60 : vector<16xf32>
      %eq3A_787 = arith.constant 0.000000e+00 : f32
      %eq3A_788 = vector.broadcast %eq3A_787 : f32 to vector<16xf32>
      %eq3A_789 = arith.cmpf oeq, %add3A_786, %eq3A_788 : vector<16xf32>
      %jit3A_790 = arith.constant 1.000000e+00 : f32
      %broadcast_in_dim3A_791 = vector.broadcast %jit3A_790 : f32 to vector<16xf32>
      %select_n3A_792 = arith.select %eq3A_789, %broadcast_in_dim3A_791, %add3A_786 : vector<16xi1>, vector<16xf32>
      %div3A_793 = arith.divf %sub3A_777, %select_n3A_792 : vector<16xf32>
      %sub3A_794 = arith.subf %min3A_772, %div3A_793 : vector<16xf32>
      %select_n3A_795 = arith.select %eq3A_789, %min3A_772, %sub3A_794 : vector<16xi1>, vector<16xf32>
      %max3A_796 = arith.maximumf %select_n3A_795, %mul3A_77 : vector<16xf32>
      %min3A_797 = arith.minimumf %min3A_772, %max3A_796 : vector<16xf32>
      %sub3A_798 = arith.subf %min3A_797, %add3A_50 : vector<16xf32>
      %mul3A_799 = arith.mulf %sub3A_798, %min3A_797 : vector<16xf32>
      %add3A_800 = arith.addf %mul3A_799, %sub3A_60 : vector<16xf32>
      %mul3A_801 = arith.mulf %add3A_800, %min3A_797 : vector<16xf32>
      %sub3A_802 = arith.subf %mul3A_801, %add3A_74 : vector<16xf32>
      %mul3A_803 = arith.constant 3.000000e+00 : f32
      %mul3A_804 = vector.broadcast %mul3A_803 : f32 to vector<16xf32>
      %mul3A_805 = arith.mulf %mul3A_804, %min3A_797 : vector<16xf32>
      %mul3A_806 = arith.constant 2.000000e+00 : f32
      %mul3A_807 = vector.broadcast %mul3A_806 : f32 to vector<16xf32>
      %mul3A_808 = arith.mulf %mul3A_807, %add3A_50 : vector<16xf32>
      %sub3A_809 = arith.subf %mul3A_805, %mul3A_808 : vector<16xf32>
      %mul3A_810 = arith.mulf %sub3A_809, %min3A_797 : vector<16xf32>
      %add3A_811 = arith.addf %mul3A_810, %sub3A_60 : vector<16xf32>
      %eq3A_812 = arith.constant 0.000000e+00 : f32
      %eq3A_813 = vector.broadcast %eq3A_812 : f32 to vector<16xf32>
      %eq3A_814 = arith.cmpf oeq, %add3A_811, %eq3A_813 : vector<16xf32>
      %jit3A_815 = arith.constant 1.000000e+00 : f32
      %broadcast_in_dim3A_816 = vector.broadcast %jit3A_815 : f32 to vector<16xf32>
      %select_n3A_817 = arith.select %eq3A_814, %broadcast_in_dim3A_816, %add3A_811 : vector<16xi1>, vector<16xf32>
      %div3A_818 = arith.divf %sub3A_802, %select_n3A_817 : vector<16xf32>
      %sub3A_819 = arith.subf %min3A_797, %div3A_818 : vector<16xf32>
      %select_n3A_820 = arith.select %eq3A_814, %min3A_797, %sub3A_819 : vector<16xi1>, vector<16xf32>
      %max3A_821 = arith.maximumf %select_n3A_820, %mul3A_77 : vector<16xf32>
      %min3A_822 = arith.minimumf %min3A_797, %max3A_821 : vector<16xf32>
      %sub3A_823 = arith.subf %min3A_822, %add3A_50 : vector<16xf32>
      %mul3A_824 = arith.mulf %sub3A_823, %min3A_822 : vector<16xf32>
      %add3A_825 = arith.addf %mul3A_824, %sub3A_60 : vector<16xf32>
      %mul3A_826 = arith.mulf %add3A_825, %min3A_822 : vector<16xf32>
      %sub3A_827 = arith.subf %mul3A_826, %add3A_74 : vector<16xf32>
      %mul3A_828 = arith.constant 3.000000e+00 : f32
      %mul3A_829 = vector.broadcast %mul3A_828 : f32 to vector<16xf32>
      %mul3A_830 = arith.mulf %mul3A_829, %min3A_822 : vector<16xf32>
      %mul3A_831 = arith.constant 2.000000e+00 : f32
      %mul3A_832 = vector.broadcast %mul3A_831 : f32 to vector<16xf32>
      %mul3A_833 = arith.mulf %mul3A_832, %add3A_50 : vector<16xf32>
      %sub3A_834 = arith.subf %mul3A_830, %mul3A_833 : vector<16xf32>
      %mul3A_835 = arith.mulf %sub3A_834, %min3A_822 : vector<16xf32>
      %add3A_836 = arith.addf %mul3A_835, %sub3A_60 : vector<16xf32>
      %eq3A_837 = arith.constant 0.000000e+00 : f32
      %eq3A_838 = vector.broadcast %eq3A_837 : f32 to vector<16xf32>
      %eq3A_839 = arith.cmpf oeq, %add3A_836, %eq3A_838 : vector<16xf32>
      %jit3A_840 = arith.constant 1.000000e+00 : f32
      %broadcast_in_dim3A_841 = vector.broadcast %jit3A_840 : f32 to vector<16xf32>
      %select_n3A_842 = arith.select %eq3A_839, %broadcast_in_dim3A_841, %add3A_836 : vector<16xi1>, vector<16xf32>
      %div3A_843 = arith.divf %sub3A_827, %select_n3A_842 : vector<16xf32>
      %sub3A_844 = arith.subf %min3A_822, %div3A_843 : vector<16xf32>
      %select_n3A_845 = arith.select %eq3A_839, %min3A_822, %sub3A_844 : vector<16xi1>, vector<16xf32>
      %max3A_846 = arith.maximumf %select_n3A_845, %mul3A_77 : vector<16xf32>
      %min3A_847 = arith.minimumf %min3A_822, %max3A_846 : vector<16xf32>
      %sub3A_848 = arith.subf %min3A_847, %add3A_50 : vector<16xf32>
      %mul3A_849 = arith.mulf %sub3A_848, %min3A_847 : vector<16xf32>
      %add3A_850 = arith.addf %mul3A_849, %sub3A_60 : vector<16xf32>
      %mul3A_851 = arith.mulf %add3A_850, %min3A_847 : vector<16xf32>
      %sub3A_852 = arith.subf %mul3A_851, %add3A_74 : vector<16xf32>
      %mul3A_853 = arith.constant 3.000000e+00 : f32
      %mul3A_854 = vector.broadcast %mul3A_853 : f32 to vector<16xf32>
      %mul3A_855 = arith.mulf %mul3A_854, %min3A_847 : vector<16xf32>
      %mul3A_856 = arith.constant 2.000000e+00 : f32
      %mul3A_857 = vector.broadcast %mul3A_856 : f32 to vector<16xf32>
      %mul3A_858 = arith.mulf %mul3A_857, %add3A_50 : vector<16xf32>
      %sub3A_859 = arith.subf %mul3A_855, %mul3A_858 : vector<16xf32>
      %mul3A_860 = arith.mulf %sub3A_859, %min3A_847 : vector<16xf32>
      %add3A_861 = arith.addf %mul3A_860, %sub3A_60 : vector<16xf32>
      %eq3A_862 = arith.constant 0.000000e+00 : f32
      %eq3A_863 = vector.broadcast %eq3A_862 : f32 to vector<16xf32>
      %eq3A_864 = arith.cmpf oeq, %add3A_861, %eq3A_863 : vector<16xf32>
      %jit3A_865 = arith.constant 1.000000e+00 : f32
      %broadcast_in_dim3A_866 = vector.broadcast %jit3A_865 : f32 to vector<16xf32>
      %select_n3A_867 = arith.select %eq3A_864, %broadcast_in_dim3A_866, %add3A_861 : vector<16xi1>, vector<16xf32>
      %div3A_868 = arith.divf %sub3A_852, %select_n3A_867 : vector<16xf32>
      %sub3A_869 = arith.subf %min3A_847, %div3A_868 : vector<16xf32>
      %select_n3A_870 = arith.select %eq3A_864, %min3A_847, %sub3A_869 : vector<16xi1>, vector<16xf32>
      %max3A_871 = arith.maximumf %select_n3A_870, %mul3A_77 : vector<16xf32>
      %min3A_872 = arith.minimumf %min3A_847, %max3A_871 : vector<16xf32>
      %sub3A_873 = arith.subf %min3A_872, %add3A_50 : vector<16xf32>
      %mul3A_874 = arith.mulf %sub3A_873, %min3A_872 : vector<16xf32>
      %add3A_875 = arith.addf %mul3A_874, %sub3A_60 : vector<16xf32>
      %mul3A_876 = arith.mulf %add3A_875, %min3A_872 : vector<16xf32>
      %sub3A_877 = arith.subf %mul3A_876, %add3A_74 : vector<16xf32>
      %mul3A_878 = arith.constant 3.000000e+00 : f32
      %mul3A_879 = vector.broadcast %mul3A_878 : f32 to vector<16xf32>
      %mul3A_880 = arith.mulf %mul3A_879, %min3A_872 : vector<16xf32>
      %mul3A_881 = arith.constant 2.000000e+00 : f32
      %mul3A_882 = vector.broadcast %mul3A_881 : f32 to vector<16xf32>
      %mul3A_883 = arith.mulf %mul3A_882, %add3A_50 : vector<16xf32>
      %sub3A_884 = arith.subf %mul3A_880, %mul3A_883 : vector<16xf32>
      %mul3A_885 = arith.mulf %sub3A_884, %min3A_872 : vector<16xf32>
      %add3A_886 = arith.addf %mul3A_885, %sub3A_60 : vector<16xf32>
      %eq3A_887 = arith.constant 0.000000e+00 : f32
      %eq3A_888 = vector.broadcast %eq3A_887 : f32 to vector<16xf32>
      %eq3A_889 = arith.cmpf oeq, %add3A_886, %eq3A_888 : vector<16xf32>
      %jit3A_890 = arith.constant 1.000000e+00 : f32
      %broadcast_in_dim3A_891 = vector.broadcast %jit3A_890 : f32 to vector<16xf32>
      %select_n3A_892 = arith.select %eq3A_889, %broadcast_in_dim3A_891, %add3A_886 : vector<16xi1>, vector<16xf32>
      %div3A_893 = arith.divf %sub3A_877, %select_n3A_892 : vector<16xf32>
      %sub3A_894 = arith.subf %min3A_872, %div3A_893 : vector<16xf32>
      %select_n3A_895 = arith.select %eq3A_889, %min3A_872, %sub3A_894 : vector<16xi1>, vector<16xf32>
      %max3A_896 = arith.maximumf %select_n3A_895, %mul3A_77 : vector<16xf32>
      %min3A_897 = arith.minimumf %min3A_872, %max3A_896 : vector<16xf32>
      %sub3A_898 = arith.subf %min3A_897, %add3A_50 : vector<16xf32>
      %mul3A_899 = arith.mulf %sub3A_898, %min3A_897 : vector<16xf32>
      %add3A_900 = arith.addf %mul3A_899, %sub3A_60 : vector<16xf32>
      %mul3A_901 = arith.mulf %add3A_900, %min3A_897 : vector<16xf32>
      %sub3A_902 = arith.subf %mul3A_901, %add3A_74 : vector<16xf32>
      %mul3A_903 = arith.constant 3.000000e+00 : f32
      %mul3A_904 = vector.broadcast %mul3A_903 : f32 to vector<16xf32>
      %mul3A_905 = arith.mulf %mul3A_904, %min3A_897 : vector<16xf32>
      %mul3A_906 = arith.constant 2.000000e+00 : f32
      %mul3A_907 = vector.broadcast %mul3A_906 : f32 to vector<16xf32>
      %mul3A_908 = arith.mulf %mul3A_907, %add3A_50 : vector<16xf32>
      %sub3A_909 = arith.subf %mul3A_905, %mul3A_908 : vector<16xf32>
      %mul3A_910 = arith.mulf %sub3A_909, %min3A_897 : vector<16xf32>
      %add3A_911 = arith.addf %mul3A_910, %sub3A_60 : vector<16xf32>
      %eq3A_912 = arith.constant 0.000000e+00 : f32
      %eq3A_913 = vector.broadcast %eq3A_912 : f32 to vector<16xf32>
      %eq3A_914 = arith.cmpf oeq, %add3A_911, %eq3A_913 : vector<16xf32>
      %jit3A_915 = arith.constant 1.000000e+00 : f32
      %broadcast_in_dim3A_916 = vector.broadcast %jit3A_915 : f32 to vector<16xf32>
      %select_n3A_917 = arith.select %eq3A_914, %broadcast_in_dim3A_916, %add3A_911 : vector<16xi1>, vector<16xf32>
      %div3A_918 = arith.divf %sub3A_902, %select_n3A_917 : vector<16xf32>
      %sub3A_919 = arith.subf %min3A_897, %div3A_918 : vector<16xf32>
      %select_n3A_920 = arith.select %eq3A_914, %min3A_897, %sub3A_919 : vector<16xi1>, vector<16xf32>
      %max3A_921 = arith.maximumf %select_n3A_920, %mul3A_77 : vector<16xf32>
      %min3A_922 = arith.minimumf %min3A_897, %max3A_921 : vector<16xf32>
      %sub3A_923 = arith.subf %min3A_922, %add3A_50 : vector<16xf32>
      %mul3A_924 = arith.mulf %sub3A_923, %min3A_922 : vector<16xf32>
      %add3A_925 = arith.addf %mul3A_924, %sub3A_60 : vector<16xf32>
      %mul3A_926 = arith.mulf %add3A_925, %min3A_922 : vector<16xf32>
      %sub3A_927 = arith.subf %mul3A_926, %add3A_74 : vector<16xf32>
      %mul3A_928 = arith.constant 3.000000e+00 : f32
      %mul3A_929 = vector.broadcast %mul3A_928 : f32 to vector<16xf32>
      %mul3A_930 = arith.mulf %mul3A_929, %min3A_922 : vector<16xf32>
      %mul3A_931 = arith.constant 2.000000e+00 : f32
      %mul3A_932 = vector.broadcast %mul3A_931 : f32 to vector<16xf32>
      %mul3A_933 = arith.mulf %mul3A_932, %add3A_50 : vector<16xf32>
      %sub3A_934 = arith.subf %mul3A_930, %mul3A_933 : vector<16xf32>
      %mul3A_935 = arith.mulf %sub3A_934, %min3A_922 : vector<16xf32>
      %add3A_936 = arith.addf %mul3A_935, %sub3A_60 : vector<16xf32>
      %eq3A_937 = arith.constant 0.000000e+00 : f32
      %eq3A_938 = vector.broadcast %eq3A_937 : f32 to vector<16xf32>
      %eq3A_939 = arith.cmpf oeq, %add3A_936, %eq3A_938 : vector<16xf32>
      %jit3A_940 = arith.constant 1.000000e+00 : f32
      %broadcast_in_dim3A_941 = vector.broadcast %jit3A_940 : f32 to vector<16xf32>
      %select_n3A_942 = arith.select %eq3A_939, %broadcast_in_dim3A_941, %add3A_936 : vector<16xi1>, vector<16xf32>
      %div3A_943 = arith.divf %sub3A_927, %select_n3A_942 : vector<16xf32>
      %sub3A_944 = arith.subf %min3A_922, %div3A_943 : vector<16xf32>
      %select_n3A_945 = arith.select %eq3A_939, %min3A_922, %sub3A_944 : vector<16xi1>, vector<16xf32>
      %max3A_946 = arith.maximumf %select_n3A_945, %mul3A_77 : vector<16xf32>
      %min3A_947 = arith.minimumf %min3A_922, %max3A_946 : vector<16xf32>
      %sub3A_948 = arith.subf %min3A_947, %add3A_50 : vector<16xf32>
      %mul3A_949 = arith.mulf %sub3A_948, %min3A_947 : vector<16xf32>
      %add3A_950 = arith.addf %mul3A_949, %sub3A_60 : vector<16xf32>
      %mul3A_951 = arith.mulf %add3A_950, %min3A_947 : vector<16xf32>
      %sub3A_952 = arith.subf %mul3A_951, %add3A_74 : vector<16xf32>
      %mul3A_953 = arith.constant 3.000000e+00 : f32
      %mul3A_954 = vector.broadcast %mul3A_953 : f32 to vector<16xf32>
      %mul3A_955 = arith.mulf %mul3A_954, %min3A_947 : vector<16xf32>
      %mul3A_956 = arith.constant 2.000000e+00 : f32
      %mul3A_957 = vector.broadcast %mul3A_956 : f32 to vector<16xf32>
      %mul3A_958 = arith.mulf %mul3A_957, %add3A_50 : vector<16xf32>
      %sub3A_959 = arith.subf %mul3A_955, %mul3A_958 : vector<16xf32>
      %mul3A_960 = arith.mulf %sub3A_959, %min3A_947 : vector<16xf32>
      %add3A_961 = arith.addf %mul3A_960, %sub3A_60 : vector<16xf32>
      %eq3A_962 = arith.constant 0.000000e+00 : f32
      %eq3A_963 = vector.broadcast %eq3A_962 : f32 to vector<16xf32>
      %eq3A_964 = arith.cmpf oeq, %add3A_961, %eq3A_963 : vector<16xf32>
      %jit3A_965 = arith.constant 1.000000e+00 : f32
      %broadcast_in_dim3A_966 = vector.broadcast %jit3A_965 : f32 to vector<16xf32>
      %select_n3A_967 = arith.select %eq3A_964, %broadcast_in_dim3A_966, %add3A_961 : vector<16xi1>, vector<16xf32>
      %div3A_968 = arith.divf %sub3A_952, %select_n3A_967 : vector<16xf32>
      %sub3A_969 = arith.subf %min3A_947, %div3A_968 : vector<16xf32>
      %select_n3A_970 = arith.select %eq3A_964, %min3A_947, %sub3A_969 : vector<16xi1>, vector<16xf32>
      %max3A_971 = arith.maximumf %select_n3A_970, %mul3A_77 : vector<16xf32>
      %min3A_972 = arith.minimumf %min3A_947, %max3A_971 : vector<16xf32>
      %sub3A_973 = arith.subf %min3A_972, %add3A_50 : vector<16xf32>
      %mul3A_974 = arith.mulf %sub3A_973, %min3A_972 : vector<16xf32>
      %add3A_975 = arith.addf %mul3A_974, %sub3A_60 : vector<16xf32>
      %mul3A_976 = arith.mulf %add3A_975, %min3A_972 : vector<16xf32>
      %sub3A_977 = arith.subf %mul3A_976, %add3A_74 : vector<16xf32>
      %mul3A_978 = arith.constant 3.000000e+00 : f32
      %mul3A_979 = vector.broadcast %mul3A_978 : f32 to vector<16xf32>
      %mul3A_980 = arith.mulf %mul3A_979, %min3A_972 : vector<16xf32>
      %mul3A_981 = arith.constant 2.000000e+00 : f32
      %mul3A_982 = vector.broadcast %mul3A_981 : f32 to vector<16xf32>
      %mul3A_983 = arith.mulf %mul3A_982, %add3A_50 : vector<16xf32>
      %sub3A_984 = arith.subf %mul3A_980, %mul3A_983 : vector<16xf32>
      %mul3A_985 = arith.mulf %sub3A_984, %min3A_972 : vector<16xf32>
      %add3A_986 = arith.addf %mul3A_985, %sub3A_60 : vector<16xf32>
      %eq3A_987 = arith.constant 0.000000e+00 : f32
      %eq3A_988 = vector.broadcast %eq3A_987 : f32 to vector<16xf32>
      %eq3A_989 = arith.cmpf oeq, %add3A_986, %eq3A_988 : vector<16xf32>
      %jit3A_990 = arith.constant 1.000000e+00 : f32
      %broadcast_in_dim3A_991 = vector.broadcast %jit3A_990 : f32 to vector<16xf32>
      %select_n3A_992 = arith.select %eq3A_989, %broadcast_in_dim3A_991, %add3A_986 : vector<16xi1>, vector<16xf32>
      %div3A_993 = arith.divf %sub3A_977, %select_n3A_992 : vector<16xf32>
      %sub3A_994 = arith.subf %min3A_972, %div3A_993 : vector<16xf32>
      %select_n3A_995 = arith.select %eq3A_989, %min3A_972, %sub3A_994 : vector<16xi1>, vector<16xf32>
      %max3A_996 = arith.maximumf %select_n3A_995, %mul3A_77 : vector<16xf32>
      %min3A_997 = arith.minimumf %min3A_972, %max3A_996 : vector<16xf32>
      %sub3A_998 = arith.subf %min3A_997, %add3A_50 : vector<16xf32>
      %mul3A_999 = arith.mulf %sub3A_998, %min3A_997 : vector<16xf32>
      %add3A_1000 = arith.addf %mul3A_999, %sub3A_60 : vector<16xf32>
      %mul3A_1001 = arith.mulf %add3A_1000, %min3A_997 : vector<16xf32>
      %sub3A_1002 = arith.subf %mul3A_1001, %add3A_74 : vector<16xf32>
      %mul3A_1003 = arith.constant 3.000000e+00 : f32
      %mul3A_1004 = vector.broadcast %mul3A_1003 : f32 to vector<16xf32>
      %mul3A_1005 = arith.mulf %mul3A_1004, %min3A_997 : vector<16xf32>
      %mul3A_1006 = arith.constant 2.000000e+00 : f32
      %mul3A_1007 = vector.broadcast %mul3A_1006 : f32 to vector<16xf32>
      %mul3A_1008 = arith.mulf %mul3A_1007, %add3A_50 : vector<16xf32>
      %sub3A_1009 = arith.subf %mul3A_1005, %mul3A_1008 : vector<16xf32>
      %mul3A_1010 = arith.mulf %sub3A_1009, %min3A_997 : vector<16xf32>
      %add3A_1011 = arith.addf %mul3A_1010, %sub3A_60 : vector<16xf32>
      %eq3A_1012 = arith.constant 0.000000e+00 : f32
      %eq3A_1013 = vector.broadcast %eq3A_1012 : f32 to vector<16xf32>
      %eq3A_1014 = arith.cmpf oeq, %add3A_1011, %eq3A_1013 : vector<16xf32>
      %jit3A_1015 = arith.constant 1.000000e+00 : f32
      %broadcast_in_dim3A_1016 = vector.broadcast %jit3A_1015 : f32 to vector<16xf32>
      %select_n3A_1017 = arith.select %eq3A_1014, %broadcast_in_dim3A_1016, %add3A_1011 : vector<16xi1>, vector<16xf32>
      %div3A_1018 = arith.divf %sub3A_1002, %select_n3A_1017 : vector<16xf32>
      %sub3A_1019 = arith.subf %min3A_997, %div3A_1018 : vector<16xf32>
      %select_n3A_1020 = arith.select %eq3A_1014, %min3A_997, %sub3A_1019 : vector<16xi1>, vector<16xf32>
      %max3A_1021 = arith.maximumf %select_n3A_1020, %mul3A_77 : vector<16xf32>
      %min3A_1022 = arith.minimumf %min3A_997, %max3A_1021 : vector<16xf32>
      %sub3A_1023 = arith.subf %min3A_1022, %add3A_50 : vector<16xf32>
      %mul3A_1024 = arith.mulf %sub3A_1023, %min3A_1022 : vector<16xf32>
      %add3A_1025 = arith.addf %mul3A_1024, %sub3A_60 : vector<16xf32>
      %mul3A_1026 = arith.mulf %add3A_1025, %min3A_1022 : vector<16xf32>
      %sub3A_1027 = arith.subf %mul3A_1026, %add3A_74 : vector<16xf32>
      %mul3A_1028 = arith.constant 3.000000e+00 : f32
      %mul3A_1029 = vector.broadcast %mul3A_1028 : f32 to vector<16xf32>
      %mul3A_1030 = arith.mulf %mul3A_1029, %min3A_1022 : vector<16xf32>
      %mul3A_1031 = arith.constant 2.000000e+00 : f32
      %mul3A_1032 = vector.broadcast %mul3A_1031 : f32 to vector<16xf32>
      %mul3A_1033 = arith.mulf %mul3A_1032, %add3A_50 : vector<16xf32>
      %sub3A_1034 = arith.subf %mul3A_1030, %mul3A_1033 : vector<16xf32>
      %mul3A_1035 = arith.mulf %sub3A_1034, %min3A_1022 : vector<16xf32>
      %add3A_1036 = arith.addf %mul3A_1035, %sub3A_60 : vector<16xf32>
      %eq3A_1037 = arith.constant 0.000000e+00 : f32
      %eq3A_1038 = vector.broadcast %eq3A_1037 : f32 to vector<16xf32>
      %eq3A_1039 = arith.cmpf oeq, %add3A_1036, %eq3A_1038 : vector<16xf32>
      %jit3A_1040 = arith.constant 1.000000e+00 : f32
      %broadcast_in_dim3A_1041 = vector.broadcast %jit3A_1040 : f32 to vector<16xf32>
      %select_n3A_1042 = arith.select %eq3A_1039, %broadcast_in_dim3A_1041, %add3A_1036 : vector<16xi1>, vector<16xf32>
      %div3A_1043 = arith.divf %sub3A_1027, %select_n3A_1042 : vector<16xf32>
      %sub3A_1044 = arith.subf %min3A_1022, %div3A_1043 : vector<16xf32>
      %select_n3A_1045 = arith.select %eq3A_1039, %min3A_1022, %sub3A_1044 : vector<16xi1>, vector<16xf32>
      %max3A_1046 = arith.maximumf %select_n3A_1045, %mul3A_77 : vector<16xf32>
      %min3A_1047 = arith.minimumf %min3A_1022, %max3A_1046 : vector<16xf32>
      %sub3A_1048 = arith.subf %min3A_1047, %add3A_50 : vector<16xf32>
      %mul3A_1049 = arith.mulf %sub3A_1048, %min3A_1047 : vector<16xf32>
      %add3A_1050 = arith.addf %mul3A_1049, %sub3A_60 : vector<16xf32>
      %mul3A_1051 = arith.mulf %add3A_1050, %min3A_1047 : vector<16xf32>
      %sub3A_1052 = arith.subf %mul3A_1051, %add3A_74 : vector<16xf32>
      %mul3A_1053 = arith.constant 3.000000e+00 : f32
      %mul3A_1054 = vector.broadcast %mul3A_1053 : f32 to vector<16xf32>
      %mul3A_1055 = arith.mulf %mul3A_1054, %min3A_1047 : vector<16xf32>
      %mul3A_1056 = arith.constant 2.000000e+00 : f32
      %mul3A_1057 = vector.broadcast %mul3A_1056 : f32 to vector<16xf32>
      %mul3A_1058 = arith.mulf %mul3A_1057, %add3A_50 : vector<16xf32>
      %sub3A_1059 = arith.subf %mul3A_1055, %mul3A_1058 : vector<16xf32>
      %mul3A_1060 = arith.mulf %sub3A_1059, %min3A_1047 : vector<16xf32>
      %add3A_1061 = arith.addf %mul3A_1060, %sub3A_60 : vector<16xf32>
      %eq3A_1062 = arith.constant 0.000000e+00 : f32
      %eq3A_1063 = vector.broadcast %eq3A_1062 : f32 to vector<16xf32>
      %eq3A_1064 = arith.cmpf oeq, %add3A_1061, %eq3A_1063 : vector<16xf32>
      %jit3A_1065 = arith.constant 1.000000e+00 : f32
      %broadcast_in_dim3A_1066 = vector.broadcast %jit3A_1065 : f32 to vector<16xf32>
      %select_n3A_1067 = arith.select %eq3A_1064, %broadcast_in_dim3A_1066, %add3A_1061 : vector<16xi1>, vector<16xf32>
      %div3A_1068 = arith.divf %sub3A_1052, %select_n3A_1067 : vector<16xf32>
      %sub3A_1069 = arith.subf %min3A_1047, %div3A_1068 : vector<16xf32>
      %select_n3A_1070 = arith.select %eq3A_1064, %min3A_1047, %sub3A_1069 : vector<16xi1>, vector<16xf32>
      %max3A_1071 = arith.maximumf %select_n3A_1070, %mul3A_77 : vector<16xf32>
      %min3A_1072 = arith.minimumf %min3A_1047, %max3A_1071 : vector<16xf32>
      %mul3A_1073 = arith.constant 2.000000e+00 : f32
      %mul3A_1074 = vector.broadcast %mul3A_1073 : f32 to vector<16xf32>
      %mul3A_1075 = arith.mulf %mul3A_1074, %min3A_1072 : vector<16xf32>
      %sub3A_1076 = arith.subf %mul3A_1075, %add3A_50 : vector<16xf32>
      %add3A_1077 = arith.constant 9.99999997E-7 : f32
      %add3A_1078 = vector.broadcast %add3A_1077 : f32 to vector<16xf32>
      %add3A_1079 = arith.addf %add3A_50, %add3A_1078 : vector<16xf32>
      %div3A_1080 = arith.divf %sub3A_1076, %add3A_1079 : vector<16xf32>
      %swap3A = arith.index_cast %mul3A_35 : i32 to index
      %swap3A_1081 = tpu.vector_load %arg24[%swap3A] {strides = array<i32>} : memref<128xf32, #tpu.memory_space<vmem>>, vector<16xf32>,
      tpu.vector_store %arg24[%swap3A], %div3A_1080 {strides = array<i32>} : memref<128xf32, #tpu.memory_space<vmem>>, vector<16xf32>,
      %add3A_1082 = arith.constant 9.99999997E-7 : f32
      %add3A_1083 = vector.broadcast %add3A_1082 : f32 to vector<16xf32>
      %add3A_1084 = arith.addf %get3A_48, %add3A_1083 : vector<16xf32>
      %div3A_1085 = arith.constant 1.000000e+00 : f32
      %div3A_1086 = vector.broadcast %div3A_1085 : f32 to vector<16xf32>
      %div3A_1087 = arith.divf %div3A_1086, %add3A_1084 : vector<16xf32>
      %swap3A_1088 = arith.index_cast %mul3A_35 : i32 to index
      %swap3A_1089 = tpu.vector_load %arg25[%swap3A_1088] {strides = array<i32>} : memref<128xf32, #tpu.memory_space<vmem>>, vector<16xf32>,
      tpu.vector_store %arg25[%swap3A_1088], %div3A_1087 {strides = array<i32>} : memref<128xf32, #tpu.memory_space<vmem>>, vector<16xf32>,
      %scan3A_1090 = arith.constant 0 : i32
      scf.yield %scan3A_1090 : i32
    }
    %scan3A_31 = arith.constant 8 : i32
    "tpu.region"() ({
      %run_scoped3A = tpu.sem_alloc : memref<!tpu.dma_semaphore, #tpu.memory_space<semaphore_mem>>
      %dma_start3A = tpu.memref_slice %arg5[%mul3A_2] : memref<4096xf32, #tpu.memory_space<hbm>> -> memref<128xf32, #tpu.memory_space<hbm>>
      %dma_start3A_32 = tpu.memref_slice %arg5[%mul3A_2] : memref<4096xf32, #tpu.memory_space<hbm>> -> memref<128xf32, #tpu.memory_space<hbm>>
      tpu.enqueue_dma source(%arg24 : memref<128xf32, #tpu.memory_space<vmem>>) target(%dma_start3A_32 : memref<128xf32, #tpu.memory_space<hbm>>) target_semaphore(%run_scoped3A : memref<!tpu.dma_semaphore, #tpu.memory_space<semaphore_mem>>)
      %dma_wait3A = tpu.memref_slice %arg5[%mul3A_2] : memref<4096xf32, #tpu.memory_space<hbm>> -> memref<128xf32, #tpu.memory_space<hbm>>
      %dma_wait3A_33 = tpu.memref_slice %arg5[%mul3A_2] : memref<4096xf32, #tpu.memory_space<hbm>> -> memref<128xf32, #tpu.memory_space<hbm>>
      tpu.wait_dma2 semaphore(%run_scoped3A : memref<!tpu.dma_semaphore, #tpu.memory_space<semaphore_mem>>) src(%arg24 : memref<128xf32, #tpu.memory_space<vmem>>) dst(%dma_wait3A_33 : memref<128xf32, #tpu.memory_space<hbm>>)
      tpu.yield
    }) : () -> ()
    "tpu.region"() ({
      %run_scoped3A = tpu.sem_alloc : memref<!tpu.dma_semaphore, #tpu.memory_space<semaphore_mem>>
      %dma_start3A = tpu.memref_slice %arg6[%mul3A_2] : memref<4096xf32, #tpu.memory_space<hbm>> -> memref<128xf32, #tpu.memory_space<hbm>>
      %dma_start3A_32 = tpu.memref_slice %arg6[%mul3A_2] : memref<4096xf32, #tpu.memory_space<hbm>> -> memref<128xf32, #tpu.memory_space<hbm>>
      tpu.enqueue_dma source(%arg25 : memref<128xf32, #tpu.memory_space<vmem>>) target(%dma_start3A_32 : memref<128xf32, #tpu.memory_space<hbm>>) target_semaphore(%run_scoped3A : memref<!tpu.dma_semaphore, #tpu.memory_space<semaphore_mem>>)
      %dma_wait3A = tpu.memref_slice %arg6[%mul3A_2] : memref<4096xf32, #tpu.memory_space<hbm>> -> memref<128xf32, #tpu.memory_space<hbm>>
      %dma_wait3A_33 = tpu.memref_slice %arg6[%mul3A_2] : memref<4096xf32, #tpu.memory_space<hbm>> -> memref<128xf32, #tpu.memory_space<hbm>>
      tpu.wait_dma2 semaphore(%run_scoped3A : memref<!tpu.dma_semaphore, #tpu.memory_space<semaphore_mem>>) src(%arg25 : memref<128xf32, #tpu.memory_space<vmem>>) dst(%dma_wait3A_33 : memref<128xf32, #tpu.memory_space<hbm>>)
      tpu.yield
    }) : () -> ()
    return
  }
}

module attributes {stable_mosaic.version = 14 : i64} {
  func.func @_mlp_body(%arg0: memref<4096x256xf32, #tpu.memory_space<vmem>>, %arg1: memref<64x256xf32, #tpu.memory_space<vmem>>, %arg2: memref<64xf32, #tpu.memory_space<vmem>>, %arg3: memref<64xf32, #tpu.memory_space<vmem>>, %arg4: memref<64xf32, #tpu.memory_space<vmem>>, %arg5: memref<3x64xf32, #tpu.memory_space<vmem>>, %arg6: memref<3xf32, #tpu.memory_space<vmem>>, %arg7: memref<4096xf32, #tpu.memory_space<vmem>>, %arg8: memref<4096xf32, #tpu.memory_space<vmem>>, %arg9: memref<4096xf32, #tpu.memory_space<vmem>>) attributes {dimension_semantics = [], scalar_prefetch = 0 : i64, scratch_operands = 0 : i64, tpu.core_type = #tpu.core_type<tc>} {
    %get3A = arith.constant 0 : index
    %get3A_0 = arith.constant 0 : index
    %get3A_1 = vector.load %arg0[%get3A, %get3A_0] : memref<4096x256xf32, #tpu.memory_space<vmem>>, vector<4096x256xf32>
    %get3A_2 = arith.constant 0 : index
    %get3A_3 = arith.constant 0 : index
    %get3A_4 = vector.load %arg1[%get3A_2, %get3A_3] : memref<64x256xf32, #tpu.memory_space<vmem>>, vector<64x256xf32>
    %dot_general3A = arith.constant dense<0.000000e+00> : vector<4096x64xf32>
    %dot_general3A_5 = tpu.matmul %get3A_1, %get3A_4, %dot_general3A {dimension_numbers = #tpu.dot_dimension_numbers<[1], [1], [0], [0], [0, 0, 1, 0], [], []>, transpose_lhs_hint = false} : vector<4096x256xf32>, vector<64x256xf32>, vector<4096x64xf32> -> vector<4096x64xf32>
    %get3A_6 = arith.constant 0 : index
    %get3A_7 = vector.load %arg2[%get3A_6] : memref<64xf32, #tpu.memory_space<vmem>>, vector<64xf32>
    %broadcast_in_dim3A = vector.shape_cast %get3A_7 : vector<64xf32> to vector<1x64xf32>
    %add3A = vector.broadcast %broadcast_in_dim3A : vector<1x64xf32> to vector<4096x64xf32>
    %add3A_8 = arith.addf %dot_general3A_5, %add3A : vector<4096x64xf32>
    %reduce_sum3A = arith.constant dense<0.000000e+00> : vector<64xf32>
    %reduce_sum3A_9 = vector.multi_reduction <add>, %add3A_8, %reduce_sum3A [0] : vector<4096x64xf32> to vector<64xf32>
    %broadcast_in_dim3A_10 = vector.shape_cast %reduce_sum3A_9 : vector<64xf32> to vector<1x64xf32>
    %div3A = arith.constant 4.096000e+03 : f32
    %div3A_11 = vector.broadcast %div3A : f32 to vector<1x64xf32>
    %div3A_12 = arith.divf %broadcast_in_dim3A_10, %div3A_11 : vector<1x64xf32>
    %sub3A = vector.broadcast %div3A_12 : vector<1x64xf32> to vector<4096x64xf32>
    %sub3A_13 = arith.subf %add3A_8, %sub3A : vector<4096x64xf32>
    %integer_pow3A = arith.mulf %sub3A_13, %sub3A_13 : vector<4096x64xf32>
    %reduce_sum3A_14 = arith.constant dense<0.000000e+00> : vector<64xf32>
    %reduce_sum3A_15 = vector.multi_reduction <add>, %integer_pow3A, %reduce_sum3A_14 [0] : vector<4096x64xf32> to vector<64xf32>
    %broadcast_in_dim3A_16 = vector.shape_cast %reduce_sum3A_15 : vector<64xf32> to vector<1x64xf32>
    %div3A_17 = arith.constant 4.096000e+03 : f32
    %div3A_18 = vector.broadcast %div3A_17 : f32 to vector<1x64xf32>
    %div3A_19 = arith.divf %broadcast_in_dim3A_16, %div3A_18 : vector<1x64xf32>
    %sub3A_20 = vector.broadcast %div3A_12 : vector<1x64xf32> to vector<4096x64xf32>
    %sub3A_21 = arith.subf %add3A_8, %sub3A_20 : vector<4096x64xf32>
    %add3A_22 = arith.constant 9.99999974E-6 : f32
    %add3A_23 = vector.broadcast %add3A_22 : f32 to vector<1x64xf32>
    %add3A_24 = arith.addf %div3A_19, %add3A_23 : vector<1x64xf32>
    %sqrt3A = math.sqrt %add3A_24 : vector<1x64xf32>
    %div3A_25 = vector.broadcast %sqrt3A : vector<1x64xf32> to vector<4096x64xf32>
    %div3A_26 = arith.divf %sub3A_21, %div3A_25 : vector<4096x64xf32>
    %get3A_27 = arith.constant 0 : index
    %get3A_28 = vector.load %arg3[%get3A_27] : memref<64xf32, #tpu.memory_space<vmem>>, vector<64xf32>
    %broadcast_in_dim3A_29 = vector.shape_cast %get3A_28 : vector<64xf32> to vector<1x64xf32>
    %mul3A = vector.broadcast %broadcast_in_dim3A_29 : vector<1x64xf32> to vector<4096x64xf32>
    %mul3A_30 = arith.mulf %div3A_26, %mul3A : vector<4096x64xf32>
    %get3A_31 = arith.constant 0 : index
    %get3A_32 = vector.load %arg4[%get3A_31] : memref<64xf32, #tpu.memory_space<vmem>>, vector<64xf32>
    %broadcast_in_dim3A_33 = vector.shape_cast %get3A_32 : vector<64xf32> to vector<1x64xf32>
    %add3A_34 = vector.broadcast %broadcast_in_dim3A_33 : vector<1x64xf32> to vector<4096x64xf32>
    %add3A_35 = arith.addf %mul3A_30, %add3A_34 : vector<4096x64xf32>
    %max3A = arith.constant 0.000000e+00 : f32
    %max3A_36 = vector.broadcast %max3A : f32 to vector<4096x64xf32>
    %max3A_37 = arith.maximumf %add3A_35, %max3A_36 : vector<4096x64xf32>
    %get3A_38 = arith.constant 0 : index
    %get3A_39 = arith.constant 0 : index
    %get3A_40 = vector.load %arg5[%get3A_38, %get3A_39] : memref<3x64xf32, #tpu.memory_space<vmem>>, vector<1x64xf32>
    %mul3A_41 = vector.broadcast %get3A_40 : vector<1x64xf32> to vector<4096x64xf32>
    %mul3A_42 = arith.mulf %max3A_37, %mul3A_41 : vector<4096x64xf32>
    %reduce_sum3A_43 = arith.constant dense<0.000000e+00> : vector<4096xf32>
    %reduce_sum3A_44 = vector.multi_reduction <add>, %mul3A_42, %reduce_sum3A_43 [1] : vector<4096x64xf32> to vector<4096xf32>
    %get3A_45 = arith.constant 0 : index
    %get3A_46 = vector.load %arg6[%get3A_45] : memref<3xf32, #tpu.memory_space<vmem>>, vector<1xf32>
    %add3A_47 = vector.broadcast %get3A_46 : vector<1xf32> to vector<4096xf32>
    %add3A_48 = arith.addf %reduce_sum3A_44, %add3A_47 : vector<4096xf32>
    %get3A_49 = arith.constant 1 : index
    %get3A_50 = arith.constant 0 : index
    %get3A_51 = vector.load %arg5[%get3A_49, %get3A_50] : memref<3x64xf32, #tpu.memory_space<vmem>>, vector<1x64xf32>
    %mul3A_52 = vector.broadcast %get3A_51 : vector<1x64xf32> to vector<4096x64xf32>
    %mul3A_53 = arith.mulf %max3A_37, %mul3A_52 : vector<4096x64xf32>
    %reduce_sum3A_54 = arith.constant dense<0.000000e+00> : vector<4096xf32>
    %reduce_sum3A_55 = vector.multi_reduction <add>, %mul3A_53, %reduce_sum3A_54 [1] : vector<4096x64xf32> to vector<4096xf32>
    %get3A_56 = arith.constant 1 : index
    %get3A_57 = vector.load %arg6[%get3A_56] : memref<3xf32, #tpu.memory_space<vmem>>, vector<1xf32>
    %add3A_58 = vector.broadcast %get3A_57 : vector<1xf32> to vector<4096xf32>
    %add3A_59 = arith.addf %reduce_sum3A_55, %add3A_58 : vector<4096xf32>
    %get3A_60 = arith.constant 2 : index
    %get3A_61 = arith.constant 0 : index
    %get3A_62 = vector.load %arg5[%get3A_60, %get3A_61] : memref<3x64xf32, #tpu.memory_space<vmem>>, vector<1x64xf32>
    %mul3A_63 = vector.broadcast %get3A_62 : vector<1x64xf32> to vector<4096x64xf32>
    %mul3A_64 = arith.mulf %max3A_37, %mul3A_63 : vector<4096x64xf32>
    %reduce_sum3A_65 = arith.constant dense<0.000000e+00> : vector<4096xf32>
    %reduce_sum3A_66 = vector.multi_reduction <add>, %mul3A_64, %reduce_sum3A_65 [1] : vector<4096x64xf32> to vector<4096xf32>
    %get3A_67 = arith.constant 2 : index
    %get3A_68 = vector.load %arg6[%get3A_67] : memref<3xf32, #tpu.memory_space<vmem>>, vector<1xf32>
    %add3A_69 = vector.broadcast %get3A_68 : vector<1xf32> to vector<4096xf32>
    %add3A_70 = arith.addf %reduce_sum3A_66, %add3A_69 : vector<4096xf32>
    %max3A_71 = arith.maximumf %add3A_48, %add3A_59 : vector<4096xf32>
    %max3A_72 = arith.maximumf %max3A_71, %add3A_70 : vector<4096xf32>
    %sub3A_73 = arith.subf %add3A_48, %max3A_72 : vector<4096xf32>
    %exp3A = math.exp %sub3A_73 : vector<4096xf32>
    %sub3A_74 = arith.subf %add3A_59, %max3A_72 : vector<4096xf32>
    %exp3A_75 = math.exp %sub3A_74 : vector<4096xf32>
    %sub3A_76 = arith.subf %add3A_70, %max3A_72 : vector<4096xf32>
    %exp3A_77 = math.exp %sub3A_76 : vector<4096xf32>
    %add3A_78 = arith.addf %exp3A, %exp3A_75 : vector<4096xf32>
    %add3A_79 = arith.addf %add3A_78, %exp3A_77 : vector<4096xf32>
    %div3A_80 = arith.divf %exp3A, %add3A_79 : vector<4096xf32>
    %swap3A = arith.constant 0 : index
    %swap3A_81 = vector.load %arg7[%swap3A] : memref<4096xf32, #tpu.memory_space<vmem>>, vector<4096xf32>
    tpu.vector_store %arg7[%swap3A], %div3A_80 {strides = array<i32>} : memref<4096xf32, #tpu.memory_space<vmem>>, vector<4096xf32>,
    %div3A_82 = arith.divf %exp3A_75, %add3A_79 : vector<4096xf32>
    %swap3A_83 = arith.constant 0 : index
    %swap3A_84 = vector.load %arg8[%swap3A_83] : memref<4096xf32, #tpu.memory_space<vmem>>, vector<4096xf32>
    tpu.vector_store %arg8[%swap3A_83], %div3A_82 {strides = array<i32>} : memref<4096xf32, #tpu.memory_space<vmem>>, vector<4096xf32>,
    %div3A_85 = arith.divf %exp3A_77, %add3A_79 : vector<4096xf32>
    %swap3A_86 = arith.constant 0 : index
    %swap3A_87 = vector.load %arg9[%swap3A_86] : memref<4096xf32, #tpu.memory_space<vmem>>, vector<4096xf32>
    tpu.vector_store %arg9[%swap3A_86], %div3A_85 {strides = array<i32>} : memref<4096xf32, #tpu.memory_space<vmem>>, vector<4096xf32>,
    return
  }
}

module attributes {stable_mosaic.version = 14 : i64} {
  func.func @_combine_body(%arg0: memref<4096xf32, #tpu.memory_space<vmem>>, %arg1: memref<4096xf32, #tpu.memory_space<vmem>>, %arg2: memref<4096xf32, #tpu.memory_space<vmem>>, %arg3: memref<4096xf32, #tpu.memory_space<vmem>>, %arg4: memref<4096xf32, #tpu.memory_space<vmem>>, %arg5: memref<4096xf32, #tpu.memory_space<vmem>>, %arg6: memref<4096xf32, #tpu.memory_space<vmem>>) attributes {dimension_semantics = [], scalar_prefetch = 0 : i64, scratch_operands = 0 : i64, tpu.core_type = #tpu.core_type<tc>} {
    %get3A = arith.constant 0 : index
    %get3A_0 = vector.load %arg0[%get3A] : memref<4096xf32, #tpu.memory_space<vmem>>, vector<4096xf32>
    %get3A_1 = arith.constant 0 : index
    %get3A_2 = vector.load %arg1[%get3A_1] : memref<4096xf32, #tpu.memory_space<vmem>>, vector<4096xf32>
    %mul3A = arith.constant 2.000000e+00 : f32
    %mul3A_3 = vector.broadcast %mul3A : f32 to vector<4096xf32>
    %mul3A_4 = arith.mulf %get3A_2, %mul3A_3 : vector<4096xf32>
    %get3A_5 = arith.constant 0 : index
    %get3A_6 = vector.load %arg2[%get3A_5] : memref<4096xf32, #tpu.memory_space<vmem>>, vector<4096xf32>
    %add3A = arith.addf %mul3A_4, %get3A_6 : vector<4096xf32>
    %mul3A_7 = arith.constant 0.333333343 : f32
    %mul3A_8 = vector.broadcast %mul3A_7 : f32 to vector<4096xf32>
    %mul3A_9 = arith.mulf %add3A, %mul3A_8 : vector<4096xf32>
    %sub3A = arith.constant 1.000000e+00 : f32
    %sub3A_10 = vector.broadcast %sub3A : f32 to vector<4096xf32>
    %sub3A_11 = arith.subf %sub3A_10, %get3A_0 : vector<4096xf32>
    %sub3A_12 = arith.constant 1.000000e+00 : f32
    %sub3A_13 = vector.broadcast %sub3A_12 : f32 to vector<4096xf32>
    %sub3A_14 = arith.subf %sub3A_13, %get3A_2 : vector<4096xf32>
    %max3A = arith.maximumf %sub3A_11, %sub3A_14 : vector<4096xf32>
    %get3A_15 = arith.constant 0 : index
    %get3A_16 = vector.load %arg3[%get3A_15] : memref<4096xf32, #tpu.memory_space<vmem>>, vector<4096xf32>
    %add3A_17 = arith.addf %max3A, %get3A_16 : vector<4096xf32>
    %mul3A_18 = arith.constant 0.333333343 : f32
    %mul3A_19 = vector.broadcast %mul3A_18 : f32 to vector<4096xf32>
    %mul3A_20 = arith.mulf %add3A_17, %mul3A_19 : vector<4096xf32>
    %mul3A_21 = arith.constant 2.000000e+00 : f32
    %mul3A_22 = vector.broadcast %mul3A_21 : f32 to vector<4096xf32>
    %mul3A_23 = arith.mulf %get3A_0, %mul3A_22 : vector<4096xf32>
    %get3A_24 = arith.constant 0 : index
    %get3A_25 = vector.load %arg4[%get3A_24] : memref<4096xf32, #tpu.memory_space<vmem>>, vector<4096xf32>
    %add3A_26 = arith.addf %mul3A_23, %get3A_25 : vector<4096xf32>
    %mul3A_27 = arith.constant 0.333333343 : f32
    %mul3A_28 = vector.broadcast %mul3A_27 : f32 to vector<4096xf32>
    %mul3A_29 = arith.mulf %add3A_26, %mul3A_28 : vector<4096xf32>
    %mul3A_30 = arith.constant 1.000000e-01 : f32
    %mul3A_31 = vector.broadcast %mul3A_30 : f32 to vector<4096xf32>
    %mul3A_32 = arith.mulf %mul3A_9, %mul3A_31 : vector<4096xf32>
    %mul3A_33 = arith.constant 5.000000e-01 : f32
    %mul3A_34 = vector.broadcast %mul3A_33 : f32 to vector<4096xf32>
    %mul3A_35 = arith.mulf %mul3A_20, %mul3A_34 : vector<4096xf32>
    %add3A_36 = arith.addf %mul3A_32, %mul3A_35 : vector<4096xf32>
    %mul3A_37 = arith.constant 2.000000e-01 : f32
    %mul3A_38 = vector.broadcast %mul3A_37 : f32 to vector<4096xf32>
    %mul3A_39 = arith.mulf %mul3A_29, %mul3A_38 : vector<4096xf32>
    %add3A_40 = arith.addf %add3A_36, %mul3A_39 : vector<4096xf32>
    %add3A_41 = arith.constant 9.99999997E-7 : f32
    %add3A_42 = vector.broadcast %add3A_41 : f32 to vector<4096xf32>
    %add3A_43 = arith.addf %add3A_40, %add3A_42 : vector<4096xf32>
    %swap3A = arith.constant 0 : index
    %swap3A_44 = vector.load %arg5[%swap3A] : memref<4096xf32, #tpu.memory_space<vmem>>, vector<4096xf32>
    tpu.vector_store %arg5[%swap3A], %add3A_43 {strides = array<i32>} : memref<4096xf32, #tpu.memory_space<vmem>>, vector<4096xf32>,
    %mul3A_45 = arith.constant 1.000000e-01 : f32
    %mul3A_46 = vector.broadcast %mul3A_45 : f32 to vector<4096xf32>
    %mul3A_47 = arith.mulf %mul3A_9, %mul3A_46 : vector<4096xf32>
    %mul3A_48 = arith.constant 5.000000e-01 : f32
    %mul3A_49 = vector.broadcast %mul3A_48 : f32 to vector<4096xf32>
    %mul3A_50 = arith.mulf %mul3A_20, %mul3A_49 : vector<4096xf32>
    %add3A_51 = arith.addf %mul3A_47, %mul3A_50 : vector<4096xf32>
    %mul3A_52 = arith.constant 5.000000e+00 : f32
    %mul3A_53 = vector.broadcast %mul3A_52 : f32 to vector<4096xf32>
    %mul3A_54 = arith.mulf %mul3A_29, %mul3A_53 : vector<4096xf32>
    %add3A_55 = arith.addf %add3A_51, %mul3A_54 : vector<4096xf32>
    %add3A_56 = arith.constant 9.99999997E-7 : f32
    %add3A_57 = vector.broadcast %add3A_56 : f32 to vector<4096xf32>
    %add3A_58 = arith.addf %add3A_55, %add3A_57 : vector<4096xf32>
    %swap3A_59 = arith.constant 0 : index
    %swap3A_60 = vector.load %arg6[%swap3A_59] : memref<4096xf32, #tpu.memory_space<vmem>>, vector<4096xf32>
    tpu.vector_store %arg6[%swap3A_59], %add3A_58 {strides = array<i32>} : memref<4096xf32, #tpu.memory_space<vmem>>, vector<4096xf32>,
    return
  }
}

</mosaic_0001>

<sc_bundles>
// kernel: kernel.5.cloned.1.call-start
scs
__scs_entry_jumppad:
0x0: {  	(pc) =	sbr.rel $0x88, $3  }
0x1: {  	(tag) =	ssettag $0x0;
	lr =	simm.s32 $0x1  }
0x2: {  	[smem:$0x3F98] =	sst lr;
	_ =	strace $0xD0000000  }
0x3: {  	_ = 	snop  }
0x4: {  	_ = 	snop  }
0x5: {  	_ = 	snop  }
0x6: {  	_ = 	snop  }
0x7: {  	_ = 	snop  }
__scs_overlays_trampoline_lowered:
0x8: {  	[smem:$0x3FA7] =	sst s0  }
0x9: {  	[smem:$0x3FA8] =	sst s1  }
0xa: {  	[smem:$0x3FA9] =	sst s2  }
0xb: {  	[smem:$0x3FAA] =	sst s3  }
0xc: {  	[smem:$0x3FAB] =	sst s4  }
0xd: {  	[smem:$0x3FAC] =	sst s5  }
0xe: {  	[smem:$0x3FAD] =	sst s6  }
0xf: {  	[smem:$0x3FAE] =	sst s7  }
0x10: {  	[smem:$0x3FAF] =	sst s8  }
0x11: {  	[smem:$0x3FB0] =	sst s9;
	s0 =	simm.s32 @!p0 $0x0  }
0x12: {  	s1 =	sld [smem:$0x3F96];
	s0 =	simm.s32 @p0 $0x1  }
0x13: {  	[smem:$0x3FB1] =	sst s0;
	s0 =	simm.s32 @!p1 $0x0  }
0x14: {  	s2 =	sld [smem:$0x3F95];
	s0 =	simm.s32 @p1 $0x1  }
0x15: {  	[smem:$0x3FB2] =	sst s0;
	s0 =	simm.s32 @!p2 $0x0  }
0x16: {  	s3 =	sld [smem:$0x3FDB];
	s0 =	simm.s32 @p2 $0x1  }
0x17: {  	s4 =	simm.s32 $0x1BF5;
	[smem:$0x3FB4] =	sst s0  }
0x18: {  	s0 =	sld [smem:$0x3F97];
	_ =	swait.ge [sflag:s4], $0x0  }
0x19: {  	s7 =	sld [smem:$0x3F98]  }
0x1a: {  	s8 =	sadd.s32 $0xFFFFE003, lr  }
0x1b: {  	s9 =	sadd.s32 $0xFFFFFEF7, lr;
	s5 =	simm.s32 $0xFFFFFFFF;
	p2 =	slt.u32 s8, $0xFFFFF086  }
0x1c: {  	p1 =	slt.u32 s9, $0xF7A;
	s5 =	simm.s32 @!p2 $0x0  }
0x1d: {  	s5 =	simm.s32 @p1 $0x1;
	p0 =	seq.s32 s7, s2  }
0x1e: {  	s7 =	smul.u32 @!p0 $0xF7A, s2;
	p2 =	seq.s32 @!p0 s5, $0x0  }
0x1f: {  	s9 =	smul.u32 $0xF7A, s1;
	s8 =	simm.s32 @!p0 $0x1BF5;
	p2 =	por !p2, p0  }
0x20: {  	[sflag:s8] =	ssyncset.s32 @!p0 $0xFFFFF086;
	s6 =	sadd.s32 @!p0 s3, s7;
	s7 =	simm.s32 @!p0 $0x108  }
0x21: {  	s3 =	sadd.s32 s3, s9;
	s6 =	sadd.s32 @!p0 $0x88, s6;
	s7 =	simm.s32 @p2 $0x1082  }
0x22: {  	[simem:s7], [sflag:s8] =	dma.local @!p0 [hbm:s6], $0xF7A  }
0x23: {  	s9 =	sor.u32 $0xD0000000, s2;
	s6 =	simm.s32 $0x108;
	_ =	swait.ge @!p0 [sflag:s8], $0x0  }
0x24: {  	s3 =	sadd.s32 $0x88, s3;
	s6 =	simm.s32 @!p1 $0x1082;
	[sflag:s4] =	ssyncset.s32 $0xFFFFF086  }
0x25: {  	[simem:s6], [sflag:s4] =	dma.local [hbm:s3], $0xF7A  }
0x26: {  	[smem:$0x3F98] =	sst s1;
	(tag) =	ssettag s2;
	_ =	strace s9  }
0x27: {  	s1 =	sld [smem:$0x3FA8]  }
0x28: {  	s2 =	sld [smem:$0x3FA9]  }
0x29: {  	s4 =	sld [smem:$0x3FAB]  }
0x2a: {  	p0 =	seq.s32 s5, $0x0;
	s5 =	sld [smem:$0x3FAC]  }
0x2b: {  	s6 =	sld [smem:$0x3FAD]  }
0x2c: {  	s7 =	sld [smem:$0x3FAE]  }
0x2d: {  	s3 =	simm.s32 $0x108;
	s8 =	sld [smem:$0x3FAF]  }
0x2e: {  	s3 =	simm.s32 @!p0 $0x1082;
	s9 =	sld [smem:$0x3FB0]  }
0x2f: {  	lr =	sadd.s32 s0, s3;
	s0 =	sld [smem:$0x3FA7]  }
0x30: {  	s3 =	sld [smem:$0x3FAA]  }
0x31: {  	[smem:$0x3FB3] =	sst s10  }
0x32: {  	s10 =	sld [smem:$0x3FB1];
	_ =	sdelay $0x3  }
0x33: {  	p0 =	seq.s32 s10, $0x1;
	s10 =	sld [smem:$0x3FB3];
	_ =	sdelay $0x3  }
0x34: {  	[smem:$0x3FB3] =	sst s10  }
0x35: {  	s10 =	sld [smem:$0x3FB2];
	_ =	sdelay $0x3  }
0x36: {  	p1 =	seq.s32 s10, $0x1;
	s10 =	sld [smem:$0x3FB3];
	_ =	sdelay $0x3  }
0x37: {  	[smem:$0x3FB3] =	sst s10  }
0x38: {  	s10 =	sld [smem:$0x3FB4]  }
0x39: {  	_ = 	snop;
	(pc) =	sbr.ind lr, $3  }
0x3a: {  	_ = 	snop  }
0x3b: {  	_ = 	snop  }
0x3c: {  	p2 =	seq.s32 s10, $0x1;
	s10 =	sld [smem:$0x3FB3]  }
0x3d: {  	_ =	shalt  }
0x3e: {  	_ =	shalt  }
0x3f: {  	_ =	shalt  }
0x40: {  	_ =	shalt  }
0x41: {  	_ =	shalt  }
0x42: {  	_ =	shalt  }
0x43: {  	_ =	shalt  }
0x44: {  	_ =	shalt  }
0x45: {  	_ =	shalt  }
0x46: {  	_ =	shalt  }
0x47: {  	_ =	shalt  }
0x48: {  	_ =	shalt  }
0x49: {  	_ =	shalt  }
0x4a: {  	_ =	shalt  }
0x4b: {  	_ =	shalt  }
0x4c: {  	_ =	shalt  }
0x4d: {  	_ =	shalt  }
0x4e: {  	_ =	shalt  }
0x4f: {  	_ =	shalt  }
0x50: {  	_ =	shalt  }
0x51: {  	_ =	shalt  }
0x52: {  	_ =	shalt  }
0x53: {  	_ =	shalt  }
0x54: {  	_ =	shalt  }
0x55: {  	_ =	shalt  }
0x56: {  	_ =	shalt  }
0x57: {  	_ =	shalt  }
0x58: {  	_ =	shalt  }
0x59: {  	_ =	shalt  }
0x5a: {  	_ =	shalt  }
0x5b: {  	_ =	shalt  }
0x5c: {  	_ =	shalt  }
0x5d: {  	_ =	shalt  }
0x5e: {  	_ =	shalt  }
0x5f: {  	_ =	shalt  }
0x60: {  	_ =	shalt  }
0x61: {  	_ =	shalt  }
0x62: {  	_ =	shalt  }
0x63: {  	_ =	shalt  }
0x64: {  	_ =	shalt  }
0x65: {  	_ =	shalt  }
0x66: {  	_ =	shalt  }
0x67: {  	_ =	shalt  }
0x68: {  	_ =	shalt  }
0x69: {  	_ =	shalt  }
0x6a: {  	_ =	shalt  }
0x6b: {  	_ =	shalt  }
0x6c: {  	_ =	shalt  }
0x6d: {  	_ =	shalt  }
0x6e: {  	_ =	shalt  }
0x6f: {  	_ =	shalt  }
0x70: {  	_ =	shalt  }
0x71: {  	_ =	shalt  }
0x72: {  	_ =	shalt  }
0x73: {  	_ =	shalt  }
0x74: {  	_ =	shalt  }
0x75: {  	_ =	shalt  }
0x76: {  	_ =	shalt  }
0x77: {  	_ =	shalt  }
0x78: {  	_ =	shalt  }
0x79: {  	_ =	shalt  }
0x7a: {  	_ =	shalt  }
0x7b: {  	_ =	shalt  }
0x7c: {  	_ =	shalt  }
0x7d: {  	_ =	shalt  }
0x7e: {  	_ =	shalt  }
0x7f: {  	_ =	shalt  }
0x80: {  	_ =	shalt  }
0x81: {  	_ =	shalt  }
0x82: {  	_ =	shalt  }
0x83: {  	_ =	shalt  }
0x84: {  	_ =	shalt  }
0x85: {  	_ =	shalt  }
0x86: {  	_ =	shalt  }
0x87: {  	_ =	shalt  }
.Lfunc_end0:
.L_simem_size_0:
called_computation_lowered:
.L_overlay_start_0:
0x88: {  	s2 =	sld [smem:$0x3FD9]  }
0x89: {  	s3 =	sld [smem:$0x3FFE];
	_ =	sdelay $0x1  }
0x8a: {  	s1 =	srdreg.scid  }
0x8b: {  	s0 =	sand.u32 $0x1, s1  }
0x8c: {  	s17 =	sshll.u32 s0, $0xA;
	s2 =	sadd.s32 s3, s2  }
0x8d: {  	s2 =	sadd.s32 s2, s17  }
0x8e: {  	[smem:$0x3FBF] =	sst s2  }
0x8f: {  	_ = 	snop  }
0x90: {  	s2 =	sld [smem:$0x3FC7]  }
0x91: {  	s18 =	sld [smem:$0x3FD0];
	(tm) =	ssettm $0x1  }
0x92: {  	s4 =	sld [smem:$0x3FFB];
	_ =	sdelay $0x3  }
0x93: {  	_ =	strace s4  }
0x94: {  	s4 =	sld [smem:$0x3FFC];
	_ =	sdelay $0x3  }
0x95: {  	_ =	strace s4  }
0x96: {  	s4 =	sld [smem:$0x3FFD];
	_ =	sdelay $0x3  }
0x97: {  	_ =	strace s4  }
0x98: {  	_ =	strace $0x8FFFFFFF  }
0x99: {  	s19 =	sld [smem:$0x3FDB];
	_ =	sdelay $0x1  }
0x9a: {  	s5 =	simm.s32 $_scs_section_size  }
0x9b: {  	s6 =	simm.s32 $_size__tile_overlayer_lowered;
	s7 =	simm.s32 $_tile_overlayer_lowered  }
0x9c: {  	s22 =	simm.s32 $0x1BFF;
	s21 =	sshll.u32 s7, $0x1;
	s4 =	sadd.s32 s5, s19  }
0x9d: {  	s8 =	simm.s32 $0x0;
	s20 =	sshll.u32 s6, $0x1;
	s6 =	sadd.s32 s21, s4  }
0x9e: {  	[timem:s8], [sflag:s22] =	dma.local [hbm:s6], s20  }
0x9f: {  	_ =	swait.ge [sflag:s22], s20  }
0xa0: {  	s5 =	ssub.s32 $0x0, s20;
	[sflag:s22] =	ssyncset.done $0x0  }
0xa1: {  	[sflag:s22] =	ssyncadd.s32 s5;
	_ =	sdelay $0x1  }
0xa2: {  	s23 =	simm.s32 $0x1B8B  }
0xa3: {  	_ =	swait.ge [sflag:s23], $0x1  }
0xa4: {  	[sflag:s23] =	ssyncset.done $0x0  }
0xa5: {  	s25 =	simm.s32 $0x1B8E;
	s24 =	sld [smem:$0x3FFE];
	[sflag:s23] =	ssyncadd.s32 $0xFFFFFFFF  }
0xa6: {  	s26 =	simm.s32 $execute0_lowered;
	[smem:$0x3FD2] =	sst s25  }
0xa7: {  	s6 =	sshll.u32 s26, $0x1;
	_ =	strace $0x80000046;
	[dreg:$0x1] =	wrdreg $0xFFFFFFFF  }
0xa8: {  	s28 =	simm.s32 $_size_execute0_lowered;
	s4 =	sadd.s32 s4, s6;
	[dreg:$0x0] =	wrdreg $0x0  }
0xa9: {  	s6 =	sshll.u32 s28, $0x1;
	[dreg:$0x2] =	wrdreg s4  }
0xaa: {  	[dreg:$0x3] =	wrdreg s6  }
0xab: {  	[dreg:$0x4] =	wrdreg $0xC0  }
0xac: {  	_ =	task [dreg:s8], $0x5FFFF  }
0xad: {  	[dreg:$0x1] =	wrdreg $0xFFFFFFFF  }
0xae: {  	[dreg:$0x0] =	wrdreg $0x60  }
0xaf: {  	[dreg:$0x2] =	wrdreg s18  }
0xb0: {  	[dreg:$0x3] =	wrdreg s2  }
0xb1: {  	[dreg:$0x4] =	wrdreg s24  }
0xb2: {  	[dreg:$0x5] =	wrdreg $0x9  }
0xb3: {  	_ =	task.clear_ibuf [dreg:s8], $0x6FFFF;
	_ =	strace $0x90000046  }
0xb4: {  	s29 =	simm.s32 $0x9;
	_ =	strace $0x80000048  }
0xb5: {  	_ =	swait.ge [sflag:s29], $0x1  }
0xb6: {  	[sflag:s29] =	ssyncadd.s32 $0xFFFFFFFF  }
0xb7: {  	_ =	strace $0x90000048  }
0xb8: {  	_ =	sfence  }
0xb9: {  	s30 =	sld [smem:$0x0];
	_ =	sdelay $0x2  }
0xba: {  	s31 =	sshll.u32 s1, $0xD;
	s1 =	sshrl.u32 s1, $0x2  }
0xbb: {  	s3 =	sand.u32 $0x4000, s31;
	s1 =	sadd.s32 s1, s30  }
0xbc: {  	s0 =	sor.u32 s3, s0;
	s1 =	sshll.u32 s1, $0x11  }
0xbd: {  	s0 =	sor.u32 s1, s0  }
0xbe: {  	s0 =	sadd.s32 $0x8F2B, s0  }
0xbf: {  	[sflag:s0] =	ssyncadd.remote.s32 $0x1  }
0xc0: {  	_ =	sfence.sel $0xFFFF  }
0xc1: {  	[dreg:$0x0] =	wrdreg $0xFFFFFFFF;
	(pc) =	sbr.abs _section_cstart, $3  }
0xc2: {  	[dreg:$0x1] =	wrdreg $0xFFFFFFFF  }
0xc3: {  	_ =	task.clear_ibuf [dreg:s8], $0x2FFFF;
	_ =	strace $0x9FFFFFFF  }
0xc4: {  	(tm) =	ssettm $0x7FFFFFFF  }
0xc5: {  	_ =	shalt  }
tec
execute0_lowered:
.L_overlay_start_1:
0x0: {  	(tag) =	ssettag $0x1  }
0x1: {  	s0 =	rddreg [dreg:$0x2];
	s1 =	srdreg.scid  }
0x2: {  	s2 =	stileid.u32;
	s4 =	simm.s32 $0x0;
	s11 =	simm.s32 $0xA380  }
0x3: {  	s12 =	simm.s32 $0xB400;
	s13 =	simm.s32 $0x6180;
	s14 =	simm.s32 $0x7200  }
0x4: {  	s15 =	simm.s32 $0x8280;
	s16 =	simm.s32 $0x9300;
	s17 =	simm.s32 $0xB780  }
0x5: {  	s18 =	simm.s32 $0x3000;
	s19 =	simm.s32 $0x4080;
	s20 =	simm.s32 $0x5100  }
0x6: {  	s21 =	simm.s32 $0xB480;
	s22 =	simm.s32 $0xB500;
	s23 =	simm.s32 $0xB580  }
0x7: {  	s24 =	simm.s32 $0xB600;
	s1 =	sand.u32 $0x1, s1;
	s2 =	sshll.u32 s2, $0x8  }
0x8: {  	[smem:$0x7FF] =	sst s4;
	s3 =	sshll.u32 s1, $0x7;
	s1 =	ssub.s32 $0x2, s1  }
0x9: {  	s28 =	sadd.s32 $0x1C00, s0;
	s5 =	sor.u32 s3, s2;
	s29 =	sshrl.u32 s1, $0x1  }
0xa: {  	_ =	strace $0x80000047;
	s2 =	sshrl.u32 s5, $0x3;
	s1 =	ssub.s32 s1, s29  }
0xb: {  	v0 =	vlaneseq.u32;
	[dreg:$0x4] =	wrdreg s28;
	s0 =	sadd.s32 s2, s0;
	s31 =	smax.u32 s1, $0x1  }
0xc: {  	s25 =	simm.s32 $0xB680;
	v1 =	vmul.u32 $0x3, v0;
	s30 =	sadd.s32 $0x1E00, s0;
	[dreg:$0x7] =	wrdreg s31  }
0xd: {  	s26 =	simm.s32 $0xB700;
	s0 =	sadd.s32 $0x2000, s0;
	[dreg:$0x5] =	wrdreg s30  }
0xe: {  	v4 =	vimm.s32 $0xF;
	v2 =	vadd.s32 $0x1, v1;
	v3 =	vadd.s32 $0x2, v1;
	s1 =	simm.s32 $0x1;
	s2 =	simm.s32 $0x0;
	[dreg:$0x6] =	wrdreg s0  }
.LBB2_1:
0xf: {  	[dreg:$0x8] =	wrdreg s2  }
0x10: {  	s0 =	rddreg [dreg:$0x0]  }
0x11: {  	[tilespmem:s4], [sflag:$0x1] =	stream.linear.gather [hbm4b:s0+s4], $0x3000, $0x38;
	[tilespmem:$0xB900] =	vst v63  }
0x12: {  	_ =	swait.ge [sflag:s1], $0x3000  }
0x13: {  	[sflag:s1] =	ssyncset.done $0x0  }
0x14: {  	[sflag:s1] =	ssyncadd.s32 $0xFFFFD000  }
0x15: {  	s9 =	rddreg [dreg:$0x1]  }
0x16: {  	[tilespmem:s11], [sflag:$0x1] =	stream.linear.gather [hbm4b:s9+s4], $0x1000, $0x38;
	[tilespmem:$0xB900] =	vst v63  }
0x17: {  	_ =	swait.ge [sflag:s1], $0x1000  }
0x18: {  	[sflag:s1] =	ssyncset.done $0x0  }
0x19: {  	v5 =	vadd.s32 s4, v1;
	s10 =	rddreg [dreg:$0x4];
	[sflag:s1] =	ssyncadd.s32 $0xFFFFF000  }
0x1a: {  	v6 =	vadd.s32 s4, v2;
	[tilespmem:s12], [sflag:$0x1] =	stream.linear.gather [hbm4b:s10+s4], $0x80, $0x38;
	[tilespmem:$0xB900] =	vst v63  }
0x1b: {  	_ =	swait.ge [sflag:s1], $0x80  }
0x1c: {  	v7 =	vadd.s32 s4, v3;
	[sflag:s1] =	ssyncset.done $0x0  }
0x1d: {  	[sflag:s1] =	ssyncadd.s32 $0xFFFFFF80  }
0x1e: {  	v5 =	vld.idx.msk [tilespmem:v5+s4+$0x0], $0xffff  }
0x1f: {  	v6 =	vld.idx.msk [tilespmem:v6+s4+$0x0], $0xffff;
	_ =	sdelay $0x1  }
0x20: {  	v7 =	vld.idx.msk [tilespmem:v7+s4+$0x0], $0xffff;
	_ =	sdelay $0x2  }
0x21: {  	v8 =	vmul.f32 v5, v5;
	v9 =	vmul.f32 v6, v6  }
0x22: {  	v10 =	vshrl.u32 v5, $0x10  }
0x23: {  	v11 =	vshrl.u32 v6, $0x10;
	v8 =	vadd.f32 v9, v8;
	v9 =	vmul.f32 v7, v7  }
0x24: {  	[tilespmem:s18+$0x0] =	vst v5;
	v12 =	vshrl.u32 v7, $0x10;
	v10 =	vand.u32 $0x1, v10;
	v11 =	vand.u32 $0x1, v11  }
0x25: {  	[tilespmem:s19+$0x0] =	vst v6;
	v5 =	vadd.s32 v10, v5;
	v6 =	vadd.s32 v11, v6;
	v8 =	vadd.f32 v9, v8  }
0x26: {  	s30 =	simm.s32 $0x30;
	s31 =	simm.s32 $0x60;
	[tilespmem:s20+$0x0] =	vst v7;
	v5 =	vadd.s32 $0x7FFF, v5;
	v6 =	vadd.s32 $0x7FFF, v6;
	v9 =	vand.u32 $0x1, v12  }
0x27: {  	s3 =	simm.s32 $0x6190;
	s2 =	simm.s32 $0x8290;
	s8 =	simm.s32 $0x4090;
	v7 =	vadd.s32 v9, v7;
	[tilespmem:s16+$0x0] =	vst v8;
	v8 =	vand.u32 $0xFFFF0000, v5;
	v5 =	vadd.s32 s30, v1  }
0x28: {  	s7 =	simm.s32 $0x5110;
	s6 =	simm.s32 $0x9310;
	s29 =	simm.s32 $0x8280;
	v9 =	vand.u32 $0xFFFF0000, v6;
	v6 =	vadd.s32 s30, v2;
	v7 =	vadd.s32 $0x7FFF, v7;
	[tilespmem:s13+$0x0] =	vst v8  }
0x29: {  	s28 =	simm.s32 $0x0;
	s9 =	simm.s32 $0x3000;
	s1 =	simm.s32 $0x7210;
	v8 =	vand.u32 $0xFFFF0000, v7;
	v7 =	vadd.s32 s30, v3;
	[tilespmem:s14+$0x0] =	vst v9  }
.LBB2_2:
0x2a: {  	s0 =	simm.s32 $0x0;
	s9 =	sadd.s32 $0x10, s9;
	s4 =	smov.u32 s31  }
0x2b: {  	[tilespmem:s29+$0x0] =	vst v8;
	s30 =	sadd.s32 $0x30, s31;
	s10 =	smov.u32 s1;
	s29 =	smov.u32 s2  }
0x2c: {  	p0 =	sne.s32 s31, $0x2FD0;
	v5 =	vld.idx.msk [tilespmem:v5+s28+$0x0], $0xffff  }
0x2d: {  	v6 =	vld.idx.msk [tilespmem:v6+s28+$0x0], $0xffff;
	_ =	sdelay $0x1  }
0x2e: {  	v7 =	vld.idx.msk [tilespmem:v7+s28+$0x0], $0xffff;
	s28 =	smov.u32 s0;
	_ =	sdelay $0x2  }
0x2f: {  	v8 =	vshrl.u32 v5, $0x10;
	[tilespmem:s9+$0x0] =	vst v5  }
0x30: {  	v9 =	vmul.f32 v5, v5;
	v10 =	vmul.f32 v6, v6;
	v11 =	vshrl.u32 v6, $0x10  }
0x31: {  	v8 =	vand.u32 $0x1, v8;
	v11 =	vand.u32 $0x1, v11;
	[tilespmem:s8+$0x0] =	vst v6  }
0x32: {  	v9 =	vadd.f32 v10, v9;
	v10 =	vmul.f32 v7, v7;
	v12 =	vshrl.u32 v7, $0x10;
	[tilespmem:s7+$0x0] =	vst v7  }
0x33: {  	v5 =	vadd.s32 v8, v5;
	v6 =	vadd.s32 v11, v6;
	v8 =	vand.u32 $0x1, v12  }
.Ltmp0:
0x34: {  	v9 =	vadd.f32 v10, v9;
	v10 =	vadd.s32 $0x7FFF, v5;
	v7 =	vadd.s32 v8, v7;
	(pc) =	sbr.rel @p0 .LBB2_2-.Ltmp0, $4  }
0x35: {  	v11 =	vadd.s32 $0x7FFF, v6;
	v5 =	vadd.s32 s4, v1;
	v7 =	vadd.s32 $0x7FFF, v7  }
0x36: {  	s1 =	sadd.s32 $0x10, s1;
	v6 =	vadd.s32 s4, v2;
	v8 =	vand.u32 $0xFFFF0000, v7;
	[tilespmem:s6+$0x0] =	vst v9;
	v9 =	vand.u32 $0xFFFF0000, v10  }
0x37: {  	s2 =	sadd.s32 $0x10, s2;
	s31 =	smov.u32 s30;
	[tilespmem:s3+$0x0] =	vst v9;
	v9 =	vand.u32 $0xFFFF0000, v11;
	s3 =	sadd.s32 $0x10, s3  }
0x38: {  	s8 =	sadd.s32 $0x10, s8;
	s7 =	sadd.s32 $0x10, s7;
	v7 =	vadd.s32 s4, v3;
	s6 =	sadd.s32 $0x10, s6;
	[tilespmem:s10+$0x0] =	vst v9  }
0x39: {  	_ =	sdelay $0x2  }
0x3a: {  	[tilespmem:s29+$0x0] =	vst v8  }
0x3b: {  	v5 =	vld.idx.msk [tilespmem:v5+s28+$0x0], $0xffff  }
0x3c: {  	v6 =	vld.idx.msk [tilespmem:v6+s28+$0x0], $0xffff;
	_ =	sdelay $0x1  }
0x3d: {  	v7 =	vld.idx.msk [tilespmem:v7+s28+$0x0], $0xffff;
	_ =	sdelay $0x2  }
0x3e: {  	v61 =	vmul.f32 v5, v5;
	v9 =	vmul.f32 v6, v6;
	_ =	sdelay $0x1  }
0x3f: {  	s4 =	sadd.s32 $0x10, s9;
	v10 =	vshrl.u32 v5, $0x10;
	v62 =	vmul.f32 v7, v7;
	v8 =	vadd.f32 v9, v61  }
0x40: {  	v11 =	vshrl.u32 v6, $0x10;
	[tilespmem:s4+$0x0] =	vst v5;
	v12 =	vshrl.u32 v7, $0x10;
	v10 =	vand.u32 $0x1, v10  }
0x41: {  	v11 =	vand.u32 $0x1, v11;
	[tilespmem:s8+$0x0] =	vst v6;
	v5 =	vadd.s32 v10, v5;
	v8 =	vadd.f32 v62, v8  }
.Ltmp1:
0x42: {  	v63 =	vand.u32 $0x1, v12;
	[tilespmem:s7+$0x0] =	vst v7;
	v6 =	vadd.s32 v11, v6;
	v5 =	vadd.s32 $0x7FFF, v5;
	(pc) =	sbr.rel .LBB2_4-.Ltmp1, $4  }
0x43: {  	v7 =	vadd.s32 v63, v7;
	v6 =	vadd.s32 $0x7FFF, v6;
	v5 =	vand.u32 $0xFFFF0000, v5;
	[tilespmem:s6+$0x0] =	vst v8  }
0x44: {  	v7 =	vadd.s32 $0x7FFF, v7;
	[tilespmem:s3+$0x0] =	vst v5;
	v5 =	vand.u32 $0xFFFF0000, v6  }
0x45: {  	v6 =	vand.u32 $0xFFFF0000, v7;
	[tilespmem:s1+$0x0] =	vst v5  }
0x46: {  	[tilespmem:s2+$0x0] =	vst v6  }
.LBB2_5:
0x47: {  	v11 =	vimm.s32 $0x0;
	v12 =	vimm.f32 $+Inf  }
0x48: {  	v10 =	vimm.f32 $+Inf;
	v9 =	vimm.s32 $0x0;
	v8 =	vimm.f32 $+Inf  }
0x49: {  	v7 =	vimm.s32 $0x0;
	v6 =	vimm.f32 $+Inf;
	v5 =	vimm.s32 $0x0  }
.LBB2_15:
0x4a: {  	v13 =	vshrl.u32 v12, $0x1;
	v14 =	vmul.f32 $5.000000000e-01, v12  }
0x4b: {  	v13 =	vsub.s32 $0x5F3759DF, v13  }
0x4c: {  	v15 =	vmul.f32 v13, v14;
	_ =	sdelay $0x1  }
0x4d: {  	v15 =	vmul.f32 v13, v15;
	_ =	sdelay $0x1  }
0x4e: {  	v15 =	vsub.f32 $1.500000000e+00, v15;
	_ =	sdelay $0x1  }
0x4f: {  	v13 =	vmul.f32 v13, v15;
	_ =	sdelay $0x1  }
0x50: {  	v15 =	vmul.f32 v13, v14;
	_ =	sdelay $0x1  }
0x51: {  	v15 =	vmul.f32 v15, v13;
	_ =	sdelay $0x1  }
0x52: {  	v15 =	vsub.f32 $1.500000000e+00, v15;
	_ =	sdelay $0x1  }
0x53: {  	v13 =	vmul.f32 v15, v13;
	_ =	sdelay $0x1  }
0x54: {  	v14 =	vmul.f32 v13, v14;
	_ =	sdelay $0x1  }
0x55: {  	v14 =	vmul.f32 v14, v13;
	_ =	sdelay $0x1  }
0x56: {  	v14 =	vsub.f32 $1.500000000e+00, v14;
	_ =	sdelay $0x1  }
0x57: {  	v13 =	vmul.f32 v14, v13;
	_ =	sdelay $0x1  }
0x58: {  	v26 =	vmul.f32 v13, v12;
	_ =	sdelay $0x1  }
0x59: {  	(xrf2) =	vadd.scan.msk.f32 $0xffff, v26;
	_ =	sdelay $0x6  }
0x5a: {  	v27 =	vmov s1  }
0x5b: {  	v12 =	vand.u32 $0xFFFFFFFC, v27  }
0x5c: {  	v12 =	vbroadcast v12, $0x0  }
0x5d: {  	v28, _, _ =	vpop (xrf2)  }
0x5e: {  	v13 =	vperm.xlane v28, v4;
	_ =	sdelay $0x1  }
0x5f: {  	v13 =	vmul.f32 $6.250000000e-02, v13;
	_ =	sdelay $0x1  }
0x60: {  	[tilespmem:v12+s17+$0x0] =	vst.idx.msk $0x1, v13  }
0x61: {  	v13 =	vld.idx.msk [tilespmem:v11+s18+$0x0], $0xffff  }
0x62: {  	v31 =	vshrl.u32 v10, $0x1;
	v16 =	vmul.f32 $5.000000000e-01, v10;
	v29 =	vld.idx.msk [tilespmem:v11+s19+$0x0], $0xffff  }
0x63: {  	v15 =	vsub.s32 $0x5F3759DF, v31;
	v30 =	vld.idx.msk [tilespmem:v11+s20+$0x0], $0xffff  }
0x64: {  	v17 =	vmul.f32 v15, v16;
	_ =	sdelay $0x1  }
0x65: {  	v17 =	vmul.f32 v15, v17;
	(xrf2) =	vadd.scan.msk.f32 $0xffff, v13  }
0x66: {  	(xrf2) =	vadd.scan.msk.f32 $0xffff, v29  }
0x67: {  	v17 =	vsub.f32 $1.500000000e+00, v17;
	(xrf2) =	vadd.scan.msk.f32 $0xffff, v30;
	_ =	sdelay $0x1  }
0x68: {  	v15 =	vmul.f32 v15, v17;
	_ =	sdelay $0x1  }
0x69: {  	v17 =	vmul.f32 v15, v16;
	_ =	sdelay $0x1  }
0x6a: {  	v17 =	vmul.f32 v17, v15;
	_ =	sdelay $0x1  }
0x6b: {  	v17 =	vsub.f32 $1.500000000e+00, v17;
	v18, _, _ =	vpop (xrf2)  }
0x6c: {  	v18 =	vperm.xlane v18, v4;
	v19, _, _ =	vpop (xrf2)  }
0x6d: {  	v15 =	vmul.f32 v17, v15;
	v19 =	vperm.xlane v19, v4;
	v20, _, _ =	vpop (xrf2)  }
0x6e: {  	v18 =	vmul.f32 $6.250000000e-02, v18;
	v20 =	vperm.xlane v20, v4  }
0x6f: {  	v32 =	vmul.f32 $6.250000000e-02, v19  }
0x70: {  	v16 =	vmul.f32 v15, v16;
	v13 =	vsub.f32 v13, v18;
	v33 =	vmul.f32 $6.250000000e-02, v20  }
0x71: {  	v14 =	vsub.f32 v29, v32  }
0x72: {  	v16 =	vmul.f32 v16, v15;
	v11 =	vsub.f32 v30, v33;
	v34 =	vmul.f32 v13, v13  }
0x73: {  	v35 =	vmul.f32 v14, v14  }
0x74: {  	v16 =	vsub.f32 $1.500000000e+00, v16;
	(xrf2) =	vadd.scan.msk.f32 $0xffff, v34;
	v36 =	vmul.f32 v11, v11  }
0x75: {  	v37 =	vmul.f32 v14, v13;
	(xrf2) =	vadd.scan.msk.f32 $0xffff, v35  }
0x76: {  	v15 =	vmul.f32 v16, v15;
	v13 =	vmul.f32 v11, v13;
	(xrf2) =	vadd.scan.msk.f32 $0xffff, v36  }
0x77: {  	v11 =	vmul.f32 v11, v14;
	(xrf2) =	vadd.scan.msk.f32 $0xffff, v37  }
0x78: {  	v38 =	vmul.f32 v15, v10;
	(xrf2) =	vadd.scan.msk.f32 $0xffff, v13  }
0x79: {  	(xrf2) =	vadd.scan.msk.f32 $0xffff, v11  }
0x7a: {  	(xrf2) =	vadd.scan.msk.f32 $0xffff, v38;
	_ =	sdelay $0x2  }
0x7b: {  	s2 =	sor.u32 $0x1, s1  }
0x7c: {  	v43 =	vmov s2;
	v39, _, _ =	vpop (xrf2)  }
0x7d: {  	v15 =	vand.u32 $0xFFFFFFFD, v43;
	v40, _, _ =	vpop (xrf2);
	v10 =	vperm.xlane v39, v4  }
0x7e: {  	v15 =	vbroadcast v15, $0x0;
	v11 =	vperm.xlane v40, v4;
	v41, _, _ =	vpop (xrf2)  }
0x7f: {  	v13 =	vperm.xlane v41, v4;
	v10 =	vmul.f32 $6.666667010e-02, v10;
	v42, _, _ =	vpop (xrf2)  }
0x80: {  	v11 =	vmul.f32 $6.666667010e-02, v11;
	v14 =	vperm.xlane v42, v4;
	v44, _, _ =	vpop (xrf2)  }
0x81: {  	v13 =	vmul.f32 $6.666667010e-02, v13;
	[tilespmem:v12+s21+$0x0] =	vst.idx.msk $0x1, v10;
	v45 =	vperm.xlane v44, v4;
	v46, _, _ =	vpop (xrf2)  }
0x82: {  	[tilespmem:v12+s22+$0x0] =	vst.idx.msk $0x1, v11;
	v47 =	vmul.f32 $6.666667010e-02, v14;
	v48 =	vperm.xlane v46, v4;
	v49, _, _ =	vpop (xrf2)  }
0x83: {  	[tilespmem:v12+s23+$0x0] =	vst.idx.msk $0x1, v13;
	v10 =	vmul.f32 $6.666667010e-02, v45;
	v50 =	vperm.xlane v49, v4  }
0x84: {  	[tilespmem:v12+s24+$0x0] =	vst.idx.msk $0x1, v47;
	v51 =	vmul.f32 $6.666667010e-02, v48  }
0x85: {  	[tilespmem:v12+s25+$0x0] =	vst.idx.msk $0x1, v10;
	v52 =	vmul.f32 $6.250000000e-02, v50  }
0x86: {  	[tilespmem:v12+s26+$0x0] =	vst.idx.msk $0x1, v51  }
0x87: {  	[tilespmem:v15+s17+$0x0] =	vst.idx.msk $0x1, v52  }
0x88: {  	v10 =	vld.idx.msk [tilespmem:v9+s18+$0x0], $0xffff  }
0x89: {  	v54 =	vshrl.u32 v8, $0x1;
	v55 =	vmul.f32 $5.000000000e-01, v8;
	v11 =	vld.idx.msk [tilespmem:v9+s19+$0x0], $0xffff  }
0x8a: {  	v12 =	vsub.s32 $0x5F3759DF, v54;
	v53 =	vld.idx.msk [tilespmem:v9+s20+$0x0], $0xffff  }
0x8b: {  	v56 =	vmul.f32 v12, v55;
	_ =	sdelay $0x1  }
0x8c: {  	v14 =	vmul.f32 v12, v56;
	(xrf2) =	vadd.scan.msk.f32 $0xffff, v10  }
0x8d: {  	(xrf2) =	vadd.scan.msk.f32 $0xffff, v11  }
0x8e: {  	v14 =	vsub.f32 $1.500000000e+00, v14;
	(xrf2) =	vadd.scan.msk.f32 $0xffff, v53;
	_ =	sdelay $0x1  }
0x8f: {  	v12 =	vmul.f32 v12, v14;
	_ =	sdelay $0x1  }
0x90: {  	v14 =	vmul.f32 v12, v55;
	_ =	sdelay $0x1  }
0x91: {  	v14 =	vmul.f32 v14, v12;
	_ =	sdelay $0x1  }
0x92: {  	v14 =	vsub.f32 $1.500000000e+00, v14;
	v57, _, _ =	vpop (xrf2)  }
0x93: {  	v16 =	vperm.xlane v57, v4;
	v58, _, _ =	vpop (xrf2)  }
0x94: {  	v12 =	vmul.f32 v14, v12;
	v17 =	vperm.xlane v58, v4;
	v59, _, _ =	vpop (xrf2)  }
0x95: {  	v16 =	vmul.f32 $6.250000000e-02, v16;
	v18 =	vperm.xlane v59, v4  }
0x96: {  	v60 =	vmul.f32 $6.250000000e-02, v17  }
0x97: {  	v13 =	vmul.f32 v12, v55;
	v61 =	vmul.f32 $6.250000000e-02, v18;
	v10 =	vsub.f32 v10, v16  }
0x98: {  	v11 =	vsub.f32 v11, v60  }
0x99: {  	v13 =	vmul.f32 v13, v12;
	v9 =	vsub.f32 v53, v61;
	v62 =	vmul.f32 v10, v10  }
0x9a: {  	v63 =	vmul.f32 v11, v11  }
0x9b: {  	v13 =	vsub.f32 $1.500000000e+00, v13;
	(xrf2) =	vadd.scan.msk.f32 $0xffff, v62;
	v17 =	vmul.f32 v9, v9  }
0x9c: {  	v18 =	vmul.f32 v11, v10;
	(xrf2) =	vadd.scan.msk.f32 $0xffff, v63  }
0x9d: {  	v12 =	vmul.f32 v13, v12;
	v10 =	vmul.f32 v9, v10;
	(xrf2) =	vadd.scan.msk.f32 $0xffff, v17  }
0x9e: {  	v9 =	vmul.f32 v9, v11;
	(xrf2) =	vadd.scan.msk.f32 $0xffff, v18  }
0x9f: {  	v19 =	vmul.f32 v12, v8;
	(xrf2) =	vadd.scan.msk.f32 $0xffff, v10  }
0xa0: {  	(xrf2) =	vadd.scan.msk.f32 $0xffff, v9  }
0xa1: {  	(xrf2) =	vadd.scan.msk.f32 $0xffff, v19;
	_ =	sdelay $0x2  }
0xa2: {  	s30 =	sor.u32 $0x2, s1  }
0xa3: {  	v24 =	vmov s30;
	v20, _, _ =	vpop (xrf2)  }
0xa4: {  	v12 =	vand.u32 $0xFFFFFFFE, v24;
	v21, _, _ =	vpop (xrf2);
	v8 =	vperm.xlane v20, v4  }
0xa5: {  	v12 =	vbroadcast v12, $0x0;
	v9 =	vperm.xlane v21, v4;
	v22, _, _ =	vpop (xrf2)  }
0xa6: {  	v10 =	vperm.xlane v22, v4;
	v8 =	vmul.f32 $6.666667010e-02, v8;
	v23, _, _ =	vpop (xrf2)  }
0xa7: {  	v9 =	vmul.f32 $6.666667010e-02, v9;
	v11 =	vperm.xlane v23, v4;
	v25, _, _ =	vpop (xrf2)  }
0xa8: {  	v10 =	vmul.f32 $6.666667010e-02, v10;
	[tilespmem:v15+s21+$0x0] =	vst.idx.msk $0x1, v8;
	v26 =	vperm.xlane v25, v4;
	v27, _, _ =	vpop (xrf2)  }
0xa9: {  	[tilespmem:v15+s22+$0x0] =	vst.idx.msk $0x1, v9;
	v28 =	vmul.f32 $6.666667010e-02, v11;
	v29 =	vperm.xlane v27, v4;
	v30, _, _ =	vpop (xrf2)  }
0xaa: {  	[tilespmem:v15+s23+$0x0] =	vst.idx.msk $0x1, v10;
	v8 =	vmul.f32 $6.666667010e-02, v26;
	v31 =	vperm.xlane v30, v4  }
0xab: {  	[tilespmem:v15+s24+$0x0] =	vst.idx.msk $0x1, v28;
	v32 =	vmul.f32 $6.666667010e-02, v29  }
0xac: {  	[tilespmem:v15+s25+$0x0] =	vst.idx.msk $0x1, v8;
	v33 =	vmul.f32 $6.250000000e-02, v31  }
0xad: {  	[tilespmem:v15+s26+$0x0] =	vst.idx.msk $0x1, v32  }
0xae: {  	[tilespmem:v12+s17+$0x0] =	vst.idx.msk $0x1, v33  }
0xaf: {  	v8 =	vld.idx.msk [tilespmem:v7+s18+$0x0], $0xffff  }
0xb0: {  	v34 =	vshrl.u32 v6, $0x1;
	v35 =	vmul.f32 $5.000000000e-01, v6;
	v9 =	vld.idx.msk [tilespmem:v7+s19+$0x0], $0xffff  }
0xb1: {  	v10 =	vsub.s32 $0x5F3759DF, v34;
	v7 =	vld.idx.msk [tilespmem:v7+s20+$0x0], $0xffff  }
0xb2: {  	v36 =	vmul.f32 v10, v35;
	_ =	sdelay $0x1  }
0xb3: {  	v13 =	vmul.f32 v10, v36;
	(xrf2) =	vadd.scan.msk.f32 $0xffff, v8  }
0xb4: {  	(xrf2) =	vadd.scan.msk.f32 $0xffff, v9  }
0xb5: {  	v13 =	vsub.f32 $1.500000000e+00, v13;
	(xrf2) =	vadd.scan.msk.f32 $0xffff, v7;
	_ =	sdelay $0x1  }
0xb6: {  	v10 =	vmul.f32 v10, v13;
	_ =	sdelay $0x1  }
0xb7: {  	v13 =	vmul.f32 v10, v35;
	_ =	sdelay $0x1  }
0xb8: {  	v13 =	vmul.f32 v13, v10;
	_ =	sdelay $0x1  }
0xb9: {  	v13 =	vsub.f32 $1.500000000e+00, v13;
	v37, _, _ =	vpop (xrf2)  }
0xba: {  	v14 =	vperm.xlane v37, v4;
	v38, _, _ =	vpop (xrf2)  }
0xbb: {  	v10 =	vmul.f32 v13, v10;
	v15 =	vperm.xlane v38, v4;
	v39, _, _ =	vpop (xrf2)  }
0xbc: {  	v14 =	vmul.f32 $6.250000000e-02, v14;
	v16 =	vperm.xlane v39, v4  }
0xbd: {  	v40 =	vmul.f32 $6.250000000e-02, v15  }
0xbe: {  	v11 =	vmul.f32 v10, v35;
	v41 =	vmul.f32 $6.250000000e-02, v16;
	v8 =	vsub.f32 v8, v14  }
0xbf: {  	v9 =	vsub.f32 v9, v40  }
0xc0: {  	v11 =	vmul.f32 v11, v10;
	v7 =	vsub.f32 v7, v41;
	v42 =	vmul.f32 v8, v8  }
0xc1: {  	v43 =	vmul.f32 v9, v9  }
0xc2: {  	v11 =	vsub.f32 $1.500000000e+00, v11;
	(xrf2) =	vadd.scan.msk.f32 $0xffff, v42;
	v44 =	vmul.f32 v7, v7  }
0xc3: {  	v45 =	vmul.f32 v9, v8;
	(xrf2) =	vadd.scan.msk.f32 $0xffff, v43  }
0xc4: {  	v10 =	vmul.f32 v11, v10;
	v8 =	vmul.f32 v7, v8;
	(xrf2) =	vadd.scan.msk.f32 $0xffff, v44  }
0xc5: {  	v7 =	vmul.f32 v7, v9;
	(xrf2) =	vadd.scan.msk.f32 $0xffff, v45  }
0xc6: {  	v6 =	vmul.f32 v10, v6;
	(xrf2) =	vadd.scan.msk.f32 $0xffff, v8  }
0xc7: {  	(xrf2) =	vadd.scan.msk.f32 $0xffff, v7  }
0xc8: {  	(xrf2) =	vadd.scan.msk.f32 $0xffff, v6;
	_ =	sdelay $0x3  }
0xc9: {  	v6, _, _ =	vpop (xrf2)  }
0xca: {  	v6 =	vperm.xlane v6, v4;
	v7, _, _ =	vpop (xrf2)  }
0xcb: {  	v7 =	vperm.xlane v7, v4;
	v46, _, _ =	vpop (xrf2)  }
0xcc: {  	v6 =	vmul.f32 $6.666667010e-02, v6;
	v8 =	vperm.xlane v46, v4;
	v47, _, _ =	vpop (xrf2)  }
0xcd: {  	v7 =	vmul.f32 $6.666667010e-02, v7;
	v9 =	vperm.xlane v47, v4;
	v48, _, _ =	vpop (xrf2)  }
0xce: {  	s31 =	sor.u32 $0x3, s1;
	[tilespmem:v12+s21+$0x0] =	vst.idx.msk $0x1, v6;
	v6 =	vmul.f32 $6.666667010e-02, v8;
	v49 =	vperm.xlane v48, v4;
	v50, _, _ =	vpop (xrf2)  }
0xcf: {  	v53 =	vmov s31;
	[tilespmem:v12+s22+$0x0] =	vst.idx.msk $0x1, v7;
	v7 =	vmul.f32 $6.666667010e-02, v9;
	v51 =	vperm.xlane v50, v4;
	v52, _, _ =	vpop (xrf2)  }
0xd0: {  	[tilespmem:v12+s23+$0x0] =	vst.idx.msk $0x1, v6;
	v6 =	vmul.f32 $6.666667010e-02, v49;
	v54 =	vperm.xlane v52, v4  }
0xd1: {  	[tilespmem:v12+s24+$0x0] =	vst.idx.msk $0x1, v7;
	v7 =	vmul.f32 $6.666667010e-02, v51  }
0xd2: {  	[tilespmem:v12+s25+$0x0] =	vst.idx.msk $0x1, v6;
	v6 =	vmul.f32 $6.250000000e-02, v54  }
0xd3: {  	[tilespmem:v12+s26+$0x0] =	vst.idx.msk $0x1, v7  }
0xd4: {  	[tilespmem:v53+s17+$0x0] =	vst.idx.msk $0x1, v6  }
0xd5: {  	v6 =	vld.idx.msk [tilespmem:v5+s18+$0x0], $0xffff  }
0xd6: {  	v7 =	vld.idx.msk [tilespmem:v5+s19+$0x0], $0xffff  }
0xd7: {  	v5 =	vld.idx.msk [tilespmem:v5+s20+$0x0], $0xffff;
	_ =	sdelay $0x2  }
0xd8: {  	(xrf2) =	vadd.scan.msk.f32 $0xffff, v6  }
0xd9: {  	(xrf2) =	vadd.scan.msk.f32 $0xffff, v7  }
0xda: {  	(xrf2) =	vadd.scan.msk.f32 $0xffff, v5;
	_ =	sdelay $0x7  }
0xdb: {  	v55, _, _ =	vpop (xrf2)  }
0xdc: {  	v8 =	vperm.xlane v55, v4;
	v56, _, _ =	vpop (xrf2)  }
0xdd: {  	v9 =	vperm.xlane v56, v4;
	v57, _, _ =	vpop (xrf2)  }
0xde: {  	v8 =	vmul.f32 $6.250000000e-02, v8;
	v10 =	vperm.xlane v57, v4  }
0xdf: {  	v9 =	vmul.f32 $6.250000000e-02, v9  }
0xe0: {  	v10 =	vmul.f32 $6.250000000e-02, v10;
	v6 =	vsub.f32 v6, v8  }
0xe1: {  	v7 =	vsub.f32 v7, v9  }
0xe2: {  	v5 =	vsub.f32 v5, v10;
	v8 =	vmul.f32 v6, v6  }
0xe3: {  	v9 =	vmul.f32 v7, v7  }
0xe4: {  	(xrf2) =	vadd.scan.msk.f32 $0xffff, v8;
	v58 =	vmul.f32 v5, v5  }
0xe5: {  	v59 =	vmul.f32 v7, v6;
	(xrf2) =	vadd.scan.msk.f32 $0xffff, v9  }
0xe6: {  	v6 =	vmul.f32 v5, v6;
	(xrf2) =	vadd.scan.msk.f32 $0xffff, v58  }
0xe7: {  	v5 =	vmul.f32 v5, v7;
	(xrf2) =	vadd.scan.msk.f32 $0xffff, v59  }
0xe8: {  	(xrf2) =	vadd.scan.msk.f32 $0xffff, v6  }
0xe9: {  	(xrf2) =	vadd.scan.msk.f32 $0xffff, v5;
	_ =	sdelay $0x4  }
0xea: {  	v5, _, _ =	vpop (xrf2)  }
0xeb: {  	v6, _, _ =	vpop (xrf2);
	v5 =	vperm.xlane v5, v4  }
0xec: {  	v7, _, _ =	vpop (xrf2);
	v6 =	vperm.xlane v6, v4  }
0xed: {  	v60, _, _ =	vpop (xrf2);
	v5 =	vmul.f32 $6.666667010e-02, v5;
	v7 =	vperm.xlane v7, v4  }
0xee: {  	s0 =	sadd.s32 $0x1, s0;
	v61, _, _ =	vpop (xrf2);
	v6 =	vmul.f32 $6.666667010e-02, v6;
	v8 =	vperm.xlane v60, v4  }
0xef: {  	p0 =	sne.s32 s0, $0x20;
	[tilespmem:v53+s21+$0x0] =	vst.idx.msk $0x1, v5;
	v5 =	vmul.f32 $6.666667010e-02, v7;
	v7 =	vperm.xlane v61, v4;
	v62, _, _ =	vpop (xrf2)  }
.Ltmp2:
0xf0: {  	[tilespmem:v53+s22+$0x0] =	vst.idx.msk $0x1, v6;
	v6 =	vmul.f32 $6.666667010e-02, v8;
	v63 =	vperm.xlane v62, v4;
	(pc) =	sbr.rel @!p0 .LBB2_16-.Ltmp2, $4  }
0xf1: {  	[tilespmem:v53+s23+$0x0] =	vst.idx.msk $0x1, v5;
	v5 =	vmul.f32 $6.666667010e-02, v7  }
0xf2: {  	[tilespmem:v53+s24+$0x0] =	vst.idx.msk $0x1, v6;
	v6 =	vmul.f32 $6.666667010e-02, v63  }
0xf3: {  	[tilespmem:v53+s25+$0x0] =	vst.idx.msk $0x1, v5  }
0xf4: {  	[tilespmem:v53+s26+$0x0] =	vst.idx.msk $0x1, v6  }
.LBB2_4:
0xf5: {  	s1 =	sshll.u32 s0, $0x2  }
0xf6: {  	s2 =	sor.u32 s5, s1  }
0xf7: {  	v8 =	vmov s2;
	s3 =	sor.u32 $0x3, s2  }
0xf8: {  	v9 =	vmov s3;
	_ =	sdelay $0x3  }
0xf9: {  	v10 =	vld.idx.msk [tilespmem:v8+s11+$0x0], $0xffff  }
0xfa: {  	v11 =	vld.idx.msk [tilespmem:v9+s11+$0x0], $0xffff;
	_ =	sdelay $0x4  }
0xfb: {  	v5 =	vadd.s32 $0x1, v11;
	_ =	sdelay $0x2  }
0xfc: {  	v6 =	vld.idx.msk [tilespmem:v10+s12+$0x0], $0xffff;
	_ =	sdelay $0x1  }
0xfd: {  	v5 =	vld.idx.msk [tilespmem:v5+s12+$0x0], $0xffff;
	_ =	sdelay $0x2  }
0xfe: {  	(v2sf) =	vpush v6, $0x0;
	_ =	sdelay $0x1  }
0xff: {  	(v2sf) =	vpush v5, $0x0;
	_ =	sdelay $0x8  }
0x100: {  	s9 =	sor.u32 $0x1, s2  }
0x101: {  	s2 =	sor.u32 $0x2, s2;
	v12 =	vmov s9  }
0x102: {  	v13 =	vmov s2;
	v14 =	vld.idx.msk [tilespmem:v8+s13+$0x0], $0xffff  }
0x103: {  	v18 =	vld.idx.msk [tilespmem:v8+s14+$0x0], $0xffff  }
0x104: {  	v22 =	vld.idx.msk [tilespmem:v8+s15+$0x0], $0xffff;
	s10 =	spop (v2sf)  }
0x105: {  	v26 =	vld.idx.msk [tilespmem:v8+s16+$0x0], $0xffff;
	s28 =	sshra.s32 s10, $0x1F;
	s6 =	sand.u32 $0xF, s10;
	p0 =	slt.s32 s10, $0x1  }
0x106: {  	v15 =	vld.idx.msk [tilespmem:v12+s13+$0x0], $0xffff;
	s3 =	sshrl.u32 s28, $0x1C;
	p1 =	sne.s32 s6, $0x0;
	s4 =	spop (v2sf)  }
0x107: {  	v16 =	vld.idx.msk [tilespmem:v13+s13+$0x0], $0xffff;
	s6 =	simm.s32 $0x1;
	s3 =	sadd.s32 s3, s10;
	s4 =	sadd.s32 $0xF, s4  }
0x108: {  	v17 =	vld.idx.msk [tilespmem:v9+s13+$0x0], $0xffff;
	p0 =	por !p0, !p1;
	s30 =	sshra.s32 s3, $0x4;
	s29 =	sand.u32 $0xF, s4  }
0x109: {  	v19 =	vld.idx.msk [tilespmem:v12+s14+$0x0], $0xffff;
	p6 =	slt.s32 s4, $0x1;
	s31 =	sshra.s32 s4, $0x1F;
	p2 =	sne.s32 s29, $0x0  }
0x10a: {  	v20 =	vld.idx.msk [tilespmem:v13+s14+$0x0], $0xffff;
	p0 =	por !p0, !p0;
	s3 =	sshrl.u32 s31, $0x1C;
	p1 =	por !p6, !p2  }
0x10b: {  	v21 =	vld.idx.msk [tilespmem:v9+s14+$0x0], $0xffff;
	s3 =	sadd.s32 s3, s4;
	s4 =	simm.s32 $0x1;
	p1 =	por !p1, !p1  }
0x10c: {  	v23 =	vld.idx.msk [tilespmem:v12+s15+$0x0], $0xffff;
	s6 =	simm.s32 @!p0 $0x0;
	s7 =	sshra.s32 s3, $0x4;
	s4 =	simm.s32 @!p1 $0x0  }
0x10d: {  	v24 =	vld.idx.msk [tilespmem:v13+s15+$0x0], $0xffff;
	s3 =	ssub.s32 s30, s6;
	s2 =	ssub.s32 s7, s4  }
0x10e: {  	v25 =	vld.idx.msk [tilespmem:v9+s15+$0x0], $0xffff;
	p0 =	sge.s32 s3, s2  }
.Ltmp3:
0x10f: {  	v27 =	vld.idx.msk [tilespmem:v12+s16+$0x0], $0xffff;
	(pc) =	sbr.rel @p0 .LBB2_5-.Ltmp3, $4  }
0x110: {  	v28 =	vld.idx.msk [tilespmem:v13+s16+$0x0], $0xffff  }
0x111: {  	v29 =	vld.idx.msk [tilespmem:v9+s16+$0x0], $0xffff  }
0x112: {  	v30 =	vld.idx.msk [tilespmem:v12+s11+$0x0], $0xffff  }
0x113: {  	v31 =	vld.idx.msk [tilespmem:v13+s11+$0x0], $0xffff  }
0x114: {  	s4 =	sshll.u32 s3, $0x6  }
0x115: {  	s4 =	sshra.s32 s4, $0x2  }
0x116: {  	s7 =	sadd.s32 $0x6180, s4  }
0x117: {  	v7 =	vld [tilespmem:s7+$0x0]  }
0x118: {  	s9 =	sadd.s32 $0x7200, s4  }
0x119: {  	s28 =	sadd.s32 $0x8280, s4;
	v33 =	vld [tilespmem:s9+$0x0]  }
0x11a: {  	s10 =	sadd.s32 $0xA380, s4;
	v34 =	vld [tilespmem:s28+$0x0]  }
0x11b: {  	v37 =	vld [tilespmem:s10+$0x0]  }
0x11c: {  	s6 =	sadd.s32 $0x9300, s4;
	v32 =	vmul.f32 v7, v14  }
0x11d: {  	v6 =	vimm.f32 $+Inf;
	v40 =	vld [tilespmem:s6+$0x0];
	v36 =	vmul.f32 v7, v15;
	v38 =	vmul.f32 v7, v16  }
0x11e: {  	s29 =	sshll.u32 s3, $0x4;
	v5 =	vimm.s32 $0x0;
	v42 =	vmul.f32 v33, v20;
	v43 =	vmul.f32 v7, v17  }
0x11f: {  	v7 =	vor.u32 s29, v0;
	v35 =	vmul.f32 v34, v22;
	v44 =	vmul.f32 v33, v21  }
0x120: {  	vm0 =	veq.s32 v37, v31;
	v45 =	vmul.f32 v34, v24;
	v46 =	vmul.f32 v34, v25  }
0x121: {  	vm4 =	veq.s32 v37, v10;
	v39 =	vmul.f32 v33, v18;
	v47 =	vmul.f32 v34, v23  }
0x122: {  	s8 =	sadd.s32 $0x1, s3;
	vm2 =	veq.s32 v37, v11;
	v33 =	vmul.f32 v33, v19;
	v34 =	vadd.f32 v40, v28  }
0x123: {  	p2 =	slt.s32 s8, s2;
	v41 =	vadd.f32 v40, v27;
	vm1 =	vne.s32 v7, v13;
	vm3 =	vne.s32 v7, v9  }
.Ltmp4:
0x124: {  	vm5 =	vne.s32 v7, v12;
	v38 =	vadd.f32 v42, v38;
	v33 =	vadd.f32 v33, v36;
	(pc) =	sbr.rel @!p2 .LBB2_7-.Ltmp4, $4  }
0x125: {  	vm1 =	vmand vm1, vm0;
	v36 =	vadd.f32 v40, v26;
	vm0 =	veq.s32 v37, v30  }
0x126: {  	v62 =	vadd.f32 v44, v43;
	vm5 =	vmand vm5, vm0;
	v63 =	vadd.f32 v47, v33  }
0x127: {  	p0 =	por $0x0, $0x0;
	p1 =	por $0x0, $0x0;
	vm0 =	vne.s32 v7, v8;
	v43 =	vadd.f32 v45, v38;
	v33 =	vadd.f32 v40, v29  }
0x128: {  	s7 =	sadd.s32 $0x10, s7;
	s3 =	sadd.s32 $0x10, s9;
	s9 =	sadd.s32 $0x10, s10;
	v37 =	vadd.f32 v46, v62;
	vm4 =	vmand vm0, vm4;
	v46 =	vadd.f32 v63, v63  }
0x129: {  	v42 =	vld [tilespmem:s7+$0x0];
	v32 =	vadd.f32 v39, v32;
	v55 =	vadd.f32 v43, v43  }
0x12a: {  	v44 =	vld [tilespmem:s9+$0x0];
	v38 =	vsub.f32 v41, v46;
	v60 =	vadd.f32 v37, v37  }
0x12b: {  	s31 =	sadd.s32 $0x10, s28;
	v63 =	vld [tilespmem:s3+$0x0];
	s28 =	sadd.s32 $0x10, s29;
	v32 =	vadd.f32 v35, v32;
	v34 =	vsub.f32 v34, v55  }
0x12c: {  	vm0 =	vmand vm3, vm2;
	v46 =	vnsel vm5, $0x7F800000, v38;
	v38 =	vor.u32 s28, v0  }
0x12d: {  	s29 =	sadd.s32 $0x10, s6;
	v56 =	vld [tilespmem:s31+$0x0];
	v45 =	vsub.f32 v33, v60;
	v57 =	vadd.f32 v32, v32;
	v40 =	vnsel vm1, $0x7F800000, v34  }
0x12e: {  	v48 =	vld [tilespmem:s29+$0x0];
	vm1 =	vne.s32 v38, v13;
	vm3 =	vne.s32 v38, v9;
	v32 =	vmul.f32 v42, v14  }
0x12f: {  	v47 =	vmul.f32 v42, v15;
	vm5 =	veq.s32 v44, v31;
	v59 =	vmul.f32 v42, v16  }
0x130: {  	vm6 =	veq.s32 v44, v10;
	v49 =	vmul.f32 v63, v20;
	v42 =	vmul.f32 v42, v17  }
0x131: {  	v51 =	vmul.f32 v63, v21;
	v39 =	vmul.f32 v63, v18;
	vm2 =	veq.s32 v44, v11  }
0x132: {  	v62 =	vmul.f32 v63, v19;
	v58 =	vsub.f32 v36, v57;
	v35 =	vmul.f32 v56, v22  }
0x133: {  	s6 =	sadd.s32 $0x1, s8;
	v52 =	vmul.f32 v56, v24;
	v53 =	vmul.f32 v56, v25;
	v34 =	vadd.f32 v48, v28  }
0x134: {  	p2 =	slt.s32 s6, s2;
	v61 =	vmul.f32 v56, v23;
	v41 =	vadd.f32 v48, v27;
	v36 =	vadd.f32 v48, v26  }
.Ltmp5:
0x135: {  	vm1 =	vmand vm1, vm5;
	v33 =	vadd.f32 v48, v29;
	v43 =	vadd.f32 v62, v47;
	(pc) =	sbr.rel @!p2 .LBB2_9-.Ltmp5, $4  }
0x136: {  	vm5 =	veq.s32 v44, v30;
	v63 =	vadd.f32 v49, v59;
	v42 =	vadd.f32 v51, v42  }
0x137: {  	v50 =	vnsel vm4, $0x7F800000, v58;
	vm4 =	vne.s32 v38, v12;
	v47 =	vadd.f32 v61, v43  }
0x138: {  	s7 =	sadd.s32 $0x10, s7;
	v43 =	vadd.f32 v52, v63;
	(xrf1) =	vsort.dscd.msk.f32 $0xffff, v50, v7;
	vm5 =	vmand vm4, vm5;
	vm4 =	vne.s32 v38, v8  }
0x139: {  	s8 =	sadd.s32 $0x10, s3;
	s9 =	sadd.s32 $0x10, s9;
	p0 =	por $0x1, $0x1;
	v37 =	vadd.f32 v53, v42;
	(xrf1) =	vsort.dscd.msk.f32 $0xffff, v46, v7;
	vm4 =	vmand vm4, vm6;
	v46 =	vadd.f32 v47, v47  }
0x13a: {  	_ =	sdelay $0x2  }
0x13b: {  	v42 =	vld [tilespmem:s7+$0x0];
	v32 =	vadd.f32 v39, v32;
	v60 =	vadd.f32 v43, v43  }
0x13c: {  	v59 =	vnsel vm0, $0x7F800000, v45;
	(xrf1) =	vsort.dscd.msk.f32 $0xffff, v40, v7;
	v45 =	vld [tilespmem:s8+$0x0];
	vm0 =	vmand vm3, vm2;
	s28 =	sadd.s32 $0x10, s28;
	v58 =	vsub.f32 v41, v46  }
0x13d: {  	v49 =	vld [tilespmem:s9+$0x0];
	(xrf1) =	vsort.dscd.msk.f32 $0xffff, v59, v7;
	v7 =	vor.u32 s28, v0;
	v32 =	vadd.f32 v35, v32;
	v34 =	vsub.f32 v34, v60  }
0x13e: {  	s3 =	sadd.s32 $0x10, s31;
	v37 =	vadd.f32 v37, v37;
	vm3 =	vne.s32 v7, v9;
	vm6 =	vne.s32 v7, v12  }
0x13f: {  	s31 =	sadd.s32 $0x10, s29;
	v41 =	vld [tilespmem:s3+$0x0];
	v51 =	vnsel vm5, $0x7F800000, v58;
	v61 =	vadd.f32 v32, v32;
	v40 =	vnsel vm1, $0x7F800000, v34  }
0x140: {  	v60 =	vld [tilespmem:s31+$0x0];
	vm1 =	vne.s32 v7, v13;
	v32 =	vmul.f32 v42, v14;
	v43 =	vmul.f32 v42, v15  }
0x141: {  	v63 =	vmul.f32 v42, v16;
	v47 =	vmul.f32 v45, v20;
	v62 =	vsub.f32 v36, v61  }
0x142: {  	vm5 =	veq.s32 v49, v31;
	v48 =	vmul.f32 v42, v17;
	v50 =	vmul.f32 v45, v21  }
0x143: {  	v39 =	vmul.f32 v45, v18;
	v58 =	vmul.f32 v45, v19;
	v52 =	vnsel vm4, $0x7F800000, v62  }
0x144: {  	v45 =	vsub.f32 v33, v37;
	v35 =	vmul.f32 v41, v22;
	v44, v42, _ =	vpop (xrf1);
	(xrf1) =	vsort.dscd.msk.f32 $0xffff, v52, v38  }
0x145: {  	v53 =	vmul.f32 v41, v24;
	v54 =	vmul.f32 v41, v25;
	v34 =	vadd.f32 v60, v28  }
0x146: {  	v57 =	vmul.f32 v41, v23;
	v41 =	vadd.f32 v60, v27;
	v61 =	vadd.f32 v47, v63  }
0x147: {  	vm8 =	veq.s32 v49, v10;
	v36 =	vadd.f32 v60, v26;
	v62 =	vadd.f32 v58, v43  }
0x148: {  	vm2 =	veq.s32 v49, v11;
	v63 =	vadd.f32 v50, v48;
	v33 =	vadd.f32 v60, v29  }
0x149: {  	s29 =	sadd.s32 $0x1, s6;
	vm1 =	vmand vm1, vm5;
	v43 =	vadd.f32 v53, v61;
	v57 =	vadd.f32 v57, v62  }
0x14a: {  	p2 =	slt.s32 s29, s2;
	v37 =	vadd.f32 v54, v63;
	v53 =	vimm.s32 $0x0;
	v54 =	vimm.f32 $+Inf;
	v55, v56, _ =	vpop (xrf1);
	(xrf1) =	vsort.dscd.msk.f32 $0xffff, v51, v38  }
.Ltmp6:
0x14b: {  	v46 =	vadd.f32 v57, v57;
	v52 =	vimm.s32 $0x0;
	vm4 =	vle.f32 v6, v55;
	(pc) =	sbr.rel @!p2 .LBB2_11-.Ltmp6, $4  }
0x14c: {  	v55 =	vsel vm4, v6, v55;
	v56 =	vsel vm4, v5, v56;
	vm4 =	veq.s32 v49, v30  }
0x14d: {  	vm7 =	vle.f32 v6, v44;
	v51 =	vimm.f32 $+Inf;
	v47, v48, _ =	vpop (xrf1);
	vm5 =	vmand vm6, vm4;
	(xrf1) =	vsort.ascd.msk.f32 $0xffff, v55, v56  }
0x14e: {  	s6 =	sadd.s32 $0x10, s7;
	v49, v50, _ =	vpop (xrf1);
	vm6 =	vle.f32 v6, v47;
	vm4 =	vne.s32 v7, v8;
	v55 =	vimm.s32 $0x0  }
0x14f: {  	s7 =	sadd.s32 $0x10, s8;
	s8 =	sadd.s32 $0x10, s9;
	p1 =	por $0x1, $0x1;
	v56 =	vimm.f32 $+Inf;
	vm4 =	vmand vm4, vm8;
	vm8 =	vle.f32 v6, v49  }
.LBB2_12:
0x150: {  	v57 =	vld [tilespmem:s6+$0x0];
	s29 =	sadd.s32 $0x1, s29;
	v32 =	vadd.f32 v39, v32;
	s31 =	sadd.s32 $0x10, s31;
	v39 =	vnsel vm0, $0x7F800000, v45;
	(xrf1) =	vsort.dscd.msk.f32 $0xffff, v40, v38;
	v40 =	vsel vm6, v53, v48  }
0x151: {  	vm0 =	vmand vm3, vm2;
	s3 =	sadd.s32 $0x10, s3;
	v53 =	vld [tilespmem:s8+$0x0];
	p2 =	slt.s32 s29, s2;
	v41 =	vsub.f32 v41, v46;
	(xrf1) =	vsort.dscd.msk.f32 $0xffff, v39, v38;
	v38 =	vsel vm7, v52, v42  }
0x152: {  	v45 =	vsel vm8, v55, v50;
	v39 =	vsel vm6, v51, v47;
	v46 =	vld [tilespmem:s31+$0x0];
	v32 =	vadd.f32 v35, v32;
	v35, v42, _ =	vpop (xrf1)  }
0x153: {  	v47 =	vld [tilespmem:s7+$0x0];
	v50 =	vnsel vm5, $0x7F800000, v41;
	v41 =	vadd.f32 v43, v43;
	v43 =	vsel vm7, v54, v44;
	(xrf1) =	vsort.ascd.msk.f32 $0xffff, v39, v40  }
0x154: {  	s28 =	sadd.s32 $0x10, s28;
	v40 =	vsel vm8, v56, v49;
	v44 =	vmovc v35;
	v48 =	vld [tilespmem:s3+$0x0];
	v39 =	vadd.f32 v32, v32;
	(xrf1) =	vsort.ascd.msk.f32 $0xffff, v43, v38  }
0x155: {  	v35 =	vor.u32 s28, v0;
	v32 =	vmul.f32 v57, v14;
	v34 =	vsub.f32 v34, v41;
	(xrf1) =	vsort.ascd.msk.f32 $0xffff, v40, v45  }
0x156: {  	v38 =	vmovc v7;
	v43 =	vmul.f32 v57, v15;
	vm5 =	veq.s32 v53, v31;
	v39 =	vsub.f32 v36, v39  }
0x157: {  	v7 =	vmovc v35;
	v49 =	vmul.f32 v57, v16;
	vm8 =	veq.s32 v53, v10;
	v40 =	vnsel vm1, $0x7F800000, v34  }
0x158: {  	v52 =	vmul.f32 v57, v17;
	v51 =	vmul.f32 v47, v20;
	v34 =	vnsel vm4, $0x7F800000, v39;
	v36, v54, _ =	vpop (xrf1)  }
0x159: {  	v55 =	vmul.f32 v47, v21;
	v35 =	vmul.f32 v48, v22;
	(xrf1) =	vsort.dscd.msk.f32 $0xffff, v34, v38  }
0x15a: {  	v37 =	vadd.f32 v37, v37;
	v56 =	vmul.f32 v48, v24;
	v57 =	vmul.f32 v48, v25  }
0x15b: {  	vm2 =	veq.s32 v53, v11;
	v39 =	vmul.f32 v47, v18;
	v58 =	vmul.f32 v48, v23;
	v59, v60, _ =	vpop (xrf1)  }
0x15c: {  	vm1 =	vne.s32 v7, v13;
	v61 =	vmul.f32 v47, v19;
	vm4 =	vle.f32 v59, v36  }
0x15d: {  	vm3 =	vne.s32 v7, v9;
	v45 =	vsub.f32 v33, v37;
	v34 =	vadd.f32 v46, v28  }
0x15e: {  	vm6 =	vne.s32 v7, v12;
	v41 =	vadd.f32 v46, v27;
	v33 =	vadd.f32 v51, v49;
	v47, v48, _ =	vpop (xrf1)  }
0x15f: {  	vm1 =	vmand vm1, vm5;
	v37 =	vadd.f32 v61, v43;
	v59 =	vsel vm4, v59, v36;
	(xrf1) =	vsort.dscd.msk.f32 $0xffff, v50, v38;
	v49, v50, _ =	vpop (xrf1)  }
.Ltmp7:
0x160: {  	v61 =	vadd.f32 v55, v52;
	v36 =	vadd.f32 v46, v26;
	v60 =	vsel vm4, v60, v54;
	(pc) =	sbr.rel @p2 .LBB2_12-.Ltmp7, $4  }
0x161: {  	v58 =	vadd.f32 v58, v37;
	v43 =	vadd.f32 v56, v33;
	vm4 =	veq.s32 v53, v30;
	v51, v53, _ =	vpop (xrf1)  }
0x162: {  	v33 =	vadd.f32 v46, v29;
	vm5 =	vmand vm6, vm4;
	vm6 =	vle.f32 v51, v47;
	(xrf1) =	vsort.ascd.msk.f32 $0xffff, v59, v60;
	v54, v52, _ =	vpop (xrf1)  }
0x163: {  	v37 =	vadd.f32 v57, v61;
	vm4 =	vne.s32 v7, v8;
	vm7 =	vle.f32 v54, v44;
	v56, v55, _ =	vpop (xrf1)  }
0x164: {  	s6 =	sadd.s32 $0x10, s6;
	s8 =	sadd.s32 $0x10, s8;
	s7 =	sadd.s32 $0x10, s7;
	v46 =	vadd.f32 v58, v58;
	vm4 =	vmand vm4, vm8;
	vm8 =	vle.f32 v56, v49  }
0x165: {  	v8 =	vmov v38  }
.LBB2_14:
0x166: {  	v9 =	vnsel @p0 vm0, $0x7F800000, v45;
	(xrf1) =	vsort.dscd.msk.f32 @p0 $0xffff, v40, v8  }
0x167: {  	v10 =	vsel @p1 vm6, v53, v48;
	(xrf1) =	vsort.dscd.msk.f32 @p0 $0xffff, v9, v8;
	v8 =	vsel @p1 vm6, v51, v47  }
0x168: {  	v11 =	vsel @p1 vm7, v54, v44;
	v9 =	vsel @p1 vm7, v52, v42;
	(xrf1) =	vsort.ascd.msk.f32 @p1 $0xffff, v8, v10  }
0x169: {  	v8 =	vsel @p1 vm8, v55, v50;
	v10 =	vsel @p1 vm8, v56, v49;
	(xrf1) =	vsort.ascd.msk.f32 @p1 $0xffff, v11, v9  }
0x16a: {  	(xrf1) =	vsort.ascd.msk.f32 @p1 $0xffff, v10, v8;
	v8 =	vadd.f32 v39, v32;
	_ =	sdelay $0x1  }
0x16b: {  	v8 =	vadd.f32 v35, v8;
	_ =	sdelay $0x1  }
0x16c: {  	v8 =	vadd.f32 v8, v8  }
0x16d: {  	v9, v10, _ =	vpop @p0 (xrf1)  }
0x16e: {  	v14 =	vadd.f32 v43, v43;
	v12, v13, _ =	vpop @p0 (xrf1);
	v8 =	vsub.f32 v36, v8  }
0x16f: {  	vm0 =	vmand vm3, vm2;
	v17 =	vadd.f32 v37, v37;
	v11 =	vsub.f32 v41, v46;
	v15, v16, _ =	vpop @p1 (xrf1)  }
0x170: {  	v14 =	vsub.f32 v34, v14;
	v15 =	vpsel p1, v15, v6;
	v8 =	vnsel vm4, $0x7F800000, v8  }
0x171: {  	v11 =	vnsel vm5, $0x7F800000, v11;
	vm2 =	vle.f32 @p0 v15, v12;
	(xrf1) =	vsort.dscd.msk.f32 $0xffff, v8, v7;
	v8 =	vsub.f32 v33, v17  }
0x172: {  	v18, v19, _ =	vpop @p0 (xrf1);
	(xrf1) =	vsort.dscd.msk.f32 $0xffff, v11, v7;
	v11 =	vsel @p0 vm2, v15, v12;
	v12 =	vpsel p1, v16, v5  }
0x173: {  	v20, v21, _ =	vpop @p0 (xrf1);
	v12 =	vsel @p0 vm2, v12, v13  }
0x174: {  	v14 =	vnsel vm1, $0x7F800000, v14;
	v10 =	vpsel p0, v10, v0;
	v8 =	vnsel vm0, $0x7F800000, v8;
	v17, v22, _ =	vpop @p1 (xrf1);
	(xrf1) =	vsort.ascd.msk.f32 @p0 $0xffff, v11, v12  }
0x175: {  	v12 =	vpsel p0, v19, v0;
	v21 =	vpsel p0, v21, v0;
	v15, v16, _ =	vpop @p1 (xrf1);
	v13 =	vpsel p1, v17, v6  }
0x176: {  	v11 =	vpsel p1, v22, v5;
	v15 =	vpsel p1, v15, v6;
	vm1 =	vle.f32 @p0 v13, v18  }
0x177: {  	v17, v23, _ =	vpop @p1 (xrf1);
	v16 =	vpsel p1, v16, v5;
	v18 =	vpsel p0, v18, v0;
	vm2 =	vle.f32 @p0 v15, v9  }
0x178: {  	(xrf1) =	vsort.dscd.msk.f32 $0xffff, v14, v7;
	v17 =	vpsel p1, v17, v6;
	vm1 =	vmmov @p0 vm1;
	v19 =	vpsel p1, v23, v5  }
0x179: {  	v9 =	vpsel p0, v9, v0;
	vm3 =	vle.f32 @p0 v17, v20;
	v20 =	vpsel p0, v20, v0  }
0x17a: {  	(xrf1) =	vsort.dscd.msk.f32 $0xffff, v8, v7;
	vm0 =	vmmov @p0 vm2;
	v11 =	vsel @p0 vm1, v11, v12;
	v7 =	vsel @p0 vm1, v13, v18  }
0x17b: {  	vm1 =	vmmov @p0 vm3;
	v8 =	vsel @p0 vm0, v16, v10;
	v9 =	vsel @p0 vm0, v15, v9;
	(xrf1) =	vsort.ascd.msk.f32 @p0 $0xffff, v7, v11  }
0x17c: {  	v7 =	vsel @p0 vm1, v19, v21;
	v10 =	vsel @p0 vm1, v17, v20;
	(xrf1) =	vsort.ascd.msk.f32 @p0 $0xffff, v9, v8  }
0x17d: {  	(xrf1) =	vsort.ascd.msk.f32 @p0 $0xffff, v10, v7;
	_ =	sdelay $0x5  }
0x17e: {  	v7, v8, _ =	vpop (xrf1)  }
0x17f: {  	v9, v10, _ =	vpop (xrf1)  }
0x180: {  	v11, v12, _ =	vpop @p0 (xrf1)  }
0x181: {  	v11 =	vpsel p0, v11, v6  }
0x182: {  	v13, v14, _ =	vpop (xrf1);
	vm12 =	vle.f32 v11, v9  }
0x183: {  	v15, v63, _ =	vpop (xrf1);
	v9 =	vsel vm12, v11, v9;
	v11 =	vpsel p0, v12, v5  }
0x184: {  	v10 =	vsel vm12, v11, v10;
	v17, v18, _ =	vpop @p0 (xrf1)  }
0x185: {  	(xrf1) =	vsort.ascd.msk.f32 $0xffff, v9, v10;
	v12 =	vpsel p0, v17, v6;
	v17, v19, _ =	vpop @p0 (xrf1);
	v9 =	vpsel p0, v18, v5  }
0x186: {  	vm13 =	vle.f32 v12, v13;
	v11 =	vpsel p0, v17, v6;
	v17, v20, _ =	vpop @p0 (xrf1);
	v10 =	vpsel p0, v19, v5  }
0x187: {  	vm14 =	vle.f32 v11, v7;
	v6 =	vpsel p0, v17, v6;
	v5 =	vpsel p0, v20, v5  }
0x188: {  	v9 =	vsel vm13, v9, v14;
	v12 =	vsel vm13, v12, v13;
	vm15 =	vle.f32 v6, v15  }
0x189: {  	v8 =	vsel vm14, v10, v8;
	v7 =	vsel vm14, v11, v7;
	(xrf1) =	vsort.ascd.msk.f32 $0xffff, v12, v9  }
0x18a: {  	v5 =	vsel vm15, v5, v63;
	v6 =	vsel vm15, v6, v15;
	(xrf1) =	vsort.ascd.msk.f32 $0xffff, v7, v8  }
0x18b: {  	(xrf1) =	vsort.ascd.msk.f32 $0xffff, v6, v5;
	_ =	sdelay $0xa  }
.Ltmp8:
0x18c: {  	v6, v9, _ =	vpop (xrf1);
	(pc) =	sbr.rel .LBB2_15-.Ltmp8, $4  }
0x18d: {  	v8, v7, _ =	vpop (xrf1)  }
0x18e: {  	v10, v11, _ =	vpop (xrf1)  }
0x18f: {  	v8 =	vmax.f32 v8, $9.999999960e-13;
	v13, v5, _ =	vpop (xrf1)  }
0x190: {  	v12 =	vmax.f32 v10, $9.999999960e-13;
	v10 =	vmax.f32 v6, $9.999999960e-13;
	v6 =	vmax.f32 v13, $9.999999960e-13  }
.LBB2_7:
.Ltmp9:
0x191: {  	(pc) =	sbr.rel .LBB2_14-.Ltmp9, $3  }
0x192: {  	_ =	sdelay $0x1  }
0x193: {  	v53 =	vimm.s32 $0x0;
	v52 =	vimm.s32 $0x0;
	v51 =	vimm.f32 $+Inf  }
0x194: {  	v55 =	vimm.s32 $0x0;
	v54 =	vimm.f32 $+Inf;
	v56 =	vimm.f32 $+Inf  }
.LBB2_9:
.Ltmp10:
0x195: {  	(pc) =	sbr.rel .LBB2_14-.Ltmp10, $3  }
0x196: {  	_ =	sdelay $0x1  }
0x197: {  	v53 =	vimm.s32 $0x0;
	v52 =	vimm.s32 $0x0;
	v51 =	vimm.f32 $+Inf  }
0x198: {  	v8 =	vmovc v7;
	v55 =	vimm.s32 $0x0;
	v54 =	vimm.f32 $+Inf;
	v56 =	vimm.f32 $+Inf;
	v7 =	vmovc v38  }
.LBB2_11:
.Ltmp11:
0x199: {  	(pc) =	sbr.rel .LBB2_14-.Ltmp11, $3  }
0x19a: {  	_ =	sdelay $0x1  }
0x19b: {  	v53 =	vimm.s32 $0x0;
	v52 =	vimm.s32 $0x0;
	v51 =	vimm.f32 $+Inf  }
0x19c: {  	v8 =	vmovc v38;
	v55 =	vimm.s32 $0x0;
	v54 =	vimm.f32 $+Inf;
	v56 =	vimm.f32 $+Inf  }
.LBB2_16:
0x19d: {  	s31 =	simm.s32 $0x0  }
0x19e: {  	v6 =	vld [tilespmem:s31+$0xB500]  }
0x19f: {  	v8 =	vld [tilespmem:s31+$0xB580]  }
0x1a0: {  	v9 =	vld [tilespmem:s31+$0xB480];
	_ =	sdelay $0x3  }
0x1a1: {  	v10 =	vld [tilespmem:s31+$0xB600]  }
0x1a2: {  	v11 =	vld [tilespmem:s31+$0xB680];
	v5 =	vmul.f32 v6, v9;
	v12 =	vmul.f32 v8, v6;
	_ =	sdelay $0x1  }
0x1a3: {  	v7 =	vadd.f32 v6, v9;
	v13 =	vmul.f32 v8, v9;
	v14 =	vadd.f32 v12, v5  }
0x1a4: {  	v15 =	vld [tilespmem:s31+$0xB700]  }
0x1a5: {  	v16 =	vmul.f32 v10, v10;
	v5 =	vadd.f32 v8, v7;
	v7 =	vadd.f32 v14, v13  }
0x1a6: {  	v13 =	vmul.f32 v11, v11  }
0x1a7: {  	v14 =	vmul.f32 $3.000000000e+00, v5;
	v24 =	vadd.f32 v5, v5;
	v7 =	vsub.f32 v7, v16;
	_ =	sdelay $0x1  }
0x1a8: {  	v16 =	vmul.f32 v15, v15;
	v14 =	vsub.f32 v14, v24;
	v7 =	vsub.f32 v7, v13;
	_ =	sdelay $0x1  }
0x1a9: {  	v13 =	vmul.f32 v14, v5;
	v7 =	vsub.f32 v7, v16;
	_ =	sdelay $0x1  }
0x1aa: {  	v13 =	vadd.f32 v7, v13  }
0x1ab: {  	v8 =	vmul.f32 v10, v8  }
0x1ac: {  	v14 =	vmul.f32 v15, v10;
	v15 =	vmul.f32 v15, v11;
	vm0 =	veq.f32 v13, $0.0e+00  }
0x1ad: {  	v6 =	vmul.f32 v11, v6;
	v12 =	vsub.f32 v12, v16;
	v13 =	vsel vm0, $0x3F800000, v13  }
0x1ae: {  	v8 =	vsub.f32 v8, v15;
	v15 =	vsub.f32 v5, v5;
	(erf) = vrcp.f32 v13  }
0x1af: {  	v9 =	vmul.f32 v12, v9  }
0x1b0: {  	v6 =	vsub.f32 v14, v6;
	v8 =	vmul.f32 v8, v10;
	v10 =	vmul.f32 v15, v5;
	_ =	sdelay $0x1  }
0x1b1: {  	v6 =	vmul.f32 v6, v11;
	v8 =	vsub.f32 v9, v8;
	v9 =	vadd.f32 v7, v10;
	_ =	sdelay $0x1  }
0x1b2: {  	v8 =	vadd.f32 v8, v6;
	v6 =	vmul.f32 v9, v5;
	_ =	sdelay $0x1  }
0x1b3: {  	v6 =	vsub.f32 v6, v8  }
0x1b4: {  	v9 =	vpop (erf)  }
0x1b5: {  	v6 =	vmul.f32 v9, v6;
	_ =	sdelay $0x1  }
0x1b6: {  	v9 =	vsub.f32 v5, v6  }
0x1b7: {  	v6 =	vmul.f32 $3.333333430e-01, v5  }
0x1b8: {  	v9 =	vsel vm0, v5, v9  }
0x1b9: {  	v9 =	vmax.f32 v9, v6  }
0x1ba: {  	v9 =	vmin.f32 v5, v9  }
0x1bb: {  	v10 =	vmul.f32 $3.000000000e+00, v9;
	_ =	sdelay $0x1  }
0x1bc: {  	v10 =	vsub.f32 v10, v24;
	_ =	sdelay $0x1  }
0x1bd: {  	v10 =	vmul.f32 v10, v9;
	_ =	sdelay $0x1  }
0x1be: {  	v10 =	vadd.f32 v10, v7;
	_ =	sdelay $0x1  }
0x1bf: {  	vm0 =	veq.f32 v10, $0.0e+00  }
0x1c0: {  	v10 =	vsel vm0, $0x3F800000, v10  }
0x1c1: {  	v11 =	vsub.f32 v9, v5;
	(erf) = vrcp.f32 v10;
	_ =	sdelay $0x1  }
0x1c2: {  	v10 =	vmul.f32 v11, v9;
	_ =	sdelay $0x1  }
0x1c3: {  	v10 =	vadd.f32 v10, v7;
	_ =	sdelay $0x1  }
0x1c4: {  	v10 =	vmul.f32 v10, v9;
	_ =	sdelay $0x1  }
0x1c5: {  	v10 =	vsub.f32 v10, v8  }
0x1c6: {  	v11 =	vpop (erf)  }
0x1c7: {  	v10 =	vmul.f32 v11, v10;
	_ =	sdelay $0x1  }
0x1c8: {  	v10 =	vsub.f32 v9, v10;
	_ =	sdelay $0x1  }
0x1c9: {  	v10 =	vsel vm0, v9, v10  }
0x1ca: {  	v10 =	vmax.f32 v10, v6  }
0x1cb: {  	v9 =	vmin.f32 v9, v10  }
0x1cc: {  	v10 =	vmul.f32 $3.000000000e+00, v9;
	_ =	sdelay $0x1  }
0x1cd: {  	v10 =	vsub.f32 v10, v24;
	_ =	sdelay $0x1  }
0x1ce: {  	v10 =	vmul.f32 v10, v9;
	_ =	sdelay $0x1  }
0x1cf: {  	v10 =	vadd.f32 v10, v7;
	_ =	sdelay $0x1  }
0x1d0: {  	vm0 =	veq.f32 v10, $0.0e+00  }
0x1d1: {  	v10 =	vsel vm0, $0x3F800000, v10  }
0x1d2: {  	v11 =	vsub.f32 v9, v5;
	(erf) = vrcp.f32 v10;
	_ =	sdelay $0x1  }
0x1d3: {  	v10 =	vmul.f32 v11, v9;
	_ =	sdelay $0x1  }
0x1d4: {  	v10 =	vadd.f32 v10, v7;
	_ =	sdelay $0x1  }
0x1d5: {  	v10 =	vmul.f32 v10, v9;
	_ =	sdelay $0x1  }
0x1d6: {  	v10 =	vsub.f32 v10, v8  }
0x1d7: {  	v11 =	vpop (erf)  }
0x1d8: {  	v10 =	vmul.f32 v11, v10;
	_ =	sdelay $0x1  }
0x1d9: {  	v10 =	vsub.f32 v9, v10;
	_ =	sdelay $0x1  }
0x1da: {  	v10 =	vsel vm0, v9, v10  }
0x1db: {  	v10 =	vmax.f32 v10, v6  }
0x1dc: {  	v9 =	vmin.f32 v9, v10  }
0x1dd: {  	v10 =	vmul.f32 $3.000000000e+00, v9;
	_ =	sdelay $0x1  }
0x1de: {  	v10 =	vsub.f32 v10, v24;
	_ =	sdelay $0x1  }
0x1df: {  	v10 =	vmul.f32 v10, v9;
	_ =	sdelay $0x1  }
0x1e0: {  	v10 =	vadd.f32 v10, v7;
	_ =	sdelay $0x1  }
0x1e1: {  	vm0 =	veq.f32 v10, $0.0e+00  }
0x1e2: {  	v10 =	vsel vm0, $0x3F800000, v10  }
0x1e3: {  	v11 =	vsub.f32 v9, v5;
	(erf) = vrcp.f32 v10;
	_ =	sdelay $0x1  }
0x1e4: {  	v10 =	vmul.f32 v11, v9;
	_ =	sdelay $0x1  }
0x1e5: {  	v10 =	vadd.f32 v10, v7;
	_ =	sdelay $0x1  }
0x1e6: {  	v10 =	vmul.f32 v10, v9;
	_ =	sdelay $0x1  }
0x1e7: {  	v10 =	vsub.f32 v10, v8  }
0x1e8: {  	v11 =	vpop (erf)  }
0x1e9: {  	v10 =	vmul.f32 v11, v10;
	_ =	sdelay $0x1  }
0x1ea: {  	v10 =	vsub.f32 v9, v10;
	_ =	sdelay $0x1  }
0x1eb: {  	v10 =	vsel vm0, v9, v10  }
0x1ec: {  	v10 =	vmax.f32 v10, v6  }
0x1ed: {  	v9 =	vmin.f32 v9, v10  }
0x1ee: {  	v10 =	vmul.f32 $3.000000000e+00, v9;
	_ =	sdelay $0x1  }
0x1ef: {  	v10 =	vsub.f32 v10, v24;
	_ =	sdelay $0x1  }
0x1f0: {  	v10 =	vmul.f32 v10, v9;
	_ =	sdelay $0x1  }
0x1f1: {  	v10 =	vadd.f32 v10, v7;
	_ =	sdelay $0x1  }
0x1f2: {  	vm0 =	veq.f32 v10, $0.0e+00  }
0x1f3: {  	v10 =	vsel vm0, $0x3F800000, v10  }
0x1f4: {  	v11 =	vsub.f32 v9, v5;
	(erf) = vrcp.f32 v10;
	_ =	sdelay $0x1  }
0x1f5: {  	v10 =	vmul.f32 v11, v9;
	_ =	sdelay $0x1  }
0x1f6: {  	v10 =	vadd.f32 v10, v7;
	_ =	sdelay $0x1  }
0x1f7: {  	v10 =	vmul.f32 v10, v9;
	_ =	sdelay $0x1  }
0x1f8: {  	v10 =	vsub.f32 v10, v8  }
0x1f9: {  	v11 =	vpop (erf)  }
0x1fa: {  	v10 =	vmul.f32 v11, v10;
	_ =	sdelay $0x1  }
0x1fb: {  	v10 =	vsub.f32 v9, v10;
	_ =	sdelay $0x1  }
0x1fc: {  	v10 =	vsel vm0, v9, v10  }
0x1fd: {  	v10 =	vmax.f32 v10, v6  }
0x1fe: {  	v9 =	vmin.f32 v9, v10  }
0x1ff: {  	v10 =	vmul.f32 $3.000000000e+00, v9;
	_ =	sdelay $0x1  }
0x200: {  	v11 =	vld [tilespmem:s31+$0xB780];
	v10 =	vsub.f32 v10, v24;
	_ =	sdelay $0x1  }
0x201: {  	v10 =	vmul.f32 v10, v9;
	_ =	sdelay $0x1  }
0x202: {  	v10 =	vadd.f32 v10, v7  }
0x203: {  	v11 =	vadd.f32 $9.999999970e-07, v11  }
0x204: {  	vm0 =	veq.f32 v10, $0.0e+00  }
0x205: {  	(erf) = vrcp.f32 v11;
	v10 =	vsel vm0, $0x3F800000, v10  }
0x206: {  	v11 =	vsub.f32 v9, v5;
	(erf) = vrcp.f32 v10;
	_ =	sdelay $0x1  }
0x207: {  	v10 =	vmul.f32 v11, v9;
	_ =	sdelay $0x1  }
0x208: {  	v10 =	vadd.f32 v10, v7;
	_ =	sdelay $0x1  }
0x209: {  	v10 =	vmul.f32 v10, v9;
	_ =	sdelay $0x1  }
0x20a: {  	v11 =	vpop (erf);
	v10 =	vsub.f32 v10, v8  }
0x20b: {  	v12 =	vpop (erf)  }
0x20c: {  	v10 =	vmul.f32 v12, v10;
	_ =	sdelay $0x1  }
0x20d: {  	v10 =	vsub.f32 v9, v10;
	_ =	sdelay $0x1  }
0x20e: {  	v10 =	vsel vm0, v9, v10  }
0x20f: {  	v10 =	vmax.f32 v10, v6  }
0x210: {  	v9 =	vmin.f32 v9, v10  }
0x211: {  	v10 =	vmul.f32 $3.000000000e+00, v9;
	_ =	sdelay $0x1  }
0x212: {  	v10 =	vsub.f32 v10, v24;
	_ =	sdelay $0x1  }
0x213: {  	v10 =	vmul.f32 v10, v9;
	_ =	sdelay $0x1  }
0x214: {  	v10 =	vadd.f32 v10, v7;
	_ =	sdelay $0x1  }
0x215: {  	vm0 =	veq.f32 v10, $0.0e+00  }
0x216: {  	v10 =	vsel vm0, $0x3F800000, v10  }
0x217: {  	v12 =	vsub.f32 v9, v5;
	(erf) = vrcp.f32 v10;
	_ =	sdelay $0x1  }
0x218: {  	v10 =	vmul.f32 v12, v9;
	_ =	sdelay $0x1  }
0x219: {  	v10 =	vadd.f32 v10, v7;
	_ =	sdelay $0x1  }
0x21a: {  	v10 =	vmul.f32 v10, v9;
	_ =	sdelay $0x1  }
0x21b: {  	v10 =	vsub.f32 v10, v8  }
0x21c: {  	v12 =	vpop (erf)  }
0x21d: {  	v10 =	vmul.f32 v12, v10;
	_ =	sdelay $0x1  }
0x21e: {  	v10 =	vsub.f32 v9, v10;
	_ =	sdelay $0x1  }
0x21f: {  	v10 =	vsel vm0, v9, v10  }
0x220: {  	v10 =	vmax.f32 v10, v6  }
0x221: {  	v10 =	vmin.f32 v9, v10  }
0x222: {  	v9 =	vmul.f32 $3.000000000e+00, v10;
	_ =	sdelay $0x1  }
0x223: {  	v9 =	vsub.f32 v9, v24;
	_ =	sdelay $0x1  }
0x224: {  	v9 =	vmul.f32 v9, v10;
	_ =	sdelay $0x1  }
0x225: {  	v9 =	vadd.f32 v9, v7;
	_ =	sdelay $0x1  }
0x226: {  	s0 =	simm.s32 $0x10;
	vm0 =	veq.f32 v9, $0.0e+00  }
0x227: {  	v18 =	vld [tilespmem:s0+$0xB580];
	v9 =	vsel vm0, $0x3F800000, v9  }
0x228: {  	v14 =	vld [tilespmem:s0+$0xB600];
	v17 =	vsub.f32 v10, v5;
	(erf) = vrcp.f32 v9  }
0x229: {  	v16 =	vld [tilespmem:s0+$0xB500]  }
0x22a: {  	v15 =	vld [tilespmem:s0+$0xB680];
	v9 =	vmul.f32 v17, v10  }
0x22b: {  	v13 =	vld [tilespmem:s0+$0xB780]  }
0x22c: {  	v12 =	vld [tilespmem:s0+$0xB700];
	[tilespmem:s31+$0xB880] =	vst v11;
	v9 =	vadd.f32 v9, v7  }
0x22d: {  	v17 =	vld [tilespmem:s0+$0xB480]  }
0x22e: {  	v9 =	vmul.f32 v9, v10;
	_ =	sdelay $0x1  }
0x22f: {  	v9 =	vsub.f32 v9, v8  }
0x230: {  	v20 =	vmul.f32 v18, v16;
	v19 =	vpop (erf)  }
0x231: {  	v11 =	vmul.f32 v16, v17;
	v9 =	vmul.f32 v19, v9  }
0x232: {  	v19 =	vadd.f32 v16, v17  }
0x233: {  	v21 =	vmul.f32 v18, v17;
	v11 =	vadd.f32 v20, v11;
	v22 =	vsub.f32 v10, v9  }
0x234: {  	v9 =	vadd.f32 v18, v19  }
0x235: {  	v11 =	vadd.f32 v11, v21;
	v19 =	vmul.f32 v14, v14;
	v21 =	vsel vm0, v10, v22  }
0x236: {  	v23 =	vmul.f32 v15, v15;
	v25 =	vmul.f32 $3.000000000e+00, v9;
	v21 =	vmax.f32 v21, v6  }
0x237: {  	v22 =	vadd.f32 v9, v9;
	v11 =	vsub.f32 v11, v19;
	v19 =	vmin.f32 v10, v21  }
0x238: {  	v10 =	vmul.f32 $3.000000000e+00, v19  }
0x239: {  	v21 =	vmul.f32 v12, v12;
	v25 =	vsub.f32 v25, v22;
	v11 =	vsub.f32 v11, v23  }
0x23a: {  	v10 =	vsub.f32 v10, v24  }
0x23b: {  	v23 =	vmul.f32 v25, v9;
	v11 =	vsub.f32 v11, v21  }
0x23c: {  	v10 =	vmul.f32 v10, v19  }
0x23d: {  	v18 =	vmul.f32 v14, v18;
	v23 =	vadd.f32 v11, v23  }
0x23e: {  	v25 =	vmul.f32 v12, v14;
	v12 =	vmul.f32 v12, v15;
	v10 =	vadd.f32 v10, v7  }
0x23f: {  	v16 =	vmul.f32 v15, v16;
	v20 =	vsub.f32 v20, v21;
	vm0 =	veq.f32 v23, $0.0e+00  }
0x240: {  	v12 =	vsub.f32 v18, v12;
	v18 =	vsel vm0, $0x3F800000, v23;
	vm1 =	veq.f32 v10, $0.0e+00  }
0x241: {  	v21 =	vsub.f32 v9, v9;
	(erf) = vrcp.f32 v18;
	v10 =	vsel vm1, $0x3F800000, v10  }
0x242: {  	v17 =	vmul.f32 v20, v17;
	v18 =	vsub.f32 v19, v5;
	(erf) = vrcp.f32 v10  }
0x243: {  	v12 =	vmul.f32 v12, v14;
	v14 =	vmul.f32 v21, v9;
	v10 =	vsub.f32 v25, v16  }
0x244: {  	v16 =	vmul.f32 v18, v19  }
0x245: {  	v12 =	vsub.f32 v17, v12;
	v14 =	vadd.f32 v11, v14;
	v10 =	vmul.f32 v10, v15  }
0x246: {  	v15 =	vadd.f32 v16, v7  }
0x247: {  	v12 =	vadd.f32 v12, v10;
	v10 =	vmul.f32 v14, v9  }
0x248: {  	v14 =	vmul.f32 v15, v19  }
0x249: {  	v10 =	vsub.f32 v10, v12  }
0x24a: {  	v15 =	vpop (erf);
	v14 =	vsub.f32 v14, v8  }
0x24b: {  	v10 =	vmul.f32 v15, v10;
	v15 =	vpop (erf)  }
0x24c: {  	v14 =	vmul.f32 v15, v14  }
0x24d: {  	v15 =	vsub.f32 v9, v10  }
0x24e: {  	v10 =	vmul.f32 $3.333333430e-01, v9;
	v14 =	vsub.f32 v19, v14  }
0x24f: {  	v15 =	vsel vm0, v9, v15  }
0x250: {  	v15 =	vmax.f32 v15, v10;
	v14 =	vsel vm1, v19, v14  }
0x251: {  	v15 =	vmin.f32 v9, v15;
	v14 =	vmax.f32 v14, v6  }
0x252: {  	v16 =	vmul.f32 $3.000000000e+00, v15;
	v14 =	vmin.f32 v19, v14  }
0x253: {  	v17 =	vmul.f32 $3.000000000e+00, v14  }
0x254: {  	v16 =	vsub.f32 v16, v22  }
0x255: {  	v17 =	vsub.f32 v17, v24  }
0x256: {  	v16 =	vmul.f32 v16, v15  }
0x257: {  	v17 =	vmul.f32 v17, v14  }
0x258: {  	v16 =	vadd.f32 v16, v11  }
0x259: {  	v17 =	vadd.f32 v17, v7  }
0x25a: {  	vm0 =	veq.f32 v16, $0.0e+00  }
0x25b: {  	v16 =	vsel vm0, $0x3F800000, v16;
	vm1 =	veq.f32 v17, $0.0e+00  }
0x25c: {  	(erf) = vrcp.f32 v16;
	v16 =	vsel vm1, $0x3F800000, v17  }
0x25d: {  	v17 =	vsub.f32 v14, v5;
	(erf) = vrcp.f32 v16;
	_ =	sdelay $0x1  }
0x25e: {  	v16 =	vmul.f32 v17, v14;
	_ =	sdelay $0x1  }
0x25f: {  	v16 =	vadd.f32 v16, v7;
	_ =	sdelay $0x1  }
0x260: {  	v16 =	vmul.f32 v16, v14;
	_ =	sdelay $0x1  }
0x261: {  	v17 =	vpop (erf);
	v16 =	vsub.f32 v16, v8  }
0x262: {  	v18 =	vpop (erf)  }
0x263: {  	v16 =	vmul.f32 v18, v16;
	_ =	sdelay $0x1  }
0x264: {  	v16 =	vsub.f32 v14, v16;
	_ =	sdelay $0x1  }
0x265: {  	v16 =	vsel vm1, v14, v16  }
0x266: {  	v16 =	vmax.f32 v16, v6  }
0x267: {  	v14 =	vmin.f32 v14, v16  }
0x268: {  	v16 =	vmul.f32 $3.000000000e+00, v14;
	_ =	sdelay $0x1  }
0x269: {  	v16 =	vsub.f32 v16, v24;
	_ =	sdelay $0x1  }
0x26a: {  	v16 =	vmul.f32 v16, v14;
	_ =	sdelay $0x1  }
0x26b: {  	v16 =	vadd.f32 v16, v7  }
0x26c: {  	v18 =	vsub.f32 v15, v9  }
0x26d: {  	vm1 =	veq.f32 v16, $0.0e+00  }
0x26e: {  	v18 =	vmul.f32 v18, v15;
	v19 =	vsub.f32 v14, v5;
	v16 =	vsel vm1, $0x3F800000, v16  }
0x26f: {  	(erf) = vrcp.f32 v16  }
0x270: {  	v16 =	vadd.f32 v18, v11;
	v18 =	vmul.f32 v19, v14;
	_ =	sdelay $0x1  }
0x271: {  	v16 =	vmul.f32 v16, v15;
	v18 =	vadd.f32 v18, v7;
	_ =	sdelay $0x1  }
0x272: {  	v16 =	vsub.f32 v16, v12;
	v18 =	vmul.f32 v18, v14;
	_ =	sdelay $0x1  }
0x273: {  	v16 =	vmul.f32 v17, v16  }
0x274: {  	v17 =	vsub.f32 v18, v8  }
0x275: {  	v16 =	vsub.f32 v15, v16;
	v18 =	vpop (erf)  }
0x276: {  	v17 =	vmul.f32 v18, v17  }
0x277: {  	v16 =	vsel vm0, v15, v16  }
0x278: {  	v16 =	vmax.f32 v16, v10;
	v17 =	vsub.f32 v14, v17  }
0x279: {  	v15 =	vmin.f32 v15, v16  }
0x27a: {  	v16 =	vmul.f32 $3.000000000e+00, v15;
	v17 =	vsel vm1, v14, v17  }
0x27b: {  	v17 =	vmax.f32 v17, v6  }
0x27c: {  	v16 =	vsub.f32 v16, v22;
	v14 =	vmin.f32 v14, v17  }
0x27d: {  	v17 =	vmul.f32 $3.000000000e+00, v14  }
0x27e: {  	v16 =	vmul.f32 v16, v15  }
0x27f: {  	v17 =	vsub.f32 v17, v24  }
0x280: {  	v16 =	vadd.f32 v16, v11  }
0x281: {  	v17 =	vmul.f32 v17, v14  }
0x282: {  	vm0 =	veq.f32 v16, $0.0e+00  }
0x283: {  	v16 =	vsel vm0, $0x3F800000, v16;
	v17 =	vadd.f32 v17, v7  }
0x284: {  	v18 =	vsub.f32 v15, v9;
	(erf) = vrcp.f32 v16  }
0x285: {  	vm1 =	veq.f32 v17, $0.0e+00  }
0x286: {  	v16 =	vmul.f32 v18, v15;
	v17 =	vsel vm1, $0x3F800000, v17  }
0x287: {  	v18 =	vsub.f32 v14, v5;
	(erf) = vrcp.f32 v17  }
0x288: {  	v16 =	vadd.f32 v16, v11  }
0x289: {  	v17 =	vmul.f32 v18, v14  }
0x28a: {  	v16 =	vmul.f32 v16, v15  }
0x28b: {  	v17 =	vadd.f32 v17, v7  }
0x28c: {  	v16 =	vsub.f32 v16, v12  }
0x28d: {  	v17 =	vmul.f32 v17, v14;
	v18 =	vpop (erf)  }
0x28e: {  	v16 =	vmul.f32 v18, v16  }
0x28f: {  	v17 =	vsub.f32 v17, v8  }
0x290: {  	v16 =	vsub.f32 v15, v16;
	v18 =	vpop (erf)  }
0x291: {  	v17 =	vmul.f32 v18, v17  }
0x292: {  	v16 =	vsel vm0, v15, v16  }
0x293: {  	v16 =	vmax.f32 v16, v10;
	v17 =	vsub.f32 v14, v17  }
0x294: {  	v15 =	vmin.f32 v15, v16  }
0x295: {  	v16 =	vmul.f32 $3.000000000e+00, v15;
	v17 =	vsel vm1, v14, v17  }
0x296: {  	v17 =	vmax.f32 v17, v6  }
0x297: {  	v16 =	vsub.f32 v16, v22;
	v14 =	vmin.f32 v14, v17  }
0x298: {  	v17 =	vmul.f32 $3.000000000e+00, v14  }
0x299: {  	v16 =	vmul.f32 v16, v15  }
0x29a: {  	v17 =	vsub.f32 v17, v24  }
0x29b: {  	v16 =	vadd.f32 v16, v11  }
0x29c: {  	v17 =	vmul.f32 v17, v14  }
0x29d: {  	vm0 =	veq.f32 v16, $0.0e+00  }
0x29e: {  	v16 =	vsel vm0, $0x3F800000, v16;
	v17 =	vadd.f32 v17, v7  }
0x29f: {  	v18 =	vsub.f32 v15, v9;
	(erf) = vrcp.f32 v16  }
0x2a0: {  	vm1 =	veq.f32 v17, $0.0e+00  }
0x2a1: {  	v16 =	vmul.f32 v18, v15;
	v17 =	vsel vm1, $0x3F800000, v17  }
0x2a2: {  	v18 =	vsub.f32 v14, v5;
	(erf) = vrcp.f32 v17  }
0x2a3: {  	v16 =	vadd.f32 v16, v11  }
0x2a4: {  	v17 =	vmul.f32 v18, v14  }
0x2a5: {  	v16 =	vmul.f32 v16, v15  }
0x2a6: {  	v17 =	vadd.f32 v17, v7  }
0x2a7: {  	v16 =	vsub.f32 v16, v12  }
0x2a8: {  	v17 =	vmul.f32 v17, v14;
	v18 =	vpop (erf)  }
0x2a9: {  	v16 =	vmul.f32 v18, v16  }
0x2aa: {  	v17 =	vsub.f32 v17, v8  }
0x2ab: {  	v16 =	vsub.f32 v15, v16;
	v18 =	vpop (erf)  }
0x2ac: {  	v17 =	vmul.f32 v18, v17  }
0x2ad: {  	v16 =	vsel vm0, v15, v16  }
0x2ae: {  	v16 =	vmax.f32 v16, v10;
	v17 =	vsub.f32 v14, v17  }
0x2af: {  	v15 =	vmin.f32 v15, v16  }
0x2b0: {  	v16 =	vmul.f32 $3.000000000e+00, v15;
	v17 =	vsel vm1, v14, v17  }
0x2b1: {  	v17 =	vmax.f32 v17, v6  }
0x2b2: {  	v16 =	vsub.f32 v16, v22;
	v14 =	vmin.f32 v14, v17  }
0x2b3: {  	v17 =	vmul.f32 $3.000000000e+00, v14  }
0x2b4: {  	v16 =	vmul.f32 v16, v15  }
0x2b5: {  	v17 =	vsub.f32 v17, v24  }
0x2b6: {  	v16 =	vadd.f32 v16, v11  }
0x2b7: {  	v17 =	vmul.f32 v17, v14  }
0x2b8: {  	vm0 =	veq.f32 v16, $0.0e+00  }
0x2b9: {  	v16 =	vsel vm0, $0x3F800000, v16;
	v17 =	vadd.f32 v17, v7  }
0x2ba: {  	v18 =	vsub.f32 v15, v9;
	(erf) = vrcp.f32 v16  }
0x2bb: {  	vm1 =	veq.f32 v17, $0.0e+00  }
0x2bc: {  	v16 =	vmul.f32 v18, v15;
	v17 =	vsel vm1, $0x3F800000, v17  }
0x2bd: {  	v18 =	vsub.f32 v14, v5;
	(erf) = vrcp.f32 v17  }
0x2be: {  	v16 =	vadd.f32 v16, v11  }
0x2bf: {  	v17 =	vmul.f32 v18, v14  }
0x2c0: {  	v16 =	vmul.f32 v16, v15  }
0x2c1: {  	v17 =	vadd.f32 v17, v7  }
0x2c2: {  	v16 =	vsub.f32 v16, v12  }
0x2c3: {  	v17 =	vmul.f32 v17, v14;
	v18 =	vpop (erf)  }
0x2c4: {  	v16 =	vmul.f32 v18, v16  }
0x2c5: {  	v17 =	vsub.f32 v17, v8  }
0x2c6: {  	v16 =	vsub.f32 v15, v16;
	v18 =	vpop (erf)  }
0x2c7: {  	v17 =	vmul.f32 v18, v17  }
0x2c8: {  	v16 =	vsel vm0, v15, v16  }
0x2c9: {  	v16 =	vmax.f32 v16, v10;
	v17 =	vsub.f32 v14, v17  }
0x2ca: {  	v15 =	vmin.f32 v15, v16  }
0x2cb: {  	v16 =	vmul.f32 $3.000000000e+00, v15;
	v17 =	vsel vm1, v14, v17  }
0x2cc: {  	v17 =	vmax.f32 v17, v6  }
0x2cd: {  	v16 =	vsub.f32 v16, v22;
	v14 =	vmin.f32 v14, v17  }
0x2ce: {  	v17 =	vmul.f32 $3.000000000e+00, v14  }
0x2cf: {  	v16 =	vmul.f32 v16, v15  }
0x2d0: {  	v17 =	vsub.f32 v17, v24  }
0x2d1: {  	v16 =	vadd.f32 v16, v11  }
0x2d2: {  	v13 =	vadd.f32 $9.999999970e-07, v13;
	v17 =	vmul.f32 v17, v14  }
0x2d3: {  	vm0 =	veq.f32 v16, $0.0e+00  }
0x2d4: {  	(erf) = vrcp.f32 v13;
	v13 =	vsel vm0, $0x3F800000, v16;
	v16 =	vadd.f32 v17, v7  }
0x2d5: {  	v17 =	vsub.f32 v15, v9;
	(erf) = vrcp.f32 v13  }
0x2d6: {  	vm1 =	veq.f32 v16, $0.0e+00  }
0x2d7: {  	v13 =	vmul.f32 v17, v15;
	v16 =	vsel vm1, $0x3F800000, v16  }
0x2d8: {  	v17 =	vsub.f32 v14, v5;
	(erf) = vrcp.f32 v16  }
0x2d9: {  	v13 =	vadd.f32 v13, v11  }
0x2da: {  	v16 =	vmul.f32 v17, v14  }
0x2db: {  	v13 =	vmul.f32 v13, v15  }
0x2dc: {  	v16 =	vadd.f32 v16, v7  }
0x2dd: {  	v18 =	vpop (erf);
	v13 =	vsub.f32 v13, v12  }
0x2de: {  	v16 =	vmul.f32 v16, v14;
	v17 =	vpop (erf)  }
0x2df: {  	v13 =	vmul.f32 v17, v13  }
0x2e0: {  	v16 =	vsub.f32 v16, v8  }
0x2e1: {  	v13 =	vsub.f32 v15, v13;
	v17 =	vpop (erf)  }
0x2e2: {  	v16 =	vmul.f32 v17, v16  }
0x2e3: {  	v13 =	vsel vm0, v15, v13  }
0x2e4: {  	v13 =	vmax.f32 v13, v10;
	v16 =	vsub.f32 v14, v16  }
0x2e5: {  	v13 =	vmin.f32 v15, v13  }
0x2e6: {  	v15 =	vmul.f32 $3.000000000e+00, v13;
	v16 =	vsel vm1, v14, v16  }
0x2e7: {  	v16 =	vmax.f32 v16, v6  }
0x2e8: {  	v15 =	vsub.f32 v15, v22;
	v14 =	vmin.f32 v14, v16  }
0x2e9: {  	v16 =	vmul.f32 $3.000000000e+00, v14  }
0x2ea: {  	v15 =	vmul.f32 v15, v13  }
0x2eb: {  	v16 =	vsub.f32 v16, v24  }
0x2ec: {  	v15 =	vadd.f32 v15, v11  }
0x2ed: {  	v16 =	vmul.f32 v16, v14  }
0x2ee: {  	vm0 =	veq.f32 v15, $0.0e+00  }
0x2ef: {  	v15 =	vsel vm0, $0x3F800000, v15;
	v16 =	vadd.f32 v16, v7  }
0x2f0: {  	v17 =	vsub.f32 v13, v9;
	(erf) = vrcp.f32 v15  }
0x2f1: {  	vm1 =	veq.f32 v16, $0.0e+00  }
0x2f2: {  	v15 =	vmul.f32 v17, v13;
	v16 =	vsel vm1, $0x3F800000, v16  }
0x2f3: {  	v17 =	vsub.f32 v14, v5;
	(erf) = vrcp.f32 v16  }
0x2f4: {  	v15 =	vadd.f32 v15, v11  }
0x2f5: {  	v16 =	vmul.f32 v17, v14  }
0x2f6: {  	v15 =	vmul.f32 v15, v13  }
0x2f7: {  	v16 =	vadd.f32 v16, v7  }
0x2f8: {  	v15 =	vsub.f32 v15, v12  }
0x2f9: {  	v16 =	vmul.f32 v16, v14;
	v17 =	vpop (erf)  }
0x2fa: {  	v15 =	vmul.f32 v17, v15  }
0x2fb: {  	v16 =	vsub.f32 v16, v8  }
0x2fc: {  	v15 =	vsub.f32 v13, v15;
	v17 =	vpop (erf)  }
0x2fd: {  	v16 =	vmul.f32 v17, v16  }
0x2fe: {  	v15 =	vsel vm0, v13, v15  }
0x2ff: {  	v15 =	vmax.f32 v15, v10;
	v16 =	vsub.f32 v14, v16  }
0x300: {  	v15 =	vmin.f32 v13, v15  }
0x301: {  	v13 =	vmul.f32 $3.000000000e+00, v15;
	v16 =	vsel vm1, v14, v16  }
0x302: {  	v16 =	vmax.f32 v16, v6  }
0x303: {  	v13 =	vsub.f32 v13, v22;
	v14 =	vmin.f32 v14, v16  }
0x304: {  	v16 =	vmul.f32 $3.000000000e+00, v14  }
0x305: {  	v13 =	vmul.f32 v13, v15  }
0x306: {  	v16 =	vsub.f32 v16, v24  }
0x307: {  	v13 =	vadd.f32 v13, v11  }
0x308: {  	s2 =	simm.s32 $0x20;
	v16 =	vmul.f32 v16, v14  }
0x309: {  	v20 =	vld [tilespmem:s2+$0xB600];
	vm1 =	veq.f32 v13, $0.0e+00  }
0x30a: {  	v21 =	vld [tilespmem:s2+$0xB680];
	v13 =	vsel vm1, $0x3F800000, v13;
	v16 =	vadd.f32 v16, v7  }
0x30b: {  	v23 =	vld [tilespmem:s2+$0xB500];
	v25 =	vsub.f32 v15, v9;
	(erf) = vrcp.f32 v13  }
0x30c: {  	v19 =	vld [tilespmem:s2+$0xB700];
	vm0 =	veq.f32 v16, $0.0e+00  }
0x30d: {  	v17 =	vld [tilespmem:s2+$0xB780];
	v25 =	vmul.f32 v25, v15;
	v16 =	vsel vm0, $0x3F800000, v16  }
0x30e: {  	v13 =	vld [tilespmem:s2+$0xB580];
	[tilespmem:s0+$0xB880] =	vst v18;
	v18 =	vsub.f32 v14, v5;
	(erf) = vrcp.f32 v16  }
0x30f: {  	v25 =	vadd.f32 v25, v11  }
0x310: {  	v18 =	vmul.f32 v18, v14;
	v16 =	vld [tilespmem:s2+$0xB480]  }
0x311: {  	v25 =	vmul.f32 v25, v15  }
0x312: {  	v18 =	vadd.f32 v18, v7  }
0x313: {  	v33 =	vmul.f32 v21, v21;
	v27 =	vmul.f32 v21, v23;
	v25 =	vsub.f32 v25, v12  }
0x314: {  	v30 =	vmul.f32 v13, v23;
	v18 =	vmul.f32 v18, v14;
	v29 =	vpop (erf)  }
0x315: {  	v28 =	vmul.f32 v23, v16;
	v25 =	vmul.f32 v29, v25  }
0x316: {  	v26 =	vmul.f32 v19, v20;
	v18 =	vsub.f32 v18, v8;
	v23 =	vadd.f32 v23, v16  }
0x317: {  	v31 =	vmul.f32 v13, v16;
	v28 =	vadd.f32 v30, v28;
	v25 =	vsub.f32 v15, v25;
	v32 =	vpop (erf)  }
0x318: {  	v29 =	vmul.f32 v20, v13;
	v13 =	vadd.f32 v13, v23;
	v18 =	vmul.f32 v32, v18  }
0x319: {  	v23 =	vmul.f32 v20, v20;
	v28 =	vadd.f32 v28, v31;
	v25 =	vsel vm1, v15, v25  }
0x31a: {  	v31 =	vmul.f32 $3.000000000e+00, v13;
	v25 =	vmax.f32 v25, v10;
	v32 =	vsub.f32 v14, v18  }
0x31b: {  	v23 =	vsub.f32 v28, v23;
	v18 =	vadd.f32 v13, v13;
	v25 =	vmin.f32 v15, v25  }
0x31c: {  	v15 =	vmul.f32 v19, v19;
	v28 =	vmul.f32 $3.000000000e+00, v25;
	v32 =	vsel vm0, v14, v32  }
0x31d: {  	v23 =	vsub.f32 v23, v33;
	v31 =	vsub.f32 v31, v18;
	v32 =	vmax.f32 v32, v6  }
0x31e: {  	v26 =	vsub.f32 v26, v27;
	v28 =	vsub.f32 v28, v22;
	v32 =	vmin.f32 v14, v32  }
0x31f: {  	v31 =	vmul.f32 v31, v13;
	v14 =	vsub.f32 v23, v15;
	v23 =	vmul.f32 $3.000000000e+00, v32  }
0x320: {  	v19 =	vmul.f32 v19, v21;
	v15 =	vsub.f32 v30, v15;
	v27 =	vmul.f32 v28, v25  }
0x321: {  	v28 =	vadd.f32 v14, v31;
	v23 =	vsub.f32 v23, v24  }
0x322: {  	v19 =	vsub.f32 v29, v19;
	v27 =	vadd.f32 v27, v11  }
0x323: {  	v15 =	vmul.f32 v15, v16;
	vm0 =	veq.f32 v28, $0.0e+00;
	v16 =	vmul.f32 v23, v32  }
0x324: {  	v23 =	vsub.f32 v13, v13;
	v28 =	vsel vm0, $0x3F800000, v28;
	vm1 =	veq.f32 v27, $0.0e+00  }
0x325: {  	(erf) = vrcp.f32 v28;
	v27 =	vsel vm1, $0x3F800000, v27;
	v16 =	vadd.f32 v16, v7  }
0x326: {  	v19 =	vmul.f32 v19, v20;
	v20 =	vsub.f32 v25, v9;
	(erf) = vrcp.f32 v27  }
0x327: {  	v21 =	vmul.f32 v26, v21;
	v23 =	vmul.f32 v23, v13;
	vm2 =	veq.f32 v16, $0.0e+00  }
0x328: {  	v15 =	vsub.f32 v15, v19;
	v19 =	vmul.f32 v20, v25;
	v16 =	vsel vm2, $0x3F800000, v16  }
0x329: {  	v20 =	vadd.f32 v14, v23;
	v23 =	vsub.f32 v32, v5;
	(erf) = vrcp.f32 v16  }
0x32a: {  	v19 =	vadd.f32 v19, v11  }
0x32b: {  	v16 =	vadd.f32 v15, v21;
	v15 =	vmul.f32 v20, v13;
	v20 =	vmul.f32 v23, v32  }
0x32c: {  	v19 =	vmul.f32 v19, v25  }
0x32d: {  	v15 =	vsub.f32 v15, v16;
	v20 =	vadd.f32 v20, v7  }
0x32e: {  	v19 =	vsub.f32 v19, v12;
	v21 =	vpop (erf)  }
0x32f: {  	v20 =	vmul.f32 v20, v32;
	v15 =	vmul.f32 v21, v15;
	v21 =	vpop (erf)  }
0x330: {  	v19 =	vmul.f32 v21, v19  }
0x331: {  	v20 =	vsub.f32 v20, v8;
	v21 =	vsub.f32 v13, v15  }
0x332: {  	v15 =	vmul.f32 $3.333333430e-01, v13;
	v19 =	vsub.f32 v25, v19;
	v23 =	vpop (erf)  }
0x333: {  	v21 =	vsel vm0, v13, v21;
	v20 =	vmul.f32 v23, v20  }
0x334: {  	v21 =	vmax.f32 v21, v15;
	v19 =	vsel vm1, v25, v19  }
0x335: {  	v21 =	vmin.f32 v13, v21;
	v19 =	vmax.f32 v19, v10;
	v20 =	vsub.f32 v32, v20  }
0x336: {  	v23 =	vmul.f32 $3.000000000e+00, v21;
	v19 =	vmin.f32 v25, v19  }
0x337: {  	v25 =	vmul.f32 $3.000000000e+00, v19;
	v20 =	vsel vm2, v32, v20  }
0x338: {  	v23 =	vsub.f32 v23, v18;
	v20 =	vmax.f32 v20, v6  }
0x339: {  	v25 =	vsub.f32 v25, v22;
	v20 =	vmin.f32 v32, v20  }
0x33a: {  	v23 =	vmul.f32 v23, v21;
	v26 =	vmul.f32 $3.000000000e+00, v20  }
0x33b: {  	v25 =	vmul.f32 v25, v19  }
0x33c: {  	v23 =	vadd.f32 v23, v14;
	v26 =	vsub.f32 v26, v24  }
0x33d: {  	v25 =	vadd.f32 v25, v11  }
0x33e: {  	vm0 =	veq.f32 v23, $0.0e+00;
	v26 =	vmul.f32 v26, v20  }
0x33f: {  	v23 =	vsel vm0, $0x3F800000, v23;
	vm1 =	veq.f32 v25, $0.0e+00  }
0x340: {  	(erf) = vrcp.f32 v23;
	v23 =	vsel vm1, $0x3F800000, v25;
	v25 =	vadd.f32 v26, v7  }
0x341: {  	v26 =	vsub.f32 v19, v9;
	(erf) = vrcp.f32 v23  }
0x342: {  	vm2 =	veq.f32 v25, $0.0e+00  }
0x343: {  	v23 =	vsub.f32 v21, v13;
	v26 =	vmul.f32 v26, v19;
	v25 =	vsel vm2, $0x3F800000, v25  }
0x344: {  	v27 =	vsub.f32 v20, v5;
	(erf) = vrcp.f32 v25  }
0x345: {  	v23 =	vmul.f32 v23, v21;
	v25 =	vadd.f32 v26, v11  }
0x346: {  	v26 =	vmul.f32 v27, v20  }
0x347: {  	v23 =	vadd.f32 v23, v14;
	v25 =	vmul.f32 v25, v19  }
0x348: {  	v26 =	vadd.f32 v26, v7  }
0x349: {  	v23 =	vmul.f32 v23, v21;
	v27 =	vpop (erf);
	v25 =	vsub.f32 v25, v12  }
0x34a: {  	v26 =	vmul.f32 v26, v20;
	v28 =	vpop (erf)  }
0x34b: {  	v23 =	vsub.f32 v23, v16;
	v25 =	vmul.f32 v28, v25  }
0x34c: {  	v26 =	vsub.f32 v26, v8  }
0x34d: {  	v23 =	vmul.f32 v27, v23;
	v25 =	vsub.f32 v19, v25;
	v27 =	vpop (erf)  }
0x34e: {  	v26 =	vmul.f32 v27, v26  }
0x34f: {  	v23 =	vsub.f32 v21, v23;
	v25 =	vsel vm1, v19, v25  }
0x350: {  	v25 =	vmax.f32 v25, v10;
	v26 =	vsub.f32 v20, v26  }
0x351: {  	v23 =	vsel vm0, v21, v23;
	v19 =	vmin.f32 v19, v25  }
0x352: {  	v23 =	vmax.f32 v23, v15;
	v25 =	vmul.f32 $3.000000000e+00, v19;
	v26 =	vsel vm2, v20, v26  }
0x353: {  	v21 =	vmin.f32 v21, v23;
	v23 =	vmax.f32 v26, v6  }
0x354: {  	v26 =	vmul.f32 $3.000000000e+00, v21;
	v25 =	vsub.f32 v25, v22;
	v20 =	vmin.f32 v20, v23  }
0x355: {  	v23 =	vmul.f32 $3.000000000e+00, v20  }
0x356: {  	v26 =	vsub.f32 v26, v18;
	v25 =	vmul.f32 v25, v19  }
0x357: {  	v23 =	vsub.f32 v23, v24  }
0x358: {  	v26 =	vmul.f32 v26, v21;
	v25 =	vadd.f32 v25, v11  }
0x359: {  	v23 =	vmul.f32 v23, v20  }
0x35a: {  	v26 =	vadd.f32 v26, v14;
	vm1 =	veq.f32 v25, $0.0e+00  }
0x35b: {  	v25 =	vsel vm1, $0x3F800000, v25;
	v23 =	vadd.f32 v23, v7  }
0x35c: {  	v27 =	vsub.f32 v19, v9;
	vm0 =	veq.f32 v26, $0.0e+00;
	(erf) = vrcp.f32 v25  }
0x35d: {  	v25 =	vsel vm0, $0x3F800000, v26;
	vm2 =	veq.f32 v23, $0.0e+00  }
0x35e: {  	(erf) = vrcp.f32 v25;
	v25 =	vmul.f32 v27, v19;
	v23 =	vsel vm2, $0x3F800000, v23  }
0x35f: {  	v26 =	vsub.f32 v20, v5;
	(erf) = vrcp.f32 v23  }
0x360: {  	v23 =	vadd.f32 v25, v11  }
0x361: {  	v25 =	vmul.f32 v26, v20  }
0x362: {  	v23 =	vmul.f32 v23, v19  }
0x363: {  	v25 =	vadd.f32 v25, v7  }
0x364: {  	v23 =	vsub.f32 v23, v12  }
0x365: {  	v25 =	vmul.f32 v25, v20;
	v26 =	vpop (erf)  }
0x366: {  	v23 =	vmul.f32 v26, v23  }
0x367: {  	v25 =	vsub.f32 v25, v8;
	v26 =	vpop (erf)  }
0x368: {  	v23 =	vsub.f32 v19, v23;
	v27 =	vpop (erf)  }
0x369: {  	v25 =	vmul.f32 v27, v25  }
0x36a: {  	v23 =	vsel vm1, v19, v23  }
0x36b: {  	v23 =	vmax.f32 v23, v10;
	v25 =	vsub.f32 v20, v25  }
0x36c: {  	v19 =	vmin.f32 v19, v23  }
0x36d: {  	v23 =	vmul.f32 $3.000000000e+00, v19;
	v25 =	vsel vm2, v20, v25  }
0x36e: {  	v25 =	vmax.f32 v25, v6  }
0x36f: {  	v23 =	vsub.f32 v23, v22;
	v20 =	vmin.f32 v20, v25  }
0x370: {  	v25 =	vmul.f32 $3.000000000e+00, v20  }
0x371: {  	v23 =	vmul.f32 v23, v19  }
0x372: {  	v25 =	vsub.f32 v25, v24  }
0x373: {  	v27 =	vsub.f32 v21, v13;
	v23 =	vadd.f32 v23, v11  }
0x374: {  	v25 =	vmul.f32 v25, v20  }
0x375: {  	v27 =	vmul.f32 v27, v21;
	vm1 =	veq.f32 v23, $0.0e+00  }
0x376: {  	v23 =	vsel vm1, $0x3F800000, v23;
	v25 =	vadd.f32 v25, v7  }
0x377: {  	v28 =	vsub.f32 v19, v9;
	(erf) = vrcp.f32 v23;
	v23 =	vadd.f32 v27, v14  }
0x378: {  	vm2 =	veq.f32 v25, $0.0e+00  }
0x379: {  	v27 =	vmul.f32 v28, v19;
	v23 =	vmul.f32 v23, v21;
	v25 =	vsel vm2, $0x3F800000, v25  }
0x37a: {  	v28 =	vsub.f32 v20, v5;
	(erf) = vrcp.f32 v25  }
0x37b: {  	v25 =	vadd.f32 v27, v11;
	v23 =	vsub.f32 v23, v16  }
0x37c: {  	v27 =	vmul.f32 v28, v20  }
0x37d: {  	v25 =	vmul.f32 v25, v19;
	v23 =	vmul.f32 v26, v23  }
0x37e: {  	v26 =	vadd.f32 v27, v7  }
0x37f: {  	v25 =	vsub.f32 v25, v12;
	v23 =	vsub.f32 v21, v23  }
0x380: {  	v26 =	vmul.f32 v26, v20;
	v27 =	vpop (erf)  }
0x381: {  	v25 =	vmul.f32 v27, v25;
	v23 =	vsel vm0, v21, v23  }
0x382: {  	v26 =	vsub.f32 v26, v8;
	v23 =	vmax.f32 v23, v15  }
0x383: {  	v25 =	vsub.f32 v19, v25;
	v21 =	vmin.f32 v21, v23;
	v27 =	vpop (erf)  }
0x384: {  	v23 =	vmul.f32 v27, v26;
	v26 =	vmul.f32 $3.000000000e+00, v21  }
0x385: {  	v25 =	vsel vm1, v19, v25  }
0x386: {  	v25 =	vmax.f32 v25, v10;
	v23 =	vsub.f32 v20, v23;
	v26 =	vsub.f32 v26, v18  }
0x387: {  	v19 =	vmin.f32 v19, v25  }
0x388: {  	v25 =	vmul.f32 $3.000000000e+00, v19;
	v23 =	vsel vm2, v20, v23;
	v26 =	vmul.f32 v26, v21  }
0x389: {  	v23 =	vmax.f32 v23, v6  }
0x38a: {  	v25 =	vsub.f32 v25, v22;
	v20 =	vmin.f32 v20, v23;
	v23 =	vadd.f32 v26, v14  }
0x38b: {  	v26 =	vmul.f32 $3.000000000e+00, v20  }
0x38c: {  	v25 =	vmul.f32 v25, v19;
	vm1 =	veq.f32 v23, $0.0e+00  }
0x38d: {  	v26 =	vsub.f32 v26, v24;
	v23 =	vsel vm1, $0x3F800000, v23  }
0x38e: {  	v27 =	vsub.f32 v21, v13;
	v25 =	vadd.f32 v25, v11;
	(erf) = vrcp.f32 v23  }
0x38f: {  	v23 =	vmul.f32 v26, v20  }
0x390: {  	vm0 =	veq.f32 v25, $0.0e+00;
	v26 =	vmul.f32 v27, v21  }
0x391: {  	v27 =	vsub.f32 v19, v9;
	v25 =	vsel vm0, $0x3F800000, v25;
	v23 =	vadd.f32 v23, v7  }
0x392: {  	(erf) = vrcp.f32 v25;
	v25 =	vadd.f32 v26, v14  }
0x393: {  	v26 =	vmul.f32 v27, v19;
	v27 =	vsub.f32 v20, v5;
	vm2 =	veq.f32 v23, $0.0e+00  }
0x394: {  	v25 =	vmul.f32 v25, v21;
	v23 =	vsel vm2, $0x3F800000, v23  }
0x395: {  	(erf) = vrcp.f32 v23  }
0x396: {  	v23 =	vadd.f32 v26, v11;
	v25 =	vsub.f32 v25, v16  }
0x397: {  	v26 =	vmul.f32 v27, v20;
	v27 =	vpop (erf)  }
0x398: {  	v23 =	vmul.f32 v23, v19;
	v25 =	vmul.f32 v27, v25  }
0x399: {  	v26 =	vadd.f32 v26, v7  }
0x39a: {  	v23 =	vsub.f32 v23, v12;
	v25 =	vsub.f32 v21, v25  }
0x39b: {  	v26 =	vmul.f32 v26, v20;
	v27 =	vpop (erf)  }
0x39c: {  	v23 =	vmul.f32 v27, v23;
	v25 =	vsel vm1, v21, v25  }
0x39d: {  	v26 =	vsub.f32 v26, v8;
	v25 =	vmax.f32 v25, v15  }
0x39e: {  	v23 =	vsub.f32 v19, v23;
	v27 =	vpop (erf);
	v21 =	vmin.f32 v21, v25  }
0x39f: {  	v25 =	vmul.f32 v27, v26;
	v26 =	vmul.f32 $3.000000000e+00, v21  }
0x3a0: {  	v23 =	vsel vm0, v19, v23  }
0x3a1: {  	v23 =	vmax.f32 v23, v10;
	v25 =	vsub.f32 v20, v25;
	v26 =	vsub.f32 v26, v18  }
0x3a2: {  	v19 =	vmin.f32 v19, v23  }
0x3a3: {  	v23 =	vmul.f32 $3.000000000e+00, v19;
	v25 =	vsel vm2, v20, v25;
	v26 =	vmul.f32 v26, v21  }
0x3a4: {  	v25 =	vmax.f32 v25, v6  }
0x3a5: {  	v23 =	vsub.f32 v23, v22;
	v20 =	vmin.f32 v20, v25;
	v25 =	vadd.f32 v26, v14  }
0x3a6: {  	v26 =	vmul.f32 $3.000000000e+00, v20  }
0x3a7: {  	v23 =	vmul.f32 v23, v19;
	vm1 =	veq.f32 v25, $0.0e+00  }
0x3a8: {  	v26 =	vsub.f32 v26, v24;
	v25 =	vsel vm1, $0x3F800000, v25  }
0x3a9: {  	v27 =	vsub.f32 v21, v13;
	v23 =	vadd.f32 v23, v11;
	(erf) = vrcp.f32 v25  }
0x3aa: {  	v25 =	vmul.f32 v26, v20  }
0x3ab: {  	vm0 =	veq.f32 v23, $0.0e+00;
	v26 =	vmul.f32 v27, v21  }
0x3ac: {  	v27 =	vsub.f32 v19, v9;
	v23 =	vsel vm0, $0x3F800000, v23;
	v25 =	vadd.f32 v25, v7  }
0x3ad: {  	(erf) = vrcp.f32 v23;
	v23 =	vadd.f32 v26, v14  }
0x3ae: {  	v26 =	vmul.f32 v27, v19;
	v27 =	vsub.f32 v20, v5;
	vm2 =	veq.f32 v25, $0.0e+00  }
0x3af: {  	v23 =	vmul.f32 v23, v21;
	v25 =	vsel vm2, $0x3F800000, v25  }
0x3b0: {  	(erf) = vrcp.f32 v25  }
0x3b1: {  	v25 =	vadd.f32 v26, v11;
	v23 =	vsub.f32 v23, v16  }
0x3b2: {  	v26 =	vmul.f32 v27, v20;
	v27 =	vpop (erf)  }
0x3b3: {  	v25 =	vmul.f32 v25, v19;
	v23 =	vmul.f32 v27, v23  }
0x3b4: {  	v26 =	vadd.f32 v26, v7  }
0x3b5: {  	v25 =	vsub.f32 v25, v12;
	v23 =	vsub.f32 v21, v23  }
0x3b6: {  	v26 =	vmul.f32 v26, v20;
	v27 =	vpop (erf)  }
0x3b7: {  	v25 =	vmul.f32 v27, v25;
	v23 =	vsel vm1, v21, v23  }
0x3b8: {  	v26 =	vsub.f32 v26, v8;
	v23 =	vmax.f32 v23, v15  }
0x3b9: {  	v25 =	vsub.f32 v19, v25;
	v27 =	vpop (erf);
	v21 =	vmin.f32 v21, v23  }
0x3ba: {  	v23 =	vmul.f32 v27, v26;
	v26 =	vmul.f32 $3.000000000e+00, v21  }
0x3bb: {  	v25 =	vsel vm0, v19, v25  }
0x3bc: {  	v25 =	vmax.f32 v25, v10;
	v23 =	vsub.f32 v20, v23;
	v26 =	vsub.f32 v26, v18  }
0x3bd: {  	v19 =	vmin.f32 v19, v25  }
0x3be: {  	v25 =	vmul.f32 $3.000000000e+00, v19;
	v23 =	vsel vm2, v20, v23;
	v26 =	vmul.f32 v26, v21  }
0x3bf: {  	v23 =	vmax.f32 v23, v6  }
0x3c0: {  	v25 =	vsub.f32 v25, v22;
	v20 =	vmin.f32 v20, v23;
	v23 =	vadd.f32 v26, v14  }
0x3c1: {  	v17 =	vadd.f32 $9.999999970e-07, v17;
	v26 =	vmul.f32 $3.000000000e+00, v20  }
0x3c2: {  	v25 =	vmul.f32 v25, v19;
	vm0 =	veq.f32 v23, $0.0e+00  }
0x3c3: {  	(erf) = vrcp.f32 v17;
	v26 =	vsub.f32 v26, v24;
	v17 =	vsel vm0, $0x3F800000, v23  }
0x3c4: {  	v23 =	vadd.f32 v25, v11;
	v25 =	vsub.f32 v21, v13;
	(erf) = vrcp.f32 v17  }
0x3c5: {  	v17 =	vmul.f32 v26, v20  }
0x3c6: {  	vm1 =	veq.f32 v23, $0.0e+00;
	v25 =	vmul.f32 v25, v21  }
0x3c7: {  	v26 =	vsub.f32 v19, v9;
	v23 =	vsel vm1, $0x3F800000, v23;
	v17 =	vadd.f32 v17, v7  }
0x3c8: {  	(erf) = vrcp.f32 v23;
	v23 =	vadd.f32 v25, v14  }
0x3c9: {  	v25 =	vmul.f32 v26, v19;
	v26 =	vsub.f32 v20, v5;
	vm2 =	veq.f32 v17, $0.0e+00  }
0x3ca: {  	v23 =	vmul.f32 v23, v21;
	v17 =	vsel vm2, $0x3F800000, v17  }
0x3cb: {  	(erf) = vrcp.f32 v17  }
0x3cc: {  	v27 =	vpop (erf);
	v17 =	vadd.f32 v25, v11;
	v23 =	vsub.f32 v23, v16  }
0x3cd: {  	v25 =	vmul.f32 v26, v20;
	v26 =	vpop (erf)  }
0x3ce: {  	v17 =	vmul.f32 v17, v19;
	v23 =	vmul.f32 v26, v23  }
0x3cf: {  	v25 =	vadd.f32 v25, v7  }
0x3d0: {  	v17 =	vsub.f32 v17, v12;
	v23 =	vsub.f32 v21, v23  }
0x3d1: {  	v25 =	vmul.f32 v25, v20;
	v26 =	vpop (erf)  }
0x3d2: {  	v17 =	vmul.f32 v26, v17;
	v23 =	vsel vm0, v21, v23  }
0x3d3: {  	v25 =	vsub.f32 v25, v8;
	v23 =	vmax.f32 v23, v15  }
0x3d4: {  	v17 =	vsub.f32 v19, v17;
	v26 =	vpop (erf);
	v21 =	vmin.f32 v21, v23  }
0x3d5: {  	v23 =	vmul.f32 v26, v25;
	v25 =	vmul.f32 $3.000000000e+00, v21  }
0x3d6: {  	v17 =	vsel vm1, v19, v17  }
0x3d7: {  	v17 =	vmax.f32 v17, v10;
	v23 =	vsub.f32 v20, v23;
	v25 =	vsub.f32 v25, v18  }
0x3d8: {  	v17 =	vmin.f32 v19, v17  }
0x3d9: {  	v19 =	vmul.f32 $3.000000000e+00, v17;
	v23 =	vsel vm2, v20, v23;
	v25 =	vmul.f32 v25, v21  }
0x3da: {  	v23 =	vmax.f32 v23, v6  }
0x3db: {  	v19 =	vsub.f32 v19, v22;
	v20 =	vmin.f32 v20, v23;
	v23 =	vadd.f32 v25, v14  }
0x3dc: {  	v25 =	vmul.f32 $3.000000000e+00, v20  }
0x3dd: {  	v19 =	vmul.f32 v19, v17;
	vm2 =	veq.f32 v23, $0.0e+00  }
0x3de: {  	v25 =	vsub.f32 v25, v24;
	v23 =	vsel vm2, $0x3F800000, v23  }
0x3df: {  	v26 =	vsub.f32 v21, v13;
	v19 =	vadd.f32 v19, v11;
	(erf) = vrcp.f32 v23  }
0x3e0: {  	v23 =	vmul.f32 v25, v20  }
0x3e1: {  	vm1 =	veq.f32 v19, $0.0e+00;
	v25 =	vmul.f32 v26, v21  }
0x3e2: {  	v26 =	vsub.f32 v17, v9;
	v19 =	vsel vm1, $0x3F800000, v19;
	v23 =	vadd.f32 v23, v7  }
0x3e3: {  	(erf) = vrcp.f32 v19;
	v19 =	vadd.f32 v25, v14  }
0x3e4: {  	v25 =	vmul.f32 v26, v17;
	v26 =	vsub.f32 v20, v5;
	vm0 =	veq.f32 v23, $0.0e+00  }
0x3e5: {  	v19 =	vmul.f32 v19, v21;
	v23 =	vsel vm0, $0x3F800000, v23  }
0x3e6: {  	(erf) = vrcp.f32 v23  }
0x3e7: {  	v23 =	vadd.f32 v25, v11;
	v19 =	vsub.f32 v19, v16  }
0x3e8: {  	v25 =	vmul.f32 v26, v20;
	v26 =	vpop (erf)  }
0x3e9: {  	v23 =	vmul.f32 v23, v17;
	v19 =	vmul.f32 v26, v19  }
0x3ea: {  	v25 =	vadd.f32 v25, v7  }
0x3eb: {  	v23 =	vsub.f32 v23, v12;
	v19 =	vsub.f32 v21, v19  }
0x3ec: {  	v25 =	vmul.f32 v25, v20;
	v26 =	vpop (erf)  }
0x3ed: {  	v23 =	vmul.f32 v26, v23;
	v19 =	vsel vm2, v21, v19  }
0x3ee: {  	v25 =	vsub.f32 v25, v8;
	v19 =	vmax.f32 v19, v15  }
0x3ef: {  	v23 =	vsub.f32 v17, v23;
	v26 =	vpop (erf);
	v19 =	vmin.f32 v21, v19  }
0x3f0: {  	v21 =	vmul.f32 v26, v25;
	v25 =	vmul.f32 $3.000000000e+00, v19  }
0x3f1: {  	v23 =	vsel vm1, v17, v23  }
0x3f2: {  	v23 =	vmax.f32 v23, v10;
	v25 =	vsub.f32 v25, v18  }
0x3f3: {  	v21 =	vsub.f32 v20, v21;
	v29 =	vmin.f32 v17, v23  }
0x3f4: {  	v17 =	vmul.f32 $3.000000000e+00, v29;
	v25 =	vmul.f32 v25, v19  }
0x3f5: {  	s1 =	simm.s32 $0x30;
	v21 =	vsel vm0, v20, v21  }
0x3f6: {  	v28 =	vld [tilespmem:s1+$0xB600];
	v21 =	vmax.f32 v21, v6;
	v17 =	vsub.f32 v17, v22;
	v25 =	vadd.f32 v25, v14  }
0x3f7: {  	v20 =	vmin.f32 v20, v21  }
0x3f8: {  	v26 =	vld [tilespmem:s1+$0xB700];
	v31 =	vmul.f32 $3.000000000e+00, v20;
	v17 =	vmul.f32 v17, v29;
	vm0 =	veq.f32 v25, $0.0e+00  }
0x3f9: {  	v30 =	vld [tilespmem:s1+$0xB500];
	v35 =	vsub.f32 v19, v13;
	v34 =	vsel vm0, $0x3F800000, v25  }
0x3fa: {  	v23 =	vld [tilespmem:s1+$0xB680];
	v31 =	vsub.f32 v31, v24;
	v17 =	vadd.f32 v17, v11;
	(erf) = vrcp.f32 v34  }
0x3fb: {  	v58 =	vmul.f32 v28, v28;
	v37 =	vsub.f32 v29, v9;
	v21 =	vld [tilespmem:s1+$0xB580]  }
0x3fc: {  	v35 =	vmul.f32 v35, v19;
	v25 =	vld [tilespmem:s1+$0xB780];
	[tilespmem:s2+$0xB880] =	vst v27;
	v31 =	vmul.f32 v31, v20;
	vm1 =	veq.f32 v17, $0.0e+00  }
0x3fd: {  	v55 =	vmul.f32 v26, v28;
	v37 =	vmul.f32 v37, v29;
	v36 =	vld [tilespmem:s1+$0xB480];
	v17 =	vsel vm1, $0x3F800000, v17  }
0x3fe: {  	v31 =	vadd.f32 v31, v7;
	(erf) = vrcp.f32 v17;
	v17 =	vadd.f32 v35, v14  }
0x3ff: {  	v56 =	vmul.f32 v23, v30;
	v57 =	vmul.f32 v26, v23  }
0x400: {  	v26 =	vmul.f32 v26, v26;
	vm2 =	veq.f32 v31, $0.0e+00;
	v17 =	vmul.f32 v17, v19  }
0x401: {  	v39 =	vsub.f32 v20, v5;
	v37 =	vadd.f32 v37, v11;
	v31 =	vsel vm2, $0x3F800000, v31  }
0x402: {  	(erf) = vrcp.f32 v31;
	v31 =	vadd.f32 v30, v36;
	v41 =	vsub.f32 v17, v16  }
0x403: {  	v38 =	vmul.f32 v23, v23;
	v39 =	vmul.f32 v39, v20;
	v32 =	vsub.f32 v55, v56;
	v42 =	vpop (erf)  }
0x404: {  	v37 =	vmul.f32 v37, v29;
	v17 =	vadd.f32 v21, v31;
	v31 =	vmul.f32 v42, v41  }
0x405: {  	v27 =	vmul.f32 v28, v21;
	v40 =	vmul.f32 v21, v30;
	v39 =	vadd.f32 v39, v7  }
0x406: {  	v37 =	vsub.f32 v37, v12;
	v32 =	vmul.f32 v32, v23;
	v30 =	vmul.f32 v30, v36  }
0x407: {  	v59 =	vsub.f32 v40, v26;
	v39 =	vmul.f32 v39, v20;
	v27 =	vsub.f32 v27, v57  }
0x408: {  	v21 =	vmul.f32 v21, v36;
	v30 =	vadd.f32 v40, v30;
	v23 =	vsub.f32 v19, v31;
	v31 =	vpop (erf)  }
0x409: {  	v61 =	vsub.f32 v39, v8;
	v60 =	vmul.f32 $3.000000000e+00, v17;
	v31 =	vmul.f32 v31, v37  }
0x40a: {  	v21 =	vadd.f32 v30, v21;
	v41 =	vsub.f32 v17, v17;
	v30 =	vsel vm0, v19, v23  }
0x40b: {  	v23 =	vadd.f32 v17, v17;
	v30 =	vmax.f32 v30, v15;
	v62 =	vpop (erf);
	v31 =	vsub.f32 v29, v31  }
0x40c: {  	v21 =	vsub.f32 v21, v58;
	v30 =	vmin.f32 v19, v30;
	v19 =	vmul.f32 v62, v61  }
0x40d: {  	v34 =	vsub.f32 v60, v23;
	v63 =	vmul.f32 $3.000000000e+00, v30;
	v31 =	vsel vm1, v29, v31  }
0x40e: {  	v21 =	vsub.f32 v21, v38;
	v37 =	vsub.f32 v20, v19;
	v31 =	vmax.f32 v31, v10  }
0x40f: {  	v34 =	vmul.f32 v34, v17;
	v35 =	vsub.f32 v63, v18;
	v29 =	vmin.f32 v29, v31  }
0x410: {  	v19 =	vsub.f32 v21, v26;
	v26 =	vsel vm2, v20, v37;
	v21 =	vmul.f32 $3.000000000e+00, v29  }
0x411: {  	v42 =	vsub.f32 v30, v13;
	v40 =	vmul.f32 v35, v30;
	v26 =	vmax.f32 v26, v6  }
0x412: {  	v34 =	vadd.f32 v19, v34;
	v26 =	vmin.f32 v20, v26;
	v21 =	vsub.f32 v21, v22  }
0x413: {  	v20 =	vmul.f32 v27, v28;
	v27 =	vadd.f32 v40, v14;
	v28 =	vmul.f32 $3.000000000e+00, v26  }
0x414: {  	v31 =	vmul.f32 v59, v36;
	vm0 =	veq.f32 v34, $0.0e+00;
	v21 =	vmul.f32 v21, v29  }
0x415: {  	v34 =	vsel vm0, $0x3F800000, v34;
	vm1 =	veq.f32 v27, $0.0e+00;
	v28 =	vsub.f32 v28, v24  }
0x416: {  	(erf) = vrcp.f32 v34;
	v27 =	vsel vm1, $0x3F800000, v27;
	v21 =	vadd.f32 v21, v11  }
0x417: {  	v43 =	vsub.f32 v29, v9;
	(erf) = vrcp.f32 v27;
	v27 =	vmul.f32 v28, v26  }
0x418: {  	v20 =	vsub.f32 v31, v20;
	v28 =	vmul.f32 v41, v17;
	vm2 =	veq.f32 v21, $0.0e+00  }
0x419: {  	v31 =	vmul.f32 v42, v30;
	v27 =	vadd.f32 v27, v7;
	v21 =	vsel vm2, $0x3F800000, v21  }
0x41a: {  	v28 =	vadd.f32 v19, v28;
	(erf) = vrcp.f32 v21  }
0x41b: {  	v21 =	vadd.f32 v31, v14;
	vm3 =	veq.f32 v27, $0.0e+00;
	v31 =	vmul.f32 v43, v29  }
0x41c: {  	v20 =	vadd.f32 v20, v32;
	v28 =	vmul.f32 v28, v17;
	v27 =	vsel vm3, $0x3F800000, v27  }
0x41d: {  	v44 =	vsub.f32 v26, v5;
	v21 =	vmul.f32 v21, v30;
	(erf) = vrcp.f32 v27  }
0x41e: {  	v27 =	vsub.f32 v28, v20;
	v28 =	vadd.f32 v31, v11  }
0x41f: {  	v32 =	vmul.f32 v44, v26;
	v31 =	vpop (erf);
	v21 =	vsub.f32 v21, v16  }
0x420: {  	v28 =	vmul.f32 v28, v29;
	v27 =	vmul.f32 v31, v27;
	v31 =	vpop (erf)  }
0x421: {  	v32 =	vadd.f32 v32, v7;
	v31 =	vmul.f32 v31, v21  }
0x422: {  	v28 =	vsub.f32 v28, v12;
	v27 =	vsub.f32 v17, v27  }
0x423: {  	v32 =	vmul.f32 v32, v26;
	v21 =	vmul.f32 $3.333333430e-01, v17;
	v31 =	vsub.f32 v30, v31;
	v45 =	vpop (erf)  }
0x424: {  	v27 =	vsel vm0, v17, v27;
	v28 =	vmul.f32 v45, v28  }
0x425: {  	v32 =	vsub.f32 v32, v8;
	v27 =	vmax.f32 v27, v21;
	v31 =	vsel vm1, v30, v31  }
0x426: {  	v27 =	vmin.f32 v17, v27;
	v31 =	vmax.f32 v31, v15;
	v46 =	vpop (erf);
	v28 =	vsub.f32 v29, v28  }
0x427: {  	v47 =	vmul.f32 $3.000000000e+00, v27;
	v30 =	vmin.f32 v30, v31;
	v31 =	vmul.f32 v46, v32  }
0x428: {  	v48 =	vmul.f32 $3.000000000e+00, v30;
	v28 =	vsel vm2, v29, v28  }
0x429: {  	v49 =	vsub.f32 v47, v23;
	v31 =	vsub.f32 v26, v31;
	v28 =	vmax.f32 v28, v10  }
0x42a: {  	v32 =	vsub.f32 v48, v18;
	v28 =	vmin.f32 v29, v28  }
0x42b: {  	v29 =	vmul.f32 v49, v27;
	v31 =	vsel vm3, v26, v31;
	v50 =	vmul.f32 $3.000000000e+00, v28  }
0x42c: {  	v32 =	vmul.f32 v32, v30;
	v31 =	vmax.f32 v31, v6  }
0x42d: {  	v29 =	vadd.f32 v29, v19;
	v26 =	vmin.f32 v26, v31;
	v33 =	vsub.f32 v50, v22  }
0x42e: {  	v31 =	vadd.f32 v32, v14;
	v51 =	vmul.f32 $3.000000000e+00, v26  }
0x42f: {  	vm0 =	veq.f32 v29, $0.0e+00;
	v33 =	vmul.f32 v33, v28  }
0x430: {  	v29 =	vsel vm0, $0x3F800000, v29;
	vm3 =	veq.f32 v31, $0.0e+00;
	v32 =	vsub.f32 v51, v24  }
0x431: {  	(erf) = vrcp.f32 v29;
	v29 =	vsel vm3, $0x3F800000, v31;
	v31 =	vadd.f32 v33, v11  }
0x432: {  	v53 =	vsub.f32 v30, v13;
	(erf) = vrcp.f32 v29;
	v29 =	vmul.f32 v32, v26  }
0x433: {  	v52 =	vsub.f32 v27, v17;
	vm1 =	veq.f32 v31, $0.0e+00  }
0x434: {  	v33 =	vmul.f32 v53, v30;
	v29 =	vadd.f32 v29, v7;
	v31 =	vsel vm1, $0x3F800000, v31  }
0x435: {  	v54 =	vmul.f32 v52, v27;
	v55 =	vsub.f32 v28, v9;
	(erf) = vrcp.f32 v31  }
0x436: {  	v31 =	vadd.f32 v33, v14;
	vm2 =	veq.f32 v29, $0.0e+00  }
0x437: {  	v56 =	vmul.f32 v55, v28;
	v32 =	vadd.f32 v54, v19;
	v29 =	vsel vm2, $0x3F800000, v29  }
0x438: {  	v57 =	vsub.f32 v26, v5;
	v31 =	vmul.f32 v31, v30;
	(erf) = vrcp.f32 v29  }
0x439: {  	v32 =	vmul.f32 v32, v27;
	v29 =	vadd.f32 v56, v11  }
0x43a: {  	v34 =	vmul.f32 v57, v26;
	v58 =	vpop (erf);
	v31 =	vsub.f32 v31, v16  }
0x43b: {  	v32 =	vsub.f32 v32, v20;
	v29 =	vmul.f32 v29, v28;
	v59 =	vpop (erf)  }
0x43c: {  	v60 =	vadd.f32 v34, v7;
	v31 =	vmul.f32 v59, v31  }
0x43d: {  	v32 =	vmul.f32 v58, v32;
	v29 =	vsub.f32 v29, v12  }
0x43e: {  	v33 =	vmul.f32 v60, v26;
	v31 =	vsub.f32 v30, v31;
	v61 =	vpop (erf)  }
0x43f: {  	v32 =	vsub.f32 v27, v32;
	v29 =	vmul.f32 v61, v29  }
0x440: {  	v33 =	vsub.f32 v33, v8;
	v31 =	vsel vm3, v30, v31  }
0x441: {  	v32 =	vsel vm0, v27, v32;
	v31 =	vmax.f32 v31, v15;
	v62 =	vpop (erf);
	v29 =	vsub.f32 v28, v29  }
0x442: {  	v32 =	vmax.f32 v32, v21;
	v30 =	vmin.f32 v30, v31;
	v31 =	vmul.f32 v62, v33  }
0x443: {  	v27 =	vmin.f32 v27, v32;
	v63 =	vmul.f32 $3.000000000e+00, v30;
	v29 =	vsel vm1, v28, v29  }
0x444: {  	v32 =	vmul.f32 $3.000000000e+00, v27;
	v31 =	vsub.f32 v26, v31;
	v29 =	vmax.f32 v29, v10  }
0x445: {  	v33 =	vsub.f32 v63, v18;
	v28 =	vmin.f32 v28, v29  }
0x446: {  	v32 =	vsub.f32 v32, v23;
	v31 =	vsel vm2, v26, v31;
	v29 =	vmul.f32 $3.000000000e+00, v28  }
0x447: {  	v33 =	vmul.f32 v33, v30;
	v31 =	vmax.f32 v31, v6  }
0x448: {  	v32 =	vmul.f32 v32, v27;
	v26 =	vmin.f32 v26, v31;
	v29 =	vsub.f32 v29, v22  }
0x449: {  	v36 =	vadd.f32 v33, v14;
	v37 =	vmul.f32 $3.000000000e+00, v26  }
0x44a: {  	v31 =	vadd.f32 v32, v19;
	v29 =	vmul.f32 v29, v28  }
0x44b: {  	v38 =	vsub.f32 v30, v13;
	vm1 =	veq.f32 v36, $0.0e+00;
	v33 =	vsub.f32 v37, v24  }
0x44c: {  	vm0 =	veq.f32 v31, $0.0e+00;
	v32 =	vsel vm1, $0x3F800000, v36;
	v29 =	vadd.f32 v29, v11  }
0x44d: {  	v31 =	vsel vm0, $0x3F800000, v31;
	(erf) = vrcp.f32 v32;
	v39 =	vmul.f32 v33, v26  }
0x44e: {  	(erf) = vrcp.f32 v31;
	vm2 =	veq.f32 v29, $0.0e+00  }
0x44f: {  	v31 =	vmul.f32 v38, v30;
	v32 =	vadd.f32 v39, v7;
	v29 =	vsel vm2, $0x3F800000, v29  }
0x450: {  	v40 =	vsub.f32 v28, v9;
	(erf) = vrcp.f32 v29  }
0x451: {  	v29 =	vadd.f32 v31, v14;
	vm3 =	veq.f32 v32, $0.0e+00  }
0x452: {  	v31 =	vmul.f32 v40, v28;
	v32 =	vsel vm3, $0x3F800000, v32  }
0x453: {  	v41 =	vsub.f32 v26, v5;
	v29 =	vmul.f32 v29, v30;
	(erf) = vrcp.f32 v32  }
0x454: {  	v31 =	vadd.f32 v31, v11  }
0x455: {  	v42 =	vmul.f32 v41, v26;
	v29 =	vsub.f32 v29, v16  }
0x456: {  	v31 =	vmul.f32 v31, v28;
	v43 =	vpop (erf)  }
0x457: {  	v32 =	vadd.f32 v42, v7;
	v29 =	vmul.f32 v43, v29  }
0x458: {  	v44 =	vpop (erf);
	v31 =	vsub.f32 v31, v12  }
0x459: {  	v32 =	vmul.f32 v32, v26;
	v29 =	vsub.f32 v30, v29;
	v45 =	vpop (erf)  }
0x45a: {  	v31 =	vmul.f32 v45, v31  }
0x45b: {  	v32 =	vsub.f32 v32, v8;
	v29 =	vsel vm1, v30, v29  }
0x45c: {  	v29 =	vmax.f32 v29, v15;
	v46 =	vpop (erf);
	v31 =	vsub.f32 v28, v31  }
0x45d: {  	v29 =	vmin.f32 v30, v29;
	v30 =	vmul.f32 v46, v32  }
0x45e: {  	v47 =	vmul.f32 $3.000000000e+00, v29;
	v31 =	vsel vm2, v28, v31  }
0x45f: {  	v30 =	vsub.f32 v26, v30;
	v31 =	vmax.f32 v31, v10  }
0x460: {  	v32 =	vsub.f32 v47, v18;
	v28 =	vmin.f32 v28, v31  }
0x461: {  	v30 =	vsel vm3, v26, v30;
	v31 =	vmul.f32 $3.000000000e+00, v28  }
0x462: {  	v32 =	vmul.f32 v32, v29;
	v30 =	vmax.f32 v30, v6  }
0x463: {  	v26 =	vmin.f32 v26, v30;
	v31 =	vsub.f32 v31, v22  }
0x464: {  	v30 =	vadd.f32 v32, v14;
	v48 =	vmul.f32 $3.000000000e+00, v26  }
0x465: {  	v49 =	vsub.f32 v27, v17;
	v31 =	vmul.f32 v31, v28  }
0x466: {  	vm1 =	veq.f32 v30, $0.0e+00;
	v32 =	vsub.f32 v48, v24  }
0x467: {  	v34 =	vmul.f32 v49, v27;
	v30 =	vsel vm1, $0x3F800000, v30;
	v31 =	vadd.f32 v31, v11  }
0x468: {  	v50 =	vsub.f32 v29, v13;
	(erf) = vrcp.f32 v30;
	v30 =	vmul.f32 v32, v26  }
0x469: {  	v51 =	vadd.f32 v34, v19;
	vm2 =	veq.f32 v31, $0.0e+00  }
0x46a: {  	v52 =	vmul.f32 v50, v29;
	v30 =	vadd.f32 v30, v7;
	v31 =	vsel vm2, $0x3F800000, v31  }
0x46b: {  	v53 =	vsub.f32 v28, v9;
	v32 =	vmul.f32 v51, v27;
	(erf) = vrcp.f32 v31  }
0x46c: {  	v31 =	vadd.f32 v52, v14;
	vm3 =	veq.f32 v30, $0.0e+00  }
0x46d: {  	v54 =	vmul.f32 v53, v28;
	v32 =	vsub.f32 v32, v20;
	v30 =	vsel vm3, $0x3F800000, v30  }
0x46e: {  	v55 =	vsub.f32 v26, v5;
	v31 =	vmul.f32 v31, v29;
	(erf) = vrcp.f32 v30  }
0x46f: {  	v56 =	vadd.f32 v54, v11;
	v30 =	vmul.f32 v44, v32  }
0x470: {  	v57 =	vmul.f32 v55, v26;
	v31 =	vsub.f32 v31, v16  }
0x471: {  	v32 =	vmul.f32 v56, v28;
	v30 =	vsub.f32 v27, v30;
	v58 =	vpop (erf)  }
0x472: {  	v33 =	vadd.f32 v57, v7;
	v31 =	vmul.f32 v58, v31  }
0x473: {  	v32 =	vsub.f32 v32, v12;
	v30 =	vsel vm0, v27, v30  }
0x474: {  	v33 =	vmul.f32 v33, v26;
	v30 =	vmax.f32 v30, v21;
	v31 =	vsub.f32 v29, v31;
	v59 =	vpop (erf)  }
0x475: {  	v27 =	vmin.f32 v27, v30;
	v30 =	vmul.f32 v59, v32  }
0x476: {  	v33 =	vsub.f32 v33, v8;
	v60 =	vmul.f32 $3.000000000e+00, v27;
	v31 =	vsel vm1, v29, v31  }
0x477: {  	v31 =	vmax.f32 v31, v15;
	v61 =	vpop (erf);
	v30 =	vsub.f32 v28, v30  }
0x478: {  	v32 =	vsub.f32 v60, v23;
	v29 =	vmin.f32 v29, v31;
	v31 =	vmul.f32 v61, v33  }
0x479: {  	v62 =	vmul.f32 $3.000000000e+00, v29;
	v30 =	vsel vm2, v28, v30  }
0x47a: {  	v32 =	vmul.f32 v32, v27;
	v31 =	vsub.f32 v26, v31;
	v30 =	vmax.f32 v30, v10  }
0x47b: {  	v33 =	vsub.f32 v62, v18;
	v28 =	vmin.f32 v28, v30  }
0x47c: {  	v30 =	vadd.f32 v32, v19;
	v31 =	vsel vm3, v26, v31;
	v63 =	vmul.f32 $3.000000000e+00, v28  }
0x47d: {  	v33 =	vmul.f32 v33, v29;
	v31 =	vmax.f32 v31, v6  }
0x47e: {  	vm0 =	veq.f32 v30, $0.0e+00;
	v26 =	vmin.f32 v26, v31;
	v32 =	vsub.f32 v63, v22  }
0x47f: {  	v30 =	vsel vm0, $0x3F800000, v30;
	v31 =	vadd.f32 v33, v14;
	v36 =	vmul.f32 $3.000000000e+00, v26  }
0x480: {  	v37 =	vsub.f32 v27, v17;
	(erf) = vrcp.f32 v30;
	v30 =	vmul.f32 v32, v28  }
0x481: {  	vm1 =	veq.f32 v31, $0.0e+00;
	v38 =	vsub.f32 v36, v24  }
0x482: {  	v39 =	vmul.f32 v37, v27;
	v31 =	vsel vm1, $0x3F800000, v31;
	v30 =	vadd.f32 v30, v11  }
0x483: {  	v40 =	vsub.f32 v29, v13;
	(erf) = vrcp.f32 v31;
	v31 =	vmul.f32 v38, v26  }
0x484: {  	v41 =	vadd.f32 v39, v19;
	vm2 =	veq.f32 v30, $0.0e+00  }
0x485: {  	v42 =	vmul.f32 v40, v29;
	v31 =	vadd.f32 v31, v7;
	v30 =	vsel vm2, $0x3F800000, v30  }
0x486: {  	v43 =	vsub.f32 v28, v9;
	v32 =	vmul.f32 v41, v27;
	(erf) = vrcp.f32 v30  }
0x487: {  	v30 =	vadd.f32 v42, v14;
	vm3 =	veq.f32 v31, $0.0e+00  }
0x488: {  	v44 =	vmul.f32 v43, v28;
	v32 =	vsub.f32 v32, v20;
	v31 =	vsel vm3, $0x3F800000, v31  }
0x489: {  	v46 =	vsub.f32 v26, v5;
	v45 =	vpop (erf);
	v30 =	vmul.f32 v30, v29;
	(erf) = vrcp.f32 v31  }
0x48a: {  	v47 =	vadd.f32 v44, v11;
	v31 =	vmul.f32 v45, v32  }
0x48b: {  	v48 =	vmul.f32 v46, v26;
	v30 =	vsub.f32 v30, v16  }
0x48c: {  	v32 =	vmul.f32 v47, v28;
	v31 =	vsub.f32 v27, v31;
	v49 =	vpop (erf)  }
0x48d: {  	v33 =	vadd.f32 v48, v7;
	v30 =	vmul.f32 v49, v30  }
0x48e: {  	v32 =	vsub.f32 v32, v12;
	v31 =	vsel vm0, v27, v31  }
0x48f: {  	v33 =	vmul.f32 v33, v26;
	v31 =	vmax.f32 v31, v21;
	v30 =	vsub.f32 v29, v30;
	v50 =	vpop (erf)  }
0x490: {  	v31 =	vmin.f32 v27, v31;
	v27 =	vmul.f32 v50, v32  }
0x491: {  	v33 =	vsub.f32 v33, v8;
	v51 =	vmul.f32 $3.000000000e+00, v31;
	v30 =	vsel vm1, v29, v30  }
0x492: {  	v30 =	vmax.f32 v30, v15;
	v52 =	vpop (erf);
	v27 =	vsub.f32 v28, v27  }
0x493: {  	v32 =	vsub.f32 v51, v23;
	v29 =	vmin.f32 v29, v30;
	v30 =	vmul.f32 v52, v33  }
0x494: {  	v53 =	vmul.f32 $3.000000000e+00, v29;
	v27 =	vsel vm2, v28, v27  }
0x495: {  	v32 =	vmul.f32 v32, v31;
	v30 =	vsub.f32 v26, v30;
	v27 =	vmax.f32 v27, v10  }
0x496: {  	v33 =	vsub.f32 v53, v18;
	v54 =	vmin.f32 v28, v27  }
0x497: {  	v27 =	vadd.f32 v32, v19;
	v30 =	vsel vm3, v26, v30;
	v28 =	vmul.f32 $3.000000000e+00, v54  }
0x498: {  	v43 =	vsub.f32 v31, v17;
	v41 =	vmul.f32 v33, v29;
	v30 =	vmax.f32 v30, v6  }
0x499: {  	vm3 =	veq.f32 v27, $0.0e+00;
	v26 =	vmin.f32 v26, v30;
	v28 =	vsub.f32 v28, v22  }
0x49a: {  	v27 =	vsel vm3, $0x3F800000, v27;
	v30 =	vadd.f32 v41, v14;
	v42 =	vmul.f32 $3.000000000e+00, v26  }
0x49b: {  	(erf) = vrcp.f32 v27;
	v27 =	vmul.f32 v28, v54  }
0x49c: {  	v44 =	vmul.f32 v43, v31;
	vm2 =	veq.f32 v30, $0.0e+00;
	v28 =	vsub.f32 v42, v24  }
0x49d: {  	v25 =	vadd.f32 $9.999999970e-07, v25;
	v30 =	vsel vm2, $0x3F800000, v30;
	v27 =	vadd.f32 v27, v11  }
0x49e: {  	(erf) = vrcp.f32 v30;
	v28 =	vmul.f32 v28, v26;
	v30 =	vadd.f32 v44, v19  }
0x49f: {  	v45 =	vsub.f32 v29, v13;
	v47 =	vsub.f32 v54, v9;
	vm0 =	veq.f32 v27, $0.0e+00  }
0x4a0: {  	v28 =	vadd.f32 v28, v7;
	v30 =	vmul.f32 v30, v31;
	v27 =	vsel vm0, $0x3F800000, v27  }
0x4a1: {  	v46 =	vmul.f32 v45, v29;
	v49 =	vsub.f32 v26, v5;
	(erf) = vrcp.f32 v27  }
0x4a2: {  	vm1 =	veq.f32 v28, $0.0e+00;
	v27 =	vsub.f32 v30, v20;
	v30 =	vmul.f32 v47, v54  }
0x4a3: {  	(erf) = vrcp.f32 v25;
	v25 =	vadd.f32 v46, v14;
	v28 =	vsel vm1, $0x3F800000, v28  }
0x4a4: {  	v48 =	vpop (erf);
	(erf) = vrcp.f32 v28  }
0x4a5: {  	s3 =	simm.s32 $0x40;
	v28 =	vadd.f32 v30, v11;
	v30 =	vmul.f32 v49, v26;
	v25 =	vmul.f32 v25, v29  }
0x4a6: {  	v36 =	vld [tilespmem:s3+$0xB500];
	v27 =	vmul.f32 v48, v27  }
0x4a7: {  	v57 =	vmul.f32 v28, v54;
	v30 =	vadd.f32 v30, v7;
	v28 =	vld [tilespmem:s3+$0xB680];
	v25 =	vsub.f32 v25, v16  }
0x4a8: {  	v50 =	vld [tilespmem:s3+$0xB700];
	v55 =	vsub.f32 v31, v27;
	v56 =	vpop (erf)  }
0x4a9: {  	v27 =	vld [tilespmem:s3+$0xB600];
	v30 =	vmul.f32 v30, v26;
	v25 =	vmul.f32 v56, v25  }
0x4aa: {  	v58 =	vsub.f32 v57, v12;
	v33 =	vsel vm3, v31, v55  }
0x4ab: {  	v37 =	vld [tilespmem:s3+$0xB580];
	v33 =	vmax.f32 v33, v21;
	v30 =	vsub.f32 v30, v8;
	v25 =	vsub.f32 v29, v25;
	v59 =	vpop (erf)  }
0x4ac: {  	v31 =	vmin.f32 v31, v33;
	v52 =	vmul.f32 v28, v36;
	v60 =	vmul.f32 v59, v58  }
0x4ad: {  	v42 =	vmul.f32 v50, v28;
	v61 =	vpop (erf);
	v62 =	vmul.f32 $3.000000000e+00, v31;
	v25 =	vsel vm2, v29, v25  }
0x4ae: {  	v63 =	vmul.f32 v50, v27;
	v51 =	vpop (erf);
	v25 =	vmax.f32 v25, v15;
	v33 =	vsub.f32 v54, v60  }
0x4af: {  	v38 =	vsub.f32 v62, v23;
	v25 =	vmin.f32 v29, v25;
	v29 =	vmul.f32 v51, v30  }
0x4b0: {  	v41 =	vmul.f32 v27, v37;
	v30 =	vmul.f32 $3.000000000e+00, v25;
	v33 =	vsel vm0, v54, v33  }
0x4b1: {  	v38 =	vmul.f32 v38, v31;
	v33 =	vmax.f32 v33, v10;
	v29 =	vsub.f32 v26, v29  }
0x4b2: {  	v44 =	vsub.f32 v31, v17;
	v30 =	vsub.f32 v30, v18;
	v33 =	vmin.f32 v54, v33  }
0x4b3: {  	v53 =	vadd.f32 v38, v19;
	v54 =	vmul.f32 $3.000000000e+00, v33;
	v29 =	vsel vm1, v26, v29  }
0x4b4: {  	v46 =	vmul.f32 v27, v27;
	v30 =	vmul.f32 v30, v25;
	v29 =	vmax.f32 v29, v6  }
0x4b5: {  	vm0 =	veq.f32 v53, $0.0e+00;
	v38 =	vsub.f32 v54, v22;
	v43 =	vmin.f32 v26, v29  }
0x4b6: {  	v26 =	vsel vm0, $0x3F800000, v53;
	v30 =	vadd.f32 v30, v14;
	v55 =	vmul.f32 $3.000000000e+00, v43  }
0x4b7: {  	(erf) = vrcp.f32 v26;
	v26 =	vmul.f32 v38, v33  }
0x4b8: {  	v56 =	vmul.f32 v44, v31;
	vm1 =	veq.f32 v30, $0.0e+00;
	v34 =	vsub.f32 v55, v24  }
0x4b9: {  	v57 =	vsub.f32 v25, v13;
	v30 =	vsel vm1, $0x3F800000, v30;
	v26 =	vadd.f32 v26, v11  }
0x4ba: {  	v58 =	vadd.f32 v56, v19;
	(erf) = vrcp.f32 v30;
	v34 =	vmul.f32 v34, v43  }
0x4bb: {  	v39 =	vsub.f32 v63, v52;
	v44 =	vmul.f32 v57, v25;
	vm2 =	veq.f32 v26, $0.0e+00  }
0x4bc: {  	v35 =	vmul.f32 v58, v31;
	v26 =	vsel vm2, $0x3F800000, v26;
	v34 =	vadd.f32 v34, v7  }
0x4bd: {  	v32 =	vld [tilespmem:s3+$0xB780];
	[tilespmem:s1+$0xB880] =	vst v61;
	v45 =	vsub.f32 v33, v9;
	v47 =	vsub.f32 v43, v5;
	(erf) = vrcp.f32 v26  }
0x4be: {  	v35 =	vsub.f32 v35, v20;
	v38 =	vld [tilespmem:s3+$0xB480];
	v26 =	vadd.f32 v44, v14;
	vm3 =	veq.f32 v34, $0.0e+00  }
0x4bf: {  	v59 =	vmul.f32 v45, v33;
	v47 =	vmul.f32 v47, v43;
	v34 =	vsel vm3, $0x3F800000, v34  }
0x4c0: {  	v41 =	vsub.f32 v41, v42;
	v60 =	vpop (erf);
	v26 =	vmul.f32 v26, v25;
	(erf) = vrcp.f32 v34  }
0x4c1: {  	v29 =	vmul.f32 v50, v50;
	v44 =	vadd.f32 v59, v11;
	v35 =	vmul.f32 v60, v35  }
0x4c2: {  	v30 =	vmul.f32 v28, v28;
	v47 =	vadd.f32 v47, v7;
	v26 =	vsub.f32 v26, v16  }
0x4c3: {  	v45 =	vmul.f32 v37, v38;
	v44 =	vmul.f32 v44, v33;
	v35 =	vsub.f32 v31, v35;
	v49 =	vpop (erf)  }
0x4c4: {  	v61 =	vadd.f32 v36, v38;
	v48 =	vmul.f32 v36, v38;
	v26 =	vmul.f32 v49, v26  }
0x4c5: {  	v36 =	vmul.f32 v37, v36;
	v62 =	vsub.f32 v44, v12;
	v35 =	vsel vm0, v31, v35  }
0x4c6: {  	v47 =	vmul.f32 v47, v43;
	v35 =	vmax.f32 v35, v21;
	v26 =	vsub.f32 v25, v26;
	v63 =	vpop (erf)  }
0x4c7: {  	v52 =	vsub.f32 v36, v29;
	v31 =	vmin.f32 v31, v35;
	v53 =	vmul.f32 v63, v62  }
0x4c8: {  	v55 =	vsub.f32 v47, v8;
	v54 =	vmul.f32 $3.000000000e+00, v31;
	v26 =	vsel vm1, v25, v26  }
0x4c9: {  	v36 =	vadd.f32 v36, v48;
	v26 =	vmax.f32 v26, v15;
	v35 =	vsub.f32 v33, v53;
	v56 =	vpop (erf)  }
0x4ca: {  	v40 =	vsub.f32 v54, v23;
	v47 =	vmin.f32 v25, v26;
	v26 =	vmul.f32 v56, v55  }
0x4cb: {  	v63 =	vsub.f32 v31, v17;
	v57 =	vmul.f32 $3.000000000e+00, v47;
	v35 =	vsel vm2, v33, v35  }
0x4cc: {  	v58 =	vmul.f32 v40, v31;
	v35 =	vmax.f32 v35, v10;
	v26 =	vsub.f32 v43, v26  }
0x4cd: {  	v25 =	vadd.f32 v37, v61;
	v34 =	vsub.f32 v57, v18;
	v33 =	vmin.f32 v33, v35  }
0x4ce: {  	v59 =	vadd.f32 v58, v19;
	v60 =	vmul.f32 $3.000000000e+00, v33;
	v61 =	vsel vm3, v43, v26  }
0x4cf: {  	v50 =	vmul.f32 v63, v31;
	v34 =	vmul.f32 v34, v47;
	v40 =	vmax.f32 v61, v6  }
0x4d0: {  	vm2 =	veq.f32 v59, $0.0e+00;
	v37 =	vsub.f32 v60, v22;
	v40 =	vmin.f32 v43, v40  }
0x4d1: {  	v35 =	vsel vm2, $0x3F800000, v59;
	v34 =	vadd.f32 v34, v14;
	v62 =	vmul.f32 $3.000000000e+00, v40  }
0x4d2: {  	v51 =	vsub.f32 v47, v13;
	(erf) = vrcp.f32 v35;
	v48 =	vmul.f32 v37, v33  }
0x4d3: {  	v37 =	vmul.f32 v39, v28;
	vm3 =	veq.f32 v34, $0.0e+00;
	v28 =	vsub.f32 v62, v24  }
0x4d4: {  	v53 =	vmul.f32 v51, v47;
	v34 =	vsel vm3, $0x3F800000, v34;
	v35 =	vadd.f32 v48, v11  }
0x4d5: {  	v54 =	vsub.f32 v33, v9;
	(erf) = vrcp.f32 v34;
	v28 =	vmul.f32 v28, v40  }
0x4d6: {  	v34 =	vmul.f32 v52, v38;
	v52 =	vadd.f32 v50, v19;
	vm0 =	veq.f32 v35, $0.0e+00  }
0x4d7: {  	v55 =	vmul.f32 v54, v33;
	v35 =	vsel vm0, $0x3F800000, v35;
	v28 =	vadd.f32 v28, v7  }
0x4d8: {  	v36 =	vadd.f32 v36, v45;
	v38 =	vmul.f32 v52, v31;
	(erf) = vrcp.f32 v35  }
0x4d9: {  	v35 =	vmul.f32 v41, v27;
	v27 =	vadd.f32 v53, v14;
	vm1 =	veq.f32 v28, $0.0e+00  }
0x4da: {  	v57 =	vsub.f32 v40, v5;
	v38 =	vsub.f32 v38, v20;
	v28 =	vsel vm1, $0x3F800000, v28  }
0x4db: {  	v36 =	vsub.f32 v36, v46;
	v56 =	vpop (erf);
	v27 =	vmul.f32 v27, v47;
	(erf) = vrcp.f32 v28  }
0x4dc: {  	v39 =	vadd.f32 v55, v11;
	v42 =	vmul.f32 v57, v40;
	v38 =	vmul.f32 v56, v38  }
0x4dd: {  	v30 =	vsub.f32 v36, v30;
	v27 =	vsub.f32 v27, v16  }
0x4de: {  	v39 =	vmul.f32 v39, v33;
	v42 =	vadd.f32 v42, v7;
	v38 =	vsub.f32 v31, v38;
	v59 =	vpop (erf)  }
0x4df: {  	v58 =	vmul.f32 $3.000000000e+00, v25;
	v28 =	vadd.f32 v25, v25;
	v27 =	vmul.f32 v59, v27  }
0x4e0: {  	v39 =	vsub.f32 v39, v12;
	v42 =	vmul.f32 v42, v40;
	v38 =	vsel vm2, v31, v38  }
0x4e1: {  	v41 =	vsub.f32 v58, v28;
	v38 =	vmax.f32 v38, v21;
	v27 =	vsub.f32 v47, v27;
	v60 =	vpop (erf)  }
0x4e2: {  	v42 =	vsub.f32 v42, v8;
	v31 =	vmin.f32 v31, v38;
	v61 =	vmul.f32 v60, v39  }
0x4e3: {  	v41 =	vmul.f32 v41, v25;
	v62 =	vmul.f32 $3.000000000e+00, v31;
	v27 =	vsel vm3, v47, v27  }
0x4e4: {  	v52 =	vsub.f32 v31, v17;
	v27 =	vmax.f32 v27, v15;
	v38 =	vsub.f32 v33, v61;
	v63 =	vpop (erf)  }
0x4e5: {  	v39 =	vsub.f32 v62, v23;
	v45 =	vmin.f32 v47, v27;
	v27 =	vmul.f32 v63, v42  }
0x4e6: {  	v55 =	vmul.f32 v52, v31;
	v47 =	vmul.f32 $3.000000000e+00, v45;
	v38 =	vsel vm0, v33, v38  }
0x4e7: {  	v39 =	vmul.f32 v39, v31;
	v38 =	vmax.f32 v38, v10;
	v42 =	vsub.f32 v40, v27  }
0x4e8: {  	v27 =	vsub.f32 v30, v29;
	v29 =	vsub.f32 v47, v18;
	v30 =	vmin.f32 v33, v38  }
0x4e9: {  	v48 =	vadd.f32 v39, v19;
	v49 =	vmul.f32 $3.000000000e+00, v30;
	v50 =	vsel vm1, v40, v42  }
0x4ea: {  	v56 =	vsub.f32 v45, v13;
	v29 =	vmul.f32 v29, v45;
	v38 =	vmax.f32 v50, v6  }
0x4eb: {  	vm4 =	veq.f32 v48, $0.0e+00;
	v36 =	vsub.f32 v49, v22;
	v38 =	vmin.f32 v40, v38  }
0x4ec: {  	v33 =	vsel vm4, $0x3F800000, v48;
	v29 =	vadd.f32 v29, v14;
	v40 =	vmul.f32 $3.000000000e+00, v38  }
0x4ed: {  	v58 =	vadd.f32 v55, v19;
	(erf) = vrcp.f32 v33;
	v53 =	vmul.f32 v36, v30  }
0x4ee: {  	v59 =	vmul.f32 v56, v45;
	vm3 =	veq.f32 v29, $0.0e+00;
	v54 =	vsub.f32 v40, v24  }
0x4ef: {  	v39 =	vmul.f32 v58, v31;
	v29 =	vsel vm3, $0x3F800000, v29;
	v33 =	vadd.f32 v53, v11  }
0x4f0: {  	v43 =	vsub.f32 v25, v25;
	(erf) = vrcp.f32 v29;
	v29 =	vmul.f32 v54, v38  }
0x4f1: {  	v51 =	vadd.f32 v27, v41;
	v60 =	vsub.f32 v30, v9;
	vm1 =	veq.f32 v33, $0.0e+00  }
0x4f2: {  	v61 =	vadd.f32 v59, v14;
	v33 =	vsel vm1, $0x3F800000, v33;
	v29 =	vadd.f32 v29, v7  }
0x4f3: {  	v62 =	vsub.f32 v39, v20;
	vm0 =	veq.f32 v51, $0.0e+00;
	(erf) = vrcp.f32 v33  }
0x4f4: {  	v63 =	vmul.f32 v60, v30;
	v57 =	vsel vm0, $0x3F800000, v51;
	vm2 =	veq.f32 v29, $0.0e+00  }
0x4f5: {  	v46 =	vsub.f32 v38, v5;
	(erf) = vrcp.f32 v57;
	v29 =	vsel vm2, $0x3F800000, v29  }
0x4f6: {  	v39 =	vadd.f32 v63, v11;
	v33 =	vmul.f32 v61, v45;
	v44 =	vpop (erf);
	(erf) = vrcp.f32 v29  }
0x4f7: {  	v34 =	vsub.f32 v34, v35;
	v29 =	vmul.f32 v43, v25;
	v36 =	vmul.f32 v44, v62  }
0x4f8: {  	v47 =	vmul.f32 v46, v38;
	v39 =	vmul.f32 v39, v30;
	v33 =	vsub.f32 v33, v16  }
0x4f9: {  	v26 =	vmul.f32 $3.333333430e-01, v25;
	v48 =	vadd.f32 v27, v29;
	v36 =	vsub.f32 v31, v36;
	v49 =	vpop (erf)  }
0x4fa: {  	v50 =	vadd.f32 v47, v7;
	v52 =	vsub.f32 v39, v12;
	v33 =	vmul.f32 v49, v33  }
0x4fb: {  	v29 =	vadd.f32 v34, v37;
	v51 =	vmul.f32 v48, v25;
	v36 =	vsel vm4, v31, v36  }
0x4fc: {  	v34 =	vmul.f32 v50, v38;
	v36 =	vmax.f32 v36, v21;
	v33 =	vsub.f32 v45, v33;
	v53 =	vpop (erf)  }
0x4fd: {  	v35 =	vsub.f32 v51, v29;
	v31 =	vmin.f32 v31, v36;
	v54 =	vmul.f32 v53, v52  }
0x4fe: {  	v34 =	vsub.f32 v34, v8;
	v55 =	vpop (erf);
	v56 =	vmul.f32 $3.000000000e+00, v31;
	v33 =	vsel vm3, v45, v33  }
0x4ff: {  	v35 =	vmul.f32 v55, v35;
	v33 =	vmax.f32 v33, v15;
	v36 =	vsub.f32 v30, v54;
	v57 =	vpop (erf)  }
0x500: {  	v39 =	vsub.f32 v56, v23;
	v33 =	vmin.f32 v45, v33;
	v34 =	vmul.f32 v57, v34  }
0x501: {  	v35 =	vsub.f32 v25, v35;
	v58 =	vmul.f32 $3.000000000e+00, v33;
	v36 =	vsel vm1, v30, v36  }
0x502: {  	v39 =	vmul.f32 v39, v31;
	v36 =	vmax.f32 v36, v10;
	v34 =	vsub.f32 v38, v34  }
0x503: {  	v59 =	vsel vm0, v25, v35;
	v37 =	vsub.f32 v58, v18;
	v35 =	vmin.f32 v30, v36  }
0x504: {  	v30 =	vadd.f32 v39, v19;
	v36 =	vmul.f32 $3.000000000e+00, v35;
	v34 =	vsel vm2, v38, v34  }
0x505: {  	v63 =	vsub.f32 v31, v17;
	v37 =	vmul.f32 v37, v33;
	v34 =	vmax.f32 v34, v6  }
0x506: {  	vm0 =	veq.f32 v30, $0.0e+00;
	v36 =	vsub.f32 v36, v22;
	v34 =	vmin.f32 v38, v34  }
0x507: {  	v30 =	vsel vm0, $0x3F800000, v30;
	v61 =	vadd.f32 v37, v14;
	v62 =	vmul.f32 $3.000000000e+00, v34  }
0x508: {  	v60 =	vmax.f32 v59, v26;
	(erf) = vrcp.f32 v30;
	v36 =	vmul.f32 v36, v35  }
0x509: {  	v38 =	vmul.f32 v63, v31;
	vm1 =	veq.f32 v61, $0.0e+00;
	v37 =	vsub.f32 v62, v24  }
0x50a: {  	s28 =	simm.s32 $0x140;
	s4 =	simm.s32 $0x0;
	v30 =	vmin.f32 v25, v60;
	v39 =	vsel vm1, $0x3F800000, v61;
	v36 =	vadd.f32 v36, v11  }
.LBB2_17:
0x50b: {  	p0 =	sne.s32 s28, $0x1C0;
	v40 =	vsub.f32 v33, v13;
	(erf) = vrcp.f32 v39;
	v37 =	vmul.f32 v37, v34  }
0x50c: {  	v39 =	vmul.f32 $3.000000000e+00, v30;
	v38 =	vadd.f32 v38, v19;
	vm3 =	veq.f32 v36, $0.0e+00  }
0x50d: {  	v40 =	vmul.f32 v40, v33;
	v36 =	vsel vm3, $0x3F800000, v36;
	v37 =	vadd.f32 v37, v7  }
0x50e: {  	v42 =	vsub.f32 v35, v9;
	v38 =	vmul.f32 v38, v31;
	(erf) = vrcp.f32 v36  }
0x50f: {  	v36 =	vsub.f32 v39, v28;
	v39 =	vadd.f32 v40, v14;
	vm4 =	veq.f32 v37, $0.0e+00  }
0x510: {  	v40 =	vmul.f32 v42, v35;
	v38 =	vsub.f32 v38, v20;
	v37 =	vsel vm4, $0x3F800000, v37  }
0x511: {  	v43 =	vsub.f32 v34, v5;
	v41 =	vpop (erf);
	v39 =	vmul.f32 v39, v33;
	(erf) = vrcp.f32 v37  }
0x512: {  	v36 =	vmul.f32 v36, v30;
	v37 =	vmul.f32 v41, v38;
	v38 =	vadd.f32 v40, v11  }
0x513: {  	v40 =	vsub.f32 v30, v25;
	v41 =	vmul.f32 v43, v34;
	v39 =	vsub.f32 v39, v16  }
0x514: {  	v36 =	vadd.f32 v36, v27;
	v37 =	vsub.f32 v31, v37;
	v42 =	vpop (erf);
	v38 =	vmul.f32 v38, v35  }
0x515: {  	v40 =	vmul.f32 v40, v30;
	v41 =	vadd.f32 v41, v7;
	v39 =	vmul.f32 v42, v39  }
0x516: {  	vm2 =	veq.f32 v36, $0.0e+00;
	v37 =	vsel vm0, v31, v37;
	v38 =	vsub.f32 v38, v12  }
0x517: {  	v41 =	vmul.f32 v41, v34;
	v37 =	vmax.f32 v37, v21;
	v43 =	vsub.f32 v33, v39;
	v42 =	vpop (erf)  }
0x518: {  	v36 =	vsel vm2, $0x3F800000, v36;
	v37 =	vmin.f32 v31, v37;
	v31 =	vmul.f32 v42, v38  }
0x519: {  	v41 =	vsub.f32 v41, v8;
	v38 =	vmul.f32 $3.000000000e+00, v37;
	v42 =	vsel vm1, v33, v43  }
0x51a: {  	(erf) = vrcp.f32 v36;
	v36 =	vmax.f32 v42, v15;
	v31 =	vsub.f32 v35, v31;
	v39 =	vpop (erf)  }
0x51b: {  	v38 =	vsub.f32 v38, v23;
	v33 =	vmin.f32 v33, v36;
	v36 =	vmul.f32 v39, v41  }
0x51c: {  	v39 =	vadd.f32 v40, v27;
	v40 =	vmul.f32 $3.000000000e+00, v33;
	v31 =	vsel vm3, v35, v31  }
0x51d: {  	v38 =	vmul.f32 v38, v37;
	v31 =	vmax.f32 v31, v10;
	v36 =	vsub.f32 v34, v36  }
0x51e: {  	v39 =	vmul.f32 v39, v30;
	v40 =	vsub.f32 v40, v18;
	v35 =	vmin.f32 v35, v31  }
0x51f: {  	v31 =	vadd.f32 v38, v19;
	v38 =	vmul.f32 $3.000000000e+00, v35;
	v36 =	vsel vm4, v34, v36  }
0x520: {  	v39 =	vsub.f32 v39, v29;
	v40 =	vmul.f32 v40, v33;
	v36 =	vmax.f32 v36, v6  }
0x521: {  	vm0 =	veq.f32 v31, $0.0e+00;
	v38 =	vsub.f32 v38, v22;
	v34 =	vmin.f32 v34, v36  }
0x522: {  	v31 =	vsel vm0, $0x3F800000, v31;
	v36 =	vadd.f32 v40, v14;
	v40 =	vmul.f32 $3.000000000e+00, v34  }
0x523: {  	v42 =	vsub.f32 v37, v17;
	v41 =	vpop (erf);
	(erf) = vrcp.f32 v31;
	v31 =	vmul.f32 v38, v35  }
0x524: {  	v38 =	vmul.f32 v41, v39;
	vm3 =	veq.f32 v36, $0.0e+00;
	v39 =	vsub.f32 v40, v24  }
0x525: {  	v40 =	vmul.f32 v42, v37;
	v36 =	vsel vm3, $0x3F800000, v36;
	v31 =	vadd.f32 v31, v11  }
0x526: {  	v41 =	vsub.f32 v33, v13;
	(erf) = vrcp.f32 v36;
	v36 =	vmul.f32 v39, v34  }
0x527: {  	v38 =	vsub.f32 v30, v38;
	v39 =	vadd.f32 v40, v19;
	vm1 =	veq.f32 v31, $0.0e+00  }
0x528: {  	v40 =	vmul.f32 v41, v33;
	v31 =	vsel vm1, $0x3F800000, v31;
	v36 =	vadd.f32 v36, v7  }
0x529: {  	v42 =	vsub.f32 v35, v9;
	v39 =	vmul.f32 v39, v37;
	(erf) = vrcp.f32 v31  }
0x52a: {  	v31 =	vsel vm2, v30, v38;
	v38 =	vadd.f32 v40, v14;
	vm2 =	veq.f32 v36, $0.0e+00  }
0x52b: {  	v40 =	vmul.f32 v42, v35;
	v39 =	vsub.f32 v39, v20;
	v36 =	vsel vm2, $0x3F800000, v36  }
0x52c: {  	v42 =	vsub.f32 v34, v5;
	v38 =	vmul.f32 v38, v33;
	v41 =	vpop (erf);
	(erf) = vrcp.f32 v36  }
0x52d: {  	v31 =	vmax.f32 v31, v26;
	v36 =	vmul.f32 v41, v39;
	v39 =	vadd.f32 v40, v11  }
0x52e: {  	v31 =	vmin.f32 v30, v31;
	v30 =	vsub.f32 v38, v16;
	v38 =	vmul.f32 v42, v34  }
0x52f: {  	v40 =	vsub.f32 v31, v25;
	v36 =	vsub.f32 v37, v36;
	v41 =	vpop (erf);
	v39 =	vmul.f32 v39, v35  }
0x530: {  	v42 =	vmul.f32 $3.000000000e+00, v31;
	v38 =	vadd.f32 v38, v7;
	v30 =	vmul.f32 v41, v30  }
0x531: {  	v40 =	vmul.f32 v40, v31;
	v36 =	vsel vm0, v37, v36;
	v39 =	vsub.f32 v39, v12  }
0x532: {  	v38 =	vmul.f32 v38, v34;
	v36 =	vmax.f32 v36, v21;
	v30 =	vsub.f32 v33, v30;
	v41 =	vpop (erf)  }
0x533: {  	v43 =	vsub.f32 v42, v28;
	v36 =	vmin.f32 v37, v36;
	v37 =	vmul.f32 v41, v39  }
0x534: {  	v38 =	vsub.f32 v38, v8;
	v39 =	vmul.f32 $3.000000000e+00, v36;
	v30 =	vsel vm3, v33, v30  }
0x535: {  	v41 =	vmul.f32 v43, v31;
	v30 =	vmax.f32 v30, v15;
	v37 =	vsub.f32 v35, v37;
	v42 =	vpop (erf)  }
0x536: {  	v39 =	vsub.f32 v39, v23;
	v33 =	vmin.f32 v33, v30;
	v30 =	vmul.f32 v42, v38  }
0x537: {  	v38 =	vadd.f32 v41, v27;
	v41 =	vmul.f32 $3.000000000e+00, v33;
	v37 =	vsel vm1, v35, v37  }
0x538: {  	v39 =	vmul.f32 v39, v36;
	v37 =	vmax.f32 v37, v10;
	v30 =	vsub.f32 v34, v30  }
0x539: {  	vm0 =	veq.f32 v38, $0.0e+00;
	v41 =	vsub.f32 v41, v18;
	v35 =	vmin.f32 v35, v37  }
0x53a: {  	v37 =	vadd.f32 v39, v19;
	v39 =	vmul.f32 $3.000000000e+00, v35;
	v30 =	vsel vm2, v34, v30  }
0x53b: {  	v38 =	vsel vm0, $0x3F800000, v38;
	v41 =	vmul.f32 v41, v33;
	v30 =	vmax.f32 v30, v6  }
0x53c: {  	vm3 =	veq.f32 v37, $0.0e+00;
	v39 =	vsub.f32 v39, v22;
	v34 =	vmin.f32 v34, v30  }
0x53d: {  	v30 =	vsel vm3, $0x3F800000, v37;
	v37 =	vadd.f32 v41, v14;
	v41 =	vmul.f32 $3.000000000e+00, v34  }
0x53e: {  	v42 =	vsub.f32 v36, v17;
	(erf) = vrcp.f32 v30;
	v30 =	vmul.f32 v39, v35  }
0x53f: {  	(erf) = vrcp.f32 v38;
	vm4 =	veq.f32 v37, $0.0e+00;
	v38 =	vsub.f32 v41, v24  }
0x540: {  	v39 =	vmul.f32 v42, v36;
	v37 =	vsel vm4, $0x3F800000, v37;
	v30 =	vadd.f32 v30, v11  }
0x541: {  	v41 =	vsub.f32 v33, v13;
	(erf) = vrcp.f32 v37;
	v37 =	vmul.f32 v38, v34  }
0x542: {  	v39 =	vadd.f32 v39, v19;
	v38 =	vadd.f32 v40, v27;
	vm1 =	veq.f32 v30, $0.0e+00  }
0x543: {  	v40 =	vmul.f32 v41, v33;
	v30 =	vsel vm1, $0x3F800000, v30;
	v37 =	vadd.f32 v37, v7  }
0x544: {  	v42 =	vsub.f32 v35, v9;
	v39 =	vmul.f32 v39, v36;
	(erf) = vrcp.f32 v30  }
0x545: {  	v30 =	vmul.f32 v38, v31;
	v38 =	vadd.f32 v40, v14;
	vm2 =	veq.f32 v37, $0.0e+00  }
0x546: {  	v39 =	vsub.f32 v39, v20;
	v40 =	vmul.f32 v42, v35;
	v37 =	vsel vm2, $0x3F800000, v37  }
0x547: {  	v42 =	vsub.f32 v34, v5;
	v38 =	vmul.f32 v38, v33;
	v41 =	vpop (erf);
	(erf) = vrcp.f32 v37  }
0x548: {  	v40 =	vadd.f32 v40, v11;
	v37 =	vsub.f32 v30, v29;
	v43 =	vpop (erf);
	v39 =	vmul.f32 v41, v39  }
0x549: {  	v30 =	vadd.f32 $9.999999970e-07, v32;
	v32 =	vsub.f32 v38, v16;
	v38 =	vmul.f32 v42, v34  }
0x54a: {  	v40 =	vmul.f32 v40, v35;
	v37 =	vmul.f32 v43, v37;
	v39 =	vsub.f32 v36, v39;
	v41 =	vpop (erf)  }
0x54b: {  	v38 =	vadd.f32 v38, v7;
	v32 =	vmul.f32 v41, v32;
	v41 =	vadd.f32 $9.999999970e-07, v5  }
0x54c: {  	v40 =	vsub.f32 v40, v12;
	v37 =	vsub.f32 v31, v37;
	v39 =	vsel vm3, v36, v39  }
0x54d: {  	v38 =	vmul.f32 v38, v34;
	v39 =	vmax.f32 v39, v21;
	v32 =	vsub.f32 v33, v32;
	v42 =	vpop (erf)  }
0x54e: {  	v37 =	vsel vm0, v31, v37;
	v36 =	vmin.f32 v36, v39;
	v39 =	vmul.f32 v42, v40  }
0x54f: {  	v38 =	vsub.f32 v38, v8;
	v40 =	vmul.f32 $3.000000000e+00, v36;
	v32 =	vsel vm4, v33, v32  }
0x550: {  	v37 =	vmax.f32 v37, v26;
	v32 =	vmax.f32 v32, v15;
	v39 =	vsub.f32 v35, v39;
	v42 =	vpop (erf)  }
0x551: {  	v40 =	vsub.f32 v40, v23;
	v32 =	vmin.f32 v33, v32;
	v33 =	vmul.f32 v42, v38  }
0x552: {  	v31 =	vmin.f32 v31, v37;
	v37 =	vmul.f32 $3.000000000e+00, v32;
	v38 =	vsel vm1, v35, v39  }
0x553: {  	v39 =	vmul.f32 v40, v36;
	v38 =	vmax.f32 v38, v10;
	v33 =	vsub.f32 v34, v33  }
0x554: {  	v40 =	vsub.f32 v31, v25;
	v37 =	vsub.f32 v37, v18;
	v35 =	vmin.f32 v35, v38  }
0x555: {  	v38 =	vadd.f32 v39, v19;
	v39 =	vmul.f32 $3.000000000e+00, v35;
	v33 =	vsel vm2, v34, v33  }
0x556: {  	v42 =	vmul.f32 $3.000000000e+00, v31;
	v37 =	vmul.f32 v37, v32;
	v33 =	vmax.f32 v33, v6  }
0x557: {  	vm3 =	veq.f32 v38, $0.0e+00;
	v39 =	vsub.f32 v39, v22;
	v33 =	vmin.f32 v34, v33  }
0x558: {  	v34 =	vsel vm3, $0x3F800000, v38;
	v37 =	vadd.f32 v37, v14;
	v38 =	vmul.f32 $3.000000000e+00, v33  }
0x559: {  	v43 =	vsub.f32 v36, v17;
	(erf) = vrcp.f32 v34;
	v34 =	vmul.f32 v39, v35  }
0x55a: {  	v39 =	vsub.f32 v42, v28;
	vm4 =	veq.f32 v37, $0.0e+00;
	v38 =	vsub.f32 v38, v24  }
0x55b: {  	v42 =	vmul.f32 v43, v36;
	v37 =	vsel vm4, $0x3F800000, v37;
	v34 =	vadd.f32 v34, v11  }
0x55c: {  	v43 =	vsub.f32 v32, v13;
	(erf) = vrcp.f32 v37;
	v37 =	vmul.f32 v38, v33  }
0x55d: {  	v38 =	vmul.f32 v39, v31;
	v39 =	vadd.f32 v42, v19;
	vm2 =	veq.f32 v34, $0.0e+00  }
0x55e: {  	v42 =	vmul.f32 v43, v32;
	v34 =	vsel vm2, $0x3F800000, v34;
	v37 =	vadd.f32 v37, v7  }
0x55f: {  	v44 =	vsub.f32 v35, v9;
	v39 =	vmul.f32 v39, v36;
	(erf) = vrcp.f32 v34  }
0x560: {  	v34 =	vadd.f32 v38, v27;
	v38 =	vadd.f32 v42, v14;
	vm1 =	veq.f32 v37, $0.0e+00  }
0x561: {  	v42 =	vmul.f32 v44, v35;
	v39 =	vsub.f32 v39, v20;
	v37 =	vsel vm1, $0x3F800000, v37  }
0x562: {  	v44 =	vsub.f32 v33, v5;
	v38 =	vmul.f32 v38, v32;
	v43 =	vpop (erf);
	(erf) = vrcp.f32 v37  }
0x563: {  	vm0 =	veq.f32 v34, $0.0e+00;
	v43 =	vmul.f32 v43, v39;
	v39 =	vadd.f32 v42, v11  }
0x564: {  	v34 =	vsel vm0, $0x3F800000, v34;
	v38 =	vsub.f32 v38, v16;
	v42 =	vmul.f32 v44, v33  }
0x565: {  	(erf) = vrcp.f32 v34;
	v34 =	vsub.f32 v36, v43;
	v37 =	vpop (erf);
	v39 =	vmul.f32 v39, v35  }
0x566: {  	v37 =	vmul.f32 v37, v38;
	v38 =	vadd.f32 v42, v7;
	(erf) = vrcp.f32 v41  }
0x567: {  	v40 =	vmul.f32 v40, v31;
	v34 =	vsel vm3, v36, v34;
	v39 =	vsub.f32 v39, v12  }
0x568: {  	v34 =	vmax.f32 v34, v21;
	v37 =	vsub.f32 v32, v37;
	v41 =	vpop (erf);
	v38 =	vmul.f32 v38, v33  }
0x569: {  	v40 =	vadd.f32 v40, v27;
	v34 =	vmin.f32 v36, v34;
	v36 =	vmul.f32 v41, v39  }
0x56a: {  	v39 =	vmul.f32 $3.000000000e+00, v34;
	v37 =	vsel vm4, v32, v37;
	v38 =	vsub.f32 v38, v8  }
0x56b: {  	v40 =	vmul.f32 v40, v31;
	v37 =	vmax.f32 v37, v15;
	v36 =	vsub.f32 v35, v36;
	v41 =	vpop (erf)  }
0x56c: {  	v39 =	vsub.f32 v39, v23;
	v37 =	vmin.f32 v32, v37;
	v43 =	vmul.f32 v41, v38  }
0x56d: {  	v38 =	vsub.f32 v40, v29;
	v40 =	vmul.f32 $3.000000000e+00, v37;
	v36 =	vsel vm2, v35, v36  }
0x56e: {  	v41 =	vpop (erf);
	v39 =	vmul.f32 v39, v34;
	v36 =	vmax.f32 v36, v10;
	v42 =	vsub.f32 v33, v43  }
0x56f: {  	v38 =	vmul.f32 v41, v38;
	v40 =	vsub.f32 v40, v18;
	v35 =	vmin.f32 v35, v36;
	v32 =	vpop (erf)  }
0x570: {  	v36 =	vadd.f32 v39, v19;
	v39 =	vmul.f32 $3.000000000e+00, v35;
	v41 =	vsel vm1, v33, v42  }
0x571: {  	v38 =	vsub.f32 v31, v38;
	v40 =	vmul.f32 v40, v37;
	v41 =	vmax.f32 v41, v6  }
0x572: {  	vm3 =	veq.f32 v36, $0.0e+00;
	v39 =	vsub.f32 v39, v22;
	v41 =	vmin.f32 v33, v41  }
0x573: {  	v33 =	vsel vm3, $0x3F800000, v36;
	v36 =	vadd.f32 v40, v14;
	v40 =	vmul.f32 $3.000000000e+00, v41  }
0x574: {  	v42 =	vsub.f32 v34, v17;
	(erf) = vrcp.f32 v33;
	v33 =	vmul.f32 v39, v35  }
0x575: {  	v38 =	vsel vm0, v31, v38;
	vm0 =	veq.f32 v36, $0.0e+00;
	v39 =	vsub.f32 v40, v24;
	v24 =	vmovc v22;
	v22 =	vmovc v18  }
0x576: {  	v40 =	vmul.f32 v42, v34;
	v18 =	vmovc v23;
	v23 =	vmovc v28;
	v36 =	vsel vm0, $0x3F800000, v36;
	v33 =	vadd.f32 v33, v11  }
0x577: {  	v28 =	vsub.f32 v37, v13;
	(erf) = vrcp.f32 v36;
	v36 =	vmul.f32 v39, v41  }
0x578: {  	v38 =	vmax.f32 v38, v26;
	v39 =	vadd.f32 v40, v19;
	vm2 =	veq.f32 v33, $0.0e+00  }
0x579: {  	v28 =	vmul.f32 v28, v37;
	v33 =	vsel vm2, $0x3F800000, v33;
	v36 =	vadd.f32 v36, v7  }
0x57a: {  	v40 =	vsub.f32 v35, v9;
	v42 =	vmul.f32 v39, v34;
	(erf) = vrcp.f32 v33  }
0x57b: {  	v31 =	vmin.f32 v31, v38;
	v28 =	vadd.f32 v28, v14;
	vm1 =	veq.f32 v36, $0.0e+00  }
0x57c: {  	v38 =	vmul.f32 v40, v35;
	v33 =	vsub.f32 v42, v20;
	v36 =	vsel vm1, $0x3F800000, v36  }
0x57d: {  	v40 =	vsub.f32 v41, v5;
	v28 =	vmul.f32 v28, v37;
	v39 =	vpop (erf);
	(erf) = vrcp.f32 v36  }
0x57e: {  	v38 =	vadd.f32 v38, v11;
	v36 =	vsub.f32 v31, v25;
	v33 =	vmul.f32 v39, v33  }
0x57f: {  	v40 =	vmul.f32 v40, v41;
	v28 =	vsub.f32 v28, v16;
	v39 =	vmul.f32 $3.000000000e+00, v31  }
0x580: {  	v38 =	vmul.f32 v38, v35;
	v36 =	vmul.f32 v36, v31;
	v33 =	vsub.f32 v34, v33;
	v42 =	vpop (erf)  }
0x581: {  	v40 =	vadd.f32 v40, v7;
	v7 =	vmovc v11;
	v39 =	vsub.f32 v39, v23;
	v28 =	vmul.f32 v42, v28  }
0x582: {  	v11 =	vmovc v14;
	v38 =	vsub.f32 v38, v12;
	v36 =	vadd.f32 v36, v27;
	v33 =	vsel vm3, v34, v33  }
0x583: {  	v40 =	vmul.f32 v40, v41;
	v43 =	vmax.f32 v33, v21;
	v28 =	vsub.f32 v37, v28;
	v42 =	vpop (erf)  }
0x584: {  	v14 =	vmovc v19;
	v44 =	vmul.f32 v39, v31;
	v33 =	vmin.f32 v34, v43;
	v34 =	vmul.f32 v42, v38  }
0x585: {  	v19 =	vmovc v27;
	v40 =	vsub.f32 v40, v8;
	v8 =	vmovc v12;
	v38 =	vmul.f32 $3.000000000e+00, v33;
	v28 =	vsel vm0, v37, v28  }
0x586: {  	v27 =	vadd.f32 v44, v19;
	v42 =	vmax.f32 v28, v15;
	v28 =	vsub.f32 v35, v34;
	v39 =	vpop (erf)  }
0x587: {  	v12 =	vmovc v16;
	v38 =	vsub.f32 v38, v18;
	v34 =	vmin.f32 v37, v42;
	v37 =	vmul.f32 v39, v40  }
0x588: {  	v16 =	vmovc v20;
	v20 =	vmovc v29;
	vm0 =	veq.f32 v27, $0.0e+00;
	v39 =	vmul.f32 $3.000000000e+00, v34;
	v28 =	vsel vm2, v35, v28  }
0x589: {  	v29 =	vmul.f32 v38, v33;
	v28 =	vmax.f32 v28, v10;
	v37 =	vsub.f32 v41, v37  }
0x58a: {  	v27 =	vsel vm0, $0x3F800000, v27;
	v38 =	vsub.f32 v39, v22;
	v35 =	vmin.f32 v35, v28  }
0x58b: {  	v28 =	vadd.f32 v29, v14;
	v29 =	vmul.f32 $3.000000000e+00, v35;
	v37 =	vsel vm1, v41, v37  }
0x58c: {  	(erf) = vrcp.f32 v27;
	v27 =	vmul.f32 v38, v34;
	v37 =	vmax.f32 v37, v6;
	v6 =	vmovc v10;
	v10 =	vmovc v15  }
0x58d: {  	v15 =	vmovc v21;
	v21 =	vmovc v26;
	vm1 =	veq.f32 v28, $0.0e+00;
	v29 =	vsub.f32 v29, v24;
	v37 =	vmin.f32 v41, v37  }
0x58e: {  	v26 =	vsel vm1, $0x3F800000, v28;
	v27 =	vadd.f32 v27, v11;
	v28 =	vadd.f32 v37, v37  }
0x58f: {  	v37 =	vsub.f32 v33, v17;
	(erf) = vrcp.f32 v26;
	v26 =	vmul.f32 v29, v35  }
0x590: {  	v29 =	vmul.f32 v36, v31;
	vm2 =	veq.f32 v27, $0.0e+00;
	v28 =	vsub.f32 v28, v5;
	v5 =	vmovc v9;
	v9 =	vmovc v13  }
0x591: {  	v36 =	vmul.f32 v37, v33;
	v13 =	vmovc v17;
	v17 =	vmovc v25;
	v27 =	vsel vm2, $0x3F800000, v27;
	v26 =	vadd.f32 v26, v7  }
0x592: {  	v25 =	vsub.f32 v34, v9;
	(erf) = vrcp.f32 v27;
	v32 =	vmul.f32 v28, v32  }
0x593: {  	v28 =	vadd.f32 v36, v14;
	(erf) = vrcp.f32 v30;
	vm3 =	veq.f32 v26, $0.0e+00  }
0x594: {  	v29 =	vsub.f32 v29, v20;
	v25 =	vmul.f32 v25, v34;
	v26 =	vsel vm3, $0x3F800000, v26;
	[tilespmem:s31+$0xB800] =	vst v32;
	s31 =	smov.u32 s0;
	s0 =	smov.u32 s2;
	s2 =	smov.u32 s1  }
0x595: {  	v30 =	vsub.f32 v35, v5;
	v28 =	vmul.f32 v28, v33;
	s1 =	smov.u32 s3;
	v27 =	vpop (erf);
	(erf) = vrcp.f32 v26  }
0x596: {  	v25 =	vadd.f32 v25, v11;
	v26 =	vmul.f32 v27, v29  }
0x597: {  	s3 =	sshra.s32 s28, $0x2;
	v28 =	vsub.f32 v28, v16;
	v29 =	vmul.f32 v30, v35  }
0x598: {  	v25 =	vmul.f32 v25, v34;
	v30 =	vld [tilespmem:s3+$0xB700];
	v26 =	vsub.f32 v31, v26;
	v32 =	vpop (erf)  }
0x599: {  	v29 =	vadd.f32 v29, v7;
	v27 =	vld [tilespmem:s3+$0xB600];
	v32 =	vmul.f32 v32, v28  }
0x59a: {  	v25 =	vsub.f32 v25, v12;
	v28 =	vld [tilespmem:s3+$0xB680];
	v26 =	vsel vm0, v31, v26  }
0x59b: {  	v29 =	vmul.f32 v29, v35;
	v36 =	vld [tilespmem:s3+$0xB500];
	v26 =	vmax.f32 v26, v21;
	v37 =	vsub.f32 v33, v32;
	v38 =	vpop (erf)  }
0x59c: {  	v32 =	vld [tilespmem:s3+$0xB780];
	v26 =	vmin.f32 v31, v26;
	v31 =	vpop (erf);
	v25 =	vmul.f32 v38, v25  }
0x59d: {  	v29 =	vsub.f32 v29, v8;
	v38 =	vld [tilespmem:s3+$0xB580];
	v39 =	vmul.f32 $3.000000000e+00, v26;
	[tilespmem:s1+$0xB880] =	vst v31;
	v31 =	vsel vm1, v33, v37  }
0x59e: {  	v37 =	vmul.f32 v30, v27;
	v31 =	vmax.f32 v31, v15;
	v25 =	vsub.f32 v34, v25;
	v40 =	vpop (erf)  }
0x59f: {  	v39 =	vsub.f32 v39, v23;
	v31 =	vmin.f32 v33, v31;
	v29 =	vmul.f32 v40, v29  }
0x5a0: {  	v40 =	vmul.f32 v28, v36;
	v33 =	vmul.f32 $3.000000000e+00, v31;
	v25 =	vsel vm2, v34, v25  }
0x5a1: {  	v39 =	vmul.f32 v39, v26;
	v25 =	vmax.f32 v25, v10;
	v29 =	vsub.f32 v35, v29  }
0x5a2: {  	v41 =	vmul.f32 v27, v38;
	v33 =	vsub.f32 v33, v18;
	v34 =	vmin.f32 v34, v25  }
0x5a3: {  	v25 =	vadd.f32 v39, v19;
	v39 =	vmul.f32 $3.000000000e+00, v34;
	v29 =	vsel vm3, v35, v29  }
0x5a4: {  	v42 =	vmul.f32 v30, v28;
	v33 =	vmul.f32 v33, v31;
	v29 =	vmax.f32 v29, v6  }
0x5a5: {  	vm1 =	veq.f32 v25, $0.0e+00;
	v39 =	vsub.f32 v39, v22;
	v35 =	vmin.f32 v35, v29  }
0x5a6: {  	v25 =	vsel vm1, $0x3F800000, v25;
	v33 =	vadd.f32 v33, v14;
	v43 =	vmul.f32 $3.000000000e+00, v35  }
0x5a7: {  	v44 =	vsub.f32 v26, v17;
	(erf) = vrcp.f32 v25;
	v25 =	vmul.f32 v39, v34  }
0x5a8: {  	v29 =	vmul.f32 v30, v30;
	vm2 =	veq.f32 v33, $0.0e+00;
	v30 =	vsub.f32 v43, v24  }
0x5a9: {  	v39 =	vmul.f32 v44, v26;
	v33 =	vsel vm2, $0x3F800000, v33;
	v25 =	vadd.f32 v25, v11  }
0x5aa: {  	v43 =	vsub.f32 v31, v13;
	(erf) = vrcp.f32 v33;
	v33 =	vmul.f32 v30, v35  }
0x5ab: {  	v39 =	vadd.f32 v39, v19;
	v30 =	vmul.f32 v28, v28;
	vm0 =	veq.f32 v25, $0.0e+00  }
0x5ac: {  	v43 =	vmul.f32 v43, v31;
	v44 =	vld [tilespmem:s3+$0xB480];
	v25 =	vsel vm0, $0x3F800000, v25;
	v45 =	vadd.f32 v33, v7  }
0x5ad: {  	v47 =	vsub.f32 v34, v9;
	v39 =	vmul.f32 v39, v26;
	(erf) = vrcp.f32 v25  }
0x5ae: {  	v33 =	vmul.f32 v27, v27;
	v25 =	vadd.f32 v43, v14;
	vm3 =	veq.f32 v45, $0.0e+00  }
0x5af: {  	v39 =	vsub.f32 v39, v20;
	v43 =	vmul.f32 v47, v34;
	v45 =	vsel vm3, $0x3F800000, v45  }
0x5b0: {  	v47 =	vsub.f32 v35, v5;
	v25 =	vmul.f32 v25, v31;
	v46 =	vpop (erf);
	(erf) = vrcp.f32 v45  }
0x5b1: {  	v43 =	vadd.f32 v43, v11;
	v45 =	vadd.f32 v36, v44;
	v39 =	vmul.f32 v46, v39  }
0x5b2: {  	v47 =	vmul.f32 v47, v35;
	v46 =	vmul.f32 v38, v44;
	v25 =	vsub.f32 v25, v16  }
0x5b3: {  	v48 =	vmul.f32 v36, v44;
	v50 =	vmul.f32 v43, v34;
	v39 =	vsub.f32 v26, v39;
	v49 =	vpop (erf)  }
0x5b4: {  	v36 =	vmul.f32 v38, v36;
	v47 =	vadd.f32 v47, v7;
	v25 =	vmul.f32 v49, v25  }
0x5b5: {  	v37 =	vsub.f32 v37, v40;
	v40 =	vsub.f32 v50, v12;
	v39 =	vsel vm1, v26, v39  }
0x5b6: {  	v47 =	vmul.f32 v47, v35;
	v39 =	vmax.f32 v39, v21;
	v25 =	vsub.f32 v31, v25;
	v43 =	vpop (erf)  }
0x5b7: {  	v49 =	vsub.f32 v36, v29;
	v39 =	vmin.f32 v26, v39;
	v26 =	vmul.f32 v43, v40  }
0x5b8: {  	v43 =	vsub.f32 v47, v8;
	v40 =	vmul.f32 $3.000000000e+00, v39;
	v25 =	vsel vm2, v31, v25  }
0x5b9: {  	v41 =	vsub.f32 v41, v42;
	v25 =	vmax.f32 v25, v15;
	v26 =	vsub.f32 v34, v26;
	v42 =	vpop (erf)  }
0x5ba: {  	v40 =	vsub.f32 v40, v23;
	v47 =	vmin.f32 v31, v25;
	v31 =	vmul.f32 v42, v43  }
0x5bb: {  	v25 =	vadd.f32 v38, v45;
	v38 =	vmul.f32 $3.000000000e+00, v47;
	v26 =	vsel vm0, v34, v26  }
0x5bc: {  	v40 =	vmul.f32 v40, v39;
	v26 =	vmax.f32 v26, v10;
	v31 =	vsub.f32 v35, v31  }
0x5bd: {  	v36 =	vadd.f32 v36, v48;
	v38 =	vsub.f32 v38, v18;
	v42 =	vmin.f32 v34, v26  }
0x5be: {  	v34 =	vadd.f32 v40, v19;
	v40 =	vmul.f32 $3.000000000e+00, v42;
	v31 =	vsel vm3, v35, v31  }
0x5bf: {  	v26 =	vmul.f32 $3.333333430e-01, v25;
	v38 =	vmul.f32 v38, v47;
	v31 =	vmax.f32 v31, v6  }
0x5c0: {  	vm2 =	veq.f32 v34, $0.0e+00;
	v40 =	vsub.f32 v40, v22;
	v43 =	vmin.f32 v35, v31  }
0x5c1: {  	v31 =	vsel vm2, $0x3F800000, v34;
	v34 =	vadd.f32 v38, v14;
	v35 =	vmul.f32 $3.000000000e+00, v43  }
0x5c2: {  	v38 =	vsub.f32 v39, v17;
	(erf) = vrcp.f32 v31;
	v40 =	vmul.f32 v40, v42  }
0x5c3: {  	v31 =	vmul.f32 v37, v28;
	vm3 =	veq.f32 v34, $0.0e+00;
	v28 =	vsub.f32 v35, v24  }
0x5c4: {  	v35 =	vmul.f32 v38, v39;
	v34 =	vsel vm3, $0x3F800000, v34;
	v37 =	vadd.f32 v40, v11  }
0x5c5: {  	v38 =	vsub.f32 v47, v13;
	(erf) = vrcp.f32 v34;
	v28 =	vmul.f32 v28, v43  }
0x5c6: {  	v34 =	vmul.f32 v49, v44;
	v35 =	vadd.f32 v35, v19;
	vm0 =	veq.f32 v37, $0.0e+00  }
0x5c7: {  	v38 =	vmul.f32 v38, v47;
	v37 =	vsel vm0, $0x3F800000, v37;
	v28 =	vadd.f32 v28, v7  }
0x5c8: {  	v44 =	vsub.f32 v42, v9;
	v45 =	vmul.f32 v35, v39;
	(erf) = vrcp.f32 v37  }
0x5c9: {  	v35 =	vmul.f32 v41, v27;
	v27 =	vadd.f32 v38, v14;
	vm1 =	veq.f32 v28, $0.0e+00  }
0x5ca: {  	v38 =	vmul.f32 v44, v42;
	v37 =	vsub.f32 v45, v20;
	v28 =	vsel vm1, $0x3F800000, v28  }
0x5cb: {  	v41 =	vsub.f32 v43, v5;
	v27 =	vmul.f32 v27, v47;
	v40 =	vpop (erf);
	(erf) = vrcp.f32 v28  }
0x5cc: {  	v44 =	vsub.f32 v25, v25;
	v38 =	vadd.f32 v38, v11;
	v37 =	vmul.f32 v40, v37  }
0x5cd: {  	v41 =	vmul.f32 v41, v43;
	v27 =	vsub.f32 v27, v16;
	v40 =	vmul.f32 $3.000000000e+00, v25  }
0x5ce: {  	v28 =	vadd.f32 v25, v25;
	v38 =	vmul.f32 v38, v42;
	v37 =	vsub.f32 v39, v37;
	v45 =	vpop (erf)  }
0x5cf: {  	v36 =	vadd.f32 v36, v46;
	v41 =	vadd.f32 v41, v7;
	v27 =	vmul.f32 v45, v27  }
0x5d0: {  	v38 =	vsub.f32 v38, v12;
	v40 =	vsub.f32 v40, v28;
	v37 =	vsel vm2, v39, v37  }
0x5d1: {  	v46 =	vmul.f32 v41, v43;
	v37 =	vmax.f32 v37, v21;
	v27 =	vsub.f32 v47, v27;
	v45 =	vpop (erf)  }
0x5d2: {  	v33 =	vsub.f32 v36, v33;
	v36 =	vmin.f32 v39, v37;
	v37 =	vmul.f32 v45, v38  }
0x5d3: {  	v39 =	vsub.f32 v46, v8;
	v38 =	vmul.f32 $3.000000000e+00, v36;
	v27 =	vsel vm3, v47, v27  }
0x5d4: {  	v40 =	vmul.f32 v40, v25;
	v27 =	vmax.f32 v27, v15;
	v37 =	vsub.f32 v42, v37;
	v41 =	vpop (erf)  }
0x5d5: {  	v38 =	vsub.f32 v38, v23;
	v45 =	vmin.f32 v47, v27;
	v27 =	vmul.f32 v41, v39  }
0x5d6: {  	v30 =	vsub.f32 v33, v30;
	v33 =	vmul.f32 $3.000000000e+00, v45;
	v37 =	vsel vm0, v42, v37  }
0x5d7: {  	v38 =	vmul.f32 v38, v36;
	v37 =	vmax.f32 v37, v10;
	v39 =	vsub.f32 v43, v27  }
0x5d8: {  	v27 =	vsub.f32 v30, v29;
	v29 =	vsub.f32 v33, v18;
	v30 =	vmin.f32 v42, v37  }
0x5d9: {  	v33 =	vadd.f32 v38, v19;
	v37 =	vmul.f32 $3.000000000e+00, v30;
	v38 =	vsel vm1, v43, v39  }
0x5da: {  	v39 =	vadd.f32 v27, v40;
	v29 =	vmul.f32 v29, v45;
	v38 =	vmax.f32 v38, v6  }
0x5db: {  	vm4 =	veq.f32 v33, $0.0e+00;
	v37 =	vsub.f32 v37, v22;
	v38 =	vmin.f32 v43, v38  }
0x5dc: {  	v33 =	vsel vm4, $0x3F800000, v33;
	v29 =	vadd.f32 v29, v14;
	v40 =	vmul.f32 $3.000000000e+00, v38  }
0x5dd: {  	v41 =	vsub.f32 v36, v17;
	(erf) = vrcp.f32 v33;
	v33 =	vmul.f32 v37, v30  }
0x5de: {  	vm0 =	veq.f32 v39, $0.0e+00;
	vm3 =	veq.f32 v29, $0.0e+00;
	v37 =	vsub.f32 v40, v24  }
0x5df: {  	v40 =	vmul.f32 v41, v36;
	v29 =	vsel vm3, $0x3F800000, v29;
	v33 =	vadd.f32 v33, v11  }
0x5e0: {  	v41 =	vsub.f32 v45, v13;
	(erf) = vrcp.f32 v29;
	v29 =	vmul.f32 v37, v38  }
0x5e1: {  	v37 =	vsel vm0, $0x3F800000, v39;
	v39 =	vadd.f32 v40, v19;
	vm1 =	veq.f32 v33, $0.0e+00  }
0x5e2: {  	v40 =	vmul.f32 v41, v45;
	v33 =	vsel vm1, $0x3F800000, v33;
	v29 =	vadd.f32 v29, v7  }
0x5e3: {  	v41 =	vsub.f32 v30, v9;
	v39 =	vmul.f32 v39, v36;
	(erf) = vrcp.f32 v33  }
0x5e4: {  	v33 =	vadd.f32 v40, v14;
	(erf) = vrcp.f32 v37;
	vm2 =	veq.f32 v29, $0.0e+00  }
0x5e5: {  	v37 =	vsub.f32 v39, v20;
	v39 =	vmul.f32 v41, v30;
	v29 =	vsel vm2, $0x3F800000, v29  }
0x5e6: {  	v42 =	vsub.f32 v38, v5;
	v33 =	vmul.f32 v33, v45;
	v40 =	vpop (erf);
	(erf) = vrcp.f32 v29  }
0x5e7: {  	v29 =	vmul.f32 v44, v25;
	v39 =	vadd.f32 v39, v11;
	v37 =	vmul.f32 v40, v37  }
0x5e8: {  	v34 =	vsub.f32 v34, v35;
	v35 =	vmul.f32 v42, v38;
	v33 =	vsub.f32 v33, v16  }
0x5e9: {  	v42 =	vadd.f32 v27, v29;
	v39 =	vmul.f32 v39, v30;
	v37 =	vsub.f32 v36, v37;
	v41 =	vpop (erf)  }
0x5ea: {  	v29 =	vadd.f32 v34, v31;
	v31 =	vmul.f32 v41, v33;
	v33 =	vadd.f32 v35, v7  }
0x5eb: {  	v34 =	vmul.f32 v42, v25;
	v35 =	vsel vm4, v36, v37;
	v37 =	vsub.f32 v39, v12  }
0x5ec: {  	v35 =	vmax.f32 v35, v21;
	v39 =	vsub.f32 v45, v31;
	v40 =	vpop (erf);
	v33 =	vmul.f32 v33, v38  }
0x5ed: {  	v34 =	vsub.f32 v34, v29;
	v41 =	vpop (erf);
	v31 =	vmin.f32 v36, v35;
	v35 =	vmul.f32 v40, v37  }
0x5ee: {  	v36 =	vmul.f32 $3.000000000e+00, v31;
	v40 =	vsel vm3, v45, v39;
	v39 =	vsub.f32 v33, v8  }
0x5ef: {  	v34 =	vmul.f32 v41, v34;
	v33 =	vmax.f32 v40, v15;
	v35 =	vsub.f32 v30, v35;
	v37 =	vpop (erf)  }
0x5f0: {  	v36 =	vsub.f32 v36, v23;
	v33 =	vmin.f32 v45, v33;
	v37 =	vmul.f32 v37, v39  }
0x5f1: {  	v34 =	vsub.f32 v25, v34;
	v39 =	vmul.f32 $3.000000000e+00, v33;
	v35 =	vsel vm1, v30, v35  }
0x5f2: {  	v36 =	vmul.f32 v36, v31;
	v35 =	vmax.f32 v35, v10;
	v37 =	vsub.f32 v38, v37  }
0x5f3: {  	v34 =	vsel vm0, v25, v34;
	v39 =	vsub.f32 v39, v18;
	v35 =	vmin.f32 v30, v35  }
0x5f4: {  	v30 =	vadd.f32 v36, v19;
	v36 =	vmul.f32 $3.000000000e+00, v35;
	v37 =	vsel vm2, v38, v37  }
0x5f5: {  	v40 =	vmax.f32 v34, v26;
	v39 =	vmul.f32 v39, v33;
	v34 =	vmax.f32 v37, v6  }
.Ltmp12:
0x5f6: {  	vm0 =	veq.f32 v30, $0.0e+00;
	v36 =	vsub.f32 v36, v22;
	v34 =	vmin.f32 v38, v34;
	(pc) =	sbr.rel @p0 .LBB2_17-.Ltmp12, $4  }
0x5f7: {  	v30 =	vsel vm0, $0x3F800000, v30;
	v39 =	vadd.f32 v39, v14;
	v37 =	vmul.f32 $3.000000000e+00, v34  }
0x5f8: {  	v38 =	vsub.f32 v31, v17;
	(erf) = vrcp.f32 v30;
	v36 =	vmul.f32 v36, v35  }
0x5f9: {  	v30 =	vmin.f32 v25, v40;
	vm1 =	veq.f32 v39, $0.0e+00;
	v37 =	vsub.f32 v37, v24  }
0x5fa: {  	s28 =	sadd.s32 $0x40, s28;
	v38 =	vmul.f32 v38, v31;
	v39 =	vsel vm1, $0x3F800000, v39;
	v36 =	vadd.f32 v36, v11  }
0x5fb: {  	v40 =	vsub.f32 v33, v13;
	(erf) = vrcp.f32 v39  }
0x5fc: {  	v37 =	vmul.f32 v37, v34;
	v59 =	vmul.f32 $3.000000000e+00, v30;
	v41 =	vsub.f32 v35, v9  }
0x5fd: {  	v42 =	vsub.f32 v34, v5;
	v38 =	vadd.f32 v38, v19;
	vm2 =	veq.f32 v36, $0.0e+00  }
0x5fe: {  	v40 =	vmul.f32 v40, v33;
	v36 =	vsel vm2, $0x3F800000, v36;
	v37 =	vadd.f32 v37, v7  }
0x5ff: {  	v60 =	vsub.f32 v59, v28;
	v38 =	vmul.f32 v38, v31;
	(erf) = vrcp.f32 v36  }
0x600: {  	v62 =	vmul.f32 v41, v35;
	v61 =	vadd.f32 v40, v14;
	vm3 =	veq.f32 v37, $0.0e+00  }
0x601: {  	v47 =	vmul.f32 v42, v34;
	v38 =	vsub.f32 v38, v20;
	v37 =	vsel vm3, $0x3F800000, v37  }
0x602: {  	v48 =	vsub.f32 v30, v25;
	v63 =	vpop (erf);
	v39 =	vmul.f32 v61, v33;
	(erf) = vrcp.f32 v37  }
0x603: {  	v46 =	vadd.f32 v62, v11;
	v36 =	vmul.f32 v60, v30;
	v45 =	vmul.f32 v63, v38  }
0x604: {  	v41 =	vmul.f32 v48, v30;
	v40 =	vadd.f32 v47, v7;
	v39 =	vsub.f32 v39, v16  }
0x605: {  	v36 =	vadd.f32 v36, v27;
	v38 =	vmul.f32 v46, v35;
	v37 =	vsub.f32 v31, v45;
	v49 =	vpop (erf)  }
0x606: {  	v56 =	vadd.f32 v41, v27;
	v40 =	vmul.f32 v40, v34;
	v39 =	vmul.f32 v49, v39  }
0x607: {  	vm9 =	veq.f32 v36, $0.0e+00;
	v38 =	vsub.f32 v38, v12;
	v37 =	vsel vm0, v31, v37  }
0x608: {  	v40 =	vsub.f32 v40, v8;
	v37 =	vmax.f32 v37, v21;
	v39 =	vsub.f32 v33, v39;
	v50 =	vpop (erf)  }
0x609: {  	v36 =	vsel vm9, $0x3F800000, v36;
	v31 =	vmin.f32 v31, v37;
	v51 =	vmul.f32 v50, v38  }
0x60a: {  	(erf) = vrcp.f32 v36;
	v52 =	vmul.f32 $3.000000000e+00, v31;
	v39 =	vsel vm1, v33, v39  }
0x60b: {  	v59 =	vsub.f32 v31, v17;
	v39 =	vmax.f32 v39, v15;
	v37 =	vsub.f32 v35, v51;
	v53 =	vpop (erf)  }
0x60c: {  	v38 =	vsub.f32 v52, v23;
	v33 =	vmin.f32 v33, v39;
	v54 =	vmul.f32 v53, v40  }
0x60d: {  	v40 =	vmul.f32 v56, v30;
	v55 =	vmul.f32 $3.000000000e+00, v33;
	v37 =	vsel vm2, v35, v37  }
0x60e: {  	v38 =	vmul.f32 v38, v31;
	v37 =	vmax.f32 v37, v10;
	v39 =	vsub.f32 v34, v54  }
0x60f: {  	v62 =	vmul.f32 v59, v31;
	v36 =	vsub.f32 v55, v18;
	v35 =	vmin.f32 v35, v37  }
0x610: {  	v57 =	vadd.f32 v38, v19;
	v58 =	vmul.f32 $3.000000000e+00, v35;
	v39 =	vsel vm3, v34, v39  }
0x611: {  	v45 =	vsub.f32 v33, v13;
	v36 =	vmul.f32 v36, v33;
	v39 =	vmax.f32 v39, v6  }
0x612: {  	vm10 =	veq.f32 v57, $0.0e+00;
	v38 =	vsub.f32 v58, v22;
	v34 =	vmin.f32 v34, v39  }
0x613: {  	v37 =	vsel vm10, $0x3F800000, v57;
	v36 =	vadd.f32 v36, v14;
	v39 =	vmul.f32 $3.000000000e+00, v34  }
0x614: {  	v61 =	vsub.f32 v40, v29;
	(erf) = vrcp.f32 v37;
	v60 =	vmul.f32 v38, v35  }
0x615: {  	v48 =	vmul.f32 v45, v33;
	vm11 =	veq.f32 v36, $0.0e+00;
	v39 =	vsub.f32 v39, v24  }
0x616: {  	v49 =	vsub.f32 v35, v9;
	v36 =	vsel vm11, $0x3F800000, v36;
	v37 =	vadd.f32 v60, v11  }
0x617: {  	v47 =	vadd.f32 v62, v19;
	v63 =	vpop (erf);
	(erf) = vrcp.f32 v36;
	v46 =	vmul.f32 v39, v34  }
0x618: {  	v51 =	vadd.f32 v48, v14;
	v52 =	vmul.f32 v49, v35;
	vm12 =	veq.f32 v37, $0.0e+00  }
0x619: {  	v38 =	vmul.f32 v63, v61;
	v37 =	vsel vm12, $0x3F800000, v37;
	v36 =	vadd.f32 v46, v7  }
0x61a: {  	v54 =	vsub.f32 v34, v5;
	v39 =	vmul.f32 v47, v31;
	(erf) = vrcp.f32 v37  }
0x61b: {  	v57 =	vadd.f32 v52, v11;
	v50 =	vsub.f32 v30, v38;
	vm4 =	veq.f32 v36, $0.0e+00  }
0x61c: {  	v58 =	vmul.f32 v54, v34;
	v39 =	vsub.f32 v39, v20;
	v36 =	vsel vm4, $0x3F800000, v36  }
0x61d: {  	v38 =	vmul.f32 v51, v33;
	v55 =	vsel vm9, v30, v50;
	v53 =	vpop (erf);
	(erf) = vrcp.f32 v36  }
0x61e: {  	v61 =	vadd.f32 v58, v7;
	v36 =	vmax.f32 v55, v26;
	v56 =	vmul.f32 v53, v39  }
0x61f: {  	v38 =	vsub.f32 v38, v16;
	v30 =	vmin.f32 v30, v36;
	v39 =	vmul.f32 v57, v35  }
0x620: {  	v41 =	vsub.f32 v30, v25;
	v62 =	vmul.f32 $3.000000000e+00, v30;
	v59 =	vsub.f32 v31, v56;
	v60 =	vpop (erf)  }
0x621: {  	v39 =	vsub.f32 v39, v12;
	v37 =	vmul.f32 v60, v38;
	v38 =	vmul.f32 v61, v34  }
0x622: {  	v40 =	vsub.f32 v62, v28;
	v61 =	vmul.f32 v41, v30;
	v36 =	vsel vm10, v31, v59  }
0x623: {  	v36 =	vmax.f32 v36, v21;
	v37 =	vsub.f32 v33, v37;
	v63 =	vpop (erf);
	v38 =	vsub.f32 v38, v8  }
0x624: {  	v40 =	vmul.f32 v40, v30;
	v31 =	vmin.f32 v31, v36;
	v45 =	vmul.f32 v63, v39  }
0x625: {  	v63 =	vadd.f32 v61, v27;
	v46 =	vmul.f32 $3.000000000e+00, v31;
	v37 =	vsel vm11, v33, v37  }
0x626: {  	v49 =	vadd.f32 v40, v27;
	v37 =	vmax.f32 v37, v15;
	v36 =	vsub.f32 v35, v45;
	v47 =	vpop (erf)  }
0x627: {  	v39 =	vsub.f32 v46, v23;
	v33 =	vmin.f32 v33, v37;
	v48 =	vmul.f32 v47, v38  }
0x628: {  	v55 =	vsub.f32 v31, v17;
	v50 =	vmul.f32 $3.000000000e+00, v33;
	v36 =	vsel vm12, v35, v36  }
0x629: {  	v39 =	vmul.f32 v39, v31;
	v36 =	vmax.f32 v36, v10;
	v37 =	vsub.f32 v34, v48  }
0x62a: {  	vm13 =	veq.f32 v49, $0.0e+00;
	v40 =	vsub.f32 v50, v18;
	v35 =	vmin.f32 v35, v36  }
0x62b: {  	v51 =	vadd.f32 v39, v19;
	v52 =	vmul.f32 $3.000000000e+00, v35;
	v37 =	vsel vm4, v34, v37  }
0x62c: {  	v58 =	vmul.f32 v55, v31;
	v40 =	vmul.f32 v40, v33;
	v37 =	vmax.f32 v37, v6  }
0x62d: {  	vm14 =	veq.f32 v51, $0.0e+00;
	v39 =	vsub.f32 v52, v22;
	v34 =	vmin.f32 v34, v37  }
0x62e: {  	v36 =	vsel vm14, $0x3F800000, v51;
	v53 =	vadd.f32 v40, v14;
	v54 =	vmul.f32 $3.000000000e+00, v34  }
0x62f: {  	v38 =	vsel vm13, $0x3F800000, v49;
	(erf) = vrcp.f32 v36;
	v56 =	vmul.f32 v39, v35  }
0x630: {  	(erf) = vrcp.f32 v38;
	vm15 =	veq.f32 v53, $0.0e+00;
	v57 =	vsub.f32 v54, v24  }
0x631: {  	v62 =	vsub.f32 v35, v9;
	v37 =	vsel vm15, $0x3F800000, v53;
	v36 =	vadd.f32 v56, v11  }
0x632: {  	v59 =	vsub.f32 v33, v13;
	(erf) = vrcp.f32 v37;
	v60 =	vmul.f32 v57, v34  }
0x633: {  	v45 =	vmul.f32 v62, v35;
	v39 =	vadd.f32 v58, v19;
	vm7 =	veq.f32 v36, $0.0e+00  }
0x634: {  	v40 =	vmul.f32 v59, v33;
	v36 =	vsel vm7, $0x3F800000, v36;
	v37 =	vadd.f32 v60, v7  }
0x635: {  	v47 =	vsub.f32 v34, v5;
	v39 =	vmul.f32 v39, v31;
	(erf) = vrcp.f32 v36  }
0x636: {  	v44 =	vadd.f32 v40, v14;
	v36 =	vmul.f32 v63, v30;
	vm8 =	veq.f32 v37, $0.0e+00  }
0x637: {  	v51 =	vmul.f32 v47, v34;
	v39 =	vsub.f32 v39, v20;
	v37 =	vsel vm8, $0x3F800000, v37  }
0x638: {  	v38 =	vmul.f32 v44, v33;
	v36 =	vsub.f32 v36, v29;
	v46 =	vpop (erf);
	(erf) = vrcp.f32 v37  }
0x639: {  	v49 =	vadd.f32 v45, v11;
	v41 =	vadd.f32 v51, v7;
	v48 =	vmul.f32 v46, v39;
	v50 =	vpop (erf)  }
0x63a: {  	v38 =	vsub.f32 v38, v16;
	v36 =	vmul.f32 v50, v36  }
0x63b: {  	v41 =	vmul.f32 v41, v34;
	v39 =	vmul.f32 v49, v35;
	v37 =	vsub.f32 v31, v48;
	v52 =	vpop (erf)  }
0x63c: {  	v38 =	vmul.f32 v52, v38;
	v36 =	vsub.f32 v30, v36  }
0x63d: {  	v56 =	vsub.f32 v41, v8;
	v39 =	vsub.f32 v39, v12;
	v37 =	vsel vm14, v31, v37  }
0x63e: {  	v37 =	vmax.f32 v37, v21;
	v38 =	vsub.f32 v33, v38;
	v53 =	vpop (erf);
	v36 =	vsel vm13, v30, v36  }
0x63f: {  	v31 =	vmin.f32 v31, v37;
	v54 =	vmul.f32 v53, v39;
	v36 =	vmax.f32 v36, v26  }
0x640: {  	v55 =	vmul.f32 $3.000000000e+00, v31;
	v38 =	vsel vm15, v33, v38;
	v36 =	vmin.f32 v30, v36  }
0x641: {  	v45 =	vsub.f32 v31, v17;
	v38 =	vmax.f32 v38, v15;
	v37 =	vsub.f32 v35, v54;
	v57 =	vpop (erf)  }
0x642: {  	v39 =	vsub.f32 v55, v23;
	v33 =	vmin.f32 v33, v38;
	v58 =	vmul.f32 v57, v56  }
0x643: {  	v63 =	vsub.f32 v36, v25;
	v59 =	vmul.f32 $3.000000000e+00, v33;
	v37 =	vsel vm7, v35, v37  }
0x644: {  	v39 =	vmul.f32 v39, v31;
	v37 =	vmax.f32 v37, v10;
	v38 =	vsub.f32 v34, v58  }
0x645: {  	v47 =	vmul.f32 $3.000000000e+00, v36;
	v60 =	vsub.f32 v59, v18;
	v35 =	vmin.f32 v35, v37  }
0x646: {  	v61 =	vadd.f32 v39, v19;
	v62 =	vmul.f32 $3.000000000e+00, v35;
	v38 =	vsel vm8, v34, v38  }
0x647: {  	v41 =	vmul.f32 v45, v31;
	v30 =	vmul.f32 v60, v33;
	v38 =	vmax.f32 v38, v6  }
0x648: {  	vm9 =	veq.f32 v61, $0.0e+00;
	v39 =	vsub.f32 v62, v22;
	v34 =	vmin.f32 v34, v38  }
0x649: {  	v37 =	vsel vm9, $0x3F800000, v61;
	v30 =	vadd.f32 v30, v14;
	v38 =	vmul.f32 $3.000000000e+00, v34  }
0x64a: {  	v48 =	vsub.f32 v33, v13;
	v50 =	vadd.f32 v41, v19;
	(erf) = vrcp.f32 v37  }
0x64b: {  	v46 =	vmul.f32 v39, v35;
	vm10 =	veq.f32 v30, $0.0e+00;
	v38 =	vsub.f32 v38, v24  }
0x64c: {  	v51 =	vmul.f32 v48, v33;
	v39 =	vsub.f32 v47, v28;
	v30 =	vsel vm10, $0x3F800000, v30  }
0x64d: {  	v37 =	vadd.f32 v46, v11;
	(erf) = vrcp.f32 v30;
	v49 =	vmul.f32 v38, v34  }
0x64e: {  	v40 =	vmul.f32 v63, v36;
	v52 =	vsub.f32 v35, v9;
	v54 =	vadd.f32 v51, v14  }
0x64f: {  	v39 =	vmul.f32 v39, v36;
	vm11 =	veq.f32 v37, $0.0e+00;
	v30 =	vadd.f32 v49, v7  }
0x650: {  	v55 =	vmul.f32 v52, v35;
	v38 =	vmul.f32 v50, v31;
	v37 =	vsel vm11, $0x3F800000, v37  }
0x651: {  	v53 =	vadd.f32 v39, v27;
	(erf) = vrcp.f32 v37;
	vm12 =	veq.f32 v30, $0.0e+00  }
0x652: {  	v43 =	vsub.f32 v34, v5;
	v39 =	vmul.f32 v54, v33;
	v30 =	vsel vm12, $0x3F800000, v30  }
0x653: {  	v38 =	vsub.f32 v38, v20;
	vm13 =	veq.f32 v53, $0.0e+00;
	(erf) = vrcp.f32 v30  }
0x654: {  	v58 =	vadd.f32 v55, v11;
	v59 =	vmul.f32 v43, v34;
	v37 =	vsel vm13, $0x3F800000, v53;
	v56 =	vpop (erf)  }
0x655: {  	v39 =	vsub.f32 v39, v16;
	v57 =	vmul.f32 v56, v38;
	(erf) = vrcp.f32 v37  }
0x656: {  	v40 =	vadd.f32 v40, v27;
	v61 =	vadd.f32 v59, v7;
	v60 =	vpop (erf)  }
0x657: {  	v38 =	vmul.f32 v58, v35;
	v30 =	vsub.f32 v31, v57;
	v37 =	vmul.f32 v60, v39  }
0x658: {  	v63 =	vadd.f32 $9.999999970e-07, v5;
	v40 =	vmul.f32 v40, v36;
	v39 =	vmul.f32 v61, v34  }
0x659: {  	v38 =	vsub.f32 v38, v12;
	v30 =	vsel vm9, v31, v30;
	v37 =	vsub.f32 v33, v37  }
0x65a: {  	v48 =	vsub.f32 v40, v29;
	v30 =	vmax.f32 v30, v21;
	v62 =	vpop (erf);
	v39 =	vsub.f32 v39, v8  }
0x65b: {  	v31 =	vmin.f32 v31, v30;
	v38 =	vmul.f32 v62, v38;
	v37 =	vsel vm10, v33, v37  }
0x65c: {  	(erf) = vrcp.f32 v63;
	v45 =	vmul.f32 $3.000000000e+00, v31;
	v37 =	vmax.f32 v37, v15;
	v46 =	vpop (erf)  }
0x65d: {  	v38 =	vsub.f32 v35, v38;
	v33 =	vmin.f32 v33, v37;
	v47 =	vmul.f32 v46, v39  }
0x65e: {  	v59 =	vsub.f32 v31, v17;
	v41 =	vsub.f32 v45, v23;
	v50 =	vpop (erf);
	v49 =	vmul.f32 $3.000000000e+00, v33  }
0x65f: {  	v38 =	vsel vm11, v35, v38;
	v39 =	vmul.f32 v50, v48;
	v37 =	vsub.f32 v34, v47  }
0x660: {  	v41 =	vmul.f32 v41, v31;
	v38 =	vmax.f32 v38, v10;
	v40 =	vsub.f32 v49, v18  }
0x661: {  	v35 =	vmin.f32 v35, v38;
	v39 =	vsub.f32 v36, v39;
	v37 =	vsel vm12, v34, v37  }
0x662: {  	v51 =	vadd.f32 v41, v19;
	v52 =	vmul.f32 $3.000000000e+00, v35;
	v53 =	vmax.f32 v37, v6  }
0x663: {  	v40 =	vmul.f32 v40, v33;
	v39 =	vsel vm13, v36, v39;
	v30 =	vmin.f32 v34, v53  }
0x664: {  	vm14 =	veq.f32 v51, $0.0e+00;
	v56 =	vmax.f32 v39, v26;
	v58 =	vmul.f32 $3.000000000e+00, v30  }
0x665: {  	v54 =	vsub.f32 v52, v22;
	v55 =	vsel vm14, $0x3F800000, v51;
	v36 =	vmin.f32 v36, v56  }
0x666: {  	v57 =	vadd.f32 v40, v14;
	v60 =	vmul.f32 $3.000000000e+00, v36;
	v61 =	vsub.f32 v58, v24  }
0x667: {  	v62 =	vsub.f32 v33, v13;
	(erf) = vrcp.f32 v55;
	v37 =	vmul.f32 v54, v35  }
0x668: {  	vm15 =	veq.f32 v57, $0.0e+00;
	v34 =	vsub.f32 v60, v28;
	v24 =	vmul.f32 v61, v30  }
0x669: {  	v38 =	vmul.f32 v59, v31;
	v63 =	vmul.f32 v62, v33;
	v39 =	vsel vm15, $0x3F800000, v57  }
0x66a: {  	v37 =	vadd.f32 v37, v11;
	v34 =	vmul.f32 v34, v36;
	v24 =	vadd.f32 v24, v7  }
0x66b: {  	v44 =	vsub.f32 v35, v9;
	v38 =	vadd.f32 v38, v19;
	(erf) = vrcp.f32 v39  }
0x66c: {  	vm8 =	veq.f32 v37, $0.0e+00;
	v34 =	vadd.f32 v34, v27;
	vm0 =	veq.f32 v24, $0.0e+00  }
0x66d: {  	v45 =	vadd.f32 v63, v14;
	v37 =	vsel vm8, $0x3F800000, v37;
	v24 =	vsel vm0, $0x3F800000, v24  }
0x66e: {  	v38 =	vmul.f32 v38, v31;
	(erf) = vrcp.f32 v37;
	vm9 =	veq.f32 v34, $0.0e+00  }
0x66f: {  	v46 =	vmul.f32 v44, v35;
	(erf) = vrcp.f32 v24;
	v34 =	vsel vm9, $0x3F800000, v34  }
0x670: {  	v47 =	vsub.f32 v36, v25;
	v38 =	vsub.f32 v38, v20;
	v24 =	vpop (erf);
	(erf) = vrcp.f32 v34  }
0x671: {  	v37 =	vmul.f32 v45, v33;
	v48 =	vpop (erf)  }
0x672: {  	v49 =	vadd.f32 v46, v11;
	v50 =	vmul.f32 v47, v36;
	v34 =	vmul.f32 v48, v38  }
0x673: {  	v37 =	vsub.f32 v37, v16  }
0x674: {  	v39 =	vadd.f32 v50, v27;
	v51 =	vpop (erf);
	v38 =	vmul.f32 v49, v35;
	v34 =	vsub.f32 v31, v34  }
0x675: {  	v37 =	vmul.f32 v51, v37  }
0x676: {  	v39 =	vmul.f32 v39, v36;
	v38 =	vsub.f32 v38, v12;
	v34 =	vsel vm14, v31, v34  }
0x677: {  	v52 =	vpop (erf);
	v37 =	vsub.f32 v33, v37;
	v34 =	vmax.f32 v34, v21  }
0x678: {  	v39 =	vsub.f32 v39, v29;
	v38 =	vmul.f32 v52, v38;
	v34 =	vmin.f32 v31, v34;
	v31 =	vpop (erf)  }
0x679: {  	v37 =	vsel vm15, v33, v37;
	v53 =	vmul.f32 $3.000000000e+00, v34;
	v54 =	vpop (erf)  }
0x67a: {  	v37 =	vmax.f32 v37, v15;
	v38 =	vsub.f32 v35, v38;
	v39 =	vmul.f32 v54, v39  }
0x67b: {  	v33 =	vmin.f32 v33, v37;
	v40 =	vsub.f32 v53, v23  }
0x67c: {  	v37 =	vmul.f32 $3.000000000e+00, v33;
	v38 =	vsel vm8, v35, v38;
	v39 =	vsub.f32 v36, v39  }
0x67d: {  	v38 =	vmax.f32 v38, v10;
	v40 =	vmul.f32 v40, v34  }
0x67e: {  	v37 =	vsub.f32 v37, v18;
	v35 =	vmin.f32 v35, v38;
	v55 =	vsel vm9, v36, v39  }
0x67f: {  	v57 =	vmul.f32 $3.000000000e+00, v35;
	v56 =	vadd.f32 v40, v19;
	v38 =	vmax.f32 v55, v26  }
0x680: {  	v37 =	vmul.f32 v37, v33;
	v36 =	vmin.f32 v36, v38  }
0x681: {  	v58 =	vsub.f32 v57, v22;
	vm10 =	veq.f32 v56, $0.0e+00;
	v59 =	vmul.f32 $3.000000000e+00, v36  }
0x682: {  	v60 =	vsub.f32 v34, v17;
	v37 =	vadd.f32 v37, v14;
	v39 =	vsel vm10, $0x3F800000, v56  }
0x683: {  	v38 =	vmul.f32 v58, v35;
	(erf) = vrcp.f32 v39;
	v61 =	vsub.f32 v59, v28  }
0x684: {  	v32 =	vadd.f32 $9.999999970e-07, v32;
	v62 =	vmul.f32 v60, v34  }
0x685: {  	vm11 =	veq.f32 v37, $0.0e+00;
	v38 =	vadd.f32 v38, v11;
	v39 =	vmul.f32 v61, v36  }
0x686: {  	v63 =	vsub.f32 v33, v13;
	v43 =	vadd.f32 v62, v19;
	v37 =	vsel vm11, $0x3F800000, v37  }
0x687: {  	(erf) = vrcp.f32 v37;
	vm12 =	veq.f32 v38, $0.0e+00;
	v44 =	vadd.f32 v39, v27  }
0x688: {  	v46 =	vsub.f32 v35, v9;
	(erf) = vrcp.f32 v32;
	v38 =	vsel vm12, $0x3F800000, v38  }
0x689: {  	v37 =	vmul.f32 v43, v34;
	(erf) = vrcp.f32 v38;
	vm13 =	veq.f32 v44, $0.0e+00  }
0x68a: {  	v45 =	vmul.f32 v63, v33;
	v48 =	vmul.f32 v46, v35;
	v32 =	vsel vm13, $0x3F800000, v44  }
0x68b: {  	v49 =	vsub.f32 v36, v25;
	v37 =	vsub.f32 v37, v20;
	(erf) = vrcp.f32 v32  }
0x68c: {  	v47 =	vadd.f32 v45, v14;
	v50 =	vpop (erf)  }
0x68d: {  	v51 =	vadd.f32 v48, v11;
	v52 =	vmul.f32 v49, v36;
	v32 =	vmul.f32 v50, v37  }
0x68e: {  	v38 =	vmul.f32 v47, v33  }
0x68f: {  	v39 =	vadd.f32 v52, v27;
	v37 =	vmul.f32 v51, v35;
	v53 =	vsub.f32 v34, v32  }
0x690: {  	v38 =	vsub.f32 v38, v16;
	v54 =	vpop (erf)  }
0x691: {  	v39 =	vmul.f32 v39, v36;
	v37 =	vsub.f32 v37, v12;
	v32 =	vpop (erf);
	v40 =	vsel vm10, v34, v53  }
0x692: {  	v38 =	vmul.f32 v54, v38;
	v40 =	vmax.f32 v40, v21;
	v55 =	vpop (erf)  }
0x693: {  	v39 =	vsub.f32 v39, v29;
	v34 =	vmin.f32 v34, v40;
	v37 =	vmul.f32 v55, v37  }
0x694: {  	v38 =	vsub.f32 v33, v38;
	v40 =	vmul.f32 $3.000000000e+00, v34;
	v56 =	vpop (erf)  }
0x695: {  	v37 =	vsub.f32 v35, v37;
	v39 =	vmul.f32 v56, v39  }
0x696: {  	v38 =	vsel vm11, v33, v38;
	v40 =	vsub.f32 v40, v23  }
0x697: {  	v38 =	vmax.f32 v38, v15;
	v37 =	vsel vm12, v35, v37;
	v39 =	vsub.f32 v36, v39  }
0x698: {  	v33 =	vmin.f32 v33, v38;
	v40 =	vmul.f32 v40, v34;
	v37 =	vmax.f32 v37, v10  }
0x699: {  	v38 =	vmul.f32 $3.000000000e+00, v33;
	v35 =	vmin.f32 v35, v37;
	v57 =	vsel vm13, v36, v39  }
0x69a: {  	v58 =	vadd.f32 v40, v19;
	v59 =	vmul.f32 $3.000000000e+00, v35;
	v37 =	vmax.f32 v57, v26  }
0x69b: {  	v38 =	vsub.f32 v38, v18;
	v36 =	vmin.f32 v36, v37  }
0x69c: {  	vm14 =	veq.f32 v58, $0.0e+00;
	v60 =	vsub.f32 v59, v22;
	v61 =	vmul.f32 $3.000000000e+00, v36  }
0x69d: {  	v62 =	vsub.f32 v34, v17;
	v38 =	vmul.f32 v38, v33;
	v39 =	vsel vm14, $0x3F800000, v58  }
0x69e: {  	(erf) = vrcp.f32 v39;
	v37 =	vmul.f32 v60, v35;
	v63 =	vsub.f32 v61, v28  }
0x69f: {  	v44 =	vmul.f32 v62, v34;
	v38 =	vadd.f32 v38, v14  }
0x6a0: {  	v37 =	vadd.f32 v37, v11;
	v39 =	vmul.f32 v63, v36  }
0x6a1: {  	v45 =	vsub.f32 v33, v13;
	v46 =	vadd.f32 v44, v19;
	vm15 =	veq.f32 v38, $0.0e+00  }
0x6a2: {  	v38 =	vsel vm15, $0x3F800000, v38;
	vm8 =	veq.f32 v37, $0.0e+00;
	v39 =	vadd.f32 v39, v27  }
0x6a3: {  	v48 =	vsub.f32 v35, v9;
	(erf) = vrcp.f32 v38;
	v37 =	vsel vm8, $0x3F800000, v37  }
0x6a4: {  	v38 =	vmul.f32 v46, v34;
	(erf) = vrcp.f32 v37;
	vm9 =	veq.f32 v39, $0.0e+00  }
0x6a5: {  	v47 =	vmul.f32 v45, v33;
	v50 =	vmul.f32 v48, v35;
	v39 =	vsel vm9, $0x3F800000, v39  }
0x6a6: {  	v51 =	vsub.f32 v36, v25;
	v38 =	vsub.f32 v38, v20;
	(erf) = vrcp.f32 v39  }
0x6a7: {  	v49 =	vadd.f32 v47, v14;
	v52 =	vpop (erf)  }
0x6a8: {  	v53 =	vadd.f32 v50, v11;
	v54 =	vmul.f32 v51, v36;
	v38 =	vmul.f32 v52, v38  }
0x6a9: {  	v37 =	vmul.f32 v49, v33  }
0x6aa: {  	v40 =	vadd.f32 v54, v27;
	v39 =	vmul.f32 v53, v35;
	v38 =	vsub.f32 v34, v38  }
0x6ab: {  	v37 =	vsub.f32 v37, v16  }
0x6ac: {  	v40 =	vmul.f32 v40, v36;
	v55 =	vpop (erf);
	v39 =	vsub.f32 v39, v12;
	v38 =	vsel vm14, v34, v38  }
0x6ad: {  	v37 =	vmul.f32 v55, v37;
	v38 =	vmax.f32 v38, v21;
	v56 =	vpop (erf)  }
0x6ae: {  	v58 =	vsub.f32 v40, v29;
	v34 =	vmin.f32 v34, v38;
	v57 =	vmul.f32 v56, v39  }
0x6af: {  	v37 =	vsub.f32 v33, v37;
	v59 =	vmul.f32 $3.000000000e+00, v34;
	v60 =	vpop (erf)  }
0x6b0: {  	v38 =	vsub.f32 v35, v57;
	v39 =	vmul.f32 v60, v58  }
0x6b1: {  	v37 =	vsel vm15, v33, v37;
	v40 =	vsub.f32 v59, v23  }
0x6b2: {  	v37 =	vmax.f32 v37, v15;
	v38 =	vsel vm8, v35, v38;
	v39 =	vsub.f32 v36, v39  }
0x6b3: {  	v33 =	vmin.f32 v33, v37;
	v40 =	vmul.f32 v40, v34;
	v38 =	vmax.f32 v38, v10  }
0x6b4: {  	v37 =	vmul.f32 $3.000000000e+00, v33;
	v35 =	vmin.f32 v35, v38;
	v61 =	vsel vm9, v36, v39  }
0x6b5: {  	v62 =	vadd.f32 v40, v19;
	v63 =	vmul.f32 $3.000000000e+00, v35;
	v38 =	vmax.f32 v61, v26  }
0x6b6: {  	v37 =	vsub.f32 v37, v18;
	v36 =	vmin.f32 v36, v38  }
0x6b7: {  	vm10 =	veq.f32 v62, $0.0e+00;
	v44 =	vsub.f32 v63, v22;
	v45 =	vmul.f32 $3.000000000e+00, v36  }
0x6b8: {  	v46 =	vsub.f32 v34, v17;
	v37 =	vmul.f32 v37, v33;
	v39 =	vsel vm10, $0x3F800000, v62  }
0x6b9: {  	(erf) = vrcp.f32 v39;
	v38 =	vmul.f32 v44, v35;
	v47 =	vsub.f32 v45, v28  }
0x6ba: {  	v48 =	vmul.f32 v46, v34;
	v37 =	vadd.f32 v37, v14  }
0x6bb: {  	v38 =	vadd.f32 v38, v11;
	v39 =	vmul.f32 v47, v36  }
0x6bc: {  	v49 =	vsub.f32 v33, v13;
	v50 =	vadd.f32 v48, v19;
	vm11 =	veq.f32 v37, $0.0e+00  }
0x6bd: {  	v37 =	vsel vm11, $0x3F800000, v37;
	vm12 =	veq.f32 v38, $0.0e+00;
	v39 =	vadd.f32 v39, v27  }
0x6be: {  	v52 =	vsub.f32 v35, v9;
	(erf) = vrcp.f32 v37;
	v38 =	vsel vm12, $0x3F800000, v38  }
0x6bf: {  	v37 =	vmul.f32 v50, v34;
	(erf) = vrcp.f32 v38;
	vm13 =	veq.f32 v39, $0.0e+00  }
0x6c0: {  	v51 =	vmul.f32 v49, v33;
	v54 =	vmul.f32 v52, v35;
	v39 =	vsel vm13, $0x3F800000, v39  }
0x6c1: {  	v55 =	vsub.f32 v36, v25;
	v37 =	vsub.f32 v37, v20;
	(erf) = vrcp.f32 v39  }
0x6c2: {  	v53 =	vadd.f32 v51, v14;
	v56 =	vpop (erf)  }
0x6c3: {  	v57 =	vadd.f32 v54, v11;
	v58 =	vmul.f32 v55, v36;
	v37 =	vmul.f32 v56, v37  }
0x6c4: {  	v38 =	vmul.f32 v53, v33  }
0x6c5: {  	v40 =	vadd.f32 v58, v27;
	v39 =	vmul.f32 v57, v35;
	v37 =	vsub.f32 v34, v37  }
0x6c6: {  	v38 =	vsub.f32 v38, v16  }
0x6c7: {  	v40 =	vmul.f32 v40, v36;
	v59 =	vpop (erf);
	v39 =	vsub.f32 v39, v12;
	v37 =	vsel vm10, v34, v37  }
0x6c8: {  	v38 =	vmul.f32 v59, v38;
	v37 =	vmax.f32 v37, v21;
	v60 =	vpop (erf)  }
0x6c9: {  	v62 =	vsub.f32 v40, v29;
	v34 =	vmin.f32 v34, v37;
	v61 =	vmul.f32 v60, v39  }
0x6ca: {  	v38 =	vsub.f32 v33, v38;
	v63 =	vmul.f32 $3.000000000e+00, v34;
	v44 =	vpop (erf)  }
0x6cb: {  	v37 =	vsub.f32 v35, v61;
	v39 =	vmul.f32 v44, v62  }
0x6cc: {  	v38 =	vsel vm11, v33, v38;
	v40 =	vsub.f32 v63, v23  }
0x6cd: {  	v38 =	vmax.f32 v38, v15;
	v37 =	vsel vm12, v35, v37;
	v39 =	vsub.f32 v36, v39  }
0x6ce: {  	v33 =	vmin.f32 v33, v38;
	v40 =	vmul.f32 v40, v34;
	v37 =	vmax.f32 v37, v10  }
0x6cf: {  	v38 =	vmul.f32 $3.000000000e+00, v33;
	v35 =	vmin.f32 v35, v37;
	v45 =	vsel vm13, v36, v39  }
0x6d0: {  	v46 =	vadd.f32 v40, v19;
	v47 =	vmul.f32 $3.000000000e+00, v35;
	v37 =	vmax.f32 v45, v26  }
0x6d1: {  	v38 =	vsub.f32 v38, v18;
	v36 =	vmin.f32 v36, v37  }
0x6d2: {  	vm14 =	veq.f32 v46, $0.0e+00;
	v48 =	vsub.f32 v47, v22;
	v49 =	vmul.f32 $3.000000000e+00, v36  }
0x6d3: {  	v50 =	vsub.f32 v34, v17;
	v38 =	vmul.f32 v38, v33;
	v39 =	vsel vm14, $0x3F800000, v46  }
0x6d4: {  	(erf) = vrcp.f32 v39;
	v37 =	vmul.f32 v48, v35;
	v51 =	vsub.f32 v49, v28  }
0x6d5: {  	v52 =	vmul.f32 v50, v34;
	v38 =	vadd.f32 v38, v14  }
0x6d6: {  	v37 =	vadd.f32 v37, v11;
	v39 =	vmul.f32 v51, v36  }
0x6d7: {  	v53 =	vsub.f32 v33, v13;
	v54 =	vadd.f32 v52, v19;
	vm15 =	veq.f32 v38, $0.0e+00  }
0x6d8: {  	v38 =	vsel vm15, $0x3F800000, v38;
	vm8 =	veq.f32 v37, $0.0e+00;
	v39 =	vadd.f32 v39, v27  }
0x6d9: {  	v56 =	vsub.f32 v35, v9;
	(erf) = vrcp.f32 v38;
	v37 =	vsel vm8, $0x3F800000, v37  }
0x6da: {  	v38 =	vmul.f32 v54, v34;
	(erf) = vrcp.f32 v37;
	vm9 =	veq.f32 v39, $0.0e+00  }
0x6db: {  	v55 =	vmul.f32 v53, v33;
	v58 =	vmul.f32 v56, v35;
	v39 =	vsel vm9, $0x3F800000, v39  }
0x6dc: {  	v59 =	vsub.f32 v36, v25;
	v38 =	vsub.f32 v38, v20;
	(erf) = vrcp.f32 v39  }
0x6dd: {  	v57 =	vadd.f32 v55, v14;
	v60 =	vpop (erf)  }
0x6de: {  	v61 =	vadd.f32 v58, v11;
	v62 =	vmul.f32 v59, v36;
	v38 =	vmul.f32 v60, v38  }
0x6df: {  	v37 =	vmul.f32 v57, v33  }
0x6e0: {  	v40 =	vadd.f32 v62, v27;
	v39 =	vmul.f32 v61, v35;
	v38 =	vsub.f32 v34, v38  }
0x6e1: {  	v37 =	vsub.f32 v37, v16  }
0x6e2: {  	v40 =	vmul.f32 v40, v36;
	v63 =	vpop (erf);
	v39 =	vsub.f32 v39, v12;
	v38 =	vsel vm14, v34, v38  }
0x6e3: {  	v37 =	vmul.f32 v63, v37;
	v38 =	vmax.f32 v38, v21;
	v44 =	vpop (erf)  }
0x6e4: {  	v46 =	vsub.f32 v40, v29;
	v34 =	vmin.f32 v34, v38;
	v45 =	vmul.f32 v44, v39  }
0x6e5: {  	v37 =	vsub.f32 v33, v37;
	v47 =	vmul.f32 $3.000000000e+00, v34;
	v48 =	vpop (erf)  }
0x6e6: {  	v38 =	vsub.f32 v35, v45;
	v39 =	vmul.f32 v48, v46  }
0x6e7: {  	v37 =	vsel vm15, v33, v37;
	v40 =	vsub.f32 v47, v23  }
0x6e8: {  	v37 =	vmax.f32 v37, v15;
	v38 =	vsel vm8, v35, v38;
	v39 =	vsub.f32 v36, v39  }
0x6e9: {  	v33 =	vmin.f32 v33, v37;
	v40 =	vmul.f32 v40, v34;
	v38 =	vmax.f32 v38, v10  }
0x6ea: {  	v37 =	vmul.f32 $3.000000000e+00, v33;
	v35 =	vmin.f32 v35, v38;
	v49 =	vsel vm9, v36, v39  }
0x6eb: {  	v50 =	vadd.f32 v40, v19;
	v51 =	vmul.f32 $3.000000000e+00, v35;
	v38 =	vmax.f32 v49, v26  }
0x6ec: {  	v37 =	vsub.f32 v37, v18;
	v36 =	vmin.f32 v36, v38  }
0x6ed: {  	vm10 =	veq.f32 v50, $0.0e+00;
	v52 =	vsub.f32 v51, v22;
	v53 =	vmul.f32 $3.000000000e+00, v36  }
0x6ee: {  	v54 =	vsub.f32 v34, v17;
	v37 =	vmul.f32 v37, v33;
	v39 =	vsel vm10, $0x3F800000, v50  }
0x6ef: {  	(erf) = vrcp.f32 v39;
	v38 =	vmul.f32 v52, v35;
	v55 =	vsub.f32 v53, v28  }
0x6f0: {  	v56 =	vmul.f32 v54, v34;
	v37 =	vadd.f32 v37, v14  }
0x6f1: {  	v38 =	vadd.f32 v38, v11;
	v39 =	vmul.f32 v55, v36  }
0x6f2: {  	v57 =	vsub.f32 v33, v13;
	v58 =	vadd.f32 v56, v19;
	vm11 =	veq.f32 v37, $0.0e+00  }
0x6f3: {  	v37 =	vsel vm11, $0x3F800000, v37;
	vm12 =	veq.f32 v38, $0.0e+00;
	v39 =	vadd.f32 v39, v27  }
0x6f4: {  	v60 =	vsub.f32 v35, v9;
	(erf) = vrcp.f32 v37;
	v38 =	vsel vm12, $0x3F800000, v38  }
0x6f5: {  	v37 =	vmul.f32 v58, v34;
	(erf) = vrcp.f32 v38;
	vm13 =	veq.f32 v39, $0.0e+00  }
0x6f6: {  	v59 =	vmul.f32 v57, v33;
	v62 =	vmul.f32 v60, v35;
	v39 =	vsel vm13, $0x3F800000, v39  }
0x6f7: {  	v63 =	vsub.f32 v36, v25;
	v37 =	vsub.f32 v37, v20;
	(erf) = vrcp.f32 v39  }
0x6f8: {  	v61 =	vadd.f32 v59, v14;
	v44 =	vpop (erf)  }
0x6f9: {  	v45 =	vadd.f32 v62, v11;
	v46 =	vmul.f32 v63, v36;
	v37 =	vmul.f32 v44, v37  }
0x6fa: {  	v38 =	vmul.f32 v61, v33  }
0x6fb: {  	v40 =	vadd.f32 v46, v27;
	v39 =	vmul.f32 v45, v35;
	v37 =	vsub.f32 v34, v37  }
0x6fc: {  	v38 =	vsub.f32 v38, v16  }
0x6fd: {  	v40 =	vmul.f32 v40, v36;
	v47 =	vpop (erf);
	v39 =	vsub.f32 v39, v12;
	v37 =	vsel vm10, v34, v37  }
0x6fe: {  	v38 =	vmul.f32 v47, v38;
	v37 =	vmax.f32 v37, v21;
	v48 =	vpop (erf)  }
0x6ff: {  	v50 =	vsub.f32 v40, v29;
	v34 =	vmin.f32 v34, v37;
	v49 =	vmul.f32 v48, v39  }
0x700: {  	v38 =	vsub.f32 v33, v38;
	v51 =	vmul.f32 $3.000000000e+00, v34;
	v52 =	vpop (erf)  }
0x701: {  	v37 =	vsub.f32 v35, v49;
	v39 =	vmul.f32 v52, v50  }
0x702: {  	v38 =	vsel vm11, v33, v38;
	v40 =	vsub.f32 v51, v23  }
0x703: {  	v38 =	vmax.f32 v38, v15;
	v37 =	vsel vm12, v35, v37;
	v39 =	vsub.f32 v36, v39  }
0x704: {  	v33 =	vmin.f32 v33, v38;
	v40 =	vmul.f32 v40, v34;
	v37 =	vmax.f32 v37, v10  }
0x705: {  	v38 =	vmul.f32 $3.000000000e+00, v33;
	v35 =	vmin.f32 v35, v37;
	v53 =	vsel vm13, v36, v39  }
0x706: {  	v54 =	vadd.f32 v40, v19;
	v55 =	vmul.f32 $3.000000000e+00, v35;
	v37 =	vmax.f32 v53, v26  }
0x707: {  	v38 =	vsub.f32 v38, v18;
	v36 =	vmin.f32 v36, v37  }
0x708: {  	vm14 =	veq.f32 v54, $0.0e+00;
	v56 =	vsub.f32 v55, v22;
	v57 =	vmul.f32 $3.000000000e+00, v36  }
0x709: {  	v58 =	vsub.f32 v34, v17;
	v38 =	vmul.f32 v38, v33;
	v39 =	vsel vm14, $0x3F800000, v54  }
0x70a: {  	(erf) = vrcp.f32 v39;
	v37 =	vmul.f32 v56, v35;
	v59 =	vsub.f32 v57, v28  }
0x70b: {  	v60 =	vmul.f32 v58, v34;
	v38 =	vadd.f32 v38, v14  }
0x70c: {  	v37 =	vadd.f32 v37, v11;
	v39 =	vmul.f32 v59, v36  }
0x70d: {  	v61 =	vsub.f32 v33, v13;
	v62 =	vadd.f32 v60, v19;
	vm15 =	veq.f32 v38, $0.0e+00  }
0x70e: {  	v38 =	vsel vm15, $0x3F800000, v38;
	vm8 =	veq.f32 v37, $0.0e+00;
	v39 =	vadd.f32 v39, v27  }
0x70f: {  	v44 =	vsub.f32 v35, v9;
	(erf) = vrcp.f32 v38;
	v37 =	vsel vm8, $0x3F800000, v37  }
0x710: {  	v38 =	vmul.f32 v62, v34;
	(erf) = vrcp.f32 v37;
	vm9 =	veq.f32 v39, $0.0e+00  }
0x711: {  	v63 =	vmul.f32 v61, v33;
	v46 =	vmul.f32 v44, v35;
	v39 =	vsel vm9, $0x3F800000, v39  }
0x712: {  	v47 =	vsub.f32 v36, v25;
	v38 =	vsub.f32 v38, v20;
	(erf) = vrcp.f32 v39  }
0x713: {  	v45 =	vadd.f32 v63, v14;
	v48 =	vpop (erf)  }
0x714: {  	v49 =	vadd.f32 v46, v11;
	v50 =	vmul.f32 v47, v36;
	v38 =	vmul.f32 v48, v38  }
0x715: {  	v37 =	vmul.f32 v45, v33  }
0x716: {  	v40 =	vadd.f32 v50, v27;
	v39 =	vmul.f32 v49, v35;
	v38 =	vsub.f32 v34, v38  }
0x717: {  	v37 =	vsub.f32 v37, v16  }
0x718: {  	v40 =	vmul.f32 v40, v36;
	v51 =	vpop (erf);
	v39 =	vsub.f32 v39, v12;
	v38 =	vsel vm14, v34, v38  }
0x719: {  	v37 =	vmul.f32 v51, v37;
	v38 =	vmax.f32 v38, v21;
	v52 =	vpop (erf)  }
0x71a: {  	v54 =	vsub.f32 v40, v29;
	v34 =	vmin.f32 v34, v38;
	v53 =	vmul.f32 v52, v39  }
0x71b: {  	v37 =	vsub.f32 v33, v37;
	v55 =	vmul.f32 $3.000000000e+00, v34;
	v56 =	vpop (erf)  }
0x71c: {  	v38 =	vsub.f32 v35, v53;
	v39 =	vmul.f32 v56, v54  }
0x71d: {  	v37 =	vsel vm15, v33, v37;
	v40 =	vsub.f32 v55, v23  }
0x71e: {  	v37 =	vmax.f32 v37, v15;
	v38 =	vsel vm8, v35, v38;
	v39 =	vsub.f32 v36, v39  }
0x71f: {  	v33 =	vmin.f32 v33, v37;
	v40 =	vmul.f32 v40, v34;
	v38 =	vmax.f32 v38, v10  }
0x720: {  	v37 =	vmul.f32 $3.000000000e+00, v33;
	v35 =	vmin.f32 v35, v38;
	v57 =	vsel vm9, v36, v39  }
0x721: {  	v58 =	vadd.f32 v40, v19;
	v59 =	vmul.f32 $3.000000000e+00, v35;
	v38 =	vmax.f32 v57, v26  }
0x722: {  	v37 =	vsub.f32 v37, v18;
	v36 =	vmin.f32 v36, v38  }
0x723: {  	vm10 =	veq.f32 v58, $0.0e+00;
	v60 =	vsub.f32 v59, v22;
	v61 =	vmul.f32 $3.000000000e+00, v36  }
0x724: {  	v62 =	vsub.f32 v34, v17;
	v37 =	vmul.f32 v37, v33;
	v39 =	vsel vm10, $0x3F800000, v58  }
0x725: {  	(erf) = vrcp.f32 v39;
	v38 =	vmul.f32 v60, v35;
	v63 =	vsub.f32 v61, v28  }
0x726: {  	v44 =	vmul.f32 v62, v34;
	v37 =	vadd.f32 v37, v14  }
0x727: {  	v38 =	vadd.f32 v38, v11;
	v39 =	vmul.f32 v63, v36  }
0x728: {  	v45 =	vsub.f32 v33, v13;
	v46 =	vadd.f32 v44, v19;
	vm11 =	veq.f32 v37, $0.0e+00  }
0x729: {  	v37 =	vsel vm11, $0x3F800000, v37;
	vm12 =	veq.f32 v38, $0.0e+00;
	v39 =	vadd.f32 v39, v27  }
0x72a: {  	v48 =	vsub.f32 v35, v9;
	(erf) = vrcp.f32 v37;
	v38 =	vsel vm12, $0x3F800000, v38  }
0x72b: {  	v37 =	vmul.f32 v46, v34;
	(erf) = vrcp.f32 v38;
	vm13 =	veq.f32 v39, $0.0e+00  }
0x72c: {  	v47 =	vmul.f32 v45, v33;
	v50 =	vmul.f32 v48, v35;
	v39 =	vsel vm13, $0x3F800000, v39  }
0x72d: {  	v51 =	vsub.f32 v36, v25;
	v37 =	vsub.f32 v37, v20;
	(erf) = vrcp.f32 v39  }
0x72e: {  	v49 =	vadd.f32 v47, v14;
	v52 =	vpop (erf)  }
0x72f: {  	v53 =	vadd.f32 v50, v11;
	v54 =	vmul.f32 v51, v36;
	v37 =	vmul.f32 v52, v37  }
0x730: {  	v38 =	vmul.f32 v49, v33  }
0x731: {  	v40 =	vadd.f32 v54, v27;
	v39 =	vmul.f32 v53, v35;
	v37 =	vsub.f32 v34, v37  }
0x732: {  	v38 =	vsub.f32 v38, v16  }
0x733: {  	v40 =	vmul.f32 v40, v36;
	v55 =	vpop (erf);
	v39 =	vsub.f32 v39, v12;
	v37 =	vsel vm10, v34, v37  }
0x734: {  	v38 =	vmul.f32 v55, v38;
	v37 =	vmax.f32 v37, v21;
	v56 =	vpop (erf)  }
0x735: {  	v58 =	vsub.f32 v40, v29;
	v34 =	vmin.f32 v34, v37;
	v57 =	vmul.f32 v56, v39  }
0x736: {  	v38 =	vsub.f32 v33, v38;
	v59 =	vmul.f32 $3.000000000e+00, v34;
	v60 =	vpop (erf)  }
0x737: {  	v37 =	vsub.f32 v35, v57;
	v39 =	vmul.f32 v60, v58  }
0x738: {  	v38 =	vsel vm11, v33, v38;
	v40 =	vsub.f32 v59, v23  }
0x739: {  	v38 =	vmax.f32 v38, v15;
	v37 =	vsel vm12, v35, v37;
	v39 =	vsub.f32 v36, v39  }
0x73a: {  	v38 =	vmin.f32 v33, v38;
	v40 =	vmul.f32 v40, v34;
	v37 =	vmax.f32 v37, v10  }
0x73b: {  	v33 =	vmul.f32 $3.000000000e+00, v38;
	v35 =	vmin.f32 v35, v37;
	v61 =	vsel vm13, v36, v39  }
0x73c: {  	v62 =	vadd.f32 v40, v19;
	v63 =	vmul.f32 $3.000000000e+00, v35;
	v37 =	vmax.f32 v61, v26  }
0x73d: {  	v33 =	vsub.f32 v33, v18;
	v36 =	vmin.f32 v36, v37  }
0x73e: {  	vm14 =	veq.f32 v62, $0.0e+00;
	v44 =	vsub.f32 v63, v22;
	v45 =	vmul.f32 $3.000000000e+00, v36  }
0x73f: {  	v46 =	vsub.f32 v34, v17;
	v33 =	vmul.f32 v33, v38;
	v39 =	vsel vm14, $0x3F800000, v62  }
0x740: {  	v37 =	vmul.f32 v44, v35;
	v40 =	vsub.f32 v45, v28;
	(erf) = vrcp.f32 v39  }
0x741: {  	v41 =	vmul.f32 v46, v34;
	v33 =	vadd.f32 v33, v14  }
0x742: {  	v48 =	vadd.f32 $9.999999970e-07, v9;
	v37 =	vadd.f32 v37, v11;
	v47 =	vmul.f32 v40, v36  }
0x743: {  	v49 =	vsub.f32 v38, v13;
	v50 =	vadd.f32 v41, v19;
	vm15 =	veq.f32 v33, $0.0e+00  }
0x744: {  	v33 =	vsel vm15, $0x3F800000, v33;
	vm8 =	veq.f32 v37, $0.0e+00;
	v39 =	vadd.f32 v47, v27  }
0x745: {  	v51 =	vmul.f32 v49, v38;
	(erf) = vrcp.f32 v33;
	v37 =	vsel vm8, $0x3F800000, v37  }
0x746: {  	v33 =	vmul.f32 v50, v34;
	(erf) = vrcp.f32 v37;
	vm9 =	veq.f32 v39, $0.0e+00  }
0x747: {  	v52 =	vsub.f32 v35, v9;
	(erf) = vrcp.f32 v48;
	v39 =	vsel vm9, $0x3F800000, v39  }
0x748: {  	v53 =	vsub.f32 v36, v25;
	v33 =	vsub.f32 v33, v20;
	(erf) = vrcp.f32 v39  }
0x749: {  	v37 =	vmul.f32 v52, v35;
	v55 =	vpop (erf)  }
0x74a: {  	v54 =	vadd.f32 v51, v14;
	v40 =	vmul.f32 v53, v36;
	v33 =	vmul.f32 v55, v33  }
0x74b: {  	v37 =	vadd.f32 v37, v11  }
0x74c: {  	v40 =	vadd.f32 v40, v27;
	v39 =	vmul.f32 v54, v38;
	v33 =	vsub.f32 v34, v33  }
0x74d: {  	v37 =	vmul.f32 v37, v35  }
0x74e: {  	v40 =	vmul.f32 v40, v36;
	v39 =	vsub.f32 v39, v16;
	v56 =	vpop (erf)  }
0x74f: {  	v37 =	vsub.f32 v37, v12;
	v57 =	vpop (erf)  }
0x750: {  	v40 =	vsub.f32 v40, v29;
	v39 =	vmul.f32 v56, v39;
	v58 =	vsel vm14, v34, v33;
	v33 =	vpop (erf)  }
0x751: {  	v37 =	vmul.f32 v57, v37;
	v59 =	vpop (erf)  }
0x752: {  	v39 =	vsub.f32 v38, v39;
	v60 =	vmul.f32 v59, v40  }
0x753: {  	v41 =	vmax.f32 v58, v21;
	v37 =	vsub.f32 v35, v37  }
0x754: {  	v41 =	vmin.f32 v34, v41;
	v39 =	vsel vm15, v38, v39;
	v34 =	vsub.f32 v36, v60  }
0x755: {  	v61 =	vmul.f32 $3.000000000e+00, v41;
	v39 =	vmax.f32 v39, v15;
	v37 =	vsel vm8, v35, v37  }
0x756: {  	v38 =	vmin.f32 v38, v39;
	v37 =	vmax.f32 v37, v10;
	v62 =	vsel vm9, v36, v34  }
0x757: {  	v63 =	vmul.f32 $3.000000000e+00, v38;
	v34 =	vmin.f32 v35, v37;
	v44 =	vmax.f32 v62, v26  }
0x758: {  	v40 =	vsub.f32 v61, v23;
	v37 =	vmul.f32 $3.000000000e+00, v34;
	v35 =	vmin.f32 v36, v44  }
0x759: {  	v46 =	vsub.f32 v63, v18;
	v47 =	vmul.f32 $3.000000000e+00, v35  }
0x75a: {  	v45 =	vmul.f32 v40, v41;
	v48 =	vsub.f32 v37, v22  }
0x75b: {  	v49 =	vmul.f32 v46, v38;
	v50 =	vsub.f32 v47, v28  }
0x75c: {  	v51 =	vsub.f32 v41, v17;
	v36 =	vadd.f32 v45, v19;
	v22 =	vmul.f32 v48, v34  }
0x75d: {  	v53 =	vsub.f32 v38, v13;
	v37 =	vadd.f32 v49, v14;
	v39 =	vmul.f32 v50, v35  }
0x75e: {  	v54 =	vmul.f32 v51, v41;
	vm10 =	veq.f32 v36, $0.0e+00;
	v22 =	vadd.f32 v22, v11  }
0x75f: {  	v36 =	vsel vm10, $0x3F800000, v36;
	vm11 =	veq.f32 v37, $0.0e+00;
	v52 =	vadd.f32 v39, v27  }
0x760: {  	(erf) = vrcp.f32 v36;
	v37 =	vsel vm11, $0x3F800000, v37;
	vm1 =	veq.f32 v22, $0.0e+00  }
0x761: {  	(erf) = vrcp.f32 v37;
	v22 =	vsel vm1, $0x3F800000, v22;
	vm12 =	veq.f32 v52, $0.0e+00  }
0x762: {  	v56 =	vmul.f32 v53, v38;
	(erf) = vrcp.f32 v22;
	v55 =	vsel vm12, $0x3F800000, v52  }
0x763: {  	v58 =	vadd.f32 v54, v19;
	v57 =	vsub.f32 v35, v25;
	(erf) = vrcp.f32 v55;
	_ =	sdelay $0x1  }
0x764: {  	v59 =	vmul.f32 v57, v35;
	v36 =	vadd.f32 v56, v14;
	v22 =	vmul.f32 v58, v41;
	_ =	sdelay $0x1  }
0x765: {  	v37 =	vadd.f32 v59, v27;
	v36 =	vmul.f32 v36, v38;
	v22 =	vsub.f32 v22, v20;
	_ =	sdelay $0x1  }
0x766: {  	v37 =	vmul.f32 v37, v35;
	v36 =	vsub.f32 v36, v16;
	v60 =	vpop (erf)  }
0x767: {  	v39 =	vmul.f32 v60, v22;
	v61 =	vpop (erf)  }
0x768: {  	v37 =	vsub.f32 v37, v29;
	v36 =	vmul.f32 v61, v36;
	v22 =	vpop (erf)  }
0x769: {  	v39 =	vsub.f32 v41, v39;
	v62 =	vpop (erf)  }
0x76a: {  	v36 =	vsub.f32 v38, v36;
	v37 =	vmul.f32 v62, v37  }
0x76b: {  	v39 =	vsel vm10, v41, v39  }
0x76c: {  	v39 =	vmax.f32 v39, v21;
	v36 =	vsel vm11, v38, v36;
	v37 =	vsub.f32 v35, v37  }
0x76d: {  	v39 =	vmin.f32 v41, v39;
	v36 =	vmax.f32 v36, v15  }
0x76e: {  	v63 =	vmul.f32 $3.000000000e+00, v39;
	v36 =	vmin.f32 v38, v36;
	v37 =	vsel vm12, v35, v37  }
0x76f: {  	v38 =	vmul.f32 $3.000000000e+00, v36;
	v37 =	vmax.f32 v37, v26  }
0x770: {  	v40 =	vsub.f32 v63, v23;
	v35 =	vmin.f32 v35, v37  }
0x771: {  	v44 =	vsub.f32 v38, v18;
	v45 =	vmul.f32 $3.000000000e+00, v35  }
0x772: {  	v40 =	vmul.f32 v40, v39  }
0x773: {  	v37 =	vmul.f32 v44, v36;
	v38 =	vsub.f32 v45, v28  }
0x774: {  	v40 =	vadd.f32 v40, v19  }
0x775: {  	v37 =	vadd.f32 v37, v14;
	v38 =	vmul.f32 v38, v35  }
0x776: {  	vm13 =	veq.f32 v40, $0.0e+00  }
0x777: {  	v40 =	vsel vm13, $0x3F800000, v40;
	vm14 =	veq.f32 v37, $0.0e+00;
	v38 =	vadd.f32 v38, v27  }
0x778: {  	v41 =	vsub.f32 v39, v17;
	(erf) = vrcp.f32 v40;
	v37 =	vsel vm14, $0x3F800000, v37  }
0x779: {  	v46 =	vsub.f32 v36, v13;
	(erf) = vrcp.f32 v37;
	vm15 =	veq.f32 v38, $0.0e+00  }
0x77a: {  	v47 =	vmul.f32 v41, v39;
	v38 =	vsel vm15, $0x3F800000, v38  }
0x77b: {  	v48 =	vsub.f32 v35, v25;
	v40 =	vmul.f32 v46, v36;
	(erf) = vrcp.f32 v38  }
0x77c: {  	v37 =	vadd.f32 v47, v19  }
0x77d: {  	v50 =	vmul.f32 v48, v35;
	v49 =	vadd.f32 v40, v14  }
0x77e: {  	v37 =	vmul.f32 v37, v39  }
0x77f: {  	v40 =	vadd.f32 v50, v27;
	v38 =	vmul.f32 v49, v36  }
0x780: {  	v37 =	vsub.f32 v37, v20  }
0x781: {  	v40 =	vmul.f32 v40, v35;
	v51 =	vpop (erf);
	v38 =	vsub.f32 v38, v16  }
0x782: {  	v37 =	vmul.f32 v51, v37;
	v52 =	vpop (erf)  }
0x783: {  	v40 =	vsub.f32 v40, v29;
	v38 =	vmul.f32 v52, v38  }
0x784: {  	v37 =	vsub.f32 v39, v37;
	v53 =	vpop (erf)  }
0x785: {  	v38 =	vsub.f32 v36, v38;
	v40 =	vmul.f32 v53, v40  }
0x786: {  	v37 =	vsel vm13, v39, v37  }
0x787: {  	v37 =	vmax.f32 v37, v21;
	v38 =	vsel vm14, v36, v38;
	v40 =	vsub.f32 v35, v40  }
0x788: {  	v37 =	vmin.f32 v39, v37;
	v38 =	vmax.f32 v38, v15  }
0x789: {  	v39 =	vmul.f32 $3.000000000e+00, v37;
	v36 =	vmin.f32 v36, v38;
	v54 =	vsel vm15, v35, v40  }
0x78a: {  	v55 =	vmul.f32 $3.000000000e+00, v36;
	v38 =	vmax.f32 v54, v26  }
0x78b: {  	v39 =	vsub.f32 v39, v23;
	v35 =	vmin.f32 v35, v38  }
0x78c: {  	v56 =	vsub.f32 v55, v18;
	v57 =	vmul.f32 $3.000000000e+00, v35  }
0x78d: {  	v39 =	vmul.f32 v39, v37  }
0x78e: {  	v38 =	vmul.f32 v56, v36;
	v40 =	vsub.f32 v57, v28  }
0x78f: {  	v39 =	vadd.f32 v39, v19  }
0x790: {  	v38 =	vadd.f32 v38, v14;
	v40 =	vmul.f32 v40, v35  }
0x791: {  	vm8 =	veq.f32 v39, $0.0e+00  }
0x792: {  	v39 =	vsel vm8, $0x3F800000, v39;
	vm9 =	veq.f32 v38, $0.0e+00;
	v40 =	vadd.f32 v40, v27  }
0x793: {  	v58 =	vsub.f32 v37, v17;
	(erf) = vrcp.f32 v39;
	v38 =	vsel vm9, $0x3F800000, v38  }
0x794: {  	v59 =	vsub.f32 v36, v13;
	(erf) = vrcp.f32 v38;
	vm10 =	veq.f32 v40, $0.0e+00  }
0x795: {  	v60 =	vmul.f32 v58, v37;
	v40 =	vsel vm10, $0x3F800000, v40  }
0x796: {  	v61 =	vsub.f32 v35, v25;
	v39 =	vmul.f32 v59, v36;
	(erf) = vrcp.f32 v40  }
0x797: {  	v38 =	vadd.f32 v60, v19  }
0x798: {  	v62 =	vmul.f32 v61, v35;
	v39 =	vadd.f32 v39, v14  }
0x799: {  	v38 =	vmul.f32 v38, v37  }
0x79a: {  	v39 =	vmul.f32 v39, v36;
	v40 =	vadd.f32 v62, v27  }
0x79b: {  	v38 =	vsub.f32 v38, v20  }
0x79c: {  	v39 =	vsub.f32 v39, v16;
	v63 =	vpop (erf);
	v40 =	vmul.f32 v40, v35  }
0x79d: {  	v38 =	vmul.f32 v63, v38;
	v44 =	vpop (erf)  }
0x79e: {  	v40 =	vsub.f32 v40, v29;
	v39 =	vmul.f32 v44, v39  }
0x79f: {  	v38 =	vsub.f32 v37, v38;
	v45 =	vpop (erf)  }
0x7a0: {  	v39 =	vsub.f32 v36, v39;
	v40 =	vmul.f32 v45, v40  }
0x7a1: {  	v38 =	vsel vm8, v37, v38  }
0x7a2: {  	v38 =	vmax.f32 v38, v21;
	v39 =	vsel vm9, v36, v39;
	v40 =	vsub.f32 v35, v40  }
0x7a3: {  	v37 =	vmin.f32 v37, v38;
	v46 =	vmax.f32 v39, v15  }
0x7a4: {  	v47 =	vmul.f32 $3.000000000e+00, v37;
	v36 =	vmin.f32 v36, v46;
	v48 =	vsel vm10, v35, v40  }
0x7a5: {  	v49 =	vmul.f32 $3.000000000e+00, v36;
	v38 =	vmax.f32 v48, v26  }
0x7a6: {  	v39 =	vsub.f32 v47, v23;
	v35 =	vmin.f32 v35, v38  }
0x7a7: {  	v50 =	vsub.f32 v49, v18;
	v51 =	vmul.f32 $3.000000000e+00, v35  }
0x7a8: {  	v39 =	vmul.f32 v39, v37  }
0x7a9: {  	v38 =	vmul.f32 v50, v36;
	v40 =	vsub.f32 v51, v28  }
0x7aa: {  	v39 =	vadd.f32 v39, v19  }
0x7ab: {  	v38 =	vadd.f32 v38, v14;
	v40 =	vmul.f32 v40, v35  }
0x7ac: {  	vm11 =	veq.f32 v39, $0.0e+00  }
0x7ad: {  	v39 =	vsel vm11, $0x3F800000, v39;
	vm12 =	veq.f32 v38, $0.0e+00;
	v40 =	vadd.f32 v40, v27  }
0x7ae: {  	v52 =	vsub.f32 v37, v17;
	(erf) = vrcp.f32 v39;
	v38 =	vsel vm12, $0x3F800000, v38  }
0x7af: {  	v53 =	vsub.f32 v36, v13;
	(erf) = vrcp.f32 v38;
	vm13 =	veq.f32 v40, $0.0e+00  }
0x7b0: {  	v54 =	vmul.f32 v52, v37;
	v40 =	vsel vm13, $0x3F800000, v40  }
0x7b1: {  	v55 =	vsub.f32 v35, v25;
	v39 =	vmul.f32 v53, v36;
	(erf) = vrcp.f32 v40  }
0x7b2: {  	v38 =	vadd.f32 v54, v19  }
0x7b3: {  	v56 =	vmul.f32 v55, v35;
	v39 =	vadd.f32 v39, v14  }
0x7b4: {  	v38 =	vmul.f32 v38, v37  }
0x7b5: {  	v39 =	vmul.f32 v39, v36;
	v40 =	vadd.f32 v56, v27  }
0x7b6: {  	v38 =	vsub.f32 v38, v20  }
0x7b7: {  	v39 =	vsub.f32 v39, v16;
	v57 =	vpop (erf);
	v40 =	vmul.f32 v40, v35  }
0x7b8: {  	v38 =	vmul.f32 v57, v38;
	v58 =	vpop (erf)  }
0x7b9: {  	v40 =	vsub.f32 v40, v29;
	v39 =	vmul.f32 v58, v39  }
0x7ba: {  	v38 =	vsub.f32 v37, v38;
	v59 =	vpop (erf)  }
0x7bb: {  	v39 =	vsub.f32 v36, v39;
	v40 =	vmul.f32 v59, v40  }
0x7bc: {  	v38 =	vsel vm11, v37, v38  }
0x7bd: {  	v38 =	vmax.f32 v38, v21;
	v39 =	vsel vm12, v36, v39;
	v40 =	vsub.f32 v35, v40  }
0x7be: {  	v37 =	vmin.f32 v37, v38;
	v60 =	vmax.f32 v39, v15  }
0x7bf: {  	v61 =	vmul.f32 $3.000000000e+00, v37;
	v36 =	vmin.f32 v36, v60;
	v62 =	vsel vm13, v35, v40  }
0x7c0: {  	v63 =	vmul.f32 $3.000000000e+00, v36;
	v38 =	vmax.f32 v62, v26  }
0x7c1: {  	v39 =	vsub.f32 v61, v23;
	v35 =	vmin.f32 v35, v38  }
0x7c2: {  	v44 =	vsub.f32 v63, v18;
	v45 =	vmul.f32 $3.000000000e+00, v35  }
0x7c3: {  	v39 =	vmul.f32 v39, v37  }
0x7c4: {  	v38 =	vmul.f32 v44, v36;
	v40 =	vsub.f32 v45, v28  }
0x7c5: {  	v39 =	vadd.f32 v39, v19  }
0x7c6: {  	v38 =	vadd.f32 v38, v14;
	v40 =	vmul.f32 v40, v35  }
0x7c7: {  	vm14 =	veq.f32 v39, $0.0e+00  }
0x7c8: {  	v39 =	vsel vm14, $0x3F800000, v39;
	vm15 =	veq.f32 v38, $0.0e+00;
	v40 =	vadd.f32 v40, v27  }
0x7c9: {  	v46 =	vsub.f32 v37, v17;
	(erf) = vrcp.f32 v39;
	v38 =	vsel vm15, $0x3F800000, v38  }
0x7ca: {  	v47 =	vsub.f32 v36, v13;
	(erf) = vrcp.f32 v38;
	vm8 =	veq.f32 v40, $0.0e+00  }
0x7cb: {  	v48 =	vmul.f32 v46, v37;
	v40 =	vsel vm8, $0x3F800000, v40  }
0x7cc: {  	v49 =	vsub.f32 v35, v25;
	v39 =	vmul.f32 v47, v36;
	(erf) = vrcp.f32 v40  }
0x7cd: {  	v38 =	vadd.f32 v48, v19  }
0x7ce: {  	v50 =	vmul.f32 v49, v35;
	v39 =	vadd.f32 v39, v14  }
0x7cf: {  	v38 =	vmul.f32 v38, v37  }
0x7d0: {  	v39 =	vmul.f32 v39, v36;
	v40 =	vadd.f32 v50, v27  }
0x7d1: {  	v38 =	vsub.f32 v38, v20  }
0x7d2: {  	v39 =	vsub.f32 v39, v16;
	v51 =	vpop (erf);
	v40 =	vmul.f32 v40, v35  }
0x7d3: {  	v38 =	vmul.f32 v51, v38;
	v52 =	vpop (erf)  }
0x7d4: {  	v40 =	vsub.f32 v40, v29;
	v39 =	vmul.f32 v52, v39  }
0x7d5: {  	v38 =	vsub.f32 v37, v38;
	v53 =	vpop (erf)  }
0x7d6: {  	v39 =	vsub.f32 v36, v39;
	v40 =	vmul.f32 v53, v40  }
0x7d7: {  	v38 =	vsel vm14, v37, v38  }
0x7d8: {  	v38 =	vmax.f32 v38, v21;
	v39 =	vsel vm15, v36, v39;
	v40 =	vsub.f32 v35, v40  }
0x7d9: {  	v37 =	vmin.f32 v37, v38;
	v54 =	vmax.f32 v39, v15  }
0x7da: {  	v55 =	vmul.f32 $3.000000000e+00, v37;
	v36 =	vmin.f32 v36, v54;
	v56 =	vsel vm8, v35, v40  }
0x7db: {  	v57 =	vmul.f32 $3.000000000e+00, v36;
	v38 =	vmax.f32 v56, v26  }
0x7dc: {  	v39 =	vsub.f32 v55, v23;
	v35 =	vmin.f32 v35, v38  }
0x7dd: {  	v58 =	vsub.f32 v57, v18;
	v59 =	vmul.f32 $3.000000000e+00, v35  }
0x7de: {  	v39 =	vmul.f32 v39, v37  }
0x7df: {  	v38 =	vmul.f32 v58, v36;
	v40 =	vsub.f32 v59, v28  }
0x7e0: {  	v39 =	vadd.f32 v39, v19  }
0x7e1: {  	v38 =	vadd.f32 v38, v14;
	v40 =	vmul.f32 v40, v35  }
0x7e2: {  	vm9 =	veq.f32 v39, $0.0e+00  }
0x7e3: {  	v39 =	vsel vm9, $0x3F800000, v39;
	vm10 =	veq.f32 v38, $0.0e+00;
	v40 =	vadd.f32 v40, v27  }
0x7e4: {  	v60 =	vsub.f32 v37, v17;
	(erf) = vrcp.f32 v39;
	v38 =	vsel vm10, $0x3F800000, v38  }
0x7e5: {  	v61 =	vsub.f32 v36, v13;
	(erf) = vrcp.f32 v38;
	vm11 =	veq.f32 v40, $0.0e+00  }
0x7e6: {  	v62 =	vmul.f32 v60, v37;
	v40 =	vsel vm11, $0x3F800000, v40  }
0x7e7: {  	v63 =	vsub.f32 v35, v25;
	v39 =	vmul.f32 v61, v36;
	(erf) = vrcp.f32 v40  }
0x7e8: {  	v38 =	vadd.f32 v62, v19  }
0x7e9: {  	v44 =	vmul.f32 v63, v35;
	v39 =	vadd.f32 v39, v14  }
0x7ea: {  	v38 =	vmul.f32 v38, v37  }
0x7eb: {  	v39 =	vmul.f32 v39, v36;
	v40 =	vadd.f32 v44, v27  }
0x7ec: {  	v38 =	vsub.f32 v38, v20  }
0x7ed: {  	v39 =	vsub.f32 v39, v16;
	v45 =	vpop (erf);
	v40 =	vmul.f32 v40, v35  }
0x7ee: {  	v38 =	vmul.f32 v45, v38;
	v46 =	vpop (erf)  }
0x7ef: {  	v40 =	vsub.f32 v40, v29;
	v39 =	vmul.f32 v46, v39  }
0x7f0: {  	v38 =	vsub.f32 v37, v38;
	v47 =	vpop (erf)  }
0x7f1: {  	v39 =	vsub.f32 v36, v39;
	v40 =	vmul.f32 v47, v40  }
0x7f2: {  	v38 =	vsel vm9, v37, v38  }
0x7f3: {  	v38 =	vmax.f32 v38, v21;
	v39 =	vsel vm10, v36, v39;
	v40 =	vsub.f32 v35, v40  }
0x7f4: {  	v37 =	vmin.f32 v37, v38;
	v48 =	vmax.f32 v39, v15  }
0x7f5: {  	v49 =	vmul.f32 $3.000000000e+00, v37;
	v36 =	vmin.f32 v36, v48;
	v50 =	vsel vm11, v35, v40  }
0x7f6: {  	v51 =	vmul.f32 $3.000000000e+00, v36;
	v38 =	vmax.f32 v50, v26  }
0x7f7: {  	v39 =	vsub.f32 v49, v23;
	v35 =	vmin.f32 v35, v38  }
0x7f8: {  	v52 =	vsub.f32 v51, v18;
	v53 =	vmul.f32 $3.000000000e+00, v35  }
0x7f9: {  	v39 =	vmul.f32 v39, v37  }
0x7fa: {  	v38 =	vmul.f32 v52, v36;
	v40 =	vsub.f32 v53, v28  }
0x7fb: {  	v39 =	vadd.f32 v39, v19  }
0x7fc: {  	v38 =	vadd.f32 v38, v14;
	v40 =	vmul.f32 v40, v35  }
0x7fd: {  	vm12 =	veq.f32 v39, $0.0e+00  }
0x7fe: {  	v39 =	vsel vm12, $0x3F800000, v39;
	vm13 =	veq.f32 v38, $0.0e+00;
	v40 =	vadd.f32 v40, v27  }
0x7ff: {  	v54 =	vsub.f32 v37, v17;
	(erf) = vrcp.f32 v39;
	v38 =	vsel vm13, $0x3F800000, v38  }
0x800: {  	v55 =	vsub.f32 v36, v13;
	(erf) = vrcp.f32 v38;
	vm14 =	veq.f32 v40, $0.0e+00  }
0x801: {  	v56 =	vmul.f32 v54, v37;
	v40 =	vsel vm14, $0x3F800000, v40  }
0x802: {  	v57 =	vsub.f32 v35, v25;
	v39 =	vmul.f32 v55, v36;
	(erf) = vrcp.f32 v40  }
0x803: {  	v38 =	vadd.f32 v56, v19  }
0x804: {  	v58 =	vmul.f32 v57, v35;
	v39 =	vadd.f32 v39, v14  }
0x805: {  	v38 =	vmul.f32 v38, v37  }
0x806: {  	v39 =	vmul.f32 v39, v36;
	v40 =	vadd.f32 v58, v27  }
0x807: {  	v38 =	vsub.f32 v38, v20  }
0x808: {  	v39 =	vsub.f32 v39, v16;
	v59 =	vpop (erf);
	v40 =	vmul.f32 v40, v35  }
0x809: {  	v38 =	vmul.f32 v59, v38;
	v60 =	vpop (erf)  }
0x80a: {  	v40 =	vsub.f32 v40, v29;
	v39 =	vmul.f32 v60, v39  }
0x80b: {  	v38 =	vsub.f32 v37, v38;
	v61 =	vpop (erf)  }
0x80c: {  	v39 =	vsub.f32 v36, v39;
	v40 =	vmul.f32 v61, v40  }
0x80d: {  	v38 =	vsel vm12, v37, v38  }
0x80e: {  	v38 =	vmax.f32 v38, v21;
	v39 =	vsel vm13, v36, v39;
	v40 =	vsub.f32 v35, v40  }
0x80f: {  	v37 =	vmin.f32 v37, v38;
	v62 =	vmax.f32 v39, v15  }
0x810: {  	v63 =	vmul.f32 $3.000000000e+00, v37;
	v36 =	vmin.f32 v36, v62;
	v44 =	vsel vm14, v35, v40  }
0x811: {  	v45 =	vmul.f32 $3.000000000e+00, v36;
	v38 =	vmax.f32 v44, v26  }
0x812: {  	v39 =	vsub.f32 v63, v23;
	v35 =	vmin.f32 v35, v38  }
0x813: {  	v46 =	vsub.f32 v45, v18;
	v47 =	vmul.f32 $3.000000000e+00, v35  }
0x814: {  	v39 =	vmul.f32 v39, v37  }
0x815: {  	v38 =	vmul.f32 v46, v36;
	v40 =	vsub.f32 v47, v28  }
0x816: {  	v39 =	vadd.f32 v39, v19  }
0x817: {  	v38 =	vadd.f32 v38, v14;
	v40 =	vmul.f32 v40, v35  }
0x818: {  	vm15 =	veq.f32 v39, $0.0e+00  }
0x819: {  	v39 =	vsel vm15, $0x3F800000, v39;
	vm8 =	veq.f32 v38, $0.0e+00;
	v40 =	vadd.f32 v40, v27  }
0x81a: {  	v48 =	vsub.f32 v37, v17;
	(erf) = vrcp.f32 v39;
	v38 =	vsel vm8, $0x3F800000, v38  }
0x81b: {  	v49 =	vsub.f32 v36, v13;
	(erf) = vrcp.f32 v38;
	vm9 =	veq.f32 v40, $0.0e+00  }
0x81c: {  	v50 =	vmul.f32 v48, v37;
	v40 =	vsel vm9, $0x3F800000, v40  }
0x81d: {  	v51 =	vsub.f32 v35, v25;
	v39 =	vmul.f32 v49, v36;
	(erf) = vrcp.f32 v40  }
0x81e: {  	v38 =	vadd.f32 v50, v19  }
0x81f: {  	v52 =	vmul.f32 v51, v35;
	v39 =	vadd.f32 v39, v14  }
0x820: {  	v38 =	vmul.f32 v38, v37  }
0x821: {  	v39 =	vmul.f32 v39, v36;
	v40 =	vadd.f32 v52, v27  }
0x822: {  	v38 =	vsub.f32 v38, v20  }
0x823: {  	v39 =	vsub.f32 v39, v16;
	v53 =	vpop (erf);
	v40 =	vmul.f32 v40, v35  }
0x824: {  	v38 =	vmul.f32 v53, v38;
	v54 =	vpop (erf)  }
0x825: {  	v40 =	vsub.f32 v40, v29;
	v39 =	vmul.f32 v54, v39  }
0x826: {  	v38 =	vsub.f32 v37, v38;
	v55 =	vpop (erf)  }
0x827: {  	v39 =	vsub.f32 v36, v39;
	v40 =	vmul.f32 v55, v40  }
0x828: {  	v38 =	vsel vm15, v37, v38  }
0x829: {  	v38 =	vmax.f32 v38, v21;
	v39 =	vsel vm8, v36, v39;
	v40 =	vsub.f32 v35, v40  }
0x82a: {  	v37 =	vmin.f32 v37, v38;
	v56 =	vmax.f32 v39, v15  }
0x82b: {  	v57 =	vmul.f32 $3.000000000e+00, v37;
	v36 =	vmin.f32 v36, v56;
	v58 =	vsel vm9, v35, v40  }
0x82c: {  	v59 =	vmul.f32 $3.000000000e+00, v36;
	v38 =	vmax.f32 v58, v26  }
0x82d: {  	v39 =	vsub.f32 v57, v23;
	v38 =	vmin.f32 v35, v38  }
0x82e: {  	v60 =	vsub.f32 v59, v18;
	v61 =	vmul.f32 $3.000000000e+00, v38  }
0x82f: {  	v39 =	vmul.f32 v39, v37  }
0x830: {  	v35 =	vmul.f32 v60, v36;
	v40 =	vsub.f32 v61, v28  }
0x831: {  	v39 =	vadd.f32 v39, v19  }
0x832: {  	v35 =	vadd.f32 v35, v14;
	v40 =	vmul.f32 v40, v38  }
0x833: {  	v62 =	vadd.f32 $9.999999970e-07, v13;
	vm10 =	veq.f32 v39, $0.0e+00  }
0x834: {  	v39 =	vsel vm10, $0x3F800000, v39;
	vm11 =	veq.f32 v35, $0.0e+00;
	v40 =	vadd.f32 v40, v27  }
0x835: {  	v63 =	vsub.f32 v37, v17;
	(erf) = vrcp.f32 v39;
	v35 =	vsel vm11, $0x3F800000, v35  }
0x836: {  	v44 =	vsub.f32 v36, v13;
	(erf) = vrcp.f32 v35;
	vm12 =	veq.f32 v40, $0.0e+00  }
0x837: {  	v39 =	vmul.f32 v63, v37;
	(erf) = vrcp.f32 v62;
	v40 =	vsel vm12, $0x3F800000, v40  }
0x838: {  	v45 =	vsub.f32 v38, v25;
	v35 =	vmul.f32 v44, v36;
	(erf) = vrcp.f32 v40;
	_ =	sdelay $0x1  }
0x839: {  	v46 =	vmul.f32 v45, v38;
	v39 =	vadd.f32 v39, v19;
	v35 =	vadd.f32 v35, v14;
	_ =	sdelay $0x1  }
0x83a: {  	v39 =	vmul.f32 v39, v37;
	v35 =	vmul.f32 v35, v36;
	v40 =	vadd.f32 v46, v27;
	_ =	sdelay $0x1  }
0x83b: {  	v39 =	vsub.f32 v39, v20;
	v47 =	vpop (erf);
	v40 =	vmul.f32 v40, v38  }
0x83c: {  	v48 =	vsub.f32 v35, v16;
	v49 =	vpop (erf)  }
0x83d: {  	v39 =	vmul.f32 v47, v39;
	v40 =	vsub.f32 v40, v29;
	v35 =	vpop (erf)  }
0x83e: {  	v50 =	vmul.f32 v49, v48;
	v51 =	vpop (erf)  }
0x83f: {  	v39 =	vsub.f32 v37, v39;
	v40 =	vmul.f32 v51, v40  }
0x840: {  	v41 =	vsub.f32 v36, v50  }
0x841: {  	v39 =	vsel vm10, v37, v39;
	v40 =	vsub.f32 v38, v40  }
0x842: {  	v39 =	vmax.f32 v39, v21;
	v41 =	vsel vm11, v36, v41  }
0x843: {  	v37 =	vmin.f32 v37, v39;
	v52 =	vmax.f32 v41, v15;
	v40 =	vsel vm12, v38, v40  }
0x844: {  	v53 =	vmul.f32 $3.000000000e+00, v37;
	v36 =	vmin.f32 v36, v52;
	v54 =	vmax.f32 v40, v26  }
0x845: {  	v55 =	vmul.f32 $3.000000000e+00, v36;
	v38 =	vmin.f32 v38, v54  }
0x846: {  	v56 =	vsub.f32 v53, v23;
	v57 =	vmul.f32 $3.000000000e+00, v38  }
0x847: {  	v58 =	vsub.f32 v55, v18  }
0x848: {  	v39 =	vmul.f32 v56, v37;
	v59 =	vsub.f32 v57, v28  }
0x849: {  	v18 =	vmul.f32 v58, v36  }
0x84a: {  	v39 =	vadd.f32 v39, v19;
	v40 =	vmul.f32 v59, v38  }
0x84b: {  	v60 =	vsub.f32 v37, v17;
	v18 =	vadd.f32 v18, v14  }
0x84c: {  	vm13 =	veq.f32 v39, $0.0e+00;
	v40 =	vadd.f32 v40, v27  }
0x84d: {  	v62 =	vmul.f32 v60, v37;
	v39 =	vsel vm13, $0x3F800000, v39;
	vm2 =	veq.f32 v18, $0.0e+00  }
0x84e: {  	(erf) = vrcp.f32 v39;
	v18 =	vsel vm2, $0x3F800000, v18;
	vm14 =	veq.f32 v40, $0.0e+00  }
0x84f: {  	(erf) = vrcp.f32 v18;
	v61 =	vsel vm14, $0x3F800000, v40  }
0x850: {  	v43 =	vadd.f32 v62, v19;
	v63 =	vsub.f32 v38, v25;
	(erf) = vrcp.f32 v61;
	_ =	sdelay $0x1  }
0x851: {  	v44 =	vmul.f32 v63, v38;
	v18 =	vmul.f32 v43, v37;
	_ =	sdelay $0x1  }
0x852: {  	v39 =	vadd.f32 v44, v27;
	v18 =	vsub.f32 v18, v20;
	_ =	sdelay $0x1  }
0x853: {  	v39 =	vmul.f32 v39, v38  }
0x854: {  	v45 =	vpop (erf)  }
0x855: {  	v39 =	vsub.f32 v39, v29;
	v40 =	vmul.f32 v45, v18;
	v18 =	vpop (erf)  }
0x856: {  	v46 =	vpop (erf)  }
0x857: {  	v40 =	vsub.f32 v37, v40;
	v39 =	vmul.f32 v46, v39;
	_ =	sdelay $0x1  }
0x858: {  	v40 =	vsel vm13, v37, v40;
	v39 =	vsub.f32 v38, v39  }
0x859: {  	v40 =	vmax.f32 v40, v21  }
0x85a: {  	v37 =	vmin.f32 v37, v40;
	v39 =	vsel vm14, v38, v39  }
0x85b: {  	v40 =	vmul.f32 $3.000000000e+00, v37;
	v39 =	vmax.f32 v39, v26  }
0x85c: {  	v38 =	vmin.f32 v38, v39  }
0x85d: {  	v47 =	vsub.f32 v40, v23;
	v48 =	vmul.f32 $3.000000000e+00, v38;
	_ =	sdelay $0x1  }
0x85e: {  	v39 =	vmul.f32 v47, v37;
	v40 =	vsub.f32 v48, v28;
	_ =	sdelay $0x1  }
0x85f: {  	v39 =	vadd.f32 v39, v19;
	v40 =	vmul.f32 v40, v38;
	_ =	sdelay $0x1  }
0x860: {  	vm15 =	veq.f32 v39, $0.0e+00;
	v40 =	vadd.f32 v40, v27  }
0x861: {  	v39 =	vsel vm15, $0x3F800000, v39  }
0x862: {  	v49 =	vsub.f32 v37, v17;
	(erf) = vrcp.f32 v39;
	vm8 =	veq.f32 v40, $0.0e+00  }
0x863: {  	v50 =	vsel vm8, $0x3F800000, v40  }
0x864: {  	v51 =	vmul.f32 v49, v37;
	v52 =	vsub.f32 v38, v25;
	(erf) = vrcp.f32 v50;
	_ =	sdelay $0x1  }
0x865: {  	v53 =	vadd.f32 v51, v19;
	v54 =	vmul.f32 v52, v38;
	_ =	sdelay $0x1  }
0x866: {  	v39 =	vmul.f32 v53, v37;
	v40 =	vadd.f32 v54, v27;
	_ =	sdelay $0x1  }
0x867: {  	v39 =	vsub.f32 v39, v20;
	v40 =	vmul.f32 v40, v38  }
0x868: {  	v55 =	vpop (erf)  }
0x869: {  	v40 =	vsub.f32 v40, v29;
	v39 =	vmul.f32 v55, v39  }
0x86a: {  	v56 =	vpop (erf)  }
0x86b: {  	v39 =	vsub.f32 v37, v39;
	v40 =	vmul.f32 v56, v40;
	_ =	sdelay $0x1  }
0x86c: {  	v39 =	vsel vm15, v37, v39;
	v40 =	vsub.f32 v38, v40  }
0x86d: {  	v39 =	vmax.f32 v39, v21  }
0x86e: {  	v37 =	vmin.f32 v37, v39;
	v57 =	vsel vm8, v38, v40  }
0x86f: {  	v58 =	vmul.f32 $3.000000000e+00, v37;
	v39 =	vmax.f32 v57, v26  }
0x870: {  	v38 =	vmin.f32 v38, v39  }
0x871: {  	v59 =	vsub.f32 v58, v23;
	v60 =	vmul.f32 $3.000000000e+00, v38;
	_ =	sdelay $0x1  }
0x872: {  	v39 =	vmul.f32 v59, v37;
	v40 =	vsub.f32 v60, v28;
	_ =	sdelay $0x1  }
0x873: {  	v39 =	vadd.f32 v39, v19;
	v40 =	vmul.f32 v40, v38;
	_ =	sdelay $0x1  }
0x874: {  	vm9 =	veq.f32 v39, $0.0e+00;
	v40 =	vadd.f32 v40, v27  }
0x875: {  	v39 =	vsel vm9, $0x3F800000, v39  }
0x876: {  	v61 =	vsub.f32 v37, v17;
	(erf) = vrcp.f32 v39;
	vm10 =	veq.f32 v40, $0.0e+00  }
0x877: {  	v62 =	vsel vm10, $0x3F800000, v40  }
0x878: {  	v63 =	vmul.f32 v61, v37;
	v44 =	vsub.f32 v38, v25;
	(erf) = vrcp.f32 v62;
	_ =	sdelay $0x1  }
0x879: {  	v45 =	vadd.f32 v63, v19;
	v46 =	vmul.f32 v44, v38;
	_ =	sdelay $0x1  }
0x87a: {  	v39 =	vmul.f32 v45, v37;
	v40 =	vadd.f32 v46, v27;
	_ =	sdelay $0x1  }
0x87b: {  	v39 =	vsub.f32 v39, v20;
	v40 =	vmul.f32 v40, v38  }
0x87c: {  	v47 =	vpop (erf)  }
0x87d: {  	v40 =	vsub.f32 v40, v29;
	v39 =	vmul.f32 v47, v39  }
0x87e: {  	v48 =	vpop (erf)  }
0x87f: {  	v39 =	vsub.f32 v37, v39;
	v40 =	vmul.f32 v48, v40;
	_ =	sdelay $0x1  }
0x880: {  	v39 =	vsel vm9, v37, v39;
	v40 =	vsub.f32 v38, v40  }
0x881: {  	v39 =	vmax.f32 v39, v21  }
0x882: {  	v37 =	vmin.f32 v37, v39;
	v49 =	vsel vm10, v38, v40  }
0x883: {  	v50 =	vmul.f32 $3.000000000e+00, v37;
	v39 =	vmax.f32 v49, v26  }
0x884: {  	v38 =	vmin.f32 v38, v39  }
0x885: {  	v51 =	vsub.f32 v50, v23;
	v52 =	vmul.f32 $3.000000000e+00, v38;
	_ =	sdelay $0x1  }
0x886: {  	v39 =	vmul.f32 v51, v37;
	v40 =	vsub.f32 v52, v28;
	_ =	sdelay $0x1  }
0x887: {  	v39 =	vadd.f32 v39, v19;
	v40 =	vmul.f32 v40, v38;
	_ =	sdelay $0x1  }
0x888: {  	vm11 =	veq.f32 v39, $0.0e+00;
	v40 =	vadd.f32 v40, v27  }
0x889: {  	v39 =	vsel vm11, $0x3F800000, v39  }
0x88a: {  	v53 =	vsub.f32 v37, v17;
	(erf) = vrcp.f32 v39;
	vm12 =	veq.f32 v40, $0.0e+00  }
0x88b: {  	v54 =	vsel vm12, $0x3F800000, v40  }
0x88c: {  	v55 =	vmul.f32 v53, v37;
	v56 =	vsub.f32 v38, v25;
	(erf) = vrcp.f32 v54;
	_ =	sdelay $0x1  }
0x88d: {  	v57 =	vadd.f32 v55, v19;
	v58 =	vmul.f32 v56, v38;
	_ =	sdelay $0x1  }
0x88e: {  	v39 =	vmul.f32 v57, v37;
	v40 =	vadd.f32 v58, v27;
	_ =	sdelay $0x1  }
0x88f: {  	v39 =	vsub.f32 v39, v20;
	v40 =	vmul.f32 v40, v38  }
0x890: {  	v59 =	vpop (erf)  }
0x891: {  	v40 =	vsub.f32 v40, v29;
	v39 =	vmul.f32 v59, v39  }
0x892: {  	v60 =	vpop (erf)  }
0x893: {  	v39 =	vsub.f32 v37, v39;
	v40 =	vmul.f32 v60, v40;
	_ =	sdelay $0x1  }
0x894: {  	v39 =	vsel vm11, v37, v39;
	v40 =	vsub.f32 v38, v40  }
0x895: {  	v39 =	vmax.f32 v39, v21  }
0x896: {  	v37 =	vmin.f32 v37, v39;
	v61 =	vsel vm12, v38, v40  }
0x897: {  	v62 =	vmul.f32 $3.000000000e+00, v37;
	v39 =	vmax.f32 v61, v26  }
0x898: {  	v38 =	vmin.f32 v38, v39  }
0x899: {  	v63 =	vsub.f32 v62, v23;
	v44 =	vmul.f32 $3.000000000e+00, v38;
	_ =	sdelay $0x1  }
0x89a: {  	v39 =	vmul.f32 v63, v37;
	v40 =	vsub.f32 v44, v28;
	_ =	sdelay $0x1  }
0x89b: {  	v39 =	vadd.f32 v39, v19;
	v40 =	vmul.f32 v40, v38;
	_ =	sdelay $0x1  }
0x89c: {  	vm13 =	veq.f32 v39, $0.0e+00;
	v40 =	vadd.f32 v40, v27  }
0x89d: {  	v39 =	vsel vm13, $0x3F800000, v39  }
0x89e: {  	v45 =	vsub.f32 v37, v17;
	(erf) = vrcp.f32 v39;
	vm14 =	veq.f32 v40, $0.0e+00  }
0x89f: {  	v46 =	vsel vm14, $0x3F800000, v40  }
0x8a0: {  	v47 =	vmul.f32 v45, v37;
	v48 =	vsub.f32 v38, v25;
	(erf) = vrcp.f32 v46;
	_ =	sdelay $0x1  }
0x8a1: {  	v49 =	vadd.f32 v47, v19;
	v50 =	vmul.f32 v48, v38;
	_ =	sdelay $0x1  }
0x8a2: {  	v39 =	vmul.f32 v49, v37;
	v40 =	vadd.f32 v50, v27;
	_ =	sdelay $0x1  }
0x8a3: {  	v39 =	vsub.f32 v39, v20;
	v40 =	vmul.f32 v40, v38  }
0x8a4: {  	v51 =	vpop (erf)  }
0x8a5: {  	v40 =	vsub.f32 v40, v29;
	v39 =	vmul.f32 v51, v39  }
0x8a6: {  	v52 =	vpop (erf)  }
0x8a7: {  	v39 =	vsub.f32 v37, v39;
	v40 =	vmul.f32 v52, v40;
	_ =	sdelay $0x1  }
0x8a8: {  	v39 =	vsel vm13, v37, v39;
	v40 =	vsub.f32 v38, v40  }
0x8a9: {  	v39 =	vmax.f32 v39, v21  }
0x8aa: {  	v37 =	vmin.f32 v37, v39;
	v53 =	vsel vm14, v38, v40  }
0x8ab: {  	v54 =	vmul.f32 $3.000000000e+00, v37;
	v39 =	vmax.f32 v53, v26  }
0x8ac: {  	v38 =	vmin.f32 v38, v39  }
0x8ad: {  	v55 =	vsub.f32 v54, v23;
	v56 =	vmul.f32 $3.000000000e+00, v38;
	_ =	sdelay $0x1  }
0x8ae: {  	v39 =	vmul.f32 v55, v37;
	v40 =	vsub.f32 v56, v28;
	_ =	sdelay $0x1  }
0x8af: {  	v39 =	vadd.f32 v39, v19;
	v40 =	vmul.f32 v40, v38;
	_ =	sdelay $0x1  }
0x8b0: {  	vm15 =	veq.f32 v39, $0.0e+00;
	v40 =	vadd.f32 v40, v27  }
0x8b1: {  	v39 =	vsel vm15, $0x3F800000, v39  }
0x8b2: {  	v57 =	vsub.f32 v37, v17;
	(erf) = vrcp.f32 v39;
	vm8 =	veq.f32 v40, $0.0e+00  }
0x8b3: {  	v58 =	vsel vm8, $0x3F800000, v40  }
0x8b4: {  	v59 =	vmul.f32 v57, v37;
	v60 =	vsub.f32 v38, v25;
	(erf) = vrcp.f32 v58;
	_ =	sdelay $0x1  }
0x8b5: {  	v61 =	vadd.f32 v59, v19;
	v62 =	vmul.f32 v60, v38;
	_ =	sdelay $0x1  }
0x8b6: {  	v39 =	vmul.f32 v61, v37;
	v40 =	vadd.f32 v62, v27;
	_ =	sdelay $0x1  }
0x8b7: {  	v39 =	vsub.f32 v39, v20;
	v40 =	vmul.f32 v40, v38  }
0x8b8: {  	v63 =	vpop (erf)  }
0x8b9: {  	v40 =	vsub.f32 v40, v29;
	v39 =	vmul.f32 v63, v39  }
0x8ba: {  	v44 =	vpop (erf)  }
0x8bb: {  	v39 =	vsub.f32 v37, v39;
	v40 =	vmul.f32 v44, v40;
	_ =	sdelay $0x1  }
0x8bc: {  	v39 =	vsel vm15, v37, v39;
	v40 =	vsub.f32 v38, v40  }
0x8bd: {  	v39 =	vmax.f32 v39, v21  }
0x8be: {  	v37 =	vmin.f32 v37, v39;
	v45 =	vsel vm8, v38, v40  }
0x8bf: {  	v46 =	vmul.f32 $3.000000000e+00, v37;
	v39 =	vmax.f32 v45, v26  }
0x8c0: {  	v38 =	vmin.f32 v38, v39  }
0x8c1: {  	v47 =	vsub.f32 v46, v23;
	v48 =	vmul.f32 $3.000000000e+00, v38;
	_ =	sdelay $0x1  }
0x8c2: {  	v39 =	vmul.f32 v47, v37;
	v40 =	vsub.f32 v48, v28;
	_ =	sdelay $0x1  }
0x8c3: {  	v39 =	vadd.f32 v39, v19;
	v40 =	vmul.f32 v40, v38;
	_ =	sdelay $0x1  }
0x8c4: {  	vm9 =	veq.f32 v39, $0.0e+00;
	v40 =	vadd.f32 v40, v27  }
0x8c5: {  	v39 =	vsel vm9, $0x3F800000, v39  }
0x8c6: {  	v49 =	vsub.f32 v37, v17;
	(erf) = vrcp.f32 v39;
	vm10 =	veq.f32 v40, $0.0e+00  }
0x8c7: {  	v50 =	vsel vm10, $0x3F800000, v40  }
0x8c8: {  	v51 =	vmul.f32 v49, v37;
	v52 =	vsub.f32 v38, v25;
	(erf) = vrcp.f32 v50;
	_ =	sdelay $0x1  }
0x8c9: {  	v53 =	vadd.f32 v51, v19;
	v54 =	vmul.f32 v52, v38;
	_ =	sdelay $0x1  }
0x8ca: {  	v39 =	vmul.f32 v53, v37;
	v40 =	vadd.f32 v54, v27;
	_ =	sdelay $0x1  }
0x8cb: {  	v39 =	vsub.f32 v39, v20;
	v40 =	vmul.f32 v40, v38  }
0x8cc: {  	v55 =	vpop (erf)  }
0x8cd: {  	v40 =	vsub.f32 v40, v29;
	v39 =	vmul.f32 v55, v39  }
0x8ce: {  	v56 =	vpop (erf)  }
0x8cf: {  	v39 =	vsub.f32 v37, v39;
	v40 =	vmul.f32 v56, v40;
	_ =	sdelay $0x1  }
0x8d0: {  	v39 =	vsel vm9, v37, v39;
	v40 =	vsub.f32 v38, v40  }
0x8d1: {  	v39 =	vmax.f32 v39, v21  }
0x8d2: {  	v37 =	vmin.f32 v37, v39;
	v57 =	vsel vm10, v38, v40  }
0x8d3: {  	v58 =	vmul.f32 $3.000000000e+00, v37;
	v39 =	vmax.f32 v57, v26  }
0x8d4: {  	v38 =	vmin.f32 v38, v39  }
0x8d5: {  	v59 =	vsub.f32 v58, v23;
	v60 =	vmul.f32 $3.000000000e+00, v38;
	_ =	sdelay $0x1  }
0x8d6: {  	v39 =	vmul.f32 v59, v37;
	v40 =	vsub.f32 v60, v28;
	_ =	sdelay $0x1  }
0x8d7: {  	v39 =	vadd.f32 v39, v19;
	v40 =	vmul.f32 v40, v38;
	_ =	sdelay $0x1  }
0x8d8: {  	vm11 =	veq.f32 v39, $0.0e+00;
	v40 =	vadd.f32 v40, v27  }
0x8d9: {  	v39 =	vsel vm11, $0x3F800000, v39  }
0x8da: {  	v61 =	vsub.f32 v37, v17;
	(erf) = vrcp.f32 v39;
	vm12 =	veq.f32 v40, $0.0e+00  }
0x8db: {  	v62 =	vsel vm12, $0x3F800000, v40  }
0x8dc: {  	v63 =	vmul.f32 v61, v37;
	v44 =	vsub.f32 v38, v25;
	(erf) = vrcp.f32 v62;
	_ =	sdelay $0x1  }
0x8dd: {  	v45 =	vadd.f32 v63, v19;
	v46 =	vmul.f32 v44, v38;
	_ =	sdelay $0x1  }
0x8de: {  	v39 =	vmul.f32 v45, v37;
	v40 =	vadd.f32 v46, v27;
	_ =	sdelay $0x1  }
0x8df: {  	v39 =	vsub.f32 v39, v20;
	v40 =	vmul.f32 v40, v38  }
0x8e0: {  	v47 =	vpop (erf)  }
0x8e1: {  	v40 =	vsub.f32 v40, v29;
	v39 =	vmul.f32 v47, v39  }
0x8e2: {  	v48 =	vpop (erf)  }
0x8e3: {  	v39 =	vsub.f32 v37, v39;
	v40 =	vmul.f32 v48, v40;
	_ =	sdelay $0x1  }
0x8e4: {  	v39 =	vsel vm11, v37, v39;
	v40 =	vsub.f32 v38, v40  }
0x8e5: {  	v39 =	vmax.f32 v39, v21  }
0x8e6: {  	v39 =	vmin.f32 v37, v39;
	v49 =	vsel vm12, v38, v40  }
0x8e7: {  	v50 =	vmul.f32 $3.000000000e+00, v39;
	v37 =	vmax.f32 v49, v26  }
0x8e8: {  	v51 =	vmin.f32 v38, v37  }
0x8e9: {  	v52 =	vsub.f32 v50, v23;
	v38 =	vmul.f32 $3.000000000e+00, v51;
	_ =	sdelay $0x1  }
0x8ea: {  	v37 =	vmul.f32 v52, v39;
	v38 =	vsub.f32 v38, v28;
	_ =	sdelay $0x1  }
0x8eb: {  	v37 =	vadd.f32 v37, v19;
	v38 =	vmul.f32 v38, v51;
	_ =	sdelay $0x1  }
0x8ec: {  	vm13 =	veq.f32 v37, $0.0e+00;
	v38 =	vadd.f32 v38, v27  }
0x8ed: {  	v53 =	vadd.f32 $9.999999970e-07, v17;
	v37 =	vsel vm13, $0x3F800000, v37  }
0x8ee: {  	v54 =	vsub.f32 v39, v17;
	(erf) = vrcp.f32 v37;
	vm14 =	veq.f32 v38, $0.0e+00  }
0x8ef: {  	(erf) = vrcp.f32 v53;
	v38 =	vsel vm14, $0x3F800000, v38  }
0x8f0: {  	v55 =	vsub.f32 v51, v25;
	v37 =	vmul.f32 v54, v39;
	(erf) = vrcp.f32 v38;
	_ =	sdelay $0x1  }
0x8f1: {  	v56 =	vmul.f32 v55, v51;
	v37 =	vadd.f32 v37, v19;
	_ =	sdelay $0x1  }
0x8f2: {  	v37 =	vmul.f32 v37, v39;
	v38 =	vadd.f32 v56, v27;
	_ =	sdelay $0x1  }
0x8f3: {  	v38 =	vmul.f32 v38, v51  }
0x8f4: {  	v57 =	vsub.f32 v37, v20;
	v58 =	vpop (erf)  }
0x8f5: {  	v38 =	vsub.f32 v38, v29;
	v37 =	vpop (erf)  }
0x8f6: {  	v40 =	vmul.f32 v58, v57;
	v59 =	vpop (erf)  }
0x8f7: {  	v38 =	vmul.f32 v59, v38  }
0x8f8: {  	v40 =	vsub.f32 v39, v40  }
0x8f9: {  	v38 =	vsub.f32 v51, v38  }
0x8fa: {  	v40 =	vsel vm13, v39, v40  }
0x8fb: {  	v40 =	vmax.f32 v40, v21;
	v60 =	vsel vm14, v51, v38  }
0x8fc: {  	v38 =	vmin.f32 v39, v40;
	v61 =	vmax.f32 v60, v26  }
0x8fd: {  	v40 =	vmul.f32 $3.000000000e+00, v38;
	v39 =	vmin.f32 v51, v61  }
0x8fe: {  	v41 =	vmul.f32 $3.000000000e+00, v39  }
0x8ff: {  	v62 =	vsub.f32 v40, v23  }
0x900: {  	v63 =	vsub.f32 v41, v28  }
0x901: {  	v23 =	vmul.f32 v62, v38  }
0x902: {  	v40 =	vmul.f32 v63, v39  }
0x903: {  	v23 =	vadd.f32 v23, v19  }
0x904: {  	v40 =	vadd.f32 v40, v27  }
0x905: {  	vm3 =	veq.f32 v23, $0.0e+00  }
0x906: {  	v23 =	vsel vm3, $0x3F800000, v23;
	vm15 =	veq.f32 v40, $0.0e+00  }
0x907: {  	(erf) = vrcp.f32 v23;
	v44 =	vsel vm15, $0x3F800000, v40  }
0x908: {  	v45 =	vsub.f32 v39, v25;
	(erf) = vrcp.f32 v44;
	_ =	sdelay $0x1  }
0x909: {  	v46 =	vmul.f32 v45, v39;
	_ =	sdelay $0x1  }
0x90a: {  	v23 =	vadd.f32 v46, v27;
	_ =	sdelay $0x1  }
0x90b: {  	v47 =	vmul.f32 v23, v39;
	_ =	sdelay $0x1  }
0x90c: {  	v40 =	vsub.f32 v47, v29;
	v23 =	vpop (erf)  }
0x90d: {  	v48 =	vpop (erf)  }
0x90e: {  	v40 =	vmul.f32 v48, v40;
	_ =	sdelay $0x1  }
0x90f: {  	v40 =	vsub.f32 v39, v40;
	_ =	sdelay $0x1  }
0x910: {  	v40 =	vsel vm15, v39, v40  }
0x911: {  	v40 =	vmax.f32 v40, v26  }
0x912: {  	v39 =	vmin.f32 v39, v40  }
0x913: {  	v40 =	vmul.f32 $3.000000000e+00, v39;
	_ =	sdelay $0x1  }
0x914: {  	v40 =	vsub.f32 v40, v28;
	_ =	sdelay $0x1  }
0x915: {  	v40 =	vmul.f32 v40, v39;
	_ =	sdelay $0x1  }
0x916: {  	v40 =	vadd.f32 v40, v27;
	_ =	sdelay $0x1  }
0x917: {  	vm8 =	veq.f32 v40, $0.0e+00  }
0x918: {  	v40 =	vsel vm8, $0x3F800000, v40  }
0x919: {  	v49 =	vsub.f32 v39, v25;
	(erf) = vrcp.f32 v40;
	_ =	sdelay $0x1  }
0x91a: {  	v50 =	vmul.f32 v49, v39;
	_ =	sdelay $0x1  }
0x91b: {  	v40 =	vadd.f32 v50, v27;
	_ =	sdelay $0x1  }
0x91c: {  	v40 =	vmul.f32 v40, v39;
	_ =	sdelay $0x1  }
0x91d: {  	v40 =	vsub.f32 v40, v29  }
0x91e: {  	v51 =	vpop (erf)  }
0x91f: {  	v40 =	vmul.f32 v51, v40;
	_ =	sdelay $0x1  }
0x920: {  	v40 =	vsub.f32 v39, v40;
	_ =	sdelay $0x1  }
0x921: {  	v40 =	vsel vm8, v39, v40  }
0x922: {  	v40 =	vmax.f32 v40, v26  }
0x923: {  	v39 =	vmin.f32 v39, v40  }
0x924: {  	v40 =	vmul.f32 $3.000000000e+00, v39;
	_ =	sdelay $0x1  }
0x925: {  	v40 =	vsub.f32 v40, v28;
	_ =	sdelay $0x1  }
0x926: {  	v40 =	vmul.f32 v40, v39;
	_ =	sdelay $0x1  }
0x927: {  	v40 =	vadd.f32 v40, v27;
	_ =	sdelay $0x1  }
0x928: {  	vm9 =	veq.f32 v40, $0.0e+00  }
0x929: {  	v40 =	vsel vm9, $0x3F800000, v40  }
0x92a: {  	v52 =	vsub.f32 v39, v25;
	(erf) = vrcp.f32 v40;
	_ =	sdelay $0x1  }
0x92b: {  	v53 =	vmul.f32 v52, v39;
	_ =	sdelay $0x1  }
0x92c: {  	v40 =	vadd.f32 v53, v27;
	_ =	sdelay $0x1  }
0x92d: {  	v40 =	vmul.f32 v40, v39;
	_ =	sdelay $0x1  }
0x92e: {  	v40 =	vsub.f32 v40, v29  }
0x92f: {  	v54 =	vpop (erf)  }
0x930: {  	v40 =	vmul.f32 v54, v40;
	_ =	sdelay $0x1  }
0x931: {  	v40 =	vsub.f32 v39, v40;
	_ =	sdelay $0x1  }
0x932: {  	v40 =	vsel vm9, v39, v40  }
0x933: {  	v40 =	vmax.f32 v40, v26  }
0x934: {  	v39 =	vmin.f32 v39, v40  }
0x935: {  	v40 =	vmul.f32 $3.000000000e+00, v39;
	_ =	sdelay $0x1  }
0x936: {  	v40 =	vsub.f32 v40, v28;
	_ =	sdelay $0x1  }
0x937: {  	v40 =	vmul.f32 v40, v39;
	_ =	sdelay $0x1  }
0x938: {  	v40 =	vadd.f32 v40, v27;
	_ =	sdelay $0x1  }
0x939: {  	vm10 =	veq.f32 v40, $0.0e+00  }
0x93a: {  	v40 =	vsel vm10, $0x3F800000, v40  }
0x93b: {  	v55 =	vsub.f32 v39, v25;
	(erf) = vrcp.f32 v40;
	_ =	sdelay $0x1  }
0x93c: {  	v56 =	vmul.f32 v55, v39;
	_ =	sdelay $0x1  }
0x93d: {  	v40 =	vadd.f32 v56, v27;
	_ =	sdelay $0x1  }
0x93e: {  	v40 =	vmul.f32 v40, v39;
	_ =	sdelay $0x1  }
0x93f: {  	v40 =	vsub.f32 v40, v29  }
0x940: {  	v57 =	vpop (erf)  }
0x941: {  	v40 =	vmul.f32 v57, v40;
	_ =	sdelay $0x1  }
0x942: {  	v40 =	vsub.f32 v39, v40;
	_ =	sdelay $0x1  }
0x943: {  	v40 =	vsel vm10, v39, v40  }
0x944: {  	v40 =	vmax.f32 v40, v26  }
0x945: {  	v39 =	vmin.f32 v39, v40  }
0x946: {  	v40 =	vmul.f32 $3.000000000e+00, v39;
	_ =	sdelay $0x1  }
0x947: {  	v40 =	vsub.f32 v40, v28;
	_ =	sdelay $0x1  }
0x948: {  	v40 =	vmul.f32 v40, v39;
	_ =	sdelay $0x1  }
0x949: {  	v40 =	vadd.f32 v40, v27;
	_ =	sdelay $0x1  }
0x94a: {  	vm11 =	veq.f32 v40, $0.0e+00  }
0x94b: {  	v40 =	vsel vm11, $0x3F800000, v40  }
0x94c: {  	v58 =	vsub.f32 v39, v25;
	(erf) = vrcp.f32 v40;
	_ =	sdelay $0x1  }
0x94d: {  	v59 =	vmul.f32 v58, v39;
	_ =	sdelay $0x1  }
0x94e: {  	v40 =	vadd.f32 v59, v27;
	_ =	sdelay $0x1  }
0x94f: {  	v40 =	vmul.f32 v40, v39;
	_ =	sdelay $0x1  }
0x950: {  	v40 =	vsub.f32 v40, v29  }
0x951: {  	v60 =	vpop (erf)  }
0x952: {  	v40 =	vmul.f32 v60, v40;
	_ =	sdelay $0x1  }
0x953: {  	v40 =	vsub.f32 v39, v40;
	_ =	sdelay $0x1  }
0x954: {  	v40 =	vsel vm11, v39, v40  }
0x955: {  	v40 =	vmax.f32 v40, v26  }
0x956: {  	v39 =	vmin.f32 v39, v40  }
0x957: {  	v40 =	vmul.f32 $3.000000000e+00, v39;
	_ =	sdelay $0x1  }
0x958: {  	v40 =	vsub.f32 v40, v28;
	_ =	sdelay $0x1  }
0x959: {  	v40 =	vmul.f32 v40, v39;
	_ =	sdelay $0x1  }
0x95a: {  	v40 =	vadd.f32 v40, v27;
	_ =	sdelay $0x1  }
0x95b: {  	vm12 =	veq.f32 v40, $0.0e+00  }
0x95c: {  	v40 =	vsel vm12, $0x3F800000, v40  }
0x95d: {  	v61 =	vsub.f32 v39, v25;
	(erf) = vrcp.f32 v40;
	_ =	sdelay $0x1  }
0x95e: {  	v62 =	vmul.f32 v61, v39;
	_ =	sdelay $0x1  }
0x95f: {  	v40 =	vadd.f32 v62, v27;
	_ =	sdelay $0x1  }
0x960: {  	v40 =	vmul.f32 v40, v39;
	_ =	sdelay $0x1  }
0x961: {  	v40 =	vsub.f32 v40, v29  }
0x962: {  	v63 =	vpop (erf)  }
0x963: {  	v40 =	vmul.f32 v63, v40;
	_ =	sdelay $0x1  }
0x964: {  	v40 =	vsub.f32 v39, v40;
	_ =	sdelay $0x1  }
0x965: {  	v40 =	vsel vm12, v39, v40  }
0x966: {  	v40 =	vmax.f32 v40, v26  }
0x967: {  	v39 =	vmin.f32 v39, v40  }
0x968: {  	v40 =	vmul.f32 $3.000000000e+00, v39;
	_ =	sdelay $0x1  }
0x969: {  	v40 =	vsub.f32 v40, v28;
	_ =	sdelay $0x1  }
0x96a: {  	v40 =	vmul.f32 v40, v39;
	_ =	sdelay $0x1  }
0x96b: {  	v40 =	vadd.f32 v40, v27;
	_ =	sdelay $0x1  }
0x96c: {  	vm13 =	veq.f32 v40, $0.0e+00  }
0x96d: {  	v40 =	vsel vm13, $0x3F800000, v40  }
0x96e: {  	v44 =	vsub.f32 v39, v25;
	(erf) = vrcp.f32 v40;
	_ =	sdelay $0x1  }
0x96f: {  	v45 =	vmul.f32 v44, v39;
	_ =	sdelay $0x1  }
0x970: {  	v40 =	vadd.f32 v45, v27;
	_ =	sdelay $0x1  }
0x971: {  	v40 =	vmul.f32 v40, v39;
	_ =	sdelay $0x1  }
0x972: {  	v40 =	vsub.f32 v40, v29  }
0x973: {  	v46 =	vpop (erf)  }
0x974: {  	v40 =	vmul.f32 v46, v40;
	_ =	sdelay $0x1  }
0x975: {  	v40 =	vsub.f32 v39, v40;
	_ =	sdelay $0x1  }
0x976: {  	v40 =	vsel vm13, v39, v40  }
0x977: {  	v40 =	vmax.f32 v40, v26  }
0x978: {  	v39 =	vmin.f32 v39, v40  }
0x979: {  	v40 =	vmul.f32 $3.000000000e+00, v39;
	_ =	sdelay $0x1  }
0x97a: {  	v40 =	vsub.f32 v40, v28;
	_ =	sdelay $0x1  }
0x97b: {  	v40 =	vmul.f32 v40, v39;
	_ =	sdelay $0x1  }
0x97c: {  	v40 =	vadd.f32 v40, v27;
	_ =	sdelay $0x1  }
0x97d: {  	vm14 =	veq.f32 v40, $0.0e+00  }
0x97e: {  	v40 =	vsel vm14, $0x3F800000, v40  }
0x97f: {  	v47 =	vsub.f32 v39, v25;
	(erf) = vrcp.f32 v40;
	_ =	sdelay $0x1  }
0x980: {  	v48 =	vmul.f32 v47, v39;
	_ =	sdelay $0x1  }
0x981: {  	v40 =	vadd.f32 v48, v27;
	_ =	sdelay $0x1  }
0x982: {  	v40 =	vmul.f32 v40, v39;
	_ =	sdelay $0x1  }
0x983: {  	v40 =	vsub.f32 v40, v29  }
0x984: {  	v49 =	vpop (erf)  }
0x985: {  	v50 =	vsub.f32 v30, v5;
	v40 =	vmul.f32 v49, v40;
	_ =	sdelay $0x1  }
0x986: {  	v41 =	vmul.f32 v50, v30;
	v40 =	vsub.f32 v39, v40;
	_ =	sdelay $0x1  }
0x987: {  	v7 =	vadd.f32 v41, v7;
	v40 =	vsel vm14, v39, v40  }
0x988: {  	v40 =	vmax.f32 v40, v26  }
0x989: {  	v7 =	vmul.f32 v7, v30;
	v39 =	vmin.f32 v39, v40  }
0x98a: {  	v40 =	vmul.f32 $3.000000000e+00, v39  }
0x98b: {  	v7 =	vsub.f32 v7, v8  }
0x98c: {  	v51 =	vsub.f32 v40, v28  }
0x98d: {  	v7 =	vmul.f32 v31, v7  }
0x98e: {  	v52 =	vsub.f32 v34, v9;
	v28 =	vmul.f32 v51, v39  }
0x98f: {  	v7 =	vsub.f32 v30, v7  }
0x990: {  	v8 =	vmul.f32 v52, v34;
	v28 =	vadd.f32 v28, v27  }
0x991: {  	v7 =	vsel vm0, v30, v7;
	v53 =	vadd.f32 $9.999999970e-07, v25;
	v55 =	vsub.f32 v38, v17  }
0x992: {  	v8 =	vadd.f32 v8, v11;
	v54 =	vsub.f32 v36, v13;
	vm15 =	veq.f32 v28, $0.0e+00  }
0x993: {  	v57 =	vmul.f32 v55, v38;
	(erf) = vrcp.f32 v53;
	v28 =	vsel vm15, $0x3F800000, v28  }
0x994: {  	v11 =	vmul.f32 v54, v36;
	v56 =	vsub.f32 v39, v25;
	(erf) = vrcp.f32 v28  }
0x995: {  	v6 =	vmax.f32 v7, v6;
	v7 =	vadd.f32 v57, v19  }
0x996: {  	v8 =	vmul.f32 v8, v34;
	v11 =	vadd.f32 v11, v14;
	v58 =	vmul.f32 v56, v39  }
0x997: {  	v7 =	vmul.f32 v7, v38  }
0x998: {  	v8 =	vsub.f32 v8, v12;
	v11 =	vmul.f32 v11, v36;
	v59 =	vadd.f32 v58, v27  }
0x999: {  	v6 =	vmin.f32 v30, v6;
	v7 =	vsub.f32 v7, v20  }
0x99a: {  	v8 =	vmul.f32 v22, v8;
	v11 =	vsub.f32 v11, v16;
	v12 =	vmul.f32 v59, v39  }
0x99b: {  	v6 =	vadd.f32 v6, v6  }
0x99c: {  	v8 =	vsub.f32 v34, v8;
	v11 =	vmul.f32 v18, v11;
	v60 =	vpop (erf);
	v12 =	vsub.f32 v12, v29  }
0x99d: {  	v5 =	vsub.f32 v6, v5;
	v6 =	vmul.f32 v23, v7;
	v7 =	vpop (erf)  }
0x99e: {  	v8 =	vsel vm1, v34, v8;
	v11 =	vsub.f32 v36, v11;
	v7 =	vmul.f32 v7, v12  }
0x99f: {  	v5 =	vmul.f32 v5, v24;
	v8 =	vmax.f32 v8, v10;
	v6 =	vsub.f32 v38, v6  }
0x9a0: {  	v8 =	vmin.f32 v34, v8;
	v61 =	vsel vm2, v36, v11;
	v7 =	vsub.f32 v39, v7  }
0x9a1: {  	v8 =	vadd.f32 v8, v8;
	v6 =	vsel vm3, v38, v6;
	v10 =	vmax.f32 v61, v15  }
0x9a2: {  	v6 =	vmax.f32 v6, v21;
	v10 =	vmin.f32 v36, v10;
	v7 =	vsel vm15, v39, v7  }
0x9a3: {  	v6 =	vmin.f32 v38, v6;
	v10 =	vadd.f32 v10, v10;
	v7 =	vmax.f32 v7, v26  }
0x9a4: {  	v8 =	vsub.f32 v8, v9;
	v6 =	vadd.f32 v6, v6;
	v7 =	vmin.f32 v39, v7  }
0x9a5: {  	v62 =	vsub.f32 v10, v13;
	v7 =	vadd.f32 v7, v7  }
0x9a6: {  	[tilespmem:s31+$0xB800] =	vst v5;
	v5 =	vmul.f32 v8, v33;
	v6 =	vsub.f32 v6, v17  }
0x9a7: {  	[tilespmem:s3+$0xB880] =	vst v32;
	v63 =	vmul.f32 v62, v35;
	v7 =	vsub.f32 v7, v25  }
0x9a8: {  	[tilespmem:s0+$0xB800] =	vst v5;
	v5 =	vmul.f32 v6, v37  }
0x9a9: {  	[tilespmem:s2+$0xB800] =	vst v63;
	v6 =	vmul.f32 v7, v60  }
0x9aa: {  	[tilespmem:s1+$0xB800] =	vst v5  }
0x9ab: {  	s9 =	rddreg [dreg:$0x5];
	s10 =	simm.s32 $0xB800;
	s1 =	simm.s32 $0x1;
	[tilespmem:s3+$0xB800] =	vst v6  }
0x9ac: {  	[hbm4b:s9+s4] =	stream.linear.scatter [tilespmem:s10], [sflag:$0x1], $0x80, $0x38;
	[tilespmem:$0xB900] =	vst v63  }
0x9ad: {  	_ =	swait.ge [sflag:s1], $0x80  }
0x9ae: {  	[sflag:s1] =	ssyncset.done $0x0  }
0x9af: {  	s29 =	simm.s32 $0xB880;
	s28 =	rddreg [dreg:$0x6];
	[sflag:s1] =	ssyncadd.s32 $0xFFFFFF80  }
0x9b0: {  	[hbm4b:s28+s4] =	stream.linear.scatter [tilespmem:s29], [sflag:$0x1], $0x80, $0x38;
	[tilespmem:$0xB900] =	vst v63  }
0x9b1: {  	_ =	swait.ge [sflag:s1], $0x80  }
0x9b2: {  	s30 =	rddreg [dreg:$0x8]  }
0x9b3: {  	s31 =	rddreg [dreg:$0x7];
	s2 =	sadd.s32 $0x1, s30  }
0x9b4: {  	p0 =	sne.s32 s2, s31  }
.Ltmp13:
0x9b5: {  	_ = 	snop;
	(pc) =	sbr.rel @p0 .LBB2_1-.Ltmp13, $3  }
0x9b6: {  	_ =	sdelay $0x1  }
0x9b7: {  	[sflag:s1] =	ssyncset.done $0x0  }
0x9b8: {  	[sflag:s1] =	ssyncadd.s32 $0xFFFFFF80  }
0x9b9: {  	_ =	sfence.sel $0x180000  }
0x9ba: {  	[bflag:$0x0] =	sbarrier.arrive $0xFFFF  }
0x9bb: {  	_ =	strace $0x90000047  }
0x9bc: {  	s0 =	stileid.u32;
	[bflag:$0x2] =	sbarrier.arrive $0xFFFF  }
0x9bd: {  	p0 =	sne.s32 s0, $0x0;
	s0 =	rddreg [dreg:$0x3]  }
0x9be: {  	s0 =	sadd.s32 @!p0 $0x100000, s0  }
0x9bf: {  	[sflag:s0] =	ssyncadd.tile.s32 @!p0 $0x1;
	_ =	shalt  }
.Lfunc_end2:
_tile_overlayer_lowered:
.L_overlay_start_2:
0x9c0: {  	(tag) =	ssettag $0x2  }
0x9c1: {  	s0 =	rddreg [dreg:$0x0];
	s2 =	stileid.u32  }
0x9c2: {  	s1 =	rddreg [dreg:$0x1];
	p0 =	sne.s32 s2, $0x0  }
0x9c3: {  	s3 =	rddreg [dreg:$0x2];
	[bflag:$0x3] =	sbarrier.arrive $0xFFFF;
	s2 =	simm.s32 @!p0 $0x1C01  }
0x9c4: {  	[timem:s3], [sflag:s2] =	dma.local @!p0 [hbm:s0], s1  }
0x9c5: {  	s0 =	simm.s32 @!p0 $0x1  }
0x9c6: {  	_ =	swait.ge @!p0 [sflag:s0], s1  }
0x9c7: {  	s1 =	ssub.s32 @!p0 $0x0, s1;
	[sflag:s0] =	ssyncset.done @!p0 $0x0  }
0x9c8: {  	[sflag:s0] =	ssyncadd.s32 @!p0 s1  }
0x9c9: {  	[bflag:$0x3] =	sbarrier.arrive $0xFFFF  }
0x9ca: {  	_ =	shalt  }

</sc_bundles>
